<compile_context>
chip_gen: v7x
topology: tpu7x:2x2x1
jax: 0.10.2.dev20260603
libtpu: 0.0.44.dev20260713+nightly
codegen_flags: <defaults>
</compile_context>

<pallas_src>
import functools

import jax
import jax.numpy as jnp
from jax import lax
from jax.experimental import pallas as pl
from jax.experimental.pallas import tpu as pltpu

LOG2N = 15
N = 1 << LOG2N
SUB = 256
LANE = 128


def _cmpx(x, j, takemin):
    if j < 32:
        cj = 8 * j
        g = SUB // (2 * cj)
        v = x.reshape(x.shape[0], g, 2, cj, LANE)
        a = v[:, :, 0]
        b = v[:, :, 1]
        lo = jnp.minimum(a, b)
        hi = jnp.maximum(a, b)
        out = jnp.concatenate([lo[:, :, None], hi[:, :, None]], axis=2)
        return out.reshape(x.shape[0], SUB, LANE)
    if j < SUB:
        q = j >> 5
        up = pltpu.roll(x, SUB - q, 1)
        dn = pltpu.roll(x, q, 1)
    else:
        s = j >> 8
        up = pltpu.roll(x, LANE - s, 2)
        dn = pltpu.roll(x, s, 2)
    return jnp.where(takemin, jnp.minimum(x, up), jnp.maximum(x, dn))


def _sort2_asc(a, b, idx):
    sub_iota = lax.broadcasted_iota(jnp.int32, (1, SUB, 1), 1)
    lane_iota = lax.broadcasted_iota(jnp.int32, (1, 1, LANE), 2)
    masks = {}
    for jm in range(5, LOG2N):
        j = 1 << jm
        if j < SUB:
            masks[j] = (sub_iota & (j >> 5)) == 0
        else:
            masks[j] = (lane_iota & (j >> 8)) == 0
    asc2 = (idx & 2) == 0
    a = jnp.where(asc2, a, -a)
    b = jnp.where(asc2, b, -b)
    for km in range(1, LOG2N + 1):
        k = 1 << km
        if km > 1:
            prev = k >> 1
            flip = ((idx & prev) == 0) != ((idx & k) == 0)
            a = jnp.where(flip, -a, a)
            b = jnp.where(flip, -b, b)
        for jm in range(km - 1, -1, -1):
            j = 1 << jm
            takemin = masks.get(j)
            a = _cmpx(a, j, takemin)
            b = _cmpx(b, j, takemin)
    return a, b


def _loss_kernel(t_ref, p_ref, out_ref):
    r = lax.broadcasted_iota(jnp.int32, (1, SUB, LANE), 1)
    c = lax.broadcasted_iota(jnp.int32, (1, SUB, LANE), 2)
    idx = (r >> 3) | ((r & 7) << 5) | (c << 8)
    t = t_ref[...]
    p = p_ref[...]
    d0 = t - p
    s_plain = jnp.sum(d0 * d0)
    ts, ps = _sort2_asc(t, p, idx)
    d1 = ts - ps
    s_cdf = jnp.sum(d1 * d1)
    out_ref[...] = (s_plain + s_cdf).reshape(1, 1, 1)


@jax.jit
def kernel(predictions, targets):
    rows, n = predictions.shape
    assert n == N
    t3 = targets.reshape(rows, SUB, LANE)
    p3 = predictions.reshape(rows, SUB, LANE)
    blk = 2
    partials = pl.pallas_call(
        _loss_kernel,
        grid=(rows // blk,),
        in_specs=[
            pl.BlockSpec((blk, SUB, LANE), lambda i: (i, 0, 0)),
            pl.BlockSpec((blk, SUB, LANE), lambda i: (i, 0, 0)),
        ],
        out_specs=pl.BlockSpec((1, 1, 1), lambda i: (i, 0, 0)),
        out_shape=jax.ShapeDtypeStruct((rows // blk, 1, 1), jnp.float32),
        compiler_params=pltpu.CompilerParams(
            dimension_semantics=("parallel",),
        ),
    )(t3, p3)
    total = jnp.sum(partials)
    return total / (rows * N)

# --- scband reference (transcript-rebuilt; emitter-appended) ---
"""Pipeline reference for scband-distrib-loss-20761871909118 (READ-ONLY COPY).

The authoritative reference and input builder live on the scoring server;
editing this copy changes nothing except your own understanding.
"""

import jax, jax.numpy as jnp
import numpy as np

def setup_inputs(seed: int = 0) -> dict:
    key = jax.random.key(seed)
    k1, k2 = jax.random.split(key)
    predictions = jax.random.normal(k1, (1024, 32768), dtype=jnp.float32)
    targets = jax.random.normal(k2, (1024, 32768), dtype=jnp.float32)
    return {"predictions": predictions, "targets": targets}

def reference(predictions, targets):
    # torch.sort defaults to last dim; jnp.sort also defaults to axis=-1
    targets_sorted = jnp.sort(targets)
    predictions_sorted = jnp.sort(predictions)
    errors_cdf = jnp.abs(targets_sorted - predictions_sorted) ** 2
    errors = jnp.abs(targets - predictions) ** 2
    loss = jnp.mean(errors_cdf) + jnp.mean(errors)
    return jnp.mean(loss)

if __name__ == "__main__":
    import jax
    _d = setup_inputs()
    print(jax.jit(kernel)(*tuple(_d.values())))

</pallas_src>

<mosaic_0001>
module attributes {stable_mosaic.version = 14 : i64} {
  func.func @_loss_kernel(%arg0: i32, %arg1: memref<2x256x128xf32, #tpu.memory_space<vmem>>, %arg2: memref<2x256x128xf32, #tpu.memory_space<vmem>>, %arg3: memref<1x1x1xf32, #tpu.memory_space<vmem>>) attributes {dimension_semantics = [#tpu.dimension_semantics<parallel>], iteration_bounds = array<i64: 512>, scalar_prefetch = 0 : i64, scratch_operands = 0 : i64, tpu.core_type = #tpu.core_type<tc>, window_params = [{transform_indices = @transform_0, window_bounds = array<i64: 2, 256, 128>}, {transform_indices = @transform_1, window_bounds = array<i64: 2, 256, 128>}, {transform_indices = @transform_2, window_bounds = array<i64: 1, 1, 1>}]} {
    %iota3A = tpu.iota {dimensions = array<i32: 1>} : vector<1x256x128xi32>
    %iota3A_0 = tpu.iota {dimensions = array<i32: 2>} : vector<1x256x128xi32>
    %shift_right_arithmetic3A = arith.constant 3 : i32
    %shift_right_arithmetic3A_1 = vector.broadcast %shift_right_arithmetic3A : i32 to vector<1x256x128xi32>
    %shift_right_arithmetic3A_2 = arith.shrsi %iota3A, %shift_right_arithmetic3A_1 : vector<1x256x128xi32>
    %and3A = arith.constant 7 : i32
    %and3A_3 = vector.broadcast %and3A : i32 to vector<1x256x128xi32>
    %and3A_4 = arith.andi %iota3A, %and3A_3 : vector<1x256x128xi32>
    %shift_left3A = arith.constant 5 : i32
    %shift_left3A_5 = vector.broadcast %shift_left3A : i32 to vector<1x256x128xi32>
    %shift_left3A_6 = arith.shli %and3A_4, %shift_left3A_5 : vector<1x256x128xi32>
    %or3A = arith.ori %shift_right_arithmetic3A_2, %shift_left3A_6 : vector<1x256x128xi32>
    %shift_left3A_7 = arith.constant 8 : i32
    %shift_left3A_8 = vector.broadcast %shift_left3A_7 : i32 to vector<1x256x128xi32>
    %shift_left3A_9 = arith.shli %iota3A_0, %shift_left3A_8 : vector<1x256x128xi32>
    %or3A_10 = arith.ori %or3A, %shift_left3A_9 : vector<1x256x128xi32>
    %get3A = arith.constant 0 : index
    %get3A_11 = arith.constant 0 : index
    %get3A_12 = arith.constant 0 : index
    %get3A_13 = vector.load %arg1[%get3A, %get3A_11, %get3A_12] : memref<2x256x128xf32, #tpu.memory_space<vmem>>, vector<2x256x128xf32>
    %get3A_14 = arith.constant 0 : index
    %get3A_15 = arith.constant 0 : index
    %get3A_16 = arith.constant 0 : index
    %get3A_17 = vector.load %arg2[%get3A_14, %get3A_15, %get3A_16] : memref<2x256x128xf32, #tpu.memory_space<vmem>>, vector<2x256x128xf32>
    %sub3A = arith.subf %get3A_13, %get3A_17 : vector<2x256x128xf32>
    %mul3A = arith.mulf %sub3A, %sub3A : vector<2x256x128xf32>
    %reduce_sum3A = vector.shape_cast %mul3A : vector<2x256x128xf32> to vector<1x2x256x128xf32>
    %reduce_sum3A_18 = arith.constant dense<0.000000e+00> : vector<1xf32>
    %reduce_sum3A_19 = vector.multi_reduction <add>, %reduce_sum3A, %reduce_sum3A_18 [1, 2, 3] : vector<1x2x256x128xf32> to vector<1xf32>
    %reduce_sum3A_20 = vector.shape_cast %reduce_sum3A_19 : vector<1xf32> to vector<1x1x1x1xf32>
    %reduce_sum3A_21 = vector.extract %reduce_sum3A_20[0, 0, 0, 0] : f32 from vector<1x1x1x1xf32>
    %iota3A_22 = tpu.iota {dimensions = array<i32: 1>} : vector<1x256x1xi32>
    %iota3A_23 = tpu.iota {dimensions = array<i32: 2>} : vector<1x1x128xi32>
    %and3A_24 = arith.constant 1 : i32
    %and3A_25 = vector.broadcast %and3A_24 : i32 to vector<1x256x1xi32>
    %and3A_26 = arith.andi %iota3A_22, %and3A_25 : vector<1x256x1xi32>
    %eq3A = arith.constant 0 : i32
    %eq3A_27 = vector.broadcast %eq3A : i32 to vector<1x256x1xi32>
    %eq3A_28 = arith.cmpi eq, %and3A_26, %eq3A_27 : vector<1x256x1xi32>
    %and3A_29 = arith.constant 2 : i32
    %and3A_30 = vector.broadcast %and3A_29 : i32 to vector<1x256x1xi32>
    %and3A_31 = arith.andi %iota3A_22, %and3A_30 : vector<1x256x1xi32>
    %eq3A_32 = arith.constant 0 : i32
    %eq3A_33 = vector.broadcast %eq3A_32 : i32 to vector<1x256x1xi32>
    %eq3A_34 = arith.cmpi eq, %and3A_31, %eq3A_33 : vector<1x256x1xi32>
    %and3A_35 = arith.constant 4 : i32
    %and3A_36 = vector.broadcast %and3A_35 : i32 to vector<1x256x1xi32>
    %and3A_37 = arith.andi %iota3A_22, %and3A_36 : vector<1x256x1xi32>
    %eq3A_38 = arith.constant 0 : i32
    %eq3A_39 = vector.broadcast %eq3A_38 : i32 to vector<1x256x1xi32>
    %eq3A_40 = arith.cmpi eq, %and3A_37, %eq3A_39 : vector<1x256x1xi32>
    %and3A_41 = arith.constant 1 : i32
    %and3A_42 = vector.broadcast %and3A_41 : i32 to vector<1x1x128xi32>
    %and3A_43 = arith.andi %iota3A_23, %and3A_42 : vector<1x1x128xi32>
    %eq3A_44 = arith.constant 0 : i32
    %eq3A_45 = vector.broadcast %eq3A_44 : i32 to vector<1x1x128xi32>
    %eq3A_46 = arith.cmpi eq, %and3A_43, %eq3A_45 : vector<1x1x128xi32>
    %and3A_47 = arith.constant 2 : i32
    %and3A_48 = vector.broadcast %and3A_47 : i32 to vector<1x1x128xi32>
    %and3A_49 = arith.andi %iota3A_23, %and3A_48 : vector<1x1x128xi32>
    %eq3A_50 = arith.constant 0 : i32
    %eq3A_51 = vector.broadcast %eq3A_50 : i32 to vector<1x1x128xi32>
    %eq3A_52 = arith.cmpi eq, %and3A_49, %eq3A_51 : vector<1x1x128xi32>
    %and3A_53 = arith.constant 4 : i32
    %and3A_54 = vector.broadcast %and3A_53 : i32 to vector<1x1x128xi32>
    %and3A_55 = arith.andi %iota3A_23, %and3A_54 : vector<1x1x128xi32>
    %eq3A_56 = arith.constant 0 : i32
    %eq3A_57 = vector.broadcast %eq3A_56 : i32 to vector<1x1x128xi32>
    %eq3A_58 = arith.cmpi eq, %and3A_55, %eq3A_57 : vector<1x1x128xi32>
    %and3A_59 = arith.constant 8 : i32
    %and3A_60 = vector.broadcast %and3A_59 : i32 to vector<1x1x128xi32>
    %and3A_61 = arith.andi %iota3A_23, %and3A_60 : vector<1x1x128xi32>
    %eq3A_62 = arith.constant 0 : i32
    %eq3A_63 = vector.broadcast %eq3A_62 : i32 to vector<1x1x128xi32>
    %eq3A_64 = arith.cmpi eq, %and3A_61, %eq3A_63 : vector<1x1x128xi32>
    %and3A_65 = arith.constant 16 : i32
    %and3A_66 = vector.broadcast %and3A_65 : i32 to vector<1x1x128xi32>
    %and3A_67 = arith.andi %iota3A_23, %and3A_66 : vector<1x1x128xi32>
    %eq3A_68 = arith.constant 0 : i32
    %eq3A_69 = vector.broadcast %eq3A_68 : i32 to vector<1x1x128xi32>
    %eq3A_70 = arith.cmpi eq, %and3A_67, %eq3A_69 : vector<1x1x128xi32>
    %and3A_71 = arith.constant 32 : i32
    %and3A_72 = vector.broadcast %and3A_71 : i32 to vector<1x1x128xi32>
    %and3A_73 = arith.andi %iota3A_23, %and3A_72 : vector<1x1x128xi32>
    %eq3A_74 = arith.constant 0 : i32
    %eq3A_75 = vector.broadcast %eq3A_74 : i32 to vector<1x1x128xi32>
    %eq3A_76 = arith.cmpi eq, %and3A_73, %eq3A_75 : vector<1x1x128xi32>
    %and3A_77 = arith.constant 64 : i32
    %and3A_78 = vector.broadcast %and3A_77 : i32 to vector<1x1x128xi32>
    %and3A_79 = arith.andi %iota3A_23, %and3A_78 : vector<1x1x128xi32>
    %eq3A_80 = arith.constant 0 : i32
    %eq3A_81 = vector.broadcast %eq3A_80 : i32 to vector<1x1x128xi32>
    %eq3A_82 = arith.cmpi eq, %and3A_79, %eq3A_81 : vector<1x1x128xi32>
    %and3A_83 = arith.constant 2 : i32
    %and3A_84 = vector.broadcast %and3A_83 : i32 to vector<1x256x128xi32>
    %and3A_85 = arith.andi %or3A_10, %and3A_84 : vector<1x256x128xi32>
    %eq3A_86 = arith.constant 0 : i32
    %eq3A_87 = vector.broadcast %eq3A_86 : i32 to vector<1x256x128xi32>
    %eq3A_88 = arith.cmpi eq, %and3A_85, %eq3A_87 : vector<1x256x128xi32>
    %neg3A = arith.constant 0.000000e+00 : f32
    %neg3A_89 = vector.broadcast %neg3A : f32 to vector<2x256x128xf32>
    %neg3A_90 = arith.subf %neg3A_89, %get3A_13 : vector<2x256x128xf32>
    %broadcast_in_dim3A = vector.shape_cast %eq3A_88 : vector<1x256x128xi1> to vector<1x256x128xi1>
    %broadcast_in_dim3A_91 = vector.broadcast %broadcast_in_dim3A : vector<1x256x128xi1> to vector<2x256x128xi1>
    %select_n3A = arith.select %broadcast_in_dim3A_91, %get3A_13, %neg3A_90 : vector<2x256x128xi1>, vector<2x256x128xf32>
    %neg3A_92 = arith.constant 0.000000e+00 : f32
    %neg3A_93 = vector.broadcast %neg3A_92 : f32 to vector<2x256x128xf32>
    %neg3A_94 = arith.subf %neg3A_93, %get3A_17 : vector<2x256x128xf32>
    %broadcast_in_dim3A_95 = vector.shape_cast %eq3A_88 : vector<1x256x128xi1> to vector<1x256x128xi1>
    %broadcast_in_dim3A_96 = vector.broadcast %broadcast_in_dim3A_95 : vector<1x256x128xi1> to vector<2x256x128xi1>
    %select_n3A_97 = arith.select %broadcast_in_dim3A_96, %get3A_17, %neg3A_94 : vector<2x256x128xi1>, vector<2x256x128xf32>
    %reshape3A = vector.shape_cast %select_n3A : vector<2x256x128xf32> to vector<2x16x2x8x128xf32>
    %slice3A = vector.extract_strided_slice %reshape3A {offsets = [0, 0, 0, 0, 0], sizes = [2, 16, 1, 8, 128], strides = [1, 1, 1, 1, 1]} : vector<2x16x2x8x128xf32> to vector<2x16x1x8x128xf32>
    %squeeze3A = vector.shape_cast %slice3A : vector<2x16x1x8x128xf32> to vector<2x16x8x128xf32>
    %slice3A_98 = vector.extract_strided_slice %reshape3A {offsets = [0, 0, 1, 0, 0], sizes = [2, 16, 1, 8, 128], strides = [1, 1, 1, 1, 1]} : vector<2x16x2x8x128xf32> to vector<2x16x1x8x128xf32>
    %squeeze3A_99 = vector.shape_cast %slice3A_98 : vector<2x16x1x8x128xf32> to vector<2x16x8x128xf32>
    %min3A = arith.minimumf %squeeze3A, %squeeze3A_99 : vector<2x16x8x128xf32>
    %max3A = arith.maximumf %squeeze3A, %squeeze3A_99 : vector<2x16x8x128xf32>
    %broadcast_in_dim3A_100 = vector.shape_cast %min3A : vector<2x16x8x128xf32> to vector<2x16x1x8x128xf32>
    %broadcast_in_dim3A_101 = vector.shape_cast %max3A : vector<2x16x8x128xf32> to vector<2x16x1x8x128xf32>
    %concatenate3A = tpu.concatenate %broadcast_in_dim3A_100, %broadcast_in_dim3A_101 in 2 : vector<2x16x1x8x128xf32>, vector<2x16x1x8x128xf32> -> vector<2x16x2x8x128xf32>
    %reshape3A_102 = vector.shape_cast %concatenate3A : vector<2x16x2x8x128xf32> to vector<2x256x128xf32>
    %reshape3A_103 = vector.shape_cast %select_n3A_97 : vector<2x256x128xf32> to vector<2x16x2x8x128xf32>
    %slice3A_104 = vector.extract_strided_slice %reshape3A_103 {offsets = [0, 0, 0, 0, 0], sizes = [2, 16, 1, 8, 128], strides = [1, 1, 1, 1, 1]} : vector<2x16x2x8x128xf32> to vector<2x16x1x8x128xf32>
    %squeeze3A_105 = vector.shape_cast %slice3A_104 : vector<2x16x1x8x128xf32> to vector<2x16x8x128xf32>
    %slice3A_106 = vector.extract_strided_slice %reshape3A_103 {offsets = [0, 0, 1, 0, 0], sizes = [2, 16, 1, 8, 128], strides = [1, 1, 1, 1, 1]} : vector<2x16x2x8x128xf32> to vector<2x16x1x8x128xf32>
    %squeeze3A_107 = vector.shape_cast %slice3A_106 : vector<2x16x1x8x128xf32> to vector<2x16x8x128xf32>
    %min3A_108 = arith.minimumf %squeeze3A_105, %squeeze3A_107 : vector<2x16x8x128xf32>
    %max3A_109 = arith.maximumf %squeeze3A_105, %squeeze3A_107 : vector<2x16x8x128xf32>
    %broadcast_in_dim3A_110 = vector.shape_cast %min3A_108 : vector<2x16x8x128xf32> to vector<2x16x1x8x128xf32>
    %broadcast_in_dim3A_111 = vector.shape_cast %max3A_109 : vector<2x16x8x128xf32> to vector<2x16x1x8x128xf32>
    %concatenate3A_112 = tpu.concatenate %broadcast_in_dim3A_110, %broadcast_in_dim3A_111 in 2 : vector<2x16x1x8x128xf32>, vector<2x16x1x8x128xf32> -> vector<2x16x2x8x128xf32>
    %reshape3A_113 = vector.shape_cast %concatenate3A_112 : vector<2x16x2x8x128xf32> to vector<2x256x128xf32>
    %and3A_114 = arith.constant 2 : i32
    %and3A_115 = vector.broadcast %and3A_114 : i32 to vector<1x256x128xi32>
    %and3A_116 = arith.andi %or3A_10, %and3A_115 : vector<1x256x128xi32>
    %eq3A_117 = arith.constant 0 : i32
    %eq3A_118 = vector.broadcast %eq3A_117 : i32 to vector<1x256x128xi32>
    %eq3A_119 = arith.cmpi eq, %and3A_116, %eq3A_118 : vector<1x256x128xi32>
    %and3A_120 = arith.constant 4 : i32
    %and3A_121 = vector.broadcast %and3A_120 : i32 to vector<1x256x128xi32>
    %and3A_122 = arith.andi %or3A_10, %and3A_121 : vector<1x256x128xi32>
    %eq3A_123 = arith.constant 0 : i32
    %eq3A_124 = vector.broadcast %eq3A_123 : i32 to vector<1x256x128xi32>
    %eq3A_125 = arith.cmpi eq, %and3A_122, %eq3A_124 : vector<1x256x128xi32>
    %ne3A = arith.xori %eq3A_119, %eq3A_125 : vector<1x256x128xi1>
    %neg3A_126 = arith.constant 0.000000e+00 : f32
    %neg3A_127 = vector.broadcast %neg3A_126 : f32 to vector<2x256x128xf32>
    %neg3A_128 = arith.subf %neg3A_127, %reshape3A_102 : vector<2x256x128xf32>
    %broadcast_in_dim3A_129 = vector.shape_cast %ne3A : vector<1x256x128xi1> to vector<1x256x128xi1>
    %broadcast_in_dim3A_130 = vector.broadcast %broadcast_in_dim3A_129 : vector<1x256x128xi1> to vector<2x256x128xi1>
    %select_n3A_131 = arith.select %broadcast_in_dim3A_130, %neg3A_128, %reshape3A_102 : vector<2x256x128xi1>, vector<2x256x128xf32>
    %neg3A_132 = arith.constant 0.000000e+00 : f32
    %neg3A_133 = vector.broadcast %neg3A_132 : f32 to vector<2x256x128xf32>
    %neg3A_134 = arith.subf %neg3A_133, %reshape3A_113 : vector<2x256x128xf32>
    %broadcast_in_dim3A_135 = vector.shape_cast %ne3A : vector<1x256x128xi1> to vector<1x256x128xi1>
    %broadcast_in_dim3A_136 = vector.broadcast %broadcast_in_dim3A_135 : vector<1x256x128xi1> to vector<2x256x128xi1>
    %select_n3A_137 = arith.select %broadcast_in_dim3A_136, %neg3A_134, %reshape3A_113 : vector<2x256x128xi1>, vector<2x256x128xf32>
    %reshape3A_138 = vector.shape_cast %select_n3A_131 : vector<2x256x128xf32> to vector<2x8x2x16x128xf32>
    %slice3A_139 = vector.extract_strided_slice %reshape3A_138 {offsets = [0, 0, 0, 0, 0], sizes = [2, 8, 1, 16, 128], strides = [1, 1, 1, 1, 1]} : vector<2x8x2x16x128xf32> to vector<2x8x1x16x128xf32>
    %squeeze3A_140 = vector.shape_cast %slice3A_139 : vector<2x8x1x16x128xf32> to vector<2x8x16x128xf32>
    %slice3A_141 = vector.extract_strided_slice %reshape3A_138 {offsets = [0, 0, 1, 0, 0], sizes = [2, 8, 1, 16, 128], strides = [1, 1, 1, 1, 1]} : vector<2x8x2x16x128xf32> to vector<2x8x1x16x128xf32>
    %squeeze3A_142 = vector.shape_cast %slice3A_141 : vector<2x8x1x16x128xf32> to vector<2x8x16x128xf32>
    %min3A_143 = arith.minimumf %squeeze3A_140, %squeeze3A_142 : vector<2x8x16x128xf32>
    %max3A_144 = arith.maximumf %squeeze3A_140, %squeeze3A_142 : vector<2x8x16x128xf32>
    %broadcast_in_dim3A_145 = vector.shape_cast %min3A_143 : vector<2x8x16x128xf32> to vector<2x8x1x16x128xf32>
    %broadcast_in_dim3A_146 = vector.shape_cast %max3A_144 : vector<2x8x16x128xf32> to vector<2x8x1x16x128xf32>
    %concatenate3A_147 = tpu.concatenate %broadcast_in_dim3A_145, %broadcast_in_dim3A_146 in 2 : vector<2x8x1x16x128xf32>, vector<2x8x1x16x128xf32> -> vector<2x8x2x16x128xf32>
    %reshape3A_148 = vector.shape_cast %concatenate3A_147 : vector<2x8x2x16x128xf32> to vector<2x256x128xf32>
    %reshape3A_149 = vector.shape_cast %select_n3A_137 : vector<2x256x128xf32> to vector<2x8x2x16x128xf32>
    %slice3A_150 = vector.extract_strided_slice %reshape3A_149 {offsets = [0, 0, 0, 0, 0], sizes = [2, 8, 1, 16, 128], strides = [1, 1, 1, 1, 1]} : vector<2x8x2x16x128xf32> to vector<2x8x1x16x128xf32>
    %squeeze3A_151 = vector.shape_cast %slice3A_150 : vector<2x8x1x16x128xf32> to vector<2x8x16x128xf32>
    %slice3A_152 = vector.extract_strided_slice %reshape3A_149 {offsets = [0, 0, 1, 0, 0], sizes = [2, 8, 1, 16, 128], strides = [1, 1, 1, 1, 1]} : vector<2x8x2x16x128xf32> to vector<2x8x1x16x128xf32>
    %squeeze3A_153 = vector.shape_cast %slice3A_152 : vector<2x8x1x16x128xf32> to vector<2x8x16x128xf32>
    %min3A_154 = arith.minimumf %squeeze3A_151, %squeeze3A_153 : vector<2x8x16x128xf32>
    %max3A_155 = arith.maximumf %squeeze3A_151, %squeeze3A_153 : vector<2x8x16x128xf32>
    %broadcast_in_dim3A_156 = vector.shape_cast %min3A_154 : vector<2x8x16x128xf32> to vector<2x8x1x16x128xf32>
    %broadcast_in_dim3A_157 = vector.shape_cast %max3A_155 : vector<2x8x16x128xf32> to vector<2x8x1x16x128xf32>
    %concatenate3A_158 = tpu.concatenate %broadcast_in_dim3A_156, %broadcast_in_dim3A_157 in 2 : vector<2x8x1x16x128xf32>, vector<2x8x1x16x128xf32> -> vector<2x8x2x16x128xf32>
    %reshape3A_159 = vector.shape_cast %concatenate3A_158 : vector<2x8x2x16x128xf32> to vector<2x256x128xf32>
    %reshape3A_160 = vector.shape_cast %reshape3A_148 : vector<2x256x128xf32> to vector<2x16x2x8x128xf32>
    %slice3A_161 = vector.extract_strided_slice %reshape3A_160 {offsets = [0, 0, 0, 0, 0], sizes = [2, 16, 1, 8, 128], strides = [1, 1, 1, 1, 1]} : vector<2x16x2x8x128xf32> to vector<2x16x1x8x128xf32>
    %squeeze3A_162 = vector.shape_cast %slice3A_161 : vector<2x16x1x8x128xf32> to vector<2x16x8x128xf32>
    %slice3A_163 = vector.extract_strided_slice %reshape3A_160 {offsets = [0, 0, 1, 0, 0], sizes = [2, 16, 1, 8, 128], strides = [1, 1, 1, 1, 1]} : vector<2x16x2x8x128xf32> to vector<2x16x1x8x128xf32>
    %squeeze3A_164 = vector.shape_cast %slice3A_163 : vector<2x16x1x8x128xf32> to vector<2x16x8x128xf32>
    %min3A_165 = arith.minimumf %squeeze3A_162, %squeeze3A_164 : vector<2x16x8x128xf32>
    %max3A_166 = arith.maximumf %squeeze3A_162, %squeeze3A_164 : vector<2x16x8x128xf32>
    %broadcast_in_dim3A_167 = vector.shape_cast %min3A_165 : vector<2x16x8x128xf32> to vector<2x16x1x8x128xf32>
    %broadcast_in_dim3A_168 = vector.shape_cast %max3A_166 : vector<2x16x8x128xf32> to vector<2x16x1x8x128xf32>
    %concatenate3A_169 = tpu.concatenate %broadcast_in_dim3A_167, %broadcast_in_dim3A_168 in 2 : vector<2x16x1x8x128xf32>, vector<2x16x1x8x128xf32> -> vector<2x16x2x8x128xf32>
    %reshape3A_170 = vector.shape_cast %concatenate3A_169 : vector<2x16x2x8x128xf32> to vector<2x256x128xf32>
    %reshape3A_171 = vector.shape_cast %reshape3A_159 : vector<2x256x128xf32> to vector<2x16x2x8x128xf32>
    %slice3A_172 = vector.extract_strided_slice %reshape3A_171 {offsets = [0, 0, 0, 0, 0], sizes = [2, 16, 1, 8, 128], strides = [1, 1, 1, 1, 1]} : vector<2x16x2x8x128xf32> to vector<2x16x1x8x128xf32>
    %squeeze3A_173 = vector.shape_cast %slice3A_172 : vector<2x16x1x8x128xf32> to vector<2x16x8x128xf32>
    %slice3A_174 = vector.extract_strided_slice %reshape3A_171 {offsets = [0, 0, 1, 0, 0], sizes = [2, 16, 1, 8, 128], strides = [1, 1, 1, 1, 1]} : vector<2x16x2x8x128xf32> to vector<2x16x1x8x128xf32>
    %squeeze3A_175 = vector.shape_cast %slice3A_174 : vector<2x16x1x8x128xf32> to vector<2x16x8x128xf32>
    %min3A_176 = arith.minimumf %squeeze3A_173, %squeeze3A_175 : vector<2x16x8x128xf32>
    %max3A_177 = arith.maximumf %squeeze3A_173, %squeeze3A_175 : vector<2x16x8x128xf32>
    %broadcast_in_dim3A_178 = vector.shape_cast %min3A_176 : vector<2x16x8x128xf32> to vector<2x16x1x8x128xf32>
    %broadcast_in_dim3A_179 = vector.shape_cast %max3A_177 : vector<2x16x8x128xf32> to vector<2x16x1x8x128xf32>
    %concatenate3A_180 = tpu.concatenate %broadcast_in_dim3A_178, %broadcast_in_dim3A_179 in 2 : vector<2x16x1x8x128xf32>, vector<2x16x1x8x128xf32> -> vector<2x16x2x8x128xf32>
    %reshape3A_181 = vector.shape_cast %concatenate3A_180 : vector<2x16x2x8x128xf32> to vector<2x256x128xf32>
    %and3A_182 = arith.constant 4 : i32
    %and3A_183 = vector.broadcast %and3A_182 : i32 to vector<1x256x128xi32>
    %and3A_184 = arith.andi %or3A_10, %and3A_183 : vector<1x256x128xi32>
    %eq3A_185 = arith.constant 0 : i32
    %eq3A_186 = vector.broadcast %eq3A_185 : i32 to vector<1x256x128xi32>
    %eq3A_187 = arith.cmpi eq, %and3A_184, %eq3A_186 : vector<1x256x128xi32>
    %and3A_188 = arith.constant 8 : i32
    %and3A_189 = vector.broadcast %and3A_188 : i32 to vector<1x256x128xi32>
    %and3A_190 = arith.andi %or3A_10, %and3A_189 : vector<1x256x128xi32>
    %eq3A_191 = arith.constant 0 : i32
    %eq3A_192 = vector.broadcast %eq3A_191 : i32 to vector<1x256x128xi32>
    %eq3A_193 = arith.cmpi eq, %and3A_190, %eq3A_192 : vector<1x256x128xi32>
    %ne3A_194 = arith.xori %eq3A_187, %eq3A_193 : vector<1x256x128xi1>
    %neg3A_195 = arith.constant 0.000000e+00 : f32
    %neg3A_196 = vector.broadcast %neg3A_195 : f32 to vector<2x256x128xf32>
    %neg3A_197 = arith.subf %neg3A_196, %reshape3A_170 : vector<2x256x128xf32>
    %broadcast_in_dim3A_198 = vector.shape_cast %ne3A_194 : vector<1x256x128xi1> to vector<1x256x128xi1>
    %broadcast_in_dim3A_199 = vector.broadcast %broadcast_in_dim3A_198 : vector<1x256x128xi1> to vector<2x256x128xi1>
    %select_n3A_200 = arith.select %broadcast_in_dim3A_199, %neg3A_197, %reshape3A_170 : vector<2x256x128xi1>, vector<2x256x128xf32>
    %neg3A_201 = arith.constant 0.000000e+00 : f32
    %neg3A_202 = vector.broadcast %neg3A_201 : f32 to vector<2x256x128xf32>
    %neg3A_203 = arith.subf %neg3A_202, %reshape3A_181 : vector<2x256x128xf32>
    %broadcast_in_dim3A_204 = vector.shape_cast %ne3A_194 : vector<1x256x128xi1> to vector<1x256x128xi1>
    %broadcast_in_dim3A_205 = vector.broadcast %broadcast_in_dim3A_204 : vector<1x256x128xi1> to vector<2x256x128xi1>
    %select_n3A_206 = arith.select %broadcast_in_dim3A_205, %neg3A_203, %reshape3A_181 : vector<2x256x128xi1>, vector<2x256x128xf32>
    %reshape3A_207 = vector.shape_cast %select_n3A_200 : vector<2x256x128xf32> to vector<2x4x2x32x128xf32>
    %slice3A_208 = vector.extract_strided_slice %reshape3A_207 {offsets = [0, 0, 0, 0, 0], sizes = [2, 4, 1, 32, 128], strides = [1, 1, 1, 1, 1]} : vector<2x4x2x32x128xf32> to vector<2x4x1x32x128xf32>
    %squeeze3A_209 = vector.shape_cast %slice3A_208 : vector<2x4x1x32x128xf32> to vector<2x4x32x128xf32>
    %slice3A_210 = vector.extract_strided_slice %reshape3A_207 {offsets = [0, 0, 1, 0, 0], sizes = [2, 4, 1, 32, 128], strides = [1, 1, 1, 1, 1]} : vector<2x4x2x32x128xf32> to vector<2x4x1x32x128xf32>
    %squeeze3A_211 = vector.shape_cast %slice3A_210 : vector<2x4x1x32x128xf32> to vector<2x4x32x128xf32>
    %min3A_212 = arith.minimumf %squeeze3A_209, %squeeze3A_211 : vector<2x4x32x128xf32>
    %max3A_213 = arith.maximumf %squeeze3A_209, %squeeze3A_211 : vector<2x4x32x128xf32>
    %broadcast_in_dim3A_214 = vector.shape_cast %min3A_212 : vector<2x4x32x128xf32> to vector<2x4x1x32x128xf32>
    %broadcast_in_dim3A_215 = vector.shape_cast %max3A_213 : vector<2x4x32x128xf32> to vector<2x4x1x32x128xf32>
    %concatenate3A_216 = tpu.concatenate %broadcast_in_dim3A_214, %broadcast_in_dim3A_215 in 2 : vector<2x4x1x32x128xf32>, vector<2x4x1x32x128xf32> -> vector<2x4x2x32x128xf32>
    %reshape3A_217 = vector.shape_cast %concatenate3A_216 : vector<2x4x2x32x128xf32> to vector<2x256x128xf32>
    %reshape3A_218 = vector.shape_cast %select_n3A_206 : vector<2x256x128xf32> to vector<2x4x2x32x128xf32>
    %slice3A_219 = vector.extract_strided_slice %reshape3A_218 {offsets = [0, 0, 0, 0, 0], sizes = [2, 4, 1, 32, 128], strides = [1, 1, 1, 1, 1]} : vector<2x4x2x32x128xf32> to vector<2x4x1x32x128xf32>
    %squeeze3A_220 = vector.shape_cast %slice3A_219 : vector<2x4x1x32x128xf32> to vector<2x4x32x128xf32>
    %slice3A_221 = vector.extract_strided_slice %reshape3A_218 {offsets = [0, 0, 1, 0, 0], sizes = [2, 4, 1, 32, 128], strides = [1, 1, 1, 1, 1]} : vector<2x4x2x32x128xf32> to vector<2x4x1x32x128xf32>
    %squeeze3A_222 = vector.shape_cast %slice3A_221 : vector<2x4x1x32x128xf32> to vector<2x4x32x128xf32>
    %min3A_223 = arith.minimumf %squeeze3A_220, %squeeze3A_222 : vector<2x4x32x128xf32>
    %max3A_224 = arith.maximumf %squeeze3A_220, %squeeze3A_222 : vector<2x4x32x128xf32>
    %broadcast_in_dim3A_225 = vector.shape_cast %min3A_223 : vector<2x4x32x128xf32> to vector<2x4x1x32x128xf32>
    %broadcast_in_dim3A_226 = vector.shape_cast %max3A_224 : vector<2x4x32x128xf32> to vector<2x4x1x32x128xf32>
    %concatenate3A_227 = tpu.concatenate %broadcast_in_dim3A_225, %broadcast_in_dim3A_226 in 2 : vector<2x4x1x32x128xf32>, vector<2x4x1x32x128xf32> -> vector<2x4x2x32x128xf32>
    %reshape3A_228 = vector.shape_cast %concatenate3A_227 : vector<2x4x2x32x128xf32> to vector<2x256x128xf32>
    %reshape3A_229 = vector.shape_cast %reshape3A_217 : vector<2x256x128xf32> to vector<2x8x2x16x128xf32>
    %slice3A_230 = vector.extract_strided_slice %reshape3A_229 {offsets = [0, 0, 0, 0, 0], sizes = [2, 8, 1, 16, 128], strides = [1, 1, 1, 1, 1]} : vector<2x8x2x16x128xf32> to vector<2x8x1x16x128xf32>
    %squeeze3A_231 = vector.shape_cast %slice3A_230 : vector<2x8x1x16x128xf32> to vector<2x8x16x128xf32>
    %slice3A_232 = vector.extract_strided_slice %reshape3A_229 {offsets = [0, 0, 1, 0, 0], sizes = [2, 8, 1, 16, 128], strides = [1, 1, 1, 1, 1]} : vector<2x8x2x16x128xf32> to vector<2x8x1x16x128xf32>
    %squeeze3A_233 = vector.shape_cast %slice3A_232 : vector<2x8x1x16x128xf32> to vector<2x8x16x128xf32>
    %min3A_234 = arith.minimumf %squeeze3A_231, %squeeze3A_233 : vector<2x8x16x128xf32>
    %max3A_235 = arith.maximumf %squeeze3A_231, %squeeze3A_233 : vector<2x8x16x128xf32>
    %broadcast_in_dim3A_236 = vector.shape_cast %min3A_234 : vector<2x8x16x128xf32> to vector<2x8x1x16x128xf32>
    %broadcast_in_dim3A_237 = vector.shape_cast %max3A_235 : vector<2x8x16x128xf32> to vector<2x8x1x16x128xf32>
    %concatenate3A_238 = tpu.concatenate %broadcast_in_dim3A_236, %broadcast_in_dim3A_237 in 2 : vector<2x8x1x16x128xf32>, vector<2x8x1x16x128xf32> -> vector<2x8x2x16x128xf32>
    %reshape3A_239 = vector.shape_cast %concatenate3A_238 : vector<2x8x2x16x128xf32> to vector<2x256x128xf32>
    %reshape3A_240 = vector.shape_cast %reshape3A_228 : vector<2x256x128xf32> to vector<2x8x2x16x128xf32>
    %slice3A_241 = vector.extract_strided_slice %reshape3A_240 {offsets = [0, 0, 0, 0, 0], sizes = [2, 8, 1, 16, 128], strides = [1, 1, 1, 1, 1]} : vector<2x8x2x16x128xf32> to vector<2x8x1x16x128xf32>
    %squeeze3A_242 = vector.shape_cast %slice3A_241 : vector<2x8x1x16x128xf32> to vector<2x8x16x128xf32>
    %slice3A_243 = vector.extract_strided_slice %reshape3A_240 {offsets = [0, 0, 1, 0, 0], sizes = [2, 8, 1, 16, 128], strides = [1, 1, 1, 1, 1]} : vector<2x8x2x16x128xf32> to vector<2x8x1x16x128xf32>
    %squeeze3A_244 = vector.shape_cast %slice3A_243 : vector<2x8x1x16x128xf32> to vector<2x8x16x128xf32>
    %min3A_245 = arith.minimumf %squeeze3A_242, %squeeze3A_244 : vector<2x8x16x128xf32>
    %max3A_246 = arith.maximumf %squeeze3A_242, %squeeze3A_244 : vector<2x8x16x128xf32>
    %broadcast_in_dim3A_247 = vector.shape_cast %min3A_245 : vector<2x8x16x128xf32> to vector<2x8x1x16x128xf32>
    %broadcast_in_dim3A_248 = vector.shape_cast %max3A_246 : vector<2x8x16x128xf32> to vector<2x8x1x16x128xf32>
    %concatenate3A_249 = tpu.concatenate %broadcast_in_dim3A_247, %broadcast_in_dim3A_248 in 2 : vector<2x8x1x16x128xf32>, vector<2x8x1x16x128xf32> -> vector<2x8x2x16x128xf32>
    %reshape3A_250 = vector.shape_cast %concatenate3A_249 : vector<2x8x2x16x128xf32> to vector<2x256x128xf32>
    %reshape3A_251 = vector.shape_cast %reshape3A_239 : vector<2x256x128xf32> to vector<2x16x2x8x128xf32>
    %slice3A_252 = vector.extract_strided_slice %reshape3A_251 {offsets = [0, 0, 0, 0, 0], sizes = [2, 16, 1, 8, 128], strides = [1, 1, 1, 1, 1]} : vector<2x16x2x8x128xf32> to vector<2x16x1x8x128xf32>
    %squeeze3A_253 = vector.shape_cast %slice3A_252 : vector<2x16x1x8x128xf32> to vector<2x16x8x128xf32>
    %slice3A_254 = vector.extract_strided_slice %reshape3A_251 {offsets = [0, 0, 1, 0, 0], sizes = [2, 16, 1, 8, 128], strides = [1, 1, 1, 1, 1]} : vector<2x16x2x8x128xf32> to vector<2x16x1x8x128xf32>
    %squeeze3A_255 = vector.shape_cast %slice3A_254 : vector<2x16x1x8x128xf32> to vector<2x16x8x128xf32>
    %min3A_256 = arith.minimumf %squeeze3A_253, %squeeze3A_255 : vector<2x16x8x128xf32>
    %max3A_257 = arith.maximumf %squeeze3A_253, %squeeze3A_255 : vector<2x16x8x128xf32>
    %broadcast_in_dim3A_258 = vector.shape_cast %min3A_256 : vector<2x16x8x128xf32> to vector<2x16x1x8x128xf32>
    %broadcast_in_dim3A_259 = vector.shape_cast %max3A_257 : vector<2x16x8x128xf32> to vector<2x16x1x8x128xf32>
    %concatenate3A_260 = tpu.concatenate %broadcast_in_dim3A_258, %broadcast_in_dim3A_259 in 2 : vector<2x16x1x8x128xf32>, vector<2x16x1x8x128xf32> -> vector<2x16x2x8x128xf32>
    %reshape3A_261 = vector.shape_cast %concatenate3A_260 : vector<2x16x2x8x128xf32> to vector<2x256x128xf32>
    %reshape3A_262 = vector.shape_cast %reshape3A_250 : vector<2x256x128xf32> to vector<2x16x2x8x128xf32>
    %slice3A_263 = vector.extract_strided_slice %reshape3A_262 {offsets = [0, 0, 0, 0, 0], sizes = [2, 16, 1, 8, 128], strides = [1, 1, 1, 1, 1]} : vector<2x16x2x8x128xf32> to vector<2x16x1x8x128xf32>
    %squeeze3A_264 = vector.shape_cast %slice3A_263 : vector<2x16x1x8x128xf32> to vector<2x16x8x128xf32>
    %slice3A_265 = vector.extract_strided_slice %reshape3A_262 {offsets = [0, 0, 1, 0, 0], sizes = [2, 16, 1, 8, 128], strides = [1, 1, 1, 1, 1]} : vector<2x16x2x8x128xf32> to vector<2x16x1x8x128xf32>
    %squeeze3A_266 = vector.shape_cast %slice3A_265 : vector<2x16x1x8x128xf32> to vector<2x16x8x128xf32>
    %min3A_267 = arith.minimumf %squeeze3A_264, %squeeze3A_266 : vector<2x16x8x128xf32>
    %max3A_268 = arith.maximumf %squeeze3A_264, %squeeze3A_266 : vector<2x16x8x128xf32>
    %broadcast_in_dim3A_269 = vector.shape_cast %min3A_267 : vector<2x16x8x128xf32> to vector<2x16x1x8x128xf32>
    %broadcast_in_dim3A_270 = vector.shape_cast %max3A_268 : vector<2x16x8x128xf32> to vector<2x16x1x8x128xf32>
    %concatenate3A_271 = tpu.concatenate %broadcast_in_dim3A_269, %broadcast_in_dim3A_270 in 2 : vector<2x16x1x8x128xf32>, vector<2x16x1x8x128xf32> -> vector<2x16x2x8x128xf32>
    %reshape3A_272 = vector.shape_cast %concatenate3A_271 : vector<2x16x2x8x128xf32> to vector<2x256x128xf32>
    %and3A_273 = arith.constant 8 : i32
    %and3A_274 = vector.broadcast %and3A_273 : i32 to vector<1x256x128xi32>
    %and3A_275 = arith.andi %or3A_10, %and3A_274 : vector<1x256x128xi32>
    %eq3A_276 = arith.constant 0 : i32
    %eq3A_277 = vector.broadcast %eq3A_276 : i32 to vector<1x256x128xi32>
    %eq3A_278 = arith.cmpi eq, %and3A_275, %eq3A_277 : vector<1x256x128xi32>
    %and3A_279 = arith.constant 16 : i32
    %and3A_280 = vector.broadcast %and3A_279 : i32 to vector<1x256x128xi32>
    %and3A_281 = arith.andi %or3A_10, %and3A_280 : vector<1x256x128xi32>
    %eq3A_282 = arith.constant 0 : i32
    %eq3A_283 = vector.broadcast %eq3A_282 : i32 to vector<1x256x128xi32>
    %eq3A_284 = arith.cmpi eq, %and3A_281, %eq3A_283 : vector<1x256x128xi32>
    %ne3A_285 = arith.xori %eq3A_278, %eq3A_284 : vector<1x256x128xi1>
    %neg3A_286 = arith.constant 0.000000e+00 : f32
    %neg3A_287 = vector.broadcast %neg3A_286 : f32 to vector<2x256x128xf32>
    %neg3A_288 = arith.subf %neg3A_287, %reshape3A_261 : vector<2x256x128xf32>
    %broadcast_in_dim3A_289 = vector.shape_cast %ne3A_285 : vector<1x256x128xi1> to vector<1x256x128xi1>
    %broadcast_in_dim3A_290 = vector.broadcast %broadcast_in_dim3A_289 : vector<1x256x128xi1> to vector<2x256x128xi1>
    %select_n3A_291 = arith.select %broadcast_in_dim3A_290, %neg3A_288, %reshape3A_261 : vector<2x256x128xi1>, vector<2x256x128xf32>
    %neg3A_292 = arith.constant 0.000000e+00 : f32
    %neg3A_293 = vector.broadcast %neg3A_292 : f32 to vector<2x256x128xf32>
    %neg3A_294 = arith.subf %neg3A_293, %reshape3A_272 : vector<2x256x128xf32>
    %broadcast_in_dim3A_295 = vector.shape_cast %ne3A_285 : vector<1x256x128xi1> to vector<1x256x128xi1>
    %broadcast_in_dim3A_296 = vector.broadcast %broadcast_in_dim3A_295 : vector<1x256x128xi1> to vector<2x256x128xi1>
    %select_n3A_297 = arith.select %broadcast_in_dim3A_296, %neg3A_294, %reshape3A_272 : vector<2x256x128xi1>, vector<2x256x128xf32>
    %reshape3A_298 = vector.shape_cast %select_n3A_291 : vector<2x256x128xf32> to vector<2x2x2x64x128xf32>
    %slice3A_299 = vector.extract_strided_slice %reshape3A_298 {offsets = [0, 0, 0, 0, 0], sizes = [2, 2, 1, 64, 128], strides = [1, 1, 1, 1, 1]} : vector<2x2x2x64x128xf32> to vector<2x2x1x64x128xf32>
    %squeeze3A_300 = vector.shape_cast %slice3A_299 : vector<2x2x1x64x128xf32> to vector<2x2x64x128xf32>
    %slice3A_301 = vector.extract_strided_slice %reshape3A_298 {offsets = [0, 0, 1, 0, 0], sizes = [2, 2, 1, 64, 128], strides = [1, 1, 1, 1, 1]} : vector<2x2x2x64x128xf32> to vector<2x2x1x64x128xf32>
    %squeeze3A_302 = vector.shape_cast %slice3A_301 : vector<2x2x1x64x128xf32> to vector<2x2x64x128xf32>
    %min3A_303 = arith.minimumf %squeeze3A_300, %squeeze3A_302 : vector<2x2x64x128xf32>
    %max3A_304 = arith.maximumf %squeeze3A_300, %squeeze3A_302 : vector<2x2x64x128xf32>
    %broadcast_in_dim3A_305 = vector.shape_cast %min3A_303 : vector<2x2x64x128xf32> to vector<2x2x1x64x128xf32>
    %broadcast_in_dim3A_306 = vector.shape_cast %max3A_304 : vector<2x2x64x128xf32> to vector<2x2x1x64x128xf32>
    %concatenate3A_307 = tpu.concatenate %broadcast_in_dim3A_305, %broadcast_in_dim3A_306 in 2 : vector<2x2x1x64x128xf32>, vector<2x2x1x64x128xf32> -> vector<2x2x2x64x128xf32>
    %reshape3A_308 = vector.shape_cast %concatenate3A_307 : vector<2x2x2x64x128xf32> to vector<2x256x128xf32>
    %reshape3A_309 = vector.shape_cast %select_n3A_297 : vector<2x256x128xf32> to vector<2x2x2x64x128xf32>
    %slice3A_310 = vector.extract_strided_slice %reshape3A_309 {offsets = [0, 0, 0, 0, 0], sizes = [2, 2, 1, 64, 128], strides = [1, 1, 1, 1, 1]} : vector<2x2x2x64x128xf32> to vector<2x2x1x64x128xf32>
    %squeeze3A_311 = vector.shape_cast %slice3A_310 : vector<2x2x1x64x128xf32> to vector<2x2x64x128xf32>
    %slice3A_312 = vector.extract_strided_slice %reshape3A_309 {offsets = [0, 0, 1, 0, 0], sizes = [2, 2, 1, 64, 128], strides = [1, 1, 1, 1, 1]} : vector<2x2x2x64x128xf32> to vector<2x2x1x64x128xf32>
    %squeeze3A_313 = vector.shape_cast %slice3A_312 : vector<2x2x1x64x128xf32> to vector<2x2x64x128xf32>
    %min3A_314 = arith.minimumf %squeeze3A_311, %squeeze3A_313 : vector<2x2x64x128xf32>
    %max3A_315 = arith.maximumf %squeeze3A_311, %squeeze3A_313 : vector<2x2x64x128xf32>
    %broadcast_in_dim3A_316 = vector.shape_cast %min3A_314 : vector<2x2x64x128xf32> to vector<2x2x1x64x128xf32>
    %broadcast_in_dim3A_317 = vector.shape_cast %max3A_315 : vector<2x2x64x128xf32> to vector<2x2x1x64x128xf32>
    %concatenate3A_318 = tpu.concatenate %broadcast_in_dim3A_316, %broadcast_in_dim3A_317 in 2 : vector<2x2x1x64x128xf32>, vector<2x2x1x64x128xf32> -> vector<2x2x2x64x128xf32>
    %reshape3A_319 = vector.shape_cast %concatenate3A_318 : vector<2x2x2x64x128xf32> to vector<2x256x128xf32>
    %reshape3A_320 = vector.shape_cast %reshape3A_308 : vector<2x256x128xf32> to vector<2x4x2x32x128xf32>
    %slice3A_321 = vector.extract_strided_slice %reshape3A_320 {offsets = [0, 0, 0, 0, 0], sizes = [2, 4, 1, 32, 128], strides = [1, 1, 1, 1, 1]} : vector<2x4x2x32x128xf32> to vector<2x4x1x32x128xf32>
    %squeeze3A_322 = vector.shape_cast %slice3A_321 : vector<2x4x1x32x128xf32> to vector<2x4x32x128xf32>
    %slice3A_323 = vector.extract_strided_slice %reshape3A_320 {offsets = [0, 0, 1, 0, 0], sizes = [2, 4, 1, 32, 128], strides = [1, 1, 1, 1, 1]} : vector<2x4x2x32x128xf32> to vector<2x4x1x32x128xf32>
    %squeeze3A_324 = vector.shape_cast %slice3A_323 : vector<2x4x1x32x128xf32> to vector<2x4x32x128xf32>
    %min3A_325 = arith.minimumf %squeeze3A_322, %squeeze3A_324 : vector<2x4x32x128xf32>
    %max3A_326 = arith.maximumf %squeeze3A_322, %squeeze3A_324 : vector<2x4x32x128xf32>
    %broadcast_in_dim3A_327 = vector.shape_cast %min3A_325 : vector<2x4x32x128xf32> to vector<2x4x1x32x128xf32>
    %broadcast_in_dim3A_328 = vector.shape_cast %max3A_326 : vector<2x4x32x128xf32> to vector<2x4x1x32x128xf32>
    %concatenate3A_329 = tpu.concatenate %broadcast_in_dim3A_327, %broadcast_in_dim3A_328 in 2 : vector<2x4x1x32x128xf32>, vector<2x4x1x32x128xf32> -> vector<2x4x2x32x128xf32>
    %reshape3A_330 = vector.shape_cast %concatenate3A_329 : vector<2x4x2x32x128xf32> to vector<2x256x128xf32>
    %reshape3A_331 = vector.shape_cast %reshape3A_319 : vector<2x256x128xf32> to vector<2x4x2x32x128xf32>
    %slice3A_332 = vector.extract_strided_slice %reshape3A_331 {offsets = [0, 0, 0, 0, 0], sizes = [2, 4, 1, 32, 128], strides = [1, 1, 1, 1, 1]} : vector<2x4x2x32x128xf32> to vector<2x4x1x32x128xf32>
    %squeeze3A_333 = vector.shape_cast %slice3A_332 : vector<2x4x1x32x128xf32> to vector<2x4x32x128xf32>
    %slice3A_334 = vector.extract_strided_slice %reshape3A_331 {offsets = [0, 0, 1, 0, 0], sizes = [2, 4, 1, 32, 128], strides = [1, 1, 1, 1, 1]} : vector<2x4x2x32x128xf32> to vector<2x4x1x32x128xf32>
    %squeeze3A_335 = vector.shape_cast %slice3A_334 : vector<2x4x1x32x128xf32> to vector<2x4x32x128xf32>
    %min3A_336 = arith.minimumf %squeeze3A_333, %squeeze3A_335 : vector<2x4x32x128xf32>
    %max3A_337 = arith.maximumf %squeeze3A_333, %squeeze3A_335 : vector<2x4x32x128xf32>
    %broadcast_in_dim3A_338 = vector.shape_cast %min3A_336 : vector<2x4x32x128xf32> to vector<2x4x1x32x128xf32>
    %broadcast_in_dim3A_339 = vector.shape_cast %max3A_337 : vector<2x4x32x128xf32> to vector<2x4x1x32x128xf32>
    %concatenate3A_340 = tpu.concatenate %broadcast_in_dim3A_338, %broadcast_in_dim3A_339 in 2 : vector<2x4x1x32x128xf32>, vector<2x4x1x32x128xf32> -> vector<2x4x2x32x128xf32>
    %reshape3A_341 = vector.shape_cast %concatenate3A_340 : vector<2x4x2x32x128xf32> to vector<2x256x128xf32>
    %reshape3A_342 = vector.shape_cast %reshape3A_330 : vector<2x256x128xf32> to vector<2x8x2x16x128xf32>
    %slice3A_343 = vector.extract_strided_slice %reshape3A_342 {offsets = [0, 0, 0, 0, 0], sizes = [2, 8, 1, 16, 128], strides = [1, 1, 1, 1, 1]} : vector<2x8x2x16x128xf32> to vector<2x8x1x16x128xf32>
    %squeeze3A_344 = vector.shape_cast %slice3A_343 : vector<2x8x1x16x128xf32> to vector<2x8x16x128xf32>
    %slice3A_345 = vector.extract_strided_slice %reshape3A_342 {offsets = [0, 0, 1, 0, 0], sizes = [2, 8, 1, 16, 128], strides = [1, 1, 1, 1, 1]} : vector<2x8x2x16x128xf32> to vector<2x8x1x16x128xf32>
    %squeeze3A_346 = vector.shape_cast %slice3A_345 : vector<2x8x1x16x128xf32> to vector<2x8x16x128xf32>
    %min3A_347 = arith.minimumf %squeeze3A_344, %squeeze3A_346 : vector<2x8x16x128xf32>
    %max3A_348 = arith.maximumf %squeeze3A_344, %squeeze3A_346 : vector<2x8x16x128xf32>
    %broadcast_in_dim3A_349 = vector.shape_cast %min3A_347 : vector<2x8x16x128xf32> to vector<2x8x1x16x128xf32>
    %broadcast_in_dim3A_350 = vector.shape_cast %max3A_348 : vector<2x8x16x128xf32> to vector<2x8x1x16x128xf32>
    %concatenate3A_351 = tpu.concatenate %broadcast_in_dim3A_349, %broadcast_in_dim3A_350 in 2 : vector<2x8x1x16x128xf32>, vector<2x8x1x16x128xf32> -> vector<2x8x2x16x128xf32>
    %reshape3A_352 = vector.shape_cast %concatenate3A_351 : vector<2x8x2x16x128xf32> to vector<2x256x128xf32>
    %reshape3A_353 = vector.shape_cast %reshape3A_341 : vector<2x256x128xf32> to vector<2x8x2x16x128xf32>
    %slice3A_354 = vector.extract_strided_slice %reshape3A_353 {offsets = [0, 0, 0, 0, 0], sizes = [2, 8, 1, 16, 128], strides = [1, 1, 1, 1, 1]} : vector<2x8x2x16x128xf32> to vector<2x8x1x16x128xf32>
    %squeeze3A_355 = vector.shape_cast %slice3A_354 : vector<2x8x1x16x128xf32> to vector<2x8x16x128xf32>
    %slice3A_356 = vector.extract_strided_slice %reshape3A_353 {offsets = [0, 0, 1, 0, 0], sizes = [2, 8, 1, 16, 128], strides = [1, 1, 1, 1, 1]} : vector<2x8x2x16x128xf32> to vector<2x8x1x16x128xf32>
    %squeeze3A_357 = vector.shape_cast %slice3A_356 : vector<2x8x1x16x128xf32> to vector<2x8x16x128xf32>
    %min3A_358 = arith.minimumf %squeeze3A_355, %squeeze3A_357 : vector<2x8x16x128xf32>
    %max3A_359 = arith.maximumf %squeeze3A_355, %squeeze3A_357 : vector<2x8x16x128xf32>
    %broadcast_in_dim3A_360 = vector.shape_cast %min3A_358 : vector<2x8x16x128xf32> to vector<2x8x1x16x128xf32>
    %broadcast_in_dim3A_361 = vector.shape_cast %max3A_359 : vector<2x8x16x128xf32> to vector<2x8x1x16x128xf32>
    %concatenate3A_362 = tpu.concatenate %broadcast_in_dim3A_360, %broadcast_in_dim3A_361 in 2 : vector<2x8x1x16x128xf32>, vector<2x8x1x16x128xf32> -> vector<2x8x2x16x128xf32>
    %reshape3A_363 = vector.shape_cast %concatenate3A_362 : vector<2x8x2x16x128xf32> to vector<2x256x128xf32>
    %reshape3A_364 = vector.shape_cast %reshape3A_352 : vector<2x256x128xf32> to vector<2x16x2x8x128xf32>
    %slice3A_365 = vector.extract_strided_slice %reshape3A_364 {offsets = [0, 0, 0, 0, 0], sizes = [2, 16, 1, 8, 128], strides = [1, 1, 1, 1, 1]} : vector<2x16x2x8x128xf32> to vector<2x16x1x8x128xf32>
    %squeeze3A_366 = vector.shape_cast %slice3A_365 : vector<2x16x1x8x128xf32> to vector<2x16x8x128xf32>
    %slice3A_367 = vector.extract_strided_slice %reshape3A_364 {offsets = [0, 0, 1, 0, 0], sizes = [2, 16, 1, 8, 128], strides = [1, 1, 1, 1, 1]} : vector<2x16x2x8x128xf32> to vector<2x16x1x8x128xf32>
    %squeeze3A_368 = vector.shape_cast %slice3A_367 : vector<2x16x1x8x128xf32> to vector<2x16x8x128xf32>
    %min3A_369 = arith.minimumf %squeeze3A_366, %squeeze3A_368 : vector<2x16x8x128xf32>
    %max3A_370 = arith.maximumf %squeeze3A_366, %squeeze3A_368 : vector<2x16x8x128xf32>
    %broadcast_in_dim3A_371 = vector.shape_cast %min3A_369 : vector<2x16x8x128xf32> to vector<2x16x1x8x128xf32>
    %broadcast_in_dim3A_372 = vector.shape_cast %max3A_370 : vector<2x16x8x128xf32> to vector<2x16x1x8x128xf32>
    %concatenate3A_373 = tpu.concatenate %broadcast_in_dim3A_371, %broadcast_in_dim3A_372 in 2 : vector<2x16x1x8x128xf32>, vector<2x16x1x8x128xf32> -> vector<2x16x2x8x128xf32>
    %reshape3A_374 = vector.shape_cast %concatenate3A_373 : vector<2x16x2x8x128xf32> to vector<2x256x128xf32>
    %reshape3A_375 = vector.shape_cast %reshape3A_363 : vector<2x256x128xf32> to vector<2x16x2x8x128xf32>
    %slice3A_376 = vector.extract_strided_slice %reshape3A_375 {offsets = [0, 0, 0, 0, 0], sizes = [2, 16, 1, 8, 128], strides = [1, 1, 1, 1, 1]} : vector<2x16x2x8x128xf32> to vector<2x16x1x8x128xf32>
    %squeeze3A_377 = vector.shape_cast %slice3A_376 : vector<2x16x1x8x128xf32> to vector<2x16x8x128xf32>
    %slice3A_378 = vector.extract_strided_slice %reshape3A_375 {offsets = [0, 0, 1, 0, 0], sizes = [2, 16, 1, 8, 128], strides = [1, 1, 1, 1, 1]} : vector<2x16x2x8x128xf32> to vector<2x16x1x8x128xf32>
    %squeeze3A_379 = vector.shape_cast %slice3A_378 : vector<2x16x1x8x128xf32> to vector<2x16x8x128xf32>
    %min3A_380 = arith.minimumf %squeeze3A_377, %squeeze3A_379 : vector<2x16x8x128xf32>
    %max3A_381 = arith.maximumf %squeeze3A_377, %squeeze3A_379 : vector<2x16x8x128xf32>
    %broadcast_in_dim3A_382 = vector.shape_cast %min3A_380 : vector<2x16x8x128xf32> to vector<2x16x1x8x128xf32>
    %broadcast_in_dim3A_383 = vector.shape_cast %max3A_381 : vector<2x16x8x128xf32> to vector<2x16x1x8x128xf32>
    %concatenate3A_384 = tpu.concatenate %broadcast_in_dim3A_382, %broadcast_in_dim3A_383 in 2 : vector<2x16x1x8x128xf32>, vector<2x16x1x8x128xf32> -> vector<2x16x2x8x128xf32>
    %reshape3A_385 = vector.shape_cast %concatenate3A_384 : vector<2x16x2x8x128xf32> to vector<2x256x128xf32>
    %and3A_386 = arith.constant 16 : i32
    %and3A_387 = vector.broadcast %and3A_386 : i32 to vector<1x256x128xi32>
    %and3A_388 = arith.andi %or3A_10, %and3A_387 : vector<1x256x128xi32>
    %eq3A_389 = arith.constant 0 : i32
    %eq3A_390 = vector.broadcast %eq3A_389 : i32 to vector<1x256x128xi32>
    %eq3A_391 = arith.cmpi eq, %and3A_388, %eq3A_390 : vector<1x256x128xi32>
    %and3A_392 = arith.constant 32 : i32
    %and3A_393 = vector.broadcast %and3A_392 : i32 to vector<1x256x128xi32>
    %and3A_394 = arith.andi %or3A_10, %and3A_393 : vector<1x256x128xi32>
    %eq3A_395 = arith.constant 0 : i32
    %eq3A_396 = vector.broadcast %eq3A_395 : i32 to vector<1x256x128xi32>
    %eq3A_397 = arith.cmpi eq, %and3A_394, %eq3A_396 : vector<1x256x128xi32>
    %ne3A_398 = arith.xori %eq3A_391, %eq3A_397 : vector<1x256x128xi1>
    %neg3A_399 = arith.constant 0.000000e+00 : f32
    %neg3A_400 = vector.broadcast %neg3A_399 : f32 to vector<2x256x128xf32>
    %neg3A_401 = arith.subf %neg3A_400, %reshape3A_374 : vector<2x256x128xf32>
    %broadcast_in_dim3A_402 = vector.shape_cast %ne3A_398 : vector<1x256x128xi1> to vector<1x256x128xi1>
    %broadcast_in_dim3A_403 = vector.broadcast %broadcast_in_dim3A_402 : vector<1x256x128xi1> to vector<2x256x128xi1>
    %select_n3A_404 = arith.select %broadcast_in_dim3A_403, %neg3A_401, %reshape3A_374 : vector<2x256x128xi1>, vector<2x256x128xf32>
    %neg3A_405 = arith.constant 0.000000e+00 : f32
    %neg3A_406 = vector.broadcast %neg3A_405 : f32 to vector<2x256x128xf32>
    %neg3A_407 = arith.subf %neg3A_406, %reshape3A_385 : vector<2x256x128xf32>
    %broadcast_in_dim3A_408 = vector.shape_cast %ne3A_398 : vector<1x256x128xi1> to vector<1x256x128xi1>
    %broadcast_in_dim3A_409 = vector.broadcast %broadcast_in_dim3A_408 : vector<1x256x128xi1> to vector<2x256x128xi1>
    %select_n3A_410 = arith.select %broadcast_in_dim3A_409, %neg3A_407, %reshape3A_385 : vector<2x256x128xi1>, vector<2x256x128xf32>
    %reshape3A_411 = vector.shape_cast %select_n3A_404 : vector<2x256x128xf32> to vector<2x1x2x128x128xf32>
    %slice3A_412 = vector.extract_strided_slice %reshape3A_411 {offsets = [0, 0, 0, 0, 0], sizes = [2, 1, 1, 128, 128], strides = [1, 1, 1, 1, 1]} : vector<2x1x2x128x128xf32> to vector<2x1x1x128x128xf32>
    %squeeze3A_413 = vector.shape_cast %slice3A_412 : vector<2x1x1x128x128xf32> to vector<2x1x128x128xf32>
    %slice3A_414 = vector.extract_strided_slice %reshape3A_411 {offsets = [0, 0, 1, 0, 0], sizes = [2, 1, 1, 128, 128], strides = [1, 1, 1, 1, 1]} : vector<2x1x2x128x128xf32> to vector<2x1x1x128x128xf32>
    %squeeze3A_415 = vector.shape_cast %slice3A_414 : vector<2x1x1x128x128xf32> to vector<2x1x128x128xf32>
    %min3A_416 = arith.minimumf %squeeze3A_413, %squeeze3A_415 : vector<2x1x128x128xf32>
    %max3A_417 = arith.maximumf %squeeze3A_413, %squeeze3A_415 : vector<2x1x128x128xf32>
    %broadcast_in_dim3A_418 = vector.shape_cast %min3A_416 : vector<2x1x128x128xf32> to vector<2x1x1x128x128xf32>
    %broadcast_in_dim3A_419 = vector.shape_cast %max3A_417 : vector<2x1x128x128xf32> to vector<2x1x1x128x128xf32>
    %concatenate3A_420 = tpu.concatenate %broadcast_in_dim3A_418, %broadcast_in_dim3A_419 in 2 : vector<2x1x1x128x128xf32>, vector<2x1x1x128x128xf32> -> vector<2x1x2x128x128xf32>
    %reshape3A_421 = vector.shape_cast %concatenate3A_420 : vector<2x1x2x128x128xf32> to vector<2x256x128xf32>
    %reshape3A_422 = vector.shape_cast %select_n3A_410 : vector<2x256x128xf32> to vector<2x1x2x128x128xf32>
    %slice3A_423 = vector.extract_strided_slice %reshape3A_422 {offsets = [0, 0, 0, 0, 0], sizes = [2, 1, 1, 128, 128], strides = [1, 1, 1, 1, 1]} : vector<2x1x2x128x128xf32> to vector<2x1x1x128x128xf32>
    %squeeze3A_424 = vector.shape_cast %slice3A_423 : vector<2x1x1x128x128xf32> to vector<2x1x128x128xf32>
    %slice3A_425 = vector.extract_strided_slice %reshape3A_422 {offsets = [0, 0, 1, 0, 0], sizes = [2, 1, 1, 128, 128], strides = [1, 1, 1, 1, 1]} : vector<2x1x2x128x128xf32> to vector<2x1x1x128x128xf32>
    %squeeze3A_426 = vector.shape_cast %slice3A_425 : vector<2x1x1x128x128xf32> to vector<2x1x128x128xf32>
    %min3A_427 = arith.minimumf %squeeze3A_424, %squeeze3A_426 : vector<2x1x128x128xf32>
    %max3A_428 = arith.maximumf %squeeze3A_424, %squeeze3A_426 : vector<2x1x128x128xf32>
    %broadcast_in_dim3A_429 = vector.shape_cast %min3A_427 : vector<2x1x128x128xf32> to vector<2x1x1x128x128xf32>
    %broadcast_in_dim3A_430 = vector.shape_cast %max3A_428 : vector<2x1x128x128xf32> to vector<2x1x1x128x128xf32>
    %concatenate3A_431 = tpu.concatenate %broadcast_in_dim3A_429, %broadcast_in_dim3A_430 in 2 : vector<2x1x1x128x128xf32>, vector<2x1x1x128x128xf32> -> vector<2x1x2x128x128xf32>
    %reshape3A_432 = vector.shape_cast %concatenate3A_431 : vector<2x1x2x128x128xf32> to vector<2x256x128xf32>
    %reshape3A_433 = vector.shape_cast %reshape3A_421 : vector<2x256x128xf32> to vector<2x2x2x64x128xf32>
    %slice3A_434 = vector.extract_strided_slice %reshape3A_433 {offsets = [0, 0, 0, 0, 0], sizes = [2, 2, 1, 64, 128], strides = [1, 1, 1, 1, 1]} : vector<2x2x2x64x128xf32> to vector<2x2x1x64x128xf32>
    %squeeze3A_435 = vector.shape_cast %slice3A_434 : vector<2x2x1x64x128xf32> to vector<2x2x64x128xf32>
    %slice3A_436 = vector.extract_strided_slice %reshape3A_433 {offsets = [0, 0, 1, 0, 0], sizes = [2, 2, 1, 64, 128], strides = [1, 1, 1, 1, 1]} : vector<2x2x2x64x128xf32> to vector<2x2x1x64x128xf32>
    %squeeze3A_437 = vector.shape_cast %slice3A_436 : vector<2x2x1x64x128xf32> to vector<2x2x64x128xf32>
    %min3A_438 = arith.minimumf %squeeze3A_435, %squeeze3A_437 : vector<2x2x64x128xf32>
    %max3A_439 = arith.maximumf %squeeze3A_435, %squeeze3A_437 : vector<2x2x64x128xf32>
    %broadcast_in_dim3A_440 = vector.shape_cast %min3A_438 : vector<2x2x64x128xf32> to vector<2x2x1x64x128xf32>
    %broadcast_in_dim3A_441 = vector.shape_cast %max3A_439 : vector<2x2x64x128xf32> to vector<2x2x1x64x128xf32>
    %concatenate3A_442 = tpu.concatenate %broadcast_in_dim3A_440, %broadcast_in_dim3A_441 in 2 : vector<2x2x1x64x128xf32>, vector<2x2x1x64x128xf32> -> vector<2x2x2x64x128xf32>
    %reshape3A_443 = vector.shape_cast %concatenate3A_442 : vector<2x2x2x64x128xf32> to vector<2x256x128xf32>
    %reshape3A_444 = vector.shape_cast %reshape3A_432 : vector<2x256x128xf32> to vector<2x2x2x64x128xf32>
    %slice3A_445 = vector.extract_strided_slice %reshape3A_444 {offsets = [0, 0, 0, 0, 0], sizes = [2, 2, 1, 64, 128], strides = [1, 1, 1, 1, 1]} : vector<2x2x2x64x128xf32> to vector<2x2x1x64x128xf32>
    %squeeze3A_446 = vector.shape_cast %slice3A_445 : vector<2x2x1x64x128xf32> to vector<2x2x64x128xf32>
    %slice3A_447 = vector.extract_strided_slice %reshape3A_444 {offsets = [0, 0, 1, 0, 0], sizes = [2, 2, 1, 64, 128], strides = [1, 1, 1, 1, 1]} : vector<2x2x2x64x128xf32> to vector<2x2x1x64x128xf32>
    %squeeze3A_448 = vector.shape_cast %slice3A_447 : vector<2x2x1x64x128xf32> to vector<2x2x64x128xf32>
    %min3A_449 = arith.minimumf %squeeze3A_446, %squeeze3A_448 : vector<2x2x64x128xf32>
    %max3A_450 = arith.maximumf %squeeze3A_446, %squeeze3A_448 : vector<2x2x64x128xf32>
    %broadcast_in_dim3A_451 = vector.shape_cast %min3A_449 : vector<2x2x64x128xf32> to vector<2x2x1x64x128xf32>
    %broadcast_in_dim3A_452 = vector.shape_cast %max3A_450 : vector<2x2x64x128xf32> to vector<2x2x1x64x128xf32>
    %concatenate3A_453 = tpu.concatenate %broadcast_in_dim3A_451, %broadcast_in_dim3A_452 in 2 : vector<2x2x1x64x128xf32>, vector<2x2x1x64x128xf32> -> vector<2x2x2x64x128xf32>
    %reshape3A_454 = vector.shape_cast %concatenate3A_453 : vector<2x2x2x64x128xf32> to vector<2x256x128xf32>
    %reshape3A_455 = vector.shape_cast %reshape3A_443 : vector<2x256x128xf32> to vector<2x4x2x32x128xf32>
    %slice3A_456 = vector.extract_strided_slice %reshape3A_455 {offsets = [0, 0, 0, 0, 0], sizes = [2, 4, 1, 32, 128], strides = [1, 1, 1, 1, 1]} : vector<2x4x2x32x128xf32> to vector<2x4x1x32x128xf32>
    %squeeze3A_457 = vector.shape_cast %slice3A_456 : vector<2x4x1x32x128xf32> to vector<2x4x32x128xf32>
    %slice3A_458 = vector.extract_strided_slice %reshape3A_455 {offsets = [0, 0, 1, 0, 0], sizes = [2, 4, 1, 32, 128], strides = [1, 1, 1, 1, 1]} : vector<2x4x2x32x128xf32> to vector<2x4x1x32x128xf32>
    %squeeze3A_459 = vector.shape_cast %slice3A_458 : vector<2x4x1x32x128xf32> to vector<2x4x32x128xf32>
    %min3A_460 = arith.minimumf %squeeze3A_457, %squeeze3A_459 : vector<2x4x32x128xf32>
    %max3A_461 = arith.maximumf %squeeze3A_457, %squeeze3A_459 : vector<2x4x32x128xf32>
    %broadcast_in_dim3A_462 = vector.shape_cast %min3A_460 : vector<2x4x32x128xf32> to vector<2x4x1x32x128xf32>
    %broadcast_in_dim3A_463 = vector.shape_cast %max3A_461 : vector<2x4x32x128xf32> to vector<2x4x1x32x128xf32>
    %concatenate3A_464 = tpu.concatenate %broadcast_in_dim3A_462, %broadcast_in_dim3A_463 in 2 : vector<2x4x1x32x128xf32>, vector<2x4x1x32x128xf32> -> vector<2x4x2x32x128xf32>
    %reshape3A_465 = vector.shape_cast %concatenate3A_464 : vector<2x4x2x32x128xf32> to vector<2x256x128xf32>
    %reshape3A_466 = vector.shape_cast %reshape3A_454 : vector<2x256x128xf32> to vector<2x4x2x32x128xf32>
    %slice3A_467 = vector.extract_strided_slice %reshape3A_466 {offsets = [0, 0, 0, 0, 0], sizes = [2, 4, 1, 32, 128], strides = [1, 1, 1, 1, 1]} : vector<2x4x2x32x128xf32> to vector<2x4x1x32x128xf32>
    %squeeze3A_468 = vector.shape_cast %slice3A_467 : vector<2x4x1x32x128xf32> to vector<2x4x32x128xf32>
    %slice3A_469 = vector.extract_strided_slice %reshape3A_466 {offsets = [0, 0, 1, 0, 0], sizes = [2, 4, 1, 32, 128], strides = [1, 1, 1, 1, 1]} : vector<2x4x2x32x128xf32> to vector<2x4x1x32x128xf32>
    %squeeze3A_470 = vector.shape_cast %slice3A_469 : vector<2x4x1x32x128xf32> to vector<2x4x32x128xf32>
    %min3A_471 = arith.minimumf %squeeze3A_468, %squeeze3A_470 : vector<2x4x32x128xf32>
    %max3A_472 = arith.maximumf %squeeze3A_468, %squeeze3A_470 : vector<2x4x32x128xf32>
    %broadcast_in_dim3A_473 = vector.shape_cast %min3A_471 : vector<2x4x32x128xf32> to vector<2x4x1x32x128xf32>
    %broadcast_in_dim3A_474 = vector.shape_cast %max3A_472 : vector<2x4x32x128xf32> to vector<2x4x1x32x128xf32>
    %concatenate3A_475 = tpu.concatenate %broadcast_in_dim3A_473, %broadcast_in_dim3A_474 in 2 : vector<2x4x1x32x128xf32>, vector<2x4x1x32x128xf32> -> vector<2x4x2x32x128xf32>
    %reshape3A_476 = vector.shape_cast %concatenate3A_475 : vector<2x4x2x32x128xf32> to vector<2x256x128xf32>
    %reshape3A_477 = vector.shape_cast %reshape3A_465 : vector<2x256x128xf32> to vector<2x8x2x16x128xf32>
    %slice3A_478 = vector.extract_strided_slice %reshape3A_477 {offsets = [0, 0, 0, 0, 0], sizes = [2, 8, 1, 16, 128], strides = [1, 1, 1, 1, 1]} : vector<2x8x2x16x128xf32> to vector<2x8x1x16x128xf32>
    %squeeze3A_479 = vector.shape_cast %slice3A_478 : vector<2x8x1x16x128xf32> to vector<2x8x16x128xf32>
    %slice3A_480 = vector.extract_strided_slice %reshape3A_477 {offsets = [0, 0, 1, 0, 0], sizes = [2, 8, 1, 16, 128], strides = [1, 1, 1, 1, 1]} : vector<2x8x2x16x128xf32> to vector<2x8x1x16x128xf32>
    %squeeze3A_481 = vector.shape_cast %slice3A_480 : vector<2x8x1x16x128xf32> to vector<2x8x16x128xf32>
    %min3A_482 = arith.minimumf %squeeze3A_479, %squeeze3A_481 : vector<2x8x16x128xf32>
    %max3A_483 = arith.maximumf %squeeze3A_479, %squeeze3A_481 : vector<2x8x16x128xf32>
    %broadcast_in_dim3A_484 = vector.shape_cast %min3A_482 : vector<2x8x16x128xf32> to vector<2x8x1x16x128xf32>
    %broadcast_in_dim3A_485 = vector.shape_cast %max3A_483 : vector<2x8x16x128xf32> to vector<2x8x1x16x128xf32>
    %concatenate3A_486 = tpu.concatenate %broadcast_in_dim3A_484, %broadcast_in_dim3A_485 in 2 : vector<2x8x1x16x128xf32>, vector<2x8x1x16x128xf32> -> vector<2x8x2x16x128xf32>
    %reshape3A_487 = vector.shape_cast %concatenate3A_486 : vector<2x8x2x16x128xf32> to vector<2x256x128xf32>
    %reshape3A_488 = vector.shape_cast %reshape3A_476 : vector<2x256x128xf32> to vector<2x8x2x16x128xf32>
    %slice3A_489 = vector.extract_strided_slice %reshape3A_488 {offsets = [0, 0, 0, 0, 0], sizes = [2, 8, 1, 16, 128], strides = [1, 1, 1, 1, 1]} : vector<2x8x2x16x128xf32> to vector<2x8x1x16x128xf32>
    %squeeze3A_490 = vector.shape_cast %slice3A_489 : vector<2x8x1x16x128xf32> to vector<2x8x16x128xf32>
    %slice3A_491 = vector.extract_strided_slice %reshape3A_488 {offsets = [0, 0, 1, 0, 0], sizes = [2, 8, 1, 16, 128], strides = [1, 1, 1, 1, 1]} : vector<2x8x2x16x128xf32> to vector<2x8x1x16x128xf32>
    %squeeze3A_492 = vector.shape_cast %slice3A_491 : vector<2x8x1x16x128xf32> to vector<2x8x16x128xf32>
    %min3A_493 = arith.minimumf %squeeze3A_490, %squeeze3A_492 : vector<2x8x16x128xf32>
    %max3A_494 = arith.maximumf %squeeze3A_490, %squeeze3A_492 : vector<2x8x16x128xf32>
    %broadcast_in_dim3A_495 = vector.shape_cast %min3A_493 : vector<2x8x16x128xf32> to vector<2x8x1x16x128xf32>
    %broadcast_in_dim3A_496 = vector.shape_cast %max3A_494 : vector<2x8x16x128xf32> to vector<2x8x1x16x128xf32>
    %concatenate3A_497 = tpu.concatenate %broadcast_in_dim3A_495, %broadcast_in_dim3A_496 in 2 : vector<2x8x1x16x128xf32>, vector<2x8x1x16x128xf32> -> vector<2x8x2x16x128xf32>
    %reshape3A_498 = vector.shape_cast %concatenate3A_497 : vector<2x8x2x16x128xf32> to vector<2x256x128xf32>
    %reshape3A_499 = vector.shape_cast %reshape3A_487 : vector<2x256x128xf32> to vector<2x16x2x8x128xf32>
    %slice3A_500 = vector.extract_strided_slice %reshape3A_499 {offsets = [0, 0, 0, 0, 0], sizes = [2, 16, 1, 8, 128], strides = [1, 1, 1, 1, 1]} : vector<2x16x2x8x128xf32> to vector<2x16x1x8x128xf32>
    %squeeze3A_501 = vector.shape_cast %slice3A_500 : vector<2x16x1x8x128xf32> to vector<2x16x8x128xf32>
    %slice3A_502 = vector.extract_strided_slice %reshape3A_499 {offsets = [0, 0, 1, 0, 0], sizes = [2, 16, 1, 8, 128], strides = [1, 1, 1, 1, 1]} : vector<2x16x2x8x128xf32> to vector<2x16x1x8x128xf32>
    %squeeze3A_503 = vector.shape_cast %slice3A_502 : vector<2x16x1x8x128xf32> to vector<2x16x8x128xf32>
    %min3A_504 = arith.minimumf %squeeze3A_501, %squeeze3A_503 : vector<2x16x8x128xf32>
    %max3A_505 = arith.maximumf %squeeze3A_501, %squeeze3A_503 : vector<2x16x8x128xf32>
    %broadcast_in_dim3A_506 = vector.shape_cast %min3A_504 : vector<2x16x8x128xf32> to vector<2x16x1x8x128xf32>
    %broadcast_in_dim3A_507 = vector.shape_cast %max3A_505 : vector<2x16x8x128xf32> to vector<2x16x1x8x128xf32>
    %concatenate3A_508 = tpu.concatenate %broadcast_in_dim3A_506, %broadcast_in_dim3A_507 in 2 : vector<2x16x1x8x128xf32>, vector<2x16x1x8x128xf32> -> vector<2x16x2x8x128xf32>
    %reshape3A_509 = vector.shape_cast %concatenate3A_508 : vector<2x16x2x8x128xf32> to vector<2x256x128xf32>
    %reshape3A_510 = vector.shape_cast %reshape3A_498 : vector<2x256x128xf32> to vector<2x16x2x8x128xf32>
    %slice3A_511 = vector.extract_strided_slice %reshape3A_510 {offsets = [0, 0, 0, 0, 0], sizes = [2, 16, 1, 8, 128], strides = [1, 1, 1, 1, 1]} : vector<2x16x2x8x128xf32> to vector<2x16x1x8x128xf32>
    %squeeze3A_512 = vector.shape_cast %slice3A_511 : vector<2x16x1x8x128xf32> to vector<2x16x8x128xf32>
    %slice3A_513 = vector.extract_strided_slice %reshape3A_510 {offsets = [0, 0, 1, 0, 0], sizes = [2, 16, 1, 8, 128], strides = [1, 1, 1, 1, 1]} : vector<2x16x2x8x128xf32> to vector<2x16x1x8x128xf32>
    %squeeze3A_514 = vector.shape_cast %slice3A_513 : vector<2x16x1x8x128xf32> to vector<2x16x8x128xf32>
    %min3A_515 = arith.minimumf %squeeze3A_512, %squeeze3A_514 : vector<2x16x8x128xf32>
    %max3A_516 = arith.maximumf %squeeze3A_512, %squeeze3A_514 : vector<2x16x8x128xf32>
    %broadcast_in_dim3A_517 = vector.shape_cast %min3A_515 : vector<2x16x8x128xf32> to vector<2x16x1x8x128xf32>
    %broadcast_in_dim3A_518 = vector.shape_cast %max3A_516 : vector<2x16x8x128xf32> to vector<2x16x1x8x128xf32>
    %concatenate3A_519 = tpu.concatenate %broadcast_in_dim3A_517, %broadcast_in_dim3A_518 in 2 : vector<2x16x1x8x128xf32>, vector<2x16x1x8x128xf32> -> vector<2x16x2x8x128xf32>
    %reshape3A_520 = vector.shape_cast %concatenate3A_519 : vector<2x16x2x8x128xf32> to vector<2x256x128xf32>
    %and3A_521 = arith.constant 32 : i32
    %and3A_522 = vector.broadcast %and3A_521 : i32 to vector<1x256x128xi32>
    %and3A_523 = arith.andi %or3A_10, %and3A_522 : vector<1x256x128xi32>
    %eq3A_524 = arith.constant 0 : i32
    %eq3A_525 = vector.broadcast %eq3A_524 : i32 to vector<1x256x128xi32>
    %eq3A_526 = arith.cmpi eq, %and3A_523, %eq3A_525 : vector<1x256x128xi32>
    %and3A_527 = arith.constant 64 : i32
    %and3A_528 = vector.broadcast %and3A_527 : i32 to vector<1x256x128xi32>
    %and3A_529 = arith.andi %or3A_10, %and3A_528 : vector<1x256x128xi32>
    %eq3A_530 = arith.constant 0 : i32
    %eq3A_531 = vector.broadcast %eq3A_530 : i32 to vector<1x256x128xi32>
    %eq3A_532 = arith.cmpi eq, %and3A_529, %eq3A_531 : vector<1x256x128xi32>
    %ne3A_533 = arith.xori %eq3A_526, %eq3A_532 : vector<1x256x128xi1>
    %neg3A_534 = arith.constant 0.000000e+00 : f32
    %neg3A_535 = vector.broadcast %neg3A_534 : f32 to vector<2x256x128xf32>
    %neg3A_536 = arith.subf %neg3A_535, %reshape3A_509 : vector<2x256x128xf32>
    %broadcast_in_dim3A_537 = vector.shape_cast %ne3A_533 : vector<1x256x128xi1> to vector<1x256x128xi1>
    %broadcast_in_dim3A_538 = vector.broadcast %broadcast_in_dim3A_537 : vector<1x256x128xi1> to vector<2x256x128xi1>
    %select_n3A_539 = arith.select %broadcast_in_dim3A_538, %neg3A_536, %reshape3A_509 : vector<2x256x128xi1>, vector<2x256x128xf32>
    %neg3A_540 = arith.constant 0.000000e+00 : f32
    %neg3A_541 = vector.broadcast %neg3A_540 : f32 to vector<2x256x128xf32>
    %neg3A_542 = arith.subf %neg3A_541, %reshape3A_520 : vector<2x256x128xf32>
    %broadcast_in_dim3A_543 = vector.shape_cast %ne3A_533 : vector<1x256x128xi1> to vector<1x256x128xi1>
    %broadcast_in_dim3A_544 = vector.broadcast %broadcast_in_dim3A_543 : vector<1x256x128xi1> to vector<2x256x128xi1>
    %select_n3A_545 = arith.select %broadcast_in_dim3A_544, %neg3A_542, %reshape3A_520 : vector<2x256x128xi1>, vector<2x256x128xf32>
    %roll3A = arith.constant 255 : i32
    %roll3A_546 = tpu.dynamic_rotate %select_n3A_539 by %roll3A dim 1 : vector<2x256x128xf32>, i32 -> vector<2x256x128xf32>
    %roll3A_547 = arith.constant 1 : i32
    %roll3A_548 = tpu.dynamic_rotate %select_n3A_539 by %roll3A_547 dim 1 : vector<2x256x128xf32>, i32 -> vector<2x256x128xf32>
    %min3A_549 = arith.minimumf %select_n3A_539, %roll3A_546 : vector<2x256x128xf32>
    %max3A_550 = arith.maximumf %select_n3A_539, %roll3A_548 : vector<2x256x128xf32>
    %broadcast_in_dim3A_551 = vector.shape_cast %eq3A_28 : vector<1x256x1xi1> to vector<1x256x1xi1>
    %broadcast_in_dim3A_552 = vector.broadcast %broadcast_in_dim3A_551 : vector<1x256x1xi1> to vector<2x256x128xi1>
    %select_n3A_553 = arith.select %broadcast_in_dim3A_552, %min3A_549, %max3A_550 : vector<2x256x128xi1>, vector<2x256x128xf32>
    %roll3A_554 = arith.constant 255 : i32
    %roll3A_555 = tpu.dynamic_rotate %select_n3A_545 by %roll3A_554 dim 1 : vector<2x256x128xf32>, i32 -> vector<2x256x128xf32>
    %roll3A_556 = arith.constant 1 : i32
    %roll3A_557 = tpu.dynamic_rotate %select_n3A_545 by %roll3A_556 dim 1 : vector<2x256x128xf32>, i32 -> vector<2x256x128xf32>
    %min3A_558 = arith.minimumf %select_n3A_545, %roll3A_555 : vector<2x256x128xf32>
    %max3A_559 = arith.maximumf %select_n3A_545, %roll3A_557 : vector<2x256x128xf32>
    %broadcast_in_dim3A_560 = vector.shape_cast %eq3A_28 : vector<1x256x1xi1> to vector<1x256x1xi1>
    %broadcast_in_dim3A_561 = vector.broadcast %broadcast_in_dim3A_560 : vector<1x256x1xi1> to vector<2x256x128xi1>
    %select_n3A_562 = arith.select %broadcast_in_dim3A_561, %min3A_558, %max3A_559 : vector<2x256x128xi1>, vector<2x256x128xf32>
    %reshape3A_563 = vector.shape_cast %select_n3A_553 : vector<2x256x128xf32> to vector<2x1x2x128x128xf32>
    %slice3A_564 = vector.extract_strided_slice %reshape3A_563 {offsets = [0, 0, 0, 0, 0], sizes = [2, 1, 1, 128, 128], strides = [1, 1, 1, 1, 1]} : vector<2x1x2x128x128xf32> to vector<2x1x1x128x128xf32>
    %squeeze3A_565 = vector.shape_cast %slice3A_564 : vector<2x1x1x128x128xf32> to vector<2x1x128x128xf32>
    %slice3A_566 = vector.extract_strided_slice %reshape3A_563 {offsets = [0, 0, 1, 0, 0], sizes = [2, 1, 1, 128, 128], strides = [1, 1, 1, 1, 1]} : vector<2x1x2x128x128xf32> to vector<2x1x1x128x128xf32>
    %squeeze3A_567 = vector.shape_cast %slice3A_566 : vector<2x1x1x128x128xf32> to vector<2x1x128x128xf32>
    %min3A_568 = arith.minimumf %squeeze3A_565, %squeeze3A_567 : vector<2x1x128x128xf32>
    %max3A_569 = arith.maximumf %squeeze3A_565, %squeeze3A_567 : vector<2x1x128x128xf32>
    %broadcast_in_dim3A_570 = vector.shape_cast %min3A_568 : vector<2x1x128x128xf32> to vector<2x1x1x128x128xf32>
    %broadcast_in_dim3A_571 = vector.shape_cast %max3A_569 : vector<2x1x128x128xf32> to vector<2x1x1x128x128xf32>
    %concatenate3A_572 = tpu.concatenate %broadcast_in_dim3A_570, %broadcast_in_dim3A_571 in 2 : vector<2x1x1x128x128xf32>, vector<2x1x1x128x128xf32> -> vector<2x1x2x128x128xf32>
    %reshape3A_573 = vector.shape_cast %concatenate3A_572 : vector<2x1x2x128x128xf32> to vector<2x256x128xf32>
    %reshape3A_574 = vector.shape_cast %select_n3A_562 : vector<2x256x128xf32> to vector<2x1x2x128x128xf32>
    %slice3A_575 = vector.extract_strided_slice %reshape3A_574 {offsets = [0, 0, 0, 0, 0], sizes = [2, 1, 1, 128, 128], strides = [1, 1, 1, 1, 1]} : vector<2x1x2x128x128xf32> to vector<2x1x1x128x128xf32>
    %squeeze3A_576 = vector.shape_cast %slice3A_575 : vector<2x1x1x128x128xf32> to vector<2x1x128x128xf32>
    %slice3A_577 = vector.extract_strided_slice %reshape3A_574 {offsets = [0, 0, 1, 0, 0], sizes = [2, 1, 1, 128, 128], strides = [1, 1, 1, 1, 1]} : vector<2x1x2x128x128xf32> to vector<2x1x1x128x128xf32>
    %squeeze3A_578 = vector.shape_cast %slice3A_577 : vector<2x1x1x128x128xf32> to vector<2x1x128x128xf32>
    %min3A_579 = arith.minimumf %squeeze3A_576, %squeeze3A_578 : vector<2x1x128x128xf32>
    %max3A_580 = arith.maximumf %squeeze3A_576, %squeeze3A_578 : vector<2x1x128x128xf32>
    %broadcast_in_dim3A_581 = vector.shape_cast %min3A_579 : vector<2x1x128x128xf32> to vector<2x1x1x128x128xf32>
    %broadcast_in_dim3A_582 = vector.shape_cast %max3A_580 : vector<2x1x128x128xf32> to vector<2x1x1x128x128xf32>
    %concatenate3A_583 = tpu.concatenate %broadcast_in_dim3A_581, %broadcast_in_dim3A_582 in 2 : vector<2x1x1x128x128xf32>, vector<2x1x1x128x128xf32> -> vector<2x1x2x128x128xf32>
    %reshape3A_584 = vector.shape_cast %concatenate3A_583 : vector<2x1x2x128x128xf32> to vector<2x256x128xf32>
    %reshape3A_585 = vector.shape_cast %reshape3A_573 : vector<2x256x128xf32> to vector<2x2x2x64x128xf32>
    %slice3A_586 = vector.extract_strided_slice %reshape3A_585 {offsets = [0, 0, 0, 0, 0], sizes = [2, 2, 1, 64, 128], strides = [1, 1, 1, 1, 1]} : vector<2x2x2x64x128xf32> to vector<2x2x1x64x128xf32>
    %squeeze3A_587 = vector.shape_cast %slice3A_586 : vector<2x2x1x64x128xf32> to vector<2x2x64x128xf32>
    %slice3A_588 = vector.extract_strided_slice %reshape3A_585 {offsets = [0, 0, 1, 0, 0], sizes = [2, 2, 1, 64, 128], strides = [1, 1, 1, 1, 1]} : vector<2x2x2x64x128xf32> to vector<2x2x1x64x128xf32>
    %squeeze3A_589 = vector.shape_cast %slice3A_588 : vector<2x2x1x64x128xf32> to vector<2x2x64x128xf32>
    %min3A_590 = arith.minimumf %squeeze3A_587, %squeeze3A_589 : vector<2x2x64x128xf32>
    %max3A_591 = arith.maximumf %squeeze3A_587, %squeeze3A_589 : vector<2x2x64x128xf32>
    %broadcast_in_dim3A_592 = vector.shape_cast %min3A_590 : vector<2x2x64x128xf32> to vector<2x2x1x64x128xf32>
    %broadcast_in_dim3A_593 = vector.shape_cast %max3A_591 : vector<2x2x64x128xf32> to vector<2x2x1x64x128xf32>
    %concatenate3A_594 = tpu.concatenate %broadcast_in_dim3A_592, %broadcast_in_dim3A_593 in 2 : vector<2x2x1x64x128xf32>, vector<2x2x1x64x128xf32> -> vector<2x2x2x64x128xf32>
    %reshape3A_595 = vector.shape_cast %concatenate3A_594 : vector<2x2x2x64x128xf32> to vector<2x256x128xf32>
    %reshape3A_596 = vector.shape_cast %reshape3A_584 : vector<2x256x128xf32> to vector<2x2x2x64x128xf32>
    %slice3A_597 = vector.extract_strided_slice %reshape3A_596 {offsets = [0, 0, 0, 0, 0], sizes = [2, 2, 1, 64, 128], strides = [1, 1, 1, 1, 1]} : vector<2x2x2x64x128xf32> to vector<2x2x1x64x128xf32>
    %squeeze3A_598 = vector.shape_cast %slice3A_597 : vector<2x2x1x64x128xf32> to vector<2x2x64x128xf32>
    %slice3A_599 = vector.extract_strided_slice %reshape3A_596 {offsets = [0, 0, 1, 0, 0], sizes = [2, 2, 1, 64, 128], strides = [1, 1, 1, 1, 1]} : vector<2x2x2x64x128xf32> to vector<2x2x1x64x128xf32>
    %squeeze3A_600 = vector.shape_cast %slice3A_599 : vector<2x2x1x64x128xf32> to vector<2x2x64x128xf32>
    %min3A_601 = arith.minimumf %squeeze3A_598, %squeeze3A_600 : vector<2x2x64x128xf32>
    %max3A_602 = arith.maximumf %squeeze3A_598, %squeeze3A_600 : vector<2x2x64x128xf32>
    %broadcast_in_dim3A_603 = vector.shape_cast %min3A_601 : vector<2x2x64x128xf32> to vector<2x2x1x64x128xf32>
    %broadcast_in_dim3A_604 = vector.shape_cast %max3A_602 : vector<2x2x64x128xf32> to vector<2x2x1x64x128xf32>
    %concatenate3A_605 = tpu.concatenate %broadcast_in_dim3A_603, %broadcast_in_dim3A_604 in 2 : vector<2x2x1x64x128xf32>, vector<2x2x1x64x128xf32> -> vector<2x2x2x64x128xf32>
    %reshape3A_606 = vector.shape_cast %concatenate3A_605 : vector<2x2x2x64x128xf32> to vector<2x256x128xf32>
    %reshape3A_607 = vector.shape_cast %reshape3A_595 : vector<2x256x128xf32> to vector<2x4x2x32x128xf32>
    %slice3A_608 = vector.extract_strided_slice %reshape3A_607 {offsets = [0, 0, 0, 0, 0], sizes = [2, 4, 1, 32, 128], strides = [1, 1, 1, 1, 1]} : vector<2x4x2x32x128xf32> to vector<2x4x1x32x128xf32>
    %squeeze3A_609 = vector.shape_cast %slice3A_608 : vector<2x4x1x32x128xf32> to vector<2x4x32x128xf32>
    %slice3A_610 = vector.extract_strided_slice %reshape3A_607 {offsets = [0, 0, 1, 0, 0], sizes = [2, 4, 1, 32, 128], strides = [1, 1, 1, 1, 1]} : vector<2x4x2x32x128xf32> to vector<2x4x1x32x128xf32>
    %squeeze3A_611 = vector.shape_cast %slice3A_610 : vector<2x4x1x32x128xf32> to vector<2x4x32x128xf32>
    %min3A_612 = arith.minimumf %squeeze3A_609, %squeeze3A_611 : vector<2x4x32x128xf32>
    %max3A_613 = arith.maximumf %squeeze3A_609, %squeeze3A_611 : vector<2x4x32x128xf32>
    %broadcast_in_dim3A_614 = vector.shape_cast %min3A_612 : vector<2x4x32x128xf32> to vector<2x4x1x32x128xf32>
    %broadcast_in_dim3A_615 = vector.shape_cast %max3A_613 : vector<2x4x32x128xf32> to vector<2x4x1x32x128xf32>
    %concatenate3A_616 = tpu.concatenate %broadcast_in_dim3A_614, %broadcast_in_dim3A_615 in 2 : vector<2x4x1x32x128xf32>, vector<2x4x1x32x128xf32> -> vector<2x4x2x32x128xf32>
    %reshape3A_617 = vector.shape_cast %concatenate3A_616 : vector<2x4x2x32x128xf32> to vector<2x256x128xf32>
    %reshape3A_618 = vector.shape_cast %reshape3A_606 : vector<2x256x128xf32> to vector<2x4x2x32x128xf32>
    %slice3A_619 = vector.extract_strided_slice %reshape3A_618 {offsets = [0, 0, 0, 0, 0], sizes = [2, 4, 1, 32, 128], strides = [1, 1, 1, 1, 1]} : vector<2x4x2x32x128xf32> to vector<2x4x1x32x128xf32>
    %squeeze3A_620 = vector.shape_cast %slice3A_619 : vector<2x4x1x32x128xf32> to vector<2x4x32x128xf32>
    %slice3A_621 = vector.extract_strided_slice %reshape3A_618 {offsets = [0, 0, 1, 0, 0], sizes = [2, 4, 1, 32, 128], strides = [1, 1, 1, 1, 1]} : vector<2x4x2x32x128xf32> to vector<2x4x1x32x128xf32>
    %squeeze3A_622 = vector.shape_cast %slice3A_621 : vector<2x4x1x32x128xf32> to vector<2x4x32x128xf32>
    %min3A_623 = arith.minimumf %squeeze3A_620, %squeeze3A_622 : vector<2x4x32x128xf32>
    %max3A_624 = arith.maximumf %squeeze3A_620, %squeeze3A_622 : vector<2x4x32x128xf32>
    %broadcast_in_dim3A_625 = vector.shape_cast %min3A_623 : vector<2x4x32x128xf32> to vector<2x4x1x32x128xf32>
    %broadcast_in_dim3A_626 = vector.shape_cast %max3A_624 : vector<2x4x32x128xf32> to vector<2x4x1x32x128xf32>
    %concatenate3A_627 = tpu.concatenate %broadcast_in_dim3A_625, %broadcast_in_dim3A_626 in 2 : vector<2x4x1x32x128xf32>, vector<2x4x1x32x128xf32> -> vector<2x4x2x32x128xf32>
    %reshape3A_628 = vector.shape_cast %concatenate3A_627 : vector<2x4x2x32x128xf32> to vector<2x256x128xf32>
    %reshape3A_629 = vector.shape_cast %reshape3A_617 : vector<2x256x128xf32> to vector<2x8x2x16x128xf32>
    %slice3A_630 = vector.extract_strided_slice %reshape3A_629 {offsets = [0, 0, 0, 0, 0], sizes = [2, 8, 1, 16, 128], strides = [1, 1, 1, 1, 1]} : vector<2x8x2x16x128xf32> to vector<2x8x1x16x128xf32>
    %squeeze3A_631 = vector.shape_cast %slice3A_630 : vector<2x8x1x16x128xf32> to vector<2x8x16x128xf32>
    %slice3A_632 = vector.extract_strided_slice %reshape3A_629 {offsets = [0, 0, 1, 0, 0], sizes = [2, 8, 1, 16, 128], strides = [1, 1, 1, 1, 1]} : vector<2x8x2x16x128xf32> to vector<2x8x1x16x128xf32>
    %squeeze3A_633 = vector.shape_cast %slice3A_632 : vector<2x8x1x16x128xf32> to vector<2x8x16x128xf32>
    %min3A_634 = arith.minimumf %squeeze3A_631, %squeeze3A_633 : vector<2x8x16x128xf32>
    %max3A_635 = arith.maximumf %squeeze3A_631, %squeeze3A_633 : vector<2x8x16x128xf32>
    %broadcast_in_dim3A_636 = vector.shape_cast %min3A_634 : vector<2x8x16x128xf32> to vector<2x8x1x16x128xf32>
    %broadcast_in_dim3A_637 = vector.shape_cast %max3A_635 : vector<2x8x16x128xf32> to vector<2x8x1x16x128xf32>
    %concatenate3A_638 = tpu.concatenate %broadcast_in_dim3A_636, %broadcast_in_dim3A_637 in 2 : vector<2x8x1x16x128xf32>, vector<2x8x1x16x128xf32> -> vector<2x8x2x16x128xf32>
    %reshape3A_639 = vector.shape_cast %concatenate3A_638 : vector<2x8x2x16x128xf32> to vector<2x256x128xf32>
    %reshape3A_640 = vector.shape_cast %reshape3A_628 : vector<2x256x128xf32> to vector<2x8x2x16x128xf32>
    %slice3A_641 = vector.extract_strided_slice %reshape3A_640 {offsets = [0, 0, 0, 0, 0], sizes = [2, 8, 1, 16, 128], strides = [1, 1, 1, 1, 1]} : vector<2x8x2x16x128xf32> to vector<2x8x1x16x128xf32>
    %squeeze3A_642 = vector.shape_cast %slice3A_641 : vector<2x8x1x16x128xf32> to vector<2x8x16x128xf32>
    %slice3A_643 = vector.extract_strided_slice %reshape3A_640 {offsets = [0, 0, 1, 0, 0], sizes = [2, 8, 1, 16, 128], strides = [1, 1, 1, 1, 1]} : vector<2x8x2x16x128xf32> to vector<2x8x1x16x128xf32>
    %squeeze3A_644 = vector.shape_cast %slice3A_643 : vector<2x8x1x16x128xf32> to vector<2x8x16x128xf32>
    %min3A_645 = arith.minimumf %squeeze3A_642, %squeeze3A_644 : vector<2x8x16x128xf32>
    %max3A_646 = arith.maximumf %squeeze3A_642, %squeeze3A_644 : vector<2x8x16x128xf32>
    %broadcast_in_dim3A_647 = vector.shape_cast %min3A_645 : vector<2x8x16x128xf32> to vector<2x8x1x16x128xf32>
    %broadcast_in_dim3A_648 = vector.shape_cast %max3A_646 : vector<2x8x16x128xf32> to vector<2x8x1x16x128xf32>
    %concatenate3A_649 = tpu.concatenate %broadcast_in_dim3A_647, %broadcast_in_dim3A_648 in 2 : vector<2x8x1x16x128xf32>, vector<2x8x1x16x128xf32> -> vector<2x8x2x16x128xf32>
    %reshape3A_650 = vector.shape_cast %concatenate3A_649 : vector<2x8x2x16x128xf32> to vector<2x256x128xf32>
    %reshape3A_651 = vector.shape_cast %reshape3A_639 : vector<2x256x128xf32> to vector<2x16x2x8x128xf32>
    %slice3A_652 = vector.extract_strided_slice %reshape3A_651 {offsets = [0, 0, 0, 0, 0], sizes = [2, 16, 1, 8, 128], strides = [1, 1, 1, 1, 1]} : vector<2x16x2x8x128xf32> to vector<2x16x1x8x128xf32>
    %squeeze3A_653 = vector.shape_cast %slice3A_652 : vector<2x16x1x8x128xf32> to vector<2x16x8x128xf32>
    %slice3A_654 = vector.extract_strided_slice %reshape3A_651 {offsets = [0, 0, 1, 0, 0], sizes = [2, 16, 1, 8, 128], strides = [1, 1, 1, 1, 1]} : vector<2x16x2x8x128xf32> to vector<2x16x1x8x128xf32>
    %squeeze3A_655 = vector.shape_cast %slice3A_654 : vector<2x16x1x8x128xf32> to vector<2x16x8x128xf32>
    %min3A_656 = arith.minimumf %squeeze3A_653, %squeeze3A_655 : vector<2x16x8x128xf32>
    %max3A_657 = arith.maximumf %squeeze3A_653, %squeeze3A_655 : vector<2x16x8x128xf32>
    %broadcast_in_dim3A_658 = vector.shape_cast %min3A_656 : vector<2x16x8x128xf32> to vector<2x16x1x8x128xf32>
    %broadcast_in_dim3A_659 = vector.shape_cast %max3A_657 : vector<2x16x8x128xf32> to vector<2x16x1x8x128xf32>
    %concatenate3A_660 = tpu.concatenate %broadcast_in_dim3A_658, %broadcast_in_dim3A_659 in 2 : vector<2x16x1x8x128xf32>, vector<2x16x1x8x128xf32> -> vector<2x16x2x8x128xf32>
    %reshape3A_661 = vector.shape_cast %concatenate3A_660 : vector<2x16x2x8x128xf32> to vector<2x256x128xf32>
    %reshape3A_662 = vector.shape_cast %reshape3A_650 : vector<2x256x128xf32> to vector<2x16x2x8x128xf32>
    %slice3A_663 = vector.extract_strided_slice %reshape3A_662 {offsets = [0, 0, 0, 0, 0], sizes = [2, 16, 1, 8, 128], strides = [1, 1, 1, 1, 1]} : vector<2x16x2x8x128xf32> to vector<2x16x1x8x128xf32>
    %squeeze3A_664 = vector.shape_cast %slice3A_663 : vector<2x16x1x8x128xf32> to vector<2x16x8x128xf32>
    %slice3A_665 = vector.extract_strided_slice %reshape3A_662 {offsets = [0, 0, 1, 0, 0], sizes = [2, 16, 1, 8, 128], strides = [1, 1, 1, 1, 1]} : vector<2x16x2x8x128xf32> to vector<2x16x1x8x128xf32>
    %squeeze3A_666 = vector.shape_cast %slice3A_665 : vector<2x16x1x8x128xf32> to vector<2x16x8x128xf32>
    %min3A_667 = arith.minimumf %squeeze3A_664, %squeeze3A_666 : vector<2x16x8x128xf32>
    %max3A_668 = arith.maximumf %squeeze3A_664, %squeeze3A_666 : vector<2x16x8x128xf32>
    %broadcast_in_dim3A_669 = vector.shape_cast %min3A_667 : vector<2x16x8x128xf32> to vector<2x16x1x8x128xf32>
    %broadcast_in_dim3A_670 = vector.shape_cast %max3A_668 : vector<2x16x8x128xf32> to vector<2x16x1x8x128xf32>
    %concatenate3A_671 = tpu.concatenate %broadcast_in_dim3A_669, %broadcast_in_dim3A_670 in 2 : vector<2x16x1x8x128xf32>, vector<2x16x1x8x128xf32> -> vector<2x16x2x8x128xf32>
    %reshape3A_672 = vector.shape_cast %concatenate3A_671 : vector<2x16x2x8x128xf32> to vector<2x256x128xf32>
    %and3A_673 = arith.constant 64 : i32
    %and3A_674 = vector.broadcast %and3A_673 : i32 to vector<1x256x128xi32>
    %and3A_675 = arith.andi %or3A_10, %and3A_674 : vector<1x256x128xi32>
    %eq3A_676 = arith.constant 0 : i32
    %eq3A_677 = vector.broadcast %eq3A_676 : i32 to vector<1x256x128xi32>
    %eq3A_678 = arith.cmpi eq, %and3A_675, %eq3A_677 : vector<1x256x128xi32>
    %and3A_679 = arith.constant 128 : i32
    %and3A_680 = vector.broadcast %and3A_679 : i32 to vector<1x256x128xi32>
    %and3A_681 = arith.andi %or3A_10, %and3A_680 : vector<1x256x128xi32>
    %eq3A_682 = arith.constant 0 : i32
    %eq3A_683 = vector.broadcast %eq3A_682 : i32 to vector<1x256x128xi32>
    %eq3A_684 = arith.cmpi eq, %and3A_681, %eq3A_683 : vector<1x256x128xi32>
    %ne3A_685 = arith.xori %eq3A_678, %eq3A_684 : vector<1x256x128xi1>
    %neg3A_686 = arith.constant 0.000000e+00 : f32
    %neg3A_687 = vector.broadcast %neg3A_686 : f32 to vector<2x256x128xf32>
    %neg3A_688 = arith.subf %neg3A_687, %reshape3A_661 : vector<2x256x128xf32>
    %broadcast_in_dim3A_689 = vector.shape_cast %ne3A_685 : vector<1x256x128xi1> to vector<1x256x128xi1>
    %broadcast_in_dim3A_690 = vector.broadcast %broadcast_in_dim3A_689 : vector<1x256x128xi1> to vector<2x256x128xi1>
    %select_n3A_691 = arith.select %broadcast_in_dim3A_690, %neg3A_688, %reshape3A_661 : vector<2x256x128xi1>, vector<2x256x128xf32>
    %neg3A_692 = arith.constant 0.000000e+00 : f32
    %neg3A_693 = vector.broadcast %neg3A_692 : f32 to vector<2x256x128xf32>
    %neg3A_694 = arith.subf %neg3A_693, %reshape3A_672 : vector<2x256x128xf32>
    %broadcast_in_dim3A_695 = vector.shape_cast %ne3A_685 : vector<1x256x128xi1> to vector<1x256x128xi1>
    %broadcast_in_dim3A_696 = vector.broadcast %broadcast_in_dim3A_695 : vector<1x256x128xi1> to vector<2x256x128xi1>
    %select_n3A_697 = arith.select %broadcast_in_dim3A_696, %neg3A_694, %reshape3A_672 : vector<2x256x128xi1>, vector<2x256x128xf32>
    %roll3A_698 = arith.constant 254 : i32
    %roll3A_699 = tpu.dynamic_rotate %select_n3A_691 by %roll3A_698 dim 1 : vector<2x256x128xf32>, i32 -> vector<2x256x128xf32>
    %roll3A_700 = arith.constant 2 : i32
    %roll3A_701 = tpu.dynamic_rotate %select_n3A_691 by %roll3A_700 dim 1 : vector<2x256x128xf32>, i32 -> vector<2x256x128xf32>
    %min3A_702 = arith.minimumf %select_n3A_691, %roll3A_699 : vector<2x256x128xf32>
    %max3A_703 = arith.maximumf %select_n3A_691, %roll3A_701 : vector<2x256x128xf32>
    %broadcast_in_dim3A_704 = vector.shape_cast %eq3A_34 : vector<1x256x1xi1> to vector<1x256x1xi1>
    %broadcast_in_dim3A_705 = vector.broadcast %broadcast_in_dim3A_704 : vector<1x256x1xi1> to vector<2x256x128xi1>
    %select_n3A_706 = arith.select %broadcast_in_dim3A_705, %min3A_702, %max3A_703 : vector<2x256x128xi1>, vector<2x256x128xf32>
    %roll3A_707 = arith.constant 254 : i32
    %roll3A_708 = tpu.dynamic_rotate %select_n3A_697 by %roll3A_707 dim 1 : vector<2x256x128xf32>, i32 -> vector<2x256x128xf32>
    %roll3A_709 = arith.constant 2 : i32
    %roll3A_710 = tpu.dynamic_rotate %select_n3A_697 by %roll3A_709 dim 1 : vector<2x256x128xf32>, i32 -> vector<2x256x128xf32>
    %min3A_711 = arith.minimumf %select_n3A_697, %roll3A_708 : vector<2x256x128xf32>
    %max3A_712 = arith.maximumf %select_n3A_697, %roll3A_710 : vector<2x256x128xf32>
    %broadcast_in_dim3A_713 = vector.shape_cast %eq3A_34 : vector<1x256x1xi1> to vector<1x256x1xi1>
    %broadcast_in_dim3A_714 = vector.broadcast %broadcast_in_dim3A_713 : vector<1x256x1xi1> to vector<2x256x128xi1>
    %select_n3A_715 = arith.select %broadcast_in_dim3A_714, %min3A_711, %max3A_712 : vector<2x256x128xi1>, vector<2x256x128xf32>
    %roll3A_716 = arith.constant 255 : i32
    %roll3A_717 = tpu.dynamic_rotate %select_n3A_706 by %roll3A_716 dim 1 : vector<2x256x128xf32>, i32 -> vector<2x256x128xf32>
    %roll3A_718 = arith.constant 1 : i32
    %roll3A_719 = tpu.dynamic_rotate %select_n3A_706 by %roll3A_718 dim 1 : vector<2x256x128xf32>, i32 -> vector<2x256x128xf32>
    %min3A_720 = arith.minimumf %select_n3A_706, %roll3A_717 : vector<2x256x128xf32>
    %max3A_721 = arith.maximumf %select_n3A_706, %roll3A_719 : vector<2x256x128xf32>
    %broadcast_in_dim3A_722 = vector.shape_cast %eq3A_28 : vector<1x256x1xi1> to vector<1x256x1xi1>
    %broadcast_in_dim3A_723 = vector.broadcast %broadcast_in_dim3A_722 : vector<1x256x1xi1> to vector<2x256x128xi1>
    %select_n3A_724 = arith.select %broadcast_in_dim3A_723, %min3A_720, %max3A_721 : vector<2x256x128xi1>, vector<2x256x128xf32>
    %roll3A_725 = arith.constant 255 : i32
    %roll3A_726 = tpu.dynamic_rotate %select_n3A_715 by %roll3A_725 dim 1 : vector<2x256x128xf32>, i32 -> vector<2x256x128xf32>
    %roll3A_727 = arith.constant 1 : i32
    %roll3A_728 = tpu.dynamic_rotate %select_n3A_715 by %roll3A_727 dim 1 : vector<2x256x128xf32>, i32 -> vector<2x256x128xf32>
    %min3A_729 = arith.minimumf %select_n3A_715, %roll3A_726 : vector<2x256x128xf32>
    %max3A_730 = arith.maximumf %select_n3A_715, %roll3A_728 : vector<2x256x128xf32>
    %broadcast_in_dim3A_731 = vector.shape_cast %eq3A_28 : vector<1x256x1xi1> to vector<1x256x1xi1>
    %broadcast_in_dim3A_732 = vector.broadcast %broadcast_in_dim3A_731 : vector<1x256x1xi1> to vector<2x256x128xi1>
    %select_n3A_733 = arith.select %broadcast_in_dim3A_732, %min3A_729, %max3A_730 : vector<2x256x128xi1>, vector<2x256x128xf32>
    %reshape3A_734 = vector.shape_cast %select_n3A_724 : vector<2x256x128xf32> to vector<2x1x2x128x128xf32>
    %slice3A_735 = vector.extract_strided_slice %reshape3A_734 {offsets = [0, 0, 0, 0, 0], sizes = [2, 1, 1, 128, 128], strides = [1, 1, 1, 1, 1]} : vector<2x1x2x128x128xf32> to vector<2x1x1x128x128xf32>
    %squeeze3A_736 = vector.shape_cast %slice3A_735 : vector<2x1x1x128x128xf32> to vector<2x1x128x128xf32>
    %slice3A_737 = vector.extract_strided_slice %reshape3A_734 {offsets = [0, 0, 1, 0, 0], sizes = [2, 1, 1, 128, 128], strides = [1, 1, 1, 1, 1]} : vector<2x1x2x128x128xf32> to vector<2x1x1x128x128xf32>
    %squeeze3A_738 = vector.shape_cast %slice3A_737 : vector<2x1x1x128x128xf32> to vector<2x1x128x128xf32>
    %min3A_739 = arith.minimumf %squeeze3A_736, %squeeze3A_738 : vector<2x1x128x128xf32>
    %max3A_740 = arith.maximumf %squeeze3A_736, %squeeze3A_738 : vector<2x1x128x128xf32>
    %broadcast_in_dim3A_741 = vector.shape_cast %min3A_739 : vector<2x1x128x128xf32> to vector<2x1x1x128x128xf32>
    %broadcast_in_dim3A_742 = vector.shape_cast %max3A_740 : vector<2x1x128x128xf32> to vector<2x1x1x128x128xf32>
    %concatenate3A_743 = tpu.concatenate %broadcast_in_dim3A_741, %broadcast_in_dim3A_742 in 2 : vector<2x1x1x128x128xf32>, vector<2x1x1x128x128xf32> -> vector<2x1x2x128x128xf32>
    %reshape3A_744 = vector.shape_cast %concatenate3A_743 : vector<2x1x2x128x128xf32> to vector<2x256x128xf32>
    %reshape3A_745 = vector.shape_cast %select_n3A_733 : vector<2x256x128xf32> to vector<2x1x2x128x128xf32>
    %slice3A_746 = vector.extract_strided_slice %reshape3A_745 {offsets = [0, 0, 0, 0, 0], sizes = [2, 1, 1, 128, 128], strides = [1, 1, 1, 1, 1]} : vector<2x1x2x128x128xf32> to vector<2x1x1x128x128xf32>
    %squeeze3A_747 = vector.shape_cast %slice3A_746 : vector<2x1x1x128x128xf32> to vector<2x1x128x128xf32>
    %slice3A_748 = vector.extract_strided_slice %reshape3A_745 {offsets = [0, 0, 1, 0, 0], sizes = [2, 1, 1, 128, 128], strides = [1, 1, 1, 1, 1]} : vector<2x1x2x128x128xf32> to vector<2x1x1x128x128xf32>
    %squeeze3A_749 = vector.shape_cast %slice3A_748 : vector<2x1x1x128x128xf32> to vector<2x1x128x128xf32>
    %min3A_750 = arith.minimumf %squeeze3A_747, %squeeze3A_749 : vector<2x1x128x128xf32>
    %max3A_751 = arith.maximumf %squeeze3A_747, %squeeze3A_749 : vector<2x1x128x128xf32>
    %broadcast_in_dim3A_752 = vector.shape_cast %min3A_750 : vector<2x1x128x128xf32> to vector<2x1x1x128x128xf32>
    %broadcast_in_dim3A_753 = vector.shape_cast %max3A_751 : vector<2x1x128x128xf32> to vector<2x1x1x128x128xf32>
    %concatenate3A_754 = tpu.concatenate %broadcast_in_dim3A_752, %broadcast_in_dim3A_753 in 2 : vector<2x1x1x128x128xf32>, vector<2x1x1x128x128xf32> -> vector<2x1x2x128x128xf32>
    %reshape3A_755 = vector.shape_cast %concatenate3A_754 : vector<2x1x2x128x128xf32> to vector<2x256x128xf32>
    %reshape3A_756 = vector.shape_cast %reshape3A_744 : vector<2x256x128xf32> to vector<2x2x2x64x128xf32>
    %slice3A_757 = vector.extract_strided_slice %reshape3A_756 {offsets = [0, 0, 0, 0, 0], sizes = [2, 2, 1, 64, 128], strides = [1, 1, 1, 1, 1]} : vector<2x2x2x64x128xf32> to vector<2x2x1x64x128xf32>
    %squeeze3A_758 = vector.shape_cast %slice3A_757 : vector<2x2x1x64x128xf32> to vector<2x2x64x128xf32>
    %slice3A_759 = vector.extract_strided_slice %reshape3A_756 {offsets = [0, 0, 1, 0, 0], sizes = [2, 2, 1, 64, 128], strides = [1, 1, 1, 1, 1]} : vector<2x2x2x64x128xf32> to vector<2x2x1x64x128xf32>
    %squeeze3A_760 = vector.shape_cast %slice3A_759 : vector<2x2x1x64x128xf32> to vector<2x2x64x128xf32>
    %min3A_761 = arith.minimumf %squeeze3A_758, %squeeze3A_760 : vector<2x2x64x128xf32>
    %max3A_762 = arith.maximumf %squeeze3A_758, %squeeze3A_760 : vector<2x2x64x128xf32>
    %broadcast_in_dim3A_763 = vector.shape_cast %min3A_761 : vector<2x2x64x128xf32> to vector<2x2x1x64x128xf32>
    %broadcast_in_dim3A_764 = vector.shape_cast %max3A_762 : vector<2x2x64x128xf32> to vector<2x2x1x64x128xf32>
    %concatenate3A_765 = tpu.concatenate %broadcast_in_dim3A_763, %broadcast_in_dim3A_764 in 2 : vector<2x2x1x64x128xf32>, vector<2x2x1x64x128xf32> -> vector<2x2x2x64x128xf32>
    %reshape3A_766 = vector.shape_cast %concatenate3A_765 : vector<2x2x2x64x128xf32> to vector<2x256x128xf32>
    %reshape3A_767 = vector.shape_cast %reshape3A_755 : vector<2x256x128xf32> to vector<2x2x2x64x128xf32>
    %slice3A_768 = vector.extract_strided_slice %reshape3A_767 {offsets = [0, 0, 0, 0, 0], sizes = [2, 2, 1, 64, 128], strides = [1, 1, 1, 1, 1]} : vector<2x2x2x64x128xf32> to vector<2x2x1x64x128xf32>
    %squeeze3A_769 = vector.shape_cast %slice3A_768 : vector<2x2x1x64x128xf32> to vector<2x2x64x128xf32>
    %slice3A_770 = vector.extract_strided_slice %reshape3A_767 {offsets = [0, 0, 1, 0, 0], sizes = [2, 2, 1, 64, 128], strides = [1, 1, 1, 1, 1]} : vector<2x2x2x64x128xf32> to vector<2x2x1x64x128xf32>
    %squeeze3A_771 = vector.shape_cast %slice3A_770 : vector<2x2x1x64x128xf32> to vector<2x2x64x128xf32>
    %min3A_772 = arith.minimumf %squeeze3A_769, %squeeze3A_771 : vector<2x2x64x128xf32>
    %max3A_773 = arith.maximumf %squeeze3A_769, %squeeze3A_771 : vector<2x2x64x128xf32>
    %broadcast_in_dim3A_774 = vector.shape_cast %min3A_772 : vector<2x2x64x128xf32> to vector<2x2x1x64x128xf32>
    %broadcast_in_dim3A_775 = vector.shape_cast %max3A_773 : vector<2x2x64x128xf32> to vector<2x2x1x64x128xf32>
    %concatenate3A_776 = tpu.concatenate %broadcast_in_dim3A_774, %broadcast_in_dim3A_775 in 2 : vector<2x2x1x64x128xf32>, vector<2x2x1x64x128xf32> -> vector<2x2x2x64x128xf32>
    %reshape3A_777 = vector.shape_cast %concatenate3A_776 : vector<2x2x2x64x128xf32> to vector<2x256x128xf32>
    %reshape3A_778 = vector.shape_cast %reshape3A_766 : vector<2x256x128xf32> to vector<2x4x2x32x128xf32>
    %slice3A_779 = vector.extract_strided_slice %reshape3A_778 {offsets = [0, 0, 0, 0, 0], sizes = [2, 4, 1, 32, 128], strides = [1, 1, 1, 1, 1]} : vector<2x4x2x32x128xf32> to vector<2x4x1x32x128xf32>
    %squeeze3A_780 = vector.shape_cast %slice3A_779 : vector<2x4x1x32x128xf32> to vector<2x4x32x128xf32>
    %slice3A_781 = vector.extract_strided_slice %reshape3A_778 {offsets = [0, 0, 1, 0, 0], sizes = [2, 4, 1, 32, 128], strides = [1, 1, 1, 1, 1]} : vector<2x4x2x32x128xf32> to vector<2x4x1x32x128xf32>
    %squeeze3A_782 = vector.shape_cast %slice3A_781 : vector<2x4x1x32x128xf32> to vector<2x4x32x128xf32>
    %min3A_783 = arith.minimumf %squeeze3A_780, %squeeze3A_782 : vector<2x4x32x128xf32>
    %max3A_784 = arith.maximumf %squeeze3A_780, %squeeze3A_782 : vector<2x4x32x128xf32>
    %broadcast_in_dim3A_785 = vector.shape_cast %min3A_783 : vector<2x4x32x128xf32> to vector<2x4x1x32x128xf32>
    %broadcast_in_dim3A_786 = vector.shape_cast %max3A_784 : vector<2x4x32x128xf32> to vector<2x4x1x32x128xf32>
    %concatenate3A_787 = tpu.concatenate %broadcast_in_dim3A_785, %broadcast_in_dim3A_786 in 2 : vector<2x4x1x32x128xf32>, vector<2x4x1x32x128xf32> -> vector<2x4x2x32x128xf32>
    %reshape3A_788 = vector.shape_cast %concatenate3A_787 : vector<2x4x2x32x128xf32> to vector<2x256x128xf32>
    %reshape3A_789 = vector.shape_cast %reshape3A_777 : vector<2x256x128xf32> to vector<2x4x2x32x128xf32>
    %slice3A_790 = vector.extract_strided_slice %reshape3A_789 {offsets = [0, 0, 0, 0, 0], sizes = [2, 4, 1, 32, 128], strides = [1, 1, 1, 1, 1]} : vector<2x4x2x32x128xf32> to vector<2x4x1x32x128xf32>
    %squeeze3A_791 = vector.shape_cast %slice3A_790 : vector<2x4x1x32x128xf32> to vector<2x4x32x128xf32>
    %slice3A_792 = vector.extract_strided_slice %reshape3A_789 {offsets = [0, 0, 1, 0, 0], sizes = [2, 4, 1, 32, 128], strides = [1, 1, 1, 1, 1]} : vector<2x4x2x32x128xf32> to vector<2x4x1x32x128xf32>
    %squeeze3A_793 = vector.shape_cast %slice3A_792 : vector<2x4x1x32x128xf32> to vector<2x4x32x128xf32>
    %min3A_794 = arith.minimumf %squeeze3A_791, %squeeze3A_793 : vector<2x4x32x128xf32>
    %max3A_795 = arith.maximumf %squeeze3A_791, %squeeze3A_793 : vector<2x4x32x128xf32>
    %broadcast_in_dim3A_796 = vector.shape_cast %min3A_794 : vector<2x4x32x128xf32> to vector<2x4x1x32x128xf32>
    %broadcast_in_dim3A_797 = vector.shape_cast %max3A_795 : vector<2x4x32x128xf32> to vector<2x4x1x32x128xf32>
    %concatenate3A_798 = tpu.concatenate %broadcast_in_dim3A_796, %broadcast_in_dim3A_797 in 2 : vector<2x4x1x32x128xf32>, vector<2x4x1x32x128xf32> -> vector<2x4x2x32x128xf32>
    %reshape3A_799 = vector.shape_cast %concatenate3A_798 : vector<2x4x2x32x128xf32> to vector<2x256x128xf32>
    %reshape3A_800 = vector.shape_cast %reshape3A_788 : vector<2x256x128xf32> to vector<2x8x2x16x128xf32>
    %slice3A_801 = vector.extract_strided_slice %reshape3A_800 {offsets = [0, 0, 0, 0, 0], sizes = [2, 8, 1, 16, 128], strides = [1, 1, 1, 1, 1]} : vector<2x8x2x16x128xf32> to vector<2x8x1x16x128xf32>
    %squeeze3A_802 = vector.shape_cast %slice3A_801 : vector<2x8x1x16x128xf32> to vector<2x8x16x128xf32>
    %slice3A_803 = vector.extract_strided_slice %reshape3A_800 {offsets = [0, 0, 1, 0, 0], sizes = [2, 8, 1, 16, 128], strides = [1, 1, 1, 1, 1]} : vector<2x8x2x16x128xf32> to vector<2x8x1x16x128xf32>
    %squeeze3A_804 = vector.shape_cast %slice3A_803 : vector<2x8x1x16x128xf32> to vector<2x8x16x128xf32>
    %min3A_805 = arith.minimumf %squeeze3A_802, %squeeze3A_804 : vector<2x8x16x128xf32>
    %max3A_806 = arith.maximumf %squeeze3A_802, %squeeze3A_804 : vector<2x8x16x128xf32>
    %broadcast_in_dim3A_807 = vector.shape_cast %min3A_805 : vector<2x8x16x128xf32> to vector<2x8x1x16x128xf32>
    %broadcast_in_dim3A_808 = vector.shape_cast %max3A_806 : vector<2x8x16x128xf32> to vector<2x8x1x16x128xf32>
    %concatenate3A_809 = tpu.concatenate %broadcast_in_dim3A_807, %broadcast_in_dim3A_808 in 2 : vector<2x8x1x16x128xf32>, vector<2x8x1x16x128xf32> -> vector<2x8x2x16x128xf32>
    %reshape3A_810 = vector.shape_cast %concatenate3A_809 : vector<2x8x2x16x128xf32> to vector<2x256x128xf32>
    %reshape3A_811 = vector.shape_cast %reshape3A_799 : vector<2x256x128xf32> to vector<2x8x2x16x128xf32>
    %slice3A_812 = vector.extract_strided_slice %reshape3A_811 {offsets = [0, 0, 0, 0, 0], sizes = [2, 8, 1, 16, 128], strides = [1, 1, 1, 1, 1]} : vector<2x8x2x16x128xf32> to vector<2x8x1x16x128xf32>
    %squeeze3A_813 = vector.shape_cast %slice3A_812 : vector<2x8x1x16x128xf32> to vector<2x8x16x128xf32>
    %slice3A_814 = vector.extract_strided_slice %reshape3A_811 {offsets = [0, 0, 1, 0, 0], sizes = [2, 8, 1, 16, 128], strides = [1, 1, 1, 1, 1]} : vector<2x8x2x16x128xf32> to vector<2x8x1x16x128xf32>
    %squeeze3A_815 = vector.shape_cast %slice3A_814 : vector<2x8x1x16x128xf32> to vector<2x8x16x128xf32>
    %min3A_816 = arith.minimumf %squeeze3A_813, %squeeze3A_815 : vector<2x8x16x128xf32>
    %max3A_817 = arith.maximumf %squeeze3A_813, %squeeze3A_815 : vector<2x8x16x128xf32>
    %broadcast_in_dim3A_818 = vector.shape_cast %min3A_816 : vector<2x8x16x128xf32> to vector<2x8x1x16x128xf32>
    %broadcast_in_dim3A_819 = vector.shape_cast %max3A_817 : vector<2x8x16x128xf32> to vector<2x8x1x16x128xf32>
    %concatenate3A_820 = tpu.concatenate %broadcast_in_dim3A_818, %broadcast_in_dim3A_819 in 2 : vector<2x8x1x16x128xf32>, vector<2x8x1x16x128xf32> -> vector<2x8x2x16x128xf32>
    %reshape3A_821 = vector.shape_cast %concatenate3A_820 : vector<2x8x2x16x128xf32> to vector<2x256x128xf32>
    %reshape3A_822 = vector.shape_cast %reshape3A_810 : vector<2x256x128xf32> to vector<2x16x2x8x128xf32>
    %slice3A_823 = vector.extract_strided_slice %reshape3A_822 {offsets = [0, 0, 0, 0, 0], sizes = [2, 16, 1, 8, 128], strides = [1, 1, 1, 1, 1]} : vector<2x16x2x8x128xf32> to vector<2x16x1x8x128xf32>
    %squeeze3A_824 = vector.shape_cast %slice3A_823 : vector<2x16x1x8x128xf32> to vector<2x16x8x128xf32>
    %slice3A_825 = vector.extract_strided_slice %reshape3A_822 {offsets = [0, 0, 1, 0, 0], sizes = [2, 16, 1, 8, 128], strides = [1, 1, 1, 1, 1]} : vector<2x16x2x8x128xf32> to vector<2x16x1x8x128xf32>
    %squeeze3A_826 = vector.shape_cast %slice3A_825 : vector<2x16x1x8x128xf32> to vector<2x16x8x128xf32>
    %min3A_827 = arith.minimumf %squeeze3A_824, %squeeze3A_826 : vector<2x16x8x128xf32>
    %max3A_828 = arith.maximumf %squeeze3A_824, %squeeze3A_826 : vector<2x16x8x128xf32>
    %broadcast_in_dim3A_829 = vector.shape_cast %min3A_827 : vector<2x16x8x128xf32> to vector<2x16x1x8x128xf32>
    %broadcast_in_dim3A_830 = vector.shape_cast %max3A_828 : vector<2x16x8x128xf32> to vector<2x16x1x8x128xf32>
    %concatenate3A_831 = tpu.concatenate %broadcast_in_dim3A_829, %broadcast_in_dim3A_830 in 2 : vector<2x16x1x8x128xf32>, vector<2x16x1x8x128xf32> -> vector<2x16x2x8x128xf32>
    %reshape3A_832 = vector.shape_cast %concatenate3A_831 : vector<2x16x2x8x128xf32> to vector<2x256x128xf32>
    %reshape3A_833 = vector.shape_cast %reshape3A_821 : vector<2x256x128xf32> to vector<2x16x2x8x128xf32>
    %slice3A_834 = vector.extract_strided_slice %reshape3A_833 {offsets = [0, 0, 0, 0, 0], sizes = [2, 16, 1, 8, 128], strides = [1, 1, 1, 1, 1]} : vector<2x16x2x8x128xf32> to vector<2x16x1x8x128xf32>
    %squeeze3A_835 = vector.shape_cast %slice3A_834 : vector<2x16x1x8x128xf32> to vector<2x16x8x128xf32>
    %slice3A_836 = vector.extract_strided_slice %reshape3A_833 {offsets = [0, 0, 1, 0, 0], sizes = [2, 16, 1, 8, 128], strides = [1, 1, 1, 1, 1]} : vector<2x16x2x8x128xf32> to vector<2x16x1x8x128xf32>
    %squeeze3A_837 = vector.shape_cast %slice3A_836 : vector<2x16x1x8x128xf32> to vector<2x16x8x128xf32>
    %min3A_838 = arith.minimumf %squeeze3A_835, %squeeze3A_837 : vector<2x16x8x128xf32>
    %max3A_839 = arith.maximumf %squeeze3A_835, %squeeze3A_837 : vector<2x16x8x128xf32>
    %broadcast_in_dim3A_840 = vector.shape_cast %min3A_838 : vector<2x16x8x128xf32> to vector<2x16x1x8x128xf32>
    %broadcast_in_dim3A_841 = vector.shape_cast %max3A_839 : vector<2x16x8x128xf32> to vector<2x16x1x8x128xf32>
    %concatenate3A_842 = tpu.concatenate %broadcast_in_dim3A_840, %broadcast_in_dim3A_841 in 2 : vector<2x16x1x8x128xf32>, vector<2x16x1x8x128xf32> -> vector<2x16x2x8x128xf32>
    %reshape3A_843 = vector.shape_cast %concatenate3A_842 : vector<2x16x2x8x128xf32> to vector<2x256x128xf32>
    %and3A_844 = arith.constant 128 : i32
    %and3A_845 = vector.broadcast %and3A_844 : i32 to vector<1x256x128xi32>
    %and3A_846 = arith.andi %or3A_10, %and3A_845 : vector<1x256x128xi32>
    %eq3A_847 = arith.constant 0 : i32
    %eq3A_848 = vector.broadcast %eq3A_847 : i32 to vector<1x256x128xi32>
    %eq3A_849 = arith.cmpi eq, %and3A_846, %eq3A_848 : vector<1x256x128xi32>
    %and3A_850 = arith.constant 256 : i32
    %and3A_851 = vector.broadcast %and3A_850 : i32 to vector<1x256x128xi32>
    %and3A_852 = arith.andi %or3A_10, %and3A_851 : vector<1x256x128xi32>
    %eq3A_853 = arith.constant 0 : i32
    %eq3A_854 = vector.broadcast %eq3A_853 : i32 to vector<1x256x128xi32>
    %eq3A_855 = arith.cmpi eq, %and3A_852, %eq3A_854 : vector<1x256x128xi32>
    %ne3A_856 = arith.xori %eq3A_849, %eq3A_855 : vector<1x256x128xi1>
    %neg3A_857 = arith.constant 0.000000e+00 : f32
    %neg3A_858 = vector.broadcast %neg3A_857 : f32 to vector<2x256x128xf32>
    %neg3A_859 = arith.subf %neg3A_858, %reshape3A_832 : vector<2x256x128xf32>
    %broadcast_in_dim3A_860 = vector.shape_cast %ne3A_856 : vector<1x256x128xi1> to vector<1x256x128xi1>
    %broadcast_in_dim3A_861 = vector.broadcast %broadcast_in_dim3A_860 : vector<1x256x128xi1> to vector<2x256x128xi1>
    %select_n3A_862 = arith.select %broadcast_in_dim3A_861, %neg3A_859, %reshape3A_832 : vector<2x256x128xi1>, vector<2x256x128xf32>
    %neg3A_863 = arith.constant 0.000000e+00 : f32
    %neg3A_864 = vector.broadcast %neg3A_863 : f32 to vector<2x256x128xf32>
    %neg3A_865 = arith.subf %neg3A_864, %reshape3A_843 : vector<2x256x128xf32>
    %broadcast_in_dim3A_866 = vector.shape_cast %ne3A_856 : vector<1x256x128xi1> to vector<1x256x128xi1>
    %broadcast_in_dim3A_867 = vector.broadcast %broadcast_in_dim3A_866 : vector<1x256x128xi1> to vector<2x256x128xi1>
    %select_n3A_868 = arith.select %broadcast_in_dim3A_867, %neg3A_865, %reshape3A_843 : vector<2x256x128xi1>, vector<2x256x128xf32>
    %roll3A_869 = arith.constant 252 : i32
    %roll3A_870 = tpu.dynamic_rotate %select_n3A_862 by %roll3A_869 dim 1 : vector<2x256x128xf32>, i32 -> vector<2x256x128xf32>
    %roll3A_871 = arith.constant 4 : i32
    %roll3A_872 = tpu.dynamic_rotate %select_n3A_862 by %roll3A_871 dim 1 : vector<2x256x128xf32>, i32 -> vector<2x256x128xf32>
    %min3A_873 = arith.minimumf %select_n3A_862, %roll3A_870 : vector<2x256x128xf32>
    %max3A_874 = arith.maximumf %select_n3A_862, %roll3A_872 : vector<2x256x128xf32>
    %broadcast_in_dim3A_875 = vector.shape_cast %eq3A_40 : vector<1x256x1xi1> to vector<1x256x1xi1>
    %broadcast_in_dim3A_876 = vector.broadcast %broadcast_in_dim3A_875 : vector<1x256x1xi1> to vector<2x256x128xi1>
    %select_n3A_877 = arith.select %broadcast_in_dim3A_876, %min3A_873, %max3A_874 : vector<2x256x128xi1>, vector<2x256x128xf32>
    %roll3A_878 = arith.constant 252 : i32
    %roll3A_879 = tpu.dynamic_rotate %select_n3A_868 by %roll3A_878 dim 1 : vector<2x256x128xf32>, i32 -> vector<2x256x128xf32>
    %roll3A_880 = arith.constant 4 : i32
    %roll3A_881 = tpu.dynamic_rotate %select_n3A_868 by %roll3A_880 dim 1 : vector<2x256x128xf32>, i32 -> vector<2x256x128xf32>
    %min3A_882 = arith.minimumf %select_n3A_868, %roll3A_879 : vector<2x256x128xf32>
    %max3A_883 = arith.maximumf %select_n3A_868, %roll3A_881 : vector<2x256x128xf32>
    %broadcast_in_dim3A_884 = vector.shape_cast %eq3A_40 : vector<1x256x1xi1> to vector<1x256x1xi1>
    %broadcast_in_dim3A_885 = vector.broadcast %broadcast_in_dim3A_884 : vector<1x256x1xi1> to vector<2x256x128xi1>
    %select_n3A_886 = arith.select %broadcast_in_dim3A_885, %min3A_882, %max3A_883 : vector<2x256x128xi1>, vector<2x256x128xf32>
    %roll3A_887 = arith.constant 254 : i32
    %roll3A_888 = tpu.dynamic_rotate %select_n3A_877 by %roll3A_887 dim 1 : vector<2x256x128xf32>, i32 -> vector<2x256x128xf32>
    %roll3A_889 = arith.constant 2 : i32
    %roll3A_890 = tpu.dynamic_rotate %select_n3A_877 by %roll3A_889 dim 1 : vector<2x256x128xf32>, i32 -> vector<2x256x128xf32>
    %min3A_891 = arith.minimumf %select_n3A_877, %roll3A_888 : vector<2x256x128xf32>
    %max3A_892 = arith.maximumf %select_n3A_877, %roll3A_890 : vector<2x256x128xf32>
    %broadcast_in_dim3A_893 = vector.shape_cast %eq3A_34 : vector<1x256x1xi1> to vector<1x256x1xi1>
    %broadcast_in_dim3A_894 = vector.broadcast %broadcast_in_dim3A_893 : vector<1x256x1xi1> to vector<2x256x128xi1>
    %select_n3A_895 = arith.select %broadcast_in_dim3A_894, %min3A_891, %max3A_892 : vector<2x256x128xi1>, vector<2x256x128xf32>
    %roll3A_896 = arith.constant 254 : i32
    %roll3A_897 = tpu.dynamic_rotate %select_n3A_886 by %roll3A_896 dim 1 : vector<2x256x128xf32>, i32 -> vector<2x256x128xf32>
    %roll3A_898 = arith.constant 2 : i32
    %roll3A_899 = tpu.dynamic_rotate %select_n3A_886 by %roll3A_898 dim 1 : vector<2x256x128xf32>, i32 -> vector<2x256x128xf32>
    %min3A_900 = arith.minimumf %select_n3A_886, %roll3A_897 : vector<2x256x128xf32>
    %max3A_901 = arith.maximumf %select_n3A_886, %roll3A_899 : vector<2x256x128xf32>
    %broadcast_in_dim3A_902 = vector.shape_cast %eq3A_34 : vector<1x256x1xi1> to vector<1x256x1xi1>
    %broadcast_in_dim3A_903 = vector.broadcast %broadcast_in_dim3A_902 : vector<1x256x1xi1> to vector<2x256x128xi1>
    %select_n3A_904 = arith.select %broadcast_in_dim3A_903, %min3A_900, %max3A_901 : vector<2x256x128xi1>, vector<2x256x128xf32>
    %roll3A_905 = arith.constant 255 : i32
    %roll3A_906 = tpu.dynamic_rotate %select_n3A_895 by %roll3A_905 dim 1 : vector<2x256x128xf32>, i32 -> vector<2x256x128xf32>
    %roll3A_907 = arith.constant 1 : i32
    %roll3A_908 = tpu.dynamic_rotate %select_n3A_895 by %roll3A_907 dim 1 : vector<2x256x128xf32>, i32 -> vector<2x256x128xf32>
    %min3A_909 = arith.minimumf %select_n3A_895, %roll3A_906 : vector<2x256x128xf32>
    %max3A_910 = arith.maximumf %select_n3A_895, %roll3A_908 : vector<2x256x128xf32>
    %broadcast_in_dim3A_911 = vector.shape_cast %eq3A_28 : vector<1x256x1xi1> to vector<1x256x1xi1>
    %broadcast_in_dim3A_912 = vector.broadcast %broadcast_in_dim3A_911 : vector<1x256x1xi1> to vector<2x256x128xi1>
    %select_n3A_913 = arith.select %broadcast_in_dim3A_912, %min3A_909, %max3A_910 : vector<2x256x128xi1>, vector<2x256x128xf32>
    %roll3A_914 = arith.constant 255 : i32
    %roll3A_915 = tpu.dynamic_rotate %select_n3A_904 by %roll3A_914 dim 1 : vector<2x256x128xf32>, i32 -> vector<2x256x128xf32>
    %roll3A_916 = arith.constant 1 : i32
    %roll3A_917 = tpu.dynamic_rotate %select_n3A_904 by %roll3A_916 dim 1 : vector<2x256x128xf32>, i32 -> vector<2x256x128xf32>
    %min3A_918 = arith.minimumf %select_n3A_904, %roll3A_915 : vector<2x256x128xf32>
    %max3A_919 = arith.maximumf %select_n3A_904, %roll3A_917 : vector<2x256x128xf32>
    %broadcast_in_dim3A_920 = vector.shape_cast %eq3A_28 : vector<1x256x1xi1> to vector<1x256x1xi1>
    %broadcast_in_dim3A_921 = vector.broadcast %broadcast_in_dim3A_920 : vector<1x256x1xi1> to vector<2x256x128xi1>
    %select_n3A_922 = arith.select %broadcast_in_dim3A_921, %min3A_918, %max3A_919 : vector<2x256x128xi1>, vector<2x256x128xf32>
    %reshape3A_923 = vector.shape_cast %select_n3A_913 : vector<2x256x128xf32> to vector<2x1x2x128x128xf32>
    %slice3A_924 = vector.extract_strided_slice %reshape3A_923 {offsets = [0, 0, 0, 0, 0], sizes = [2, 1, 1, 128, 128], strides = [1, 1, 1, 1, 1]} : vector<2x1x2x128x128xf32> to vector<2x1x1x128x128xf32>
    %squeeze3A_925 = vector.shape_cast %slice3A_924 : vector<2x1x1x128x128xf32> to vector<2x1x128x128xf32>
    %slice3A_926 = vector.extract_strided_slice %reshape3A_923 {offsets = [0, 0, 1, 0, 0], sizes = [2, 1, 1, 128, 128], strides = [1, 1, 1, 1, 1]} : vector<2x1x2x128x128xf32> to vector<2x1x1x128x128xf32>
    %squeeze3A_927 = vector.shape_cast %slice3A_926 : vector<2x1x1x128x128xf32> to vector<2x1x128x128xf32>
    %min3A_928 = arith.minimumf %squeeze3A_925, %squeeze3A_927 : vector<2x1x128x128xf32>
    %max3A_929 = arith.maximumf %squeeze3A_925, %squeeze3A_927 : vector<2x1x128x128xf32>
    %broadcast_in_dim3A_930 = vector.shape_cast %min3A_928 : vector<2x1x128x128xf32> to vector<2x1x1x128x128xf32>
    %broadcast_in_dim3A_931 = vector.shape_cast %max3A_929 : vector<2x1x128x128xf32> to vector<2x1x1x128x128xf32>
    %concatenate3A_932 = tpu.concatenate %broadcast_in_dim3A_930, %broadcast_in_dim3A_931 in 2 : vector<2x1x1x128x128xf32>, vector<2x1x1x128x128xf32> -> vector<2x1x2x128x128xf32>
    %reshape3A_933 = vector.shape_cast %concatenate3A_932 : vector<2x1x2x128x128xf32> to vector<2x256x128xf32>
    %reshape3A_934 = vector.shape_cast %select_n3A_922 : vector<2x256x128xf32> to vector<2x1x2x128x128xf32>
    %slice3A_935 = vector.extract_strided_slice %reshape3A_934 {offsets = [0, 0, 0, 0, 0], sizes = [2, 1, 1, 128, 128], strides = [1, 1, 1, 1, 1]} : vector<2x1x2x128x128xf32> to vector<2x1x1x128x128xf32>
    %squeeze3A_936 = vector.shape_cast %slice3A_935 : vector<2x1x1x128x128xf32> to vector<2x1x128x128xf32>
    %slice3A_937 = vector.extract_strided_slice %reshape3A_934 {offsets = [0, 0, 1, 0, 0], sizes = [2, 1, 1, 128, 128], strides = [1, 1, 1, 1, 1]} : vector<2x1x2x128x128xf32> to vector<2x1x1x128x128xf32>
    %squeeze3A_938 = vector.shape_cast %slice3A_937 : vector<2x1x1x128x128xf32> to vector<2x1x128x128xf32>
    %min3A_939 = arith.minimumf %squeeze3A_936, %squeeze3A_938 : vector<2x1x128x128xf32>
    %max3A_940 = arith.maximumf %squeeze3A_936, %squeeze3A_938 : vector<2x1x128x128xf32>
    %broadcast_in_dim3A_941 = vector.shape_cast %min3A_939 : vector<2x1x128x128xf32> to vector<2x1x1x128x128xf32>
    %broadcast_in_dim3A_942 = vector.shape_cast %max3A_940 : vector<2x1x128x128xf32> to vector<2x1x1x128x128xf32>
    %concatenate3A_943 = tpu.concatenate %broadcast_in_dim3A_941, %broadcast_in_dim3A_942 in 2 : vector<2x1x1x128x128xf32>, vector<2x1x1x128x128xf32> -> vector<2x1x2x128x128xf32>
    %reshape3A_944 = vector.shape_cast %concatenate3A_943 : vector<2x1x2x128x128xf32> to vector<2x256x128xf32>
    %reshape3A_945 = vector.shape_cast %reshape3A_933 : vector<2x256x128xf32> to vector<2x2x2x64x128xf32>
    %slice3A_946 = vector.extract_strided_slice %reshape3A_945 {offsets = [0, 0, 0, 0, 0], sizes = [2, 2, 1, 64, 128], strides = [1, 1, 1, 1, 1]} : vector<2x2x2x64x128xf32> to vector<2x2x1x64x128xf32>
    %squeeze3A_947 = vector.shape_cast %slice3A_946 : vector<2x2x1x64x128xf32> to vector<2x2x64x128xf32>
    %slice3A_948 = vector.extract_strided_slice %reshape3A_945 {offsets = [0, 0, 1, 0, 0], sizes = [2, 2, 1, 64, 128], strides = [1, 1, 1, 1, 1]} : vector<2x2x2x64x128xf32> to vector<2x2x1x64x128xf32>
    %squeeze3A_949 = vector.shape_cast %slice3A_948 : vector<2x2x1x64x128xf32> to vector<2x2x64x128xf32>
    %min3A_950 = arith.minimumf %squeeze3A_947, %squeeze3A_949 : vector<2x2x64x128xf32>
    %max3A_951 = arith.maximumf %squeeze3A_947, %squeeze3A_949 : vector<2x2x64x128xf32>
    %broadcast_in_dim3A_952 = vector.shape_cast %min3A_950 : vector<2x2x64x128xf32> to vector<2x2x1x64x128xf32>
    %broadcast_in_dim3A_953 = vector.shape_cast %max3A_951 : vector<2x2x64x128xf32> to vector<2x2x1x64x128xf32>
    %concatenate3A_954 = tpu.concatenate %broadcast_in_dim3A_952, %broadcast_in_dim3A_953 in 2 : vector<2x2x1x64x128xf32>, vector<2x2x1x64x128xf32> -> vector<2x2x2x64x128xf32>
    %reshape3A_955 = vector.shape_cast %concatenate3A_954 : vector<2x2x2x64x128xf32> to vector<2x256x128xf32>
    %reshape3A_956 = vector.shape_cast %reshape3A_944 : vector<2x256x128xf32> to vector<2x2x2x64x128xf32>
    %slice3A_957 = vector.extract_strided_slice %reshape3A_956 {offsets = [0, 0, 0, 0, 0], sizes = [2, 2, 1, 64, 128], strides = [1, 1, 1, 1, 1]} : vector<2x2x2x64x128xf32> to vector<2x2x1x64x128xf32>
    %squeeze3A_958 = vector.shape_cast %slice3A_957 : vector<2x2x1x64x128xf32> to vector<2x2x64x128xf32>
    %slice3A_959 = vector.extract_strided_slice %reshape3A_956 {offsets = [0, 0, 1, 0, 0], sizes = [2, 2, 1, 64, 128], strides = [1, 1, 1, 1, 1]} : vector<2x2x2x64x128xf32> to vector<2x2x1x64x128xf32>
    %squeeze3A_960 = vector.shape_cast %slice3A_959 : vector<2x2x1x64x128xf32> to vector<2x2x64x128xf32>
    %min3A_961 = arith.minimumf %squeeze3A_958, %squeeze3A_960 : vector<2x2x64x128xf32>
    %max3A_962 = arith.maximumf %squeeze3A_958, %squeeze3A_960 : vector<2x2x64x128xf32>
    %broadcast_in_dim3A_963 = vector.shape_cast %min3A_961 : vector<2x2x64x128xf32> to vector<2x2x1x64x128xf32>
    %broadcast_in_dim3A_964 = vector.shape_cast %max3A_962 : vector<2x2x64x128xf32> to vector<2x2x1x64x128xf32>
    %concatenate3A_965 = tpu.concatenate %broadcast_in_dim3A_963, %broadcast_in_dim3A_964 in 2 : vector<2x2x1x64x128xf32>, vector<2x2x1x64x128xf32> -> vector<2x2x2x64x128xf32>
    %reshape3A_966 = vector.shape_cast %concatenate3A_965 : vector<2x2x2x64x128xf32> to vector<2x256x128xf32>
    %reshape3A_967 = vector.shape_cast %reshape3A_955 : vector<2x256x128xf32> to vector<2x4x2x32x128xf32>
    %slice3A_968 = vector.extract_strided_slice %reshape3A_967 {offsets = [0, 0, 0, 0, 0], sizes = [2, 4, 1, 32, 128], strides = [1, 1, 1, 1, 1]} : vector<2x4x2x32x128xf32> to vector<2x4x1x32x128xf32>
    %squeeze3A_969 = vector.shape_cast %slice3A_968 : vector<2x4x1x32x128xf32> to vector<2x4x32x128xf32>
    %slice3A_970 = vector.extract_strided_slice %reshape3A_967 {offsets = [0, 0, 1, 0, 0], sizes = [2, 4, 1, 32, 128], strides = [1, 1, 1, 1, 1]} : vector<2x4x2x32x128xf32> to vector<2x4x1x32x128xf32>
    %squeeze3A_971 = vector.shape_cast %slice3A_970 : vector<2x4x1x32x128xf32> to vector<2x4x32x128xf32>
    %min3A_972 = arith.minimumf %squeeze3A_969, %squeeze3A_971 : vector<2x4x32x128xf32>
    %max3A_973 = arith.maximumf %squeeze3A_969, %squeeze3A_971 : vector<2x4x32x128xf32>
    %broadcast_in_dim3A_974 = vector.shape_cast %min3A_972 : vector<2x4x32x128xf32> to vector<2x4x1x32x128xf32>
    %broadcast_in_dim3A_975 = vector.shape_cast %max3A_973 : vector<2x4x32x128xf32> to vector<2x4x1x32x128xf32>
    %concatenate3A_976 = tpu.concatenate %broadcast_in_dim3A_974, %broadcast_in_dim3A_975 in 2 : vector<2x4x1x32x128xf32>, vector<2x4x1x32x128xf32> -> vector<2x4x2x32x128xf32>
    %reshape3A_977 = vector.shape_cast %concatenate3A_976 : vector<2x4x2x32x128xf32> to vector<2x256x128xf32>
    %reshape3A_978 = vector.shape_cast %reshape3A_966 : vector<2x256x128xf32> to vector<2x4x2x32x128xf32>
    %slice3A_979 = vector.extract_strided_slice %reshape3A_978 {offsets = [0, 0, 0, 0, 0], sizes = [2, 4, 1, 32, 128], strides = [1, 1, 1, 1, 1]} : vector<2x4x2x32x128xf32> to vector<2x4x1x32x128xf32>
    %squeeze3A_980 = vector.shape_cast %slice3A_979 : vector<2x4x1x32x128xf32> to vector<2x4x32x128xf32>
    %slice3A_981 = vector.extract_strided_slice %reshape3A_978 {offsets = [0, 0, 1, 0, 0], sizes = [2, 4, 1, 32, 128], strides = [1, 1, 1, 1, 1]} : vector<2x4x2x32x128xf32> to vector<2x4x1x32x128xf32>
    %squeeze3A_982 = vector.shape_cast %slice3A_981 : vector<2x4x1x32x128xf32> to vector<2x4x32x128xf32>
    %min3A_983 = arith.minimumf %squeeze3A_980, %squeeze3A_982 : vector<2x4x32x128xf32>
    %max3A_984 = arith.maximumf %squeeze3A_980, %squeeze3A_982 : vector<2x4x32x128xf32>
    %broadcast_in_dim3A_985 = vector.shape_cast %min3A_983 : vector<2x4x32x128xf32> to vector<2x4x1x32x128xf32>
    %broadcast_in_dim3A_986 = vector.shape_cast %max3A_984 : vector<2x4x32x128xf32> to vector<2x4x1x32x128xf32>
    %concatenate3A_987 = tpu.concatenate %broadcast_in_dim3A_985, %broadcast_in_dim3A_986 in 2 : vector<2x4x1x32x128xf32>, vector<2x4x1x32x128xf32> -> vector<2x4x2x32x128xf32>
    %reshape3A_988 = vector.shape_cast %concatenate3A_987 : vector<2x4x2x32x128xf32> to vector<2x256x128xf32>
    %reshape3A_989 = vector.shape_cast %reshape3A_977 : vector<2x256x128xf32> to vector<2x8x2x16x128xf32>
    %slice3A_990 = vector.extract_strided_slice %reshape3A_989 {offsets = [0, 0, 0, 0, 0], sizes = [2, 8, 1, 16, 128], strides = [1, 1, 1, 1, 1]} : vector<2x8x2x16x128xf32> to vector<2x8x1x16x128xf32>
    %squeeze3A_991 = vector.shape_cast %slice3A_990 : vector<2x8x1x16x128xf32> to vector<2x8x16x128xf32>
    %slice3A_992 = vector.extract_strided_slice %reshape3A_989 {offsets = [0, 0, 1, 0, 0], sizes = [2, 8, 1, 16, 128], strides = [1, 1, 1, 1, 1]} : vector<2x8x2x16x128xf32> to vector<2x8x1x16x128xf32>
    %squeeze3A_993 = vector.shape_cast %slice3A_992 : vector<2x8x1x16x128xf32> to vector<2x8x16x128xf32>
    %min3A_994 = arith.minimumf %squeeze3A_991, %squeeze3A_993 : vector<2x8x16x128xf32>
    %max3A_995 = arith.maximumf %squeeze3A_991, %squeeze3A_993 : vector<2x8x16x128xf32>
    %broadcast_in_dim3A_996 = vector.shape_cast %min3A_994 : vector<2x8x16x128xf32> to vector<2x8x1x16x128xf32>
    %broadcast_in_dim3A_997 = vector.shape_cast %max3A_995 : vector<2x8x16x128xf32> to vector<2x8x1x16x128xf32>
    %concatenate3A_998 = tpu.concatenate %broadcast_in_dim3A_996, %broadcast_in_dim3A_997 in 2 : vector<2x8x1x16x128xf32>, vector<2x8x1x16x128xf32> -> vector<2x8x2x16x128xf32>
    %reshape3A_999 = vector.shape_cast %concatenate3A_998 : vector<2x8x2x16x128xf32> to vector<2x256x128xf32>
    %reshape3A_1000 = vector.shape_cast %reshape3A_988 : vector<2x256x128xf32> to vector<2x8x2x16x128xf32>
    %slice3A_1001 = vector.extract_strided_slice %reshape3A_1000 {offsets = [0, 0, 0, 0, 0], sizes = [2, 8, 1, 16, 128], strides = [1, 1, 1, 1, 1]} : vector<2x8x2x16x128xf32> to vector<2x8x1x16x128xf32>
    %squeeze3A_1002 = vector.shape_cast %slice3A_1001 : vector<2x8x1x16x128xf32> to vector<2x8x16x128xf32>
    %slice3A_1003 = vector.extract_strided_slice %reshape3A_1000 {offsets = [0, 0, 1, 0, 0], sizes = [2, 8, 1, 16, 128], strides = [1, 1, 1, 1, 1]} : vector<2x8x2x16x128xf32> to vector<2x8x1x16x128xf32>
    %squeeze3A_1004 = vector.shape_cast %slice3A_1003 : vector<2x8x1x16x128xf32> to vector<2x8x16x128xf32>
    %min3A_1005 = arith.minimumf %squeeze3A_1002, %squeeze3A_1004 : vector<2x8x16x128xf32>
    %max3A_1006 = arith.maximumf %squeeze3A_1002, %squeeze3A_1004 : vector<2x8x16x128xf32>
    %broadcast_in_dim3A_1007 = vector.shape_cast %min3A_1005 : vector<2x8x16x128xf32> to vector<2x8x1x16x128xf32>
    %broadcast_in_dim3A_1008 = vector.shape_cast %max3A_1006 : vector<2x8x16x128xf32> to vector<2x8x1x16x128xf32>
    %concatenate3A_1009 = tpu.concatenate %broadcast_in_dim3A_1007, %broadcast_in_dim3A_1008 in 2 : vector<2x8x1x16x128xf32>, vector<2x8x1x16x128xf32> -> vector<2x8x2x16x128xf32>
    %reshape3A_1010 = vector.shape_cast %concatenate3A_1009 : vector<2x8x2x16x128xf32> to vector<2x256x128xf32>
    %reshape3A_1011 = vector.shape_cast %reshape3A_999 : vector<2x256x128xf32> to vector<2x16x2x8x128xf32>
    %slice3A_1012 = vector.extract_strided_slice %reshape3A_1011 {offsets = [0, 0, 0, 0, 0], sizes = [2, 16, 1, 8, 128], strides = [1, 1, 1, 1, 1]} : vector<2x16x2x8x128xf32> to vector<2x16x1x8x128xf32>
    %squeeze3A_1013 = vector.shape_cast %slice3A_1012 : vector<2x16x1x8x128xf32> to vector<2x16x8x128xf32>
    %slice3A_1014 = vector.extract_strided_slice %reshape3A_1011 {offsets = [0, 0, 1, 0, 0], sizes = [2, 16, 1, 8, 128], strides = [1, 1, 1, 1, 1]} : vector<2x16x2x8x128xf32> to vector<2x16x1x8x128xf32>
    %squeeze3A_1015 = vector.shape_cast %slice3A_1014 : vector<2x16x1x8x128xf32> to vector<2x16x8x128xf32>
    %min3A_1016 = arith.minimumf %squeeze3A_1013, %squeeze3A_1015 : vector<2x16x8x128xf32>
    %max3A_1017 = arith.maximumf %squeeze3A_1013, %squeeze3A_1015 : vector<2x16x8x128xf32>
    %broadcast_in_dim3A_1018 = vector.shape_cast %min3A_1016 : vector<2x16x8x128xf32> to vector<2x16x1x8x128xf32>
    %broadcast_in_dim3A_1019 = vector.shape_cast %max3A_1017 : vector<2x16x8x128xf32> to vector<2x16x1x8x128xf32>
    %concatenate3A_1020 = tpu.concatenate %broadcast_in_dim3A_1018, %broadcast_in_dim3A_1019 in 2 : vector<2x16x1x8x128xf32>, vector<2x16x1x8x128xf32> -> vector<2x16x2x8x128xf32>
    %reshape3A_1021 = vector.shape_cast %concatenate3A_1020 : vector<2x16x2x8x128xf32> to vector<2x256x128xf32>
    %reshape3A_1022 = vector.shape_cast %reshape3A_1010 : vector<2x256x128xf32> to vector<2x16x2x8x128xf32>
    %slice3A_1023 = vector.extract_strided_slice %reshape3A_1022 {offsets = [0, 0, 0, 0, 0], sizes = [2, 16, 1, 8, 128], strides = [1, 1, 1, 1, 1]} : vector<2x16x2x8x128xf32> to vector<2x16x1x8x128xf32>
    %squeeze3A_1024 = vector.shape_cast %slice3A_1023 : vector<2x16x1x8x128xf32> to vector<2x16x8x128xf32>
    %slice3A_1025 = vector.extract_strided_slice %reshape3A_1022 {offsets = [0, 0, 1, 0, 0], sizes = [2, 16, 1, 8, 128], strides = [1, 1, 1, 1, 1]} : vector<2x16x2x8x128xf32> to vector<2x16x1x8x128xf32>
    %squeeze3A_1026 = vector.shape_cast %slice3A_1025 : vector<2x16x1x8x128xf32> to vector<2x16x8x128xf32>
    %min3A_1027 = arith.minimumf %squeeze3A_1024, %squeeze3A_1026 : vector<2x16x8x128xf32>
    %max3A_1028 = arith.maximumf %squeeze3A_1024, %squeeze3A_1026 : vector<2x16x8x128xf32>
    %broadcast_in_dim3A_1029 = vector.shape_cast %min3A_1027 : vector<2x16x8x128xf32> to vector<2x16x1x8x128xf32>
    %broadcast_in_dim3A_1030 = vector.shape_cast %max3A_1028 : vector<2x16x8x128xf32> to vector<2x16x1x8x128xf32>
    %concatenate3A_1031 = tpu.concatenate %broadcast_in_dim3A_1029, %broadcast_in_dim3A_1030 in 2 : vector<2x16x1x8x128xf32>, vector<2x16x1x8x128xf32> -> vector<2x16x2x8x128xf32>
    %reshape3A_1032 = vector.shape_cast %concatenate3A_1031 : vector<2x16x2x8x128xf32> to vector<2x256x128xf32>
    %and3A_1033 = arith.constant 256 : i32
    %and3A_1034 = vector.broadcast %and3A_1033 : i32 to vector<1x256x128xi32>
    %and3A_1035 = arith.andi %or3A_10, %and3A_1034 : vector<1x256x128xi32>
    %eq3A_1036 = arith.constant 0 : i32
    %eq3A_1037 = vector.broadcast %eq3A_1036 : i32 to vector<1x256x128xi32>
    %eq3A_1038 = arith.cmpi eq, %and3A_1035, %eq3A_1037 : vector<1x256x128xi32>
    %and3A_1039 = arith.constant 512 : i32
    %and3A_1040 = vector.broadcast %and3A_1039 : i32 to vector<1x256x128xi32>
    %and3A_1041 = arith.andi %or3A_10, %and3A_1040 : vector<1x256x128xi32>
    %eq3A_1042 = arith.constant 0 : i32
    %eq3A_1043 = vector.broadcast %eq3A_1042 : i32 to vector<1x256x128xi32>
    %eq3A_1044 = arith.cmpi eq, %and3A_1041, %eq3A_1043 : vector<1x256x128xi32>
    %ne3A_1045 = arith.xori %eq3A_1038, %eq3A_1044 : vector<1x256x128xi1>
    %neg3A_1046 = arith.constant 0.000000e+00 : f32
    %neg3A_1047 = vector.broadcast %neg3A_1046 : f32 to vector<2x256x128xf32>
    %neg3A_1048 = arith.subf %neg3A_1047, %reshape3A_1021 : vector<2x256x128xf32>
    %broadcast_in_dim3A_1049 = vector.shape_cast %ne3A_1045 : vector<1x256x128xi1> to vector<1x256x128xi1>
    %broadcast_in_dim3A_1050 = vector.broadcast %broadcast_in_dim3A_1049 : vector<1x256x128xi1> to vector<2x256x128xi1>
    %select_n3A_1051 = arith.select %broadcast_in_dim3A_1050, %neg3A_1048, %reshape3A_1021 : vector<2x256x128xi1>, vector<2x256x128xf32>
    %neg3A_1052 = arith.constant 0.000000e+00 : f32
    %neg3A_1053 = vector.broadcast %neg3A_1052 : f32 to vector<2x256x128xf32>
    %neg3A_1054 = arith.subf %neg3A_1053, %reshape3A_1032 : vector<2x256x128xf32>
    %broadcast_in_dim3A_1055 = vector.shape_cast %ne3A_1045 : vector<1x256x128xi1> to vector<1x256x128xi1>
    %broadcast_in_dim3A_1056 = vector.broadcast %broadcast_in_dim3A_1055 : vector<1x256x128xi1> to vector<2x256x128xi1>
    %select_n3A_1057 = arith.select %broadcast_in_dim3A_1056, %neg3A_1054, %reshape3A_1032 : vector<2x256x128xi1>, vector<2x256x128xf32>
    %roll3A_1058 = arith.constant 127 : i32
    %roll3A_1059 = tpu.dynamic_rotate %select_n3A_1051 by %roll3A_1058 dim 2 : vector<2x256x128xf32>, i32 -> vector<2x256x128xf32>
    %roll3A_1060 = arith.constant 1 : i32
    %roll3A_1061 = tpu.dynamic_rotate %select_n3A_1051 by %roll3A_1060 dim 2 : vector<2x256x128xf32>, i32 -> vector<2x256x128xf32>
    %min3A_1062 = arith.minimumf %select_n3A_1051, %roll3A_1059 : vector<2x256x128xf32>
    %max3A_1063 = arith.maximumf %select_n3A_1051, %roll3A_1061 : vector<2x256x128xf32>
    %broadcast_in_dim3A_1064 = vector.shape_cast %eq3A_46 : vector<1x1x128xi1> to vector<1x1x128xi1>
    %broadcast_in_dim3A_1065 = vector.broadcast %broadcast_in_dim3A_1064 : vector<1x1x128xi1> to vector<2x256x128xi1>
    %select_n3A_1066 = arith.select %broadcast_in_dim3A_1065, %min3A_1062, %max3A_1063 : vector<2x256x128xi1>, vector<2x256x128xf32>
    %roll3A_1067 = arith.constant 127 : i32
    %roll3A_1068 = tpu.dynamic_rotate %select_n3A_1057 by %roll3A_1067 dim 2 : vector<2x256x128xf32>, i32 -> vector<2x256x128xf32>
    %roll3A_1069 = arith.constant 1 : i32
    %roll3A_1070 = tpu.dynamic_rotate %select_n3A_1057 by %roll3A_1069 dim 2 : vector<2x256x128xf32>, i32 -> vector<2x256x128xf32>
    %min3A_1071 = arith.minimumf %select_n3A_1057, %roll3A_1068 : vector<2x256x128xf32>
    %max3A_1072 = arith.maximumf %select_n3A_1057, %roll3A_1070 : vector<2x256x128xf32>
    %broadcast_in_dim3A_1073 = vector.shape_cast %eq3A_46 : vector<1x1x128xi1> to vector<1x1x128xi1>
    %broadcast_in_dim3A_1074 = vector.broadcast %broadcast_in_dim3A_1073 : vector<1x1x128xi1> to vector<2x256x128xi1>
    %select_n3A_1075 = arith.select %broadcast_in_dim3A_1074, %min3A_1071, %max3A_1072 : vector<2x256x128xi1>, vector<2x256x128xf32>
    %roll3A_1076 = arith.constant 252 : i32
    %roll3A_1077 = tpu.dynamic_rotate %select_n3A_1066 by %roll3A_1076 dim 1 : vector<2x256x128xf32>, i32 -> vector<2x256x128xf32>
    %roll3A_1078 = arith.constant 4 : i32
    %roll3A_1079 = tpu.dynamic_rotate %select_n3A_1066 by %roll3A_1078 dim 1 : vector<2x256x128xf32>, i32 -> vector<2x256x128xf32>
    %min3A_1080 = arith.minimumf %select_n3A_1066, %roll3A_1077 : vector<2x256x128xf32>
    %max3A_1081 = arith.maximumf %select_n3A_1066, %roll3A_1079 : vector<2x256x128xf32>
    %broadcast_in_dim3A_1082 = vector.shape_cast %eq3A_40 : vector<1x256x1xi1> to vector<1x256x1xi1>
    %broadcast_in_dim3A_1083 = vector.broadcast %broadcast_in_dim3A_1082 : vector<1x256x1xi1> to vector<2x256x128xi1>
    %select_n3A_1084 = arith.select %broadcast_in_dim3A_1083, %min3A_1080, %max3A_1081 : vector<2x256x128xi1>, vector<2x256x128xf32>
    %roll3A_1085 = arith.constant 252 : i32
    %roll3A_1086 = tpu.dynamic_rotate %select_n3A_1075 by %roll3A_1085 dim 1 : vector<2x256x128xf32>, i32 -> vector<2x256x128xf32>
    %roll3A_1087 = arith.constant 4 : i32
    %roll3A_1088 = tpu.dynamic_rotate %select_n3A_1075 by %roll3A_1087 dim 1 : vector<2x256x128xf32>, i32 -> vector<2x256x128xf32>
    %min3A_1089 = arith.minimumf %select_n3A_1075, %roll3A_1086 : vector<2x256x128xf32>
    %max3A_1090 = arith.maximumf %select_n3A_1075, %roll3A_1088 : vector<2x256x128xf32>
    %broadcast_in_dim3A_1091 = vector.shape_cast %eq3A_40 : vector<1x256x1xi1> to vector<1x256x1xi1>
    %broadcast_in_dim3A_1092 = vector.broadcast %broadcast_in_dim3A_1091 : vector<1x256x1xi1> to vector<2x256x128xi1>
    %select_n3A_1093 = arith.select %broadcast_in_dim3A_1092, %min3A_1089, %max3A_1090 : vector<2x256x128xi1>, vector<2x256x128xf32>
    %roll3A_1094 = arith.constant 254 : i32
    %roll3A_1095 = tpu.dynamic_rotate %select_n3A_1084 by %roll3A_1094 dim 1 : vector<2x256x128xf32>, i32 -> vector<2x256x128xf32>
    %roll3A_1096 = arith.constant 2 : i32
    %roll3A_1097 = tpu.dynamic_rotate %select_n3A_1084 by %roll3A_1096 dim 1 : vector<2x256x128xf32>, i32 -> vector<2x256x128xf32>
    %min3A_1098 = arith.minimumf %select_n3A_1084, %roll3A_1095 : vector<2x256x128xf32>
    %max3A_1099 = arith.maximumf %select_n3A_1084, %roll3A_1097 : vector<2x256x128xf32>
    %broadcast_in_dim3A_1100 = vector.shape_cast %eq3A_34 : vector<1x256x1xi1> to vector<1x256x1xi1>
    %broadcast_in_dim3A_1101 = vector.broadcast %broadcast_in_dim3A_1100 : vector<1x256x1xi1> to vector<2x256x128xi1>
    %select_n3A_1102 = arith.select %broadcast_in_dim3A_1101, %min3A_1098, %max3A_1099 : vector<2x256x128xi1>, vector<2x256x128xf32>
    %roll3A_1103 = arith.constant 254 : i32
    %roll3A_1104 = tpu.dynamic_rotate %select_n3A_1093 by %roll3A_1103 dim 1 : vector<2x256x128xf32>, i32 -> vector<2x256x128xf32>
    %roll3A_1105 = arith.constant 2 : i32
    %roll3A_1106 = tpu.dynamic_rotate %select_n3A_1093 by %roll3A_1105 dim 1 : vector<2x256x128xf32>, i32 -> vector<2x256x128xf32>
    %min3A_1107 = arith.minimumf %select_n3A_1093, %roll3A_1104 : vector<2x256x128xf32>
    %max3A_1108 = arith.maximumf %select_n3A_1093, %roll3A_1106 : vector<2x256x128xf32>
    %broadcast_in_dim3A_1109 = vector.shape_cast %eq3A_34 : vector<1x256x1xi1> to vector<1x256x1xi1>
    %broadcast_in_dim3A_1110 = vector.broadcast %broadcast_in_dim3A_1109 : vector<1x256x1xi1> to vector<2x256x128xi1>
    %select_n3A_1111 = arith.select %broadcast_in_dim3A_1110, %min3A_1107, %max3A_1108 : vector<2x256x128xi1>, vector<2x256x128xf32>
    %roll3A_1112 = arith.constant 255 : i32
    %roll3A_1113 = tpu.dynamic_rotate %select_n3A_1102 by %roll3A_1112 dim 1 : vector<2x256x128xf32>, i32 -> vector<2x256x128xf32>
    %roll3A_1114 = arith.constant 1 : i32
    %roll3A_1115 = tpu.dynamic_rotate %select_n3A_1102 by %roll3A_1114 dim 1 : vector<2x256x128xf32>, i32 -> vector<2x256x128xf32>
    %min3A_1116 = arith.minimumf %select_n3A_1102, %roll3A_1113 : vector<2x256x128xf32>
    %max3A_1117 = arith.maximumf %select_n3A_1102, %roll3A_1115 : vector<2x256x128xf32>
    %broadcast_in_dim3A_1118 = vector.shape_cast %eq3A_28 : vector<1x256x1xi1> to vector<1x256x1xi1>
    %broadcast_in_dim3A_1119 = vector.broadcast %broadcast_in_dim3A_1118 : vector<1x256x1xi1> to vector<2x256x128xi1>
    %select_n3A_1120 = arith.select %broadcast_in_dim3A_1119, %min3A_1116, %max3A_1117 : vector<2x256x128xi1>, vector<2x256x128xf32>
    %roll3A_1121 = arith.constant 255 : i32
    %roll3A_1122 = tpu.dynamic_rotate %select_n3A_1111 by %roll3A_1121 dim 1 : vector<2x256x128xf32>, i32 -> vector<2x256x128xf32>
    %roll3A_1123 = arith.constant 1 : i32
    %roll3A_1124 = tpu.dynamic_rotate %select_n3A_1111 by %roll3A_1123 dim 1 : vector<2x256x128xf32>, i32 -> vector<2x256x128xf32>
    %min3A_1125 = arith.minimumf %select_n3A_1111, %roll3A_1122 : vector<2x256x128xf32>
    %max3A_1126 = arith.maximumf %select_n3A_1111, %roll3A_1124 : vector<2x256x128xf32>
    %broadcast_in_dim3A_1127 = vector.shape_cast %eq3A_28 : vector<1x256x1xi1> to vector<1x256x1xi1>
    %broadcast_in_dim3A_1128 = vector.broadcast %broadcast_in_dim3A_1127 : vector<1x256x1xi1> to vector<2x256x128xi1>
    %select_n3A_1129 = arith.select %broadcast_in_dim3A_1128, %min3A_1125, %max3A_1126 : vector<2x256x128xi1>, vector<2x256x128xf32>
    %reshape3A_1130 = vector.shape_cast %select_n3A_1120 : vector<2x256x128xf32> to vector<2x1x2x128x128xf32>
    %slice3A_1131 = vector.extract_strided_slice %reshape3A_1130 {offsets = [0, 0, 0, 0, 0], sizes = [2, 1, 1, 128, 128], strides = [1, 1, 1, 1, 1]} : vector<2x1x2x128x128xf32> to vector<2x1x1x128x128xf32>
    %squeeze3A_1132 = vector.shape_cast %slice3A_1131 : vector<2x1x1x128x128xf32> to vector<2x1x128x128xf32>
    %slice3A_1133 = vector.extract_strided_slice %reshape3A_1130 {offsets = [0, 0, 1, 0, 0], sizes = [2, 1, 1, 128, 128], strides = [1, 1, 1, 1, 1]} : vector<2x1x2x128x128xf32> to vector<2x1x1x128x128xf32>
    %squeeze3A_1134 = vector.shape_cast %slice3A_1133 : vector<2x1x1x128x128xf32> to vector<2x1x128x128xf32>
    %min3A_1135 = arith.minimumf %squeeze3A_1132, %squeeze3A_1134 : vector<2x1x128x128xf32>
    %max3A_1136 = arith.maximumf %squeeze3A_1132, %squeeze3A_1134 : vector<2x1x128x128xf32>
    %broadcast_in_dim3A_1137 = vector.shape_cast %min3A_1135 : vector<2x1x128x128xf32> to vector<2x1x1x128x128xf32>
    %broadcast_in_dim3A_1138 = vector.shape_cast %max3A_1136 : vector<2x1x128x128xf32> to vector<2x1x1x128x128xf32>
    %concatenate3A_1139 = tpu.concatenate %broadcast_in_dim3A_1137, %broadcast_in_dim3A_1138 in 2 : vector<2x1x1x128x128xf32>, vector<2x1x1x128x128xf32> -> vector<2x1x2x128x128xf32>
    %reshape3A_1140 = vector.shape_cast %concatenate3A_1139 : vector<2x1x2x128x128xf32> to vector<2x256x128xf32>
    %reshape3A_1141 = vector.shape_cast %select_n3A_1129 : vector<2x256x128xf32> to vector<2x1x2x128x128xf32>
    %slice3A_1142 = vector.extract_strided_slice %reshape3A_1141 {offsets = [0, 0, 0, 0, 0], sizes = [2, 1, 1, 128, 128], strides = [1, 1, 1, 1, 1]} : vector<2x1x2x128x128xf32> to vector<2x1x1x128x128xf32>
    %squeeze3A_1143 = vector.shape_cast %slice3A_1142 : vector<2x1x1x128x128xf32> to vector<2x1x128x128xf32>
    %slice3A_1144 = vector.extract_strided_slice %reshape3A_1141 {offsets = [0, 0, 1, 0, 0], sizes = [2, 1, 1, 128, 128], strides = [1, 1, 1, 1, 1]} : vector<2x1x2x128x128xf32> to vector<2x1x1x128x128xf32>
    %squeeze3A_1145 = vector.shape_cast %slice3A_1144 : vector<2x1x1x128x128xf32> to vector<2x1x128x128xf32>
    %min3A_1146 = arith.minimumf %squeeze3A_1143, %squeeze3A_1145 : vector<2x1x128x128xf32>
    %max3A_1147 = arith.maximumf %squeeze3A_1143, %squeeze3A_1145 : vector<2x1x128x128xf32>
    %broadcast_in_dim3A_1148 = vector.shape_cast %min3A_1146 : vector<2x1x128x128xf32> to vector<2x1x1x128x128xf32>
    %broadcast_in_dim3A_1149 = vector.shape_cast %max3A_1147 : vector<2x1x128x128xf32> to vector<2x1x1x128x128xf32>
    %concatenate3A_1150 = tpu.concatenate %broadcast_in_dim3A_1148, %broadcast_in_dim3A_1149 in 2 : vector<2x1x1x128x128xf32>, vector<2x1x1x128x128xf32> -> vector<2x1x2x128x128xf32>
    %reshape3A_1151 = vector.shape_cast %concatenate3A_1150 : vector<2x1x2x128x128xf32> to vector<2x256x128xf32>
    %reshape3A_1152 = vector.shape_cast %reshape3A_1140 : vector<2x256x128xf32> to vector<2x2x2x64x128xf32>
    %slice3A_1153 = vector.extract_strided_slice %reshape3A_1152 {offsets = [0, 0, 0, 0, 0], sizes = [2, 2, 1, 64, 128], strides = [1, 1, 1, 1, 1]} : vector<2x2x2x64x128xf32> to vector<2x2x1x64x128xf32>
    %squeeze3A_1154 = vector.shape_cast %slice3A_1153 : vector<2x2x1x64x128xf32> to vector<2x2x64x128xf32>
    %slice3A_1155 = vector.extract_strided_slice %reshape3A_1152 {offsets = [0, 0, 1, 0, 0], sizes = [2, 2, 1, 64, 128], strides = [1, 1, 1, 1, 1]} : vector<2x2x2x64x128xf32> to vector<2x2x1x64x128xf32>
    %squeeze3A_1156 = vector.shape_cast %slice3A_1155 : vector<2x2x1x64x128xf32> to vector<2x2x64x128xf32>
    %min3A_1157 = arith.minimumf %squeeze3A_1154, %squeeze3A_1156 : vector<2x2x64x128xf32>
    %max3A_1158 = arith.maximumf %squeeze3A_1154, %squeeze3A_1156 : vector<2x2x64x128xf32>
    %broadcast_in_dim3A_1159 = vector.shape_cast %min3A_1157 : vector<2x2x64x128xf32> to vector<2x2x1x64x128xf32>
    %broadcast_in_dim3A_1160 = vector.shape_cast %max3A_1158 : vector<2x2x64x128xf32> to vector<2x2x1x64x128xf32>
    %concatenate3A_1161 = tpu.concatenate %broadcast_in_dim3A_1159, %broadcast_in_dim3A_1160 in 2 : vector<2x2x1x64x128xf32>, vector<2x2x1x64x128xf32> -> vector<2x2x2x64x128xf32>
    %reshape3A_1162 = vector.shape_cast %concatenate3A_1161 : vector<2x2x2x64x128xf32> to vector<2x256x128xf32>
    %reshape3A_1163 = vector.shape_cast %reshape3A_1151 : vector<2x256x128xf32> to vector<2x2x2x64x128xf32>
    %slice3A_1164 = vector.extract_strided_slice %reshape3A_1163 {offsets = [0, 0, 0, 0, 0], sizes = [2, 2, 1, 64, 128], strides = [1, 1, 1, 1, 1]} : vector<2x2x2x64x128xf32> to vector<2x2x1x64x128xf32>
    %squeeze3A_1165 = vector.shape_cast %slice3A_1164 : vector<2x2x1x64x128xf32> to vector<2x2x64x128xf32>
    %slice3A_1166 = vector.extract_strided_slice %reshape3A_1163 {offsets = [0, 0, 1, 0, 0], sizes = [2, 2, 1, 64, 128], strides = [1, 1, 1, 1, 1]} : vector<2x2x2x64x128xf32> to vector<2x2x1x64x128xf32>
    %squeeze3A_1167 = vector.shape_cast %slice3A_1166 : vector<2x2x1x64x128xf32> to vector<2x2x64x128xf32>
    %min3A_1168 = arith.minimumf %squeeze3A_1165, %squeeze3A_1167 : vector<2x2x64x128xf32>
    %max3A_1169 = arith.maximumf %squeeze3A_1165, %squeeze3A_1167 : vector<2x2x64x128xf32>
    %broadcast_in_dim3A_1170 = vector.shape_cast %min3A_1168 : vector<2x2x64x128xf32> to vector<2x2x1x64x128xf32>
    %broadcast_in_dim3A_1171 = vector.shape_cast %max3A_1169 : vector<2x2x64x128xf32> to vector<2x2x1x64x128xf32>
    %concatenate3A_1172 = tpu.concatenate %broadcast_in_dim3A_1170, %broadcast_in_dim3A_1171 in 2 : vector<2x2x1x64x128xf32>, vector<2x2x1x64x128xf32> -> vector<2x2x2x64x128xf32>
    %reshape3A_1173 = vector.shape_cast %concatenate3A_1172 : vector<2x2x2x64x128xf32> to vector<2x256x128xf32>
    %reshape3A_1174 = vector.shape_cast %reshape3A_1162 : vector<2x256x128xf32> to vector<2x4x2x32x128xf32>
    %slice3A_1175 = vector.extract_strided_slice %reshape3A_1174 {offsets = [0, 0, 0, 0, 0], sizes = [2, 4, 1, 32, 128], strides = [1, 1, 1, 1, 1]} : vector<2x4x2x32x128xf32> to vector<2x4x1x32x128xf32>
    %squeeze3A_1176 = vector.shape_cast %slice3A_1175 : vector<2x4x1x32x128xf32> to vector<2x4x32x128xf32>
    %slice3A_1177 = vector.extract_strided_slice %reshape3A_1174 {offsets = [0, 0, 1, 0, 0], sizes = [2, 4, 1, 32, 128], strides = [1, 1, 1, 1, 1]} : vector<2x4x2x32x128xf32> to vector<2x4x1x32x128xf32>
    %squeeze3A_1178 = vector.shape_cast %slice3A_1177 : vector<2x4x1x32x128xf32> to vector<2x4x32x128xf32>
    %min3A_1179 = arith.minimumf %squeeze3A_1176, %squeeze3A_1178 : vector<2x4x32x128xf32>
    %max3A_1180 = arith.maximumf %squeeze3A_1176, %squeeze3A_1178 : vector<2x4x32x128xf32>
    %broadcast_in_dim3A_1181 = vector.shape_cast %min3A_1179 : vector<2x4x32x128xf32> to vector<2x4x1x32x128xf32>
    %broadcast_in_dim3A_1182 = vector.shape_cast %max3A_1180 : vector<2x4x32x128xf32> to vector<2x4x1x32x128xf32>
    %concatenate3A_1183 = tpu.concatenate %broadcast_in_dim3A_1181, %broadcast_in_dim3A_1182 in 2 : vector<2x4x1x32x128xf32>, vector<2x4x1x32x128xf32> -> vector<2x4x2x32x128xf32>
    %reshape3A_1184 = vector.shape_cast %concatenate3A_1183 : vector<2x4x2x32x128xf32> to vector<2x256x128xf32>
    %reshape3A_1185 = vector.shape_cast %reshape3A_1173 : vector<2x256x128xf32> to vector<2x4x2x32x128xf32>
    %slice3A_1186 = vector.extract_strided_slice %reshape3A_1185 {offsets = [0, 0, 0, 0, 0], sizes = [2, 4, 1, 32, 128], strides = [1, 1, 1, 1, 1]} : vector<2x4x2x32x128xf32> to vector<2x4x1x32x128xf32>
    %squeeze3A_1187 = vector.shape_cast %slice3A_1186 : vector<2x4x1x32x128xf32> to vector<2x4x32x128xf32>
    %slice3A_1188 = vector.extract_strided_slice %reshape3A_1185 {offsets = [0, 0, 1, 0, 0], sizes = [2, 4, 1, 32, 128], strides = [1, 1, 1, 1, 1]} : vector<2x4x2x32x128xf32> to vector<2x4x1x32x128xf32>
    %squeeze3A_1189 = vector.shape_cast %slice3A_1188 : vector<2x4x1x32x128xf32> to vector<2x4x32x128xf32>
    %min3A_1190 = arith.minimumf %squeeze3A_1187, %squeeze3A_1189 : vector<2x4x32x128xf32>
    %max3A_1191 = arith.maximumf %squeeze3A_1187, %squeeze3A_1189 : vector<2x4x32x128xf32>
    %broadcast_in_dim3A_1192 = vector.shape_cast %min3A_1190 : vector<2x4x32x128xf32> to vector<2x4x1x32x128xf32>
    %broadcast_in_dim3A_1193 = vector.shape_cast %max3A_1191 : vector<2x4x32x128xf32> to vector<2x4x1x32x128xf32>
    %concatenate3A_1194 = tpu.concatenate %broadcast_in_dim3A_1192, %broadcast_in_dim3A_1193 in 2 : vector<2x4x1x32x128xf32>, vector<2x4x1x32x128xf32> -> vector<2x4x2x32x128xf32>
    %reshape3A_1195 = vector.shape_cast %concatenate3A_1194 : vector<2x4x2x32x128xf32> to vector<2x256x128xf32>
    %reshape3A_1196 = vector.shape_cast %reshape3A_1184 : vector<2x256x128xf32> to vector<2x8x2x16x128xf32>
    %slice3A_1197 = vector.extract_strided_slice %reshape3A_1196 {offsets = [0, 0, 0, 0, 0], sizes = [2, 8, 1, 16, 128], strides = [1, 1, 1, 1, 1]} : vector<2x8x2x16x128xf32> to vector<2x8x1x16x128xf32>
    %squeeze3A_1198 = vector.shape_cast %slice3A_1197 : vector<2x8x1x16x128xf32> to vector<2x8x16x128xf32>
    %slice3A_1199 = vector.extract_strided_slice %reshape3A_1196 {offsets = [0, 0, 1, 0, 0], sizes = [2, 8, 1, 16, 128], strides = [1, 1, 1, 1, 1]} : vector<2x8x2x16x128xf32> to vector<2x8x1x16x128xf32>
    %squeeze3A_1200 = vector.shape_cast %slice3A_1199 : vector<2x8x1x16x128xf32> to vector<2x8x16x128xf32>
    %min3A_1201 = arith.minimumf %squeeze3A_1198, %squeeze3A_1200 : vector<2x8x16x128xf32>
    %max3A_1202 = arith.maximumf %squeeze3A_1198, %squeeze3A_1200 : vector<2x8x16x128xf32>
    %broadcast_in_dim3A_1203 = vector.shape_cast %min3A_1201 : vector<2x8x16x128xf32> to vector<2x8x1x16x128xf32>
    %broadcast_in_dim3A_1204 = vector.shape_cast %max3A_1202 : vector<2x8x16x128xf32> to vector<2x8x1x16x128xf32>
    %concatenate3A_1205 = tpu.concatenate %broadcast_in_dim3A_1203, %broadcast_in_dim3A_1204 in 2 : vector<2x8x1x16x128xf32>, vector<2x8x1x16x128xf32> -> vector<2x8x2x16x128xf32>
    %reshape3A_1206 = vector.shape_cast %concatenate3A_1205 : vector<2x8x2x16x128xf32> to vector<2x256x128xf32>
    %reshape3A_1207 = vector.shape_cast %reshape3A_1195 : vector<2x256x128xf32> to vector<2x8x2x16x128xf32>
    %slice3A_1208 = vector.extract_strided_slice %reshape3A_1207 {offsets = [0, 0, 0, 0, 0], sizes = [2, 8, 1, 16, 128], strides = [1, 1, 1, 1, 1]} : vector<2x8x2x16x128xf32> to vector<2x8x1x16x128xf32>
    %squeeze3A_1209 = vector.shape_cast %slice3A_1208 : vector<2x8x1x16x128xf32> to vector<2x8x16x128xf32>
    %slice3A_1210 = vector.extract_strided_slice %reshape3A_1207 {offsets = [0, 0, 1, 0, 0], sizes = [2, 8, 1, 16, 128], strides = [1, 1, 1, 1, 1]} : vector<2x8x2x16x128xf32> to vector<2x8x1x16x128xf32>
    %squeeze3A_1211 = vector.shape_cast %slice3A_1210 : vector<2x8x1x16x128xf32> to vector<2x8x16x128xf32>
    %min3A_1212 = arith.minimumf %squeeze3A_1209, %squeeze3A_1211 : vector<2x8x16x128xf32>
    %max3A_1213 = arith.maximumf %squeeze3A_1209, %squeeze3A_1211 : vector<2x8x16x128xf32>
    %broadcast_in_dim3A_1214 = vector.shape_cast %min3A_1212 : vector<2x8x16x128xf32> to vector<2x8x1x16x128xf32>
    %broadcast_in_dim3A_1215 = vector.shape_cast %max3A_1213 : vector<2x8x16x128xf32> to vector<2x8x1x16x128xf32>
    %concatenate3A_1216 = tpu.concatenate %broadcast_in_dim3A_1214, %broadcast_in_dim3A_1215 in 2 : vector<2x8x1x16x128xf32>, vector<2x8x1x16x128xf32> -> vector<2x8x2x16x128xf32>
    %reshape3A_1217 = vector.shape_cast %concatenate3A_1216 : vector<2x8x2x16x128xf32> to vector<2x256x128xf32>
    %reshape3A_1218 = vector.shape_cast %reshape3A_1206 : vector<2x256x128xf32> to vector<2x16x2x8x128xf32>
    %slice3A_1219 = vector.extract_strided_slice %reshape3A_1218 {offsets = [0, 0, 0, 0, 0], sizes = [2, 16, 1, 8, 128], strides = [1, 1, 1, 1, 1]} : vector<2x16x2x8x128xf32> to vector<2x16x1x8x128xf32>
    %squeeze3A_1220 = vector.shape_cast %slice3A_1219 : vector<2x16x1x8x128xf32> to vector<2x16x8x128xf32>
    %slice3A_1221 = vector.extract_strided_slice %reshape3A_1218 {offsets = [0, 0, 1, 0, 0], sizes = [2, 16, 1, 8, 128], strides = [1, 1, 1, 1, 1]} : vector<2x16x2x8x128xf32> to vector<2x16x1x8x128xf32>
    %squeeze3A_1222 = vector.shape_cast %slice3A_1221 : vector<2x16x1x8x128xf32> to vector<2x16x8x128xf32>
    %min3A_1223 = arith.minimumf %squeeze3A_1220, %squeeze3A_1222 : vector<2x16x8x128xf32>
    %max3A_1224 = arith.maximumf %squeeze3A_1220, %squeeze3A_1222 : vector<2x16x8x128xf32>
    %broadcast_in_dim3A_1225 = vector.shape_cast %min3A_1223 : vector<2x16x8x128xf32> to vector<2x16x1x8x128xf32>
    %broadcast_in_dim3A_1226 = vector.shape_cast %max3A_1224 : vector<2x16x8x128xf32> to vector<2x16x1x8x128xf32>
    %concatenate3A_1227 = tpu.concatenate %broadcast_in_dim3A_1225, %broadcast_in_dim3A_1226 in 2 : vector<2x16x1x8x128xf32>, vector<2x16x1x8x128xf32> -> vector<2x16x2x8x128xf32>
    %reshape3A_1228 = vector.shape_cast %concatenate3A_1227 : vector<2x16x2x8x128xf32> to vector<2x256x128xf32>
    %reshape3A_1229 = vector.shape_cast %reshape3A_1217 : vector<2x256x128xf32> to vector<2x16x2x8x128xf32>
    %slice3A_1230 = vector.extract_strided_slice %reshape3A_1229 {offsets = [0, 0, 0, 0, 0], sizes = [2, 16, 1, 8, 128], strides = [1, 1, 1, 1, 1]} : vector<2x16x2x8x128xf32> to vector<2x16x1x8x128xf32>
    %squeeze3A_1231 = vector.shape_cast %slice3A_1230 : vector<2x16x1x8x128xf32> to vector<2x16x8x128xf32>
    %slice3A_1232 = vector.extract_strided_slice %reshape3A_1229 {offsets = [0, 0, 1, 0, 0], sizes = [2, 16, 1, 8, 128], strides = [1, 1, 1, 1, 1]} : vector<2x16x2x8x128xf32> to vector<2x16x1x8x128xf32>
    %squeeze3A_1233 = vector.shape_cast %slice3A_1232 : vector<2x16x1x8x128xf32> to vector<2x16x8x128xf32>
    %min3A_1234 = arith.minimumf %squeeze3A_1231, %squeeze3A_1233 : vector<2x16x8x128xf32>
    %max3A_1235 = arith.maximumf %squeeze3A_1231, %squeeze3A_1233 : vector<2x16x8x128xf32>
    %broadcast_in_dim3A_1236 = vector.shape_cast %min3A_1234 : vector<2x16x8x128xf32> to vector<2x16x1x8x128xf32>
    %broadcast_in_dim3A_1237 = vector.shape_cast %max3A_1235 : vector<2x16x8x128xf32> to vector<2x16x1x8x128xf32>
    %concatenate3A_1238 = tpu.concatenate %broadcast_in_dim3A_1236, %broadcast_in_dim3A_1237 in 2 : vector<2x16x1x8x128xf32>, vector<2x16x1x8x128xf32> -> vector<2x16x2x8x128xf32>
    %reshape3A_1239 = vector.shape_cast %concatenate3A_1238 : vector<2x16x2x8x128xf32> to vector<2x256x128xf32>
    %and3A_1240 = arith.constant 512 : i32
    %and3A_1241 = vector.broadcast %and3A_1240 : i32 to vector<1x256x128xi32>
    %and3A_1242 = arith.andi %or3A_10, %and3A_1241 : vector<1x256x128xi32>
    %eq3A_1243 = arith.constant 0 : i32
    %eq3A_1244 = vector.broadcast %eq3A_1243 : i32 to vector<1x256x128xi32>
    %eq3A_1245 = arith.cmpi eq, %and3A_1242, %eq3A_1244 : vector<1x256x128xi32>
    %and3A_1246 = arith.constant 1024 : i32
    %and3A_1247 = vector.broadcast %and3A_1246 : i32 to vector<1x256x128xi32>
    %and3A_1248 = arith.andi %or3A_10, %and3A_1247 : vector<1x256x128xi32>
    %eq3A_1249 = arith.constant 0 : i32
    %eq3A_1250 = vector.broadcast %eq3A_1249 : i32 to vector<1x256x128xi32>
    %eq3A_1251 = arith.cmpi eq, %and3A_1248, %eq3A_1250 : vector<1x256x128xi32>
    %ne3A_1252 = arith.xori %eq3A_1245, %eq3A_1251 : vector<1x256x128xi1>
    %neg3A_1253 = arith.constant 0.000000e+00 : f32
    %neg3A_1254 = vector.broadcast %neg3A_1253 : f32 to vector<2x256x128xf32>
    %neg3A_1255 = arith.subf %neg3A_1254, %reshape3A_1228 : vector<2x256x128xf32>
    %broadcast_in_dim3A_1256 = vector.shape_cast %ne3A_1252 : vector<1x256x128xi1> to vector<1x256x128xi1>
    %broadcast_in_dim3A_1257 = vector.broadcast %broadcast_in_dim3A_1256 : vector<1x256x128xi1> to vector<2x256x128xi1>
    %select_n3A_1258 = arith.select %broadcast_in_dim3A_1257, %neg3A_1255, %reshape3A_1228 : vector<2x256x128xi1>, vector<2x256x128xf32>
    %neg3A_1259 = arith.constant 0.000000e+00 : f32
    %neg3A_1260 = vector.broadcast %neg3A_1259 : f32 to vector<2x256x128xf32>
    %neg3A_1261 = arith.subf %neg3A_1260, %reshape3A_1239 : vector<2x256x128xf32>
    %broadcast_in_dim3A_1262 = vector.shape_cast %ne3A_1252 : vector<1x256x128xi1> to vector<1x256x128xi1>
    %broadcast_in_dim3A_1263 = vector.broadcast %broadcast_in_dim3A_1262 : vector<1x256x128xi1> to vector<2x256x128xi1>
    %select_n3A_1264 = arith.select %broadcast_in_dim3A_1263, %neg3A_1261, %reshape3A_1239 : vector<2x256x128xi1>, vector<2x256x128xf32>
    %roll3A_1265 = arith.constant 126 : i32
    %roll3A_1266 = tpu.dynamic_rotate %select_n3A_1258 by %roll3A_1265 dim 2 : vector<2x256x128xf32>, i32 -> vector<2x256x128xf32>
    %roll3A_1267 = arith.constant 2 : i32
    %roll3A_1268 = tpu.dynamic_rotate %select_n3A_1258 by %roll3A_1267 dim 2 : vector<2x256x128xf32>, i32 -> vector<2x256x128xf32>
    %min3A_1269 = arith.minimumf %select_n3A_1258, %roll3A_1266 : vector<2x256x128xf32>
    %max3A_1270 = arith.maximumf %select_n3A_1258, %roll3A_1268 : vector<2x256x128xf32>
    %broadcast_in_dim3A_1271 = vector.shape_cast %eq3A_52 : vector<1x1x128xi1> to vector<1x1x128xi1>
    %broadcast_in_dim3A_1272 = vector.broadcast %broadcast_in_dim3A_1271 : vector<1x1x128xi1> to vector<2x256x128xi1>
    %select_n3A_1273 = arith.select %broadcast_in_dim3A_1272, %min3A_1269, %max3A_1270 : vector<2x256x128xi1>, vector<2x256x128xf32>
    %roll3A_1274 = arith.constant 126 : i32
    %roll3A_1275 = tpu.dynamic_rotate %select_n3A_1264 by %roll3A_1274 dim 2 : vector<2x256x128xf32>, i32 -> vector<2x256x128xf32>
    %roll3A_1276 = arith.constant 2 : i32
    %roll3A_1277 = tpu.dynamic_rotate %select_n3A_1264 by %roll3A_1276 dim 2 : vector<2x256x128xf32>, i32 -> vector<2x256x128xf32>
    %min3A_1278 = arith.minimumf %select_n3A_1264, %roll3A_1275 : vector<2x256x128xf32>
    %max3A_1279 = arith.maximumf %select_n3A_1264, %roll3A_1277 : vector<2x256x128xf32>
    %broadcast_in_dim3A_1280 = vector.shape_cast %eq3A_52 : vector<1x1x128xi1> to vector<1x1x128xi1>
    %broadcast_in_dim3A_1281 = vector.broadcast %broadcast_in_dim3A_1280 : vector<1x1x128xi1> to vector<2x256x128xi1>
    %select_n3A_1282 = arith.select %broadcast_in_dim3A_1281, %min3A_1278, %max3A_1279 : vector<2x256x128xi1>, vector<2x256x128xf32>
    %roll3A_1283 = arith.constant 127 : i32
    %roll3A_1284 = tpu.dynamic_rotate %select_n3A_1273 by %roll3A_1283 dim 2 : vector<2x256x128xf32>, i32 -> vector<2x256x128xf32>
    %roll3A_1285 = arith.constant 1 : i32
    %roll3A_1286 = tpu.dynamic_rotate %select_n3A_1273 by %roll3A_1285 dim 2 : vector<2x256x128xf32>, i32 -> vector<2x256x128xf32>
    %min3A_1287 = arith.minimumf %select_n3A_1273, %roll3A_1284 : vector<2x256x128xf32>
    %max3A_1288 = arith.maximumf %select_n3A_1273, %roll3A_1286 : vector<2x256x128xf32>
    %broadcast_in_dim3A_1289 = vector.shape_cast %eq3A_46 : vector<1x1x128xi1> to vector<1x1x128xi1>
    %broadcast_in_dim3A_1290 = vector.broadcast %broadcast_in_dim3A_1289 : vector<1x1x128xi1> to vector<2x256x128xi1>
    %select_n3A_1291 = arith.select %broadcast_in_dim3A_1290, %min3A_1287, %max3A_1288 : vector<2x256x128xi1>, vector<2x256x128xf32>
    %roll3A_1292 = arith.constant 127 : i32
    %roll3A_1293 = tpu.dynamic_rotate %select_n3A_1282 by %roll3A_1292 dim 2 : vector<2x256x128xf32>, i32 -> vector<2x256x128xf32>
    %roll3A_1294 = arith.constant 1 : i32
    %roll3A_1295 = tpu.dynamic_rotate %select_n3A_1282 by %roll3A_1294 dim 2 : vector<2x256x128xf32>, i32 -> vector<2x256x128xf32>
    %min3A_1296 = arith.minimumf %select_n3A_1282, %roll3A_1293 : vector<2x256x128xf32>
    %max3A_1297 = arith.maximumf %select_n3A_1282, %roll3A_1295 : vector<2x256x128xf32>
    %broadcast_in_dim3A_1298 = vector.shape_cast %eq3A_46 : vector<1x1x128xi1> to vector<1x1x128xi1>
    %broadcast_in_dim3A_1299 = vector.broadcast %broadcast_in_dim3A_1298 : vector<1x1x128xi1> to vector<2x256x128xi1>
    %select_n3A_1300 = arith.select %broadcast_in_dim3A_1299, %min3A_1296, %max3A_1297 : vector<2x256x128xi1>, vector<2x256x128xf32>
    %roll3A_1301 = arith.constant 252 : i32
    %roll3A_1302 = tpu.dynamic_rotate %select_n3A_1291 by %roll3A_1301 dim 1 : vector<2x256x128xf32>, i32 -> vector<2x256x128xf32>
    %roll3A_1303 = arith.constant 4 : i32
    %roll3A_1304 = tpu.dynamic_rotate %select_n3A_1291 by %roll3A_1303 dim 1 : vector<2x256x128xf32>, i32 -> vector<2x256x128xf32>
    %min3A_1305 = arith.minimumf %select_n3A_1291, %roll3A_1302 : vector<2x256x128xf32>
    %max3A_1306 = arith.maximumf %select_n3A_1291, %roll3A_1304 : vector<2x256x128xf32>
    %broadcast_in_dim3A_1307 = vector.shape_cast %eq3A_40 : vector<1x256x1xi1> to vector<1x256x1xi1>
    %broadcast_in_dim3A_1308 = vector.broadcast %broadcast_in_dim3A_1307 : vector<1x256x1xi1> to vector<2x256x128xi1>
    %select_n3A_1309 = arith.select %broadcast_in_dim3A_1308, %min3A_1305, %max3A_1306 : vector<2x256x128xi1>, vector<2x256x128xf32>
    %roll3A_1310 = arith.constant 252 : i32
    %roll3A_1311 = tpu.dynamic_rotate %select_n3A_1300 by %roll3A_1310 dim 1 : vector<2x256x128xf32>, i32 -> vector<2x256x128xf32>
    %roll3A_1312 = arith.constant 4 : i32
    %roll3A_1313 = tpu.dynamic_rotate %select_n3A_1300 by %roll3A_1312 dim 1 : vector<2x256x128xf32>, i32 -> vector<2x256x128xf32>
    %min3A_1314 = arith.minimumf %select_n3A_1300, %roll3A_1311 : vector<2x256x128xf32>
    %max3A_1315 = arith.maximumf %select_n3A_1300, %roll3A_1313 : vector<2x256x128xf32>
    %broadcast_in_dim3A_1316 = vector.shape_cast %eq3A_40 : vector<1x256x1xi1> to vector<1x256x1xi1>
    %broadcast_in_dim3A_1317 = vector.broadcast %broadcast_in_dim3A_1316 : vector<1x256x1xi1> to vector<2x256x128xi1>
    %select_n3A_1318 = arith.select %broadcast_in_dim3A_1317, %min3A_1314, %max3A_1315 : vector<2x256x128xi1>, vector<2x256x128xf32>
    %roll3A_1319 = arith.constant 254 : i32
    %roll3A_1320 = tpu.dynamic_rotate %select_n3A_1309 by %roll3A_1319 dim 1 : vector<2x256x128xf32>, i32 -> vector<2x256x128xf32>
    %roll3A_1321 = arith.constant 2 : i32
    %roll3A_1322 = tpu.dynamic_rotate %select_n3A_1309 by %roll3A_1321 dim 1 : vector<2x256x128xf32>, i32 -> vector<2x256x128xf32>
    %min3A_1323 = arith.minimumf %select_n3A_1309, %roll3A_1320 : vector<2x256x128xf32>
    %max3A_1324 = arith.maximumf %select_n3A_1309, %roll3A_1322 : vector<2x256x128xf32>
    %broadcast_in_dim3A_1325 = vector.shape_cast %eq3A_34 : vector<1x256x1xi1> to vector<1x256x1xi1>
    %broadcast_in_dim3A_1326 = vector.broadcast %broadcast_in_dim3A_1325 : vector<1x256x1xi1> to vector<2x256x128xi1>
    %select_n3A_1327 = arith.select %broadcast_in_dim3A_1326, %min3A_1323, %max3A_1324 : vector<2x256x128xi1>, vector<2x256x128xf32>
    %roll3A_1328 = arith.constant 254 : i32
    %roll3A_1329 = tpu.dynamic_rotate %select_n3A_1318 by %roll3A_1328 dim 1 : vector<2x256x128xf32>, i32 -> vector<2x256x128xf32>
    %roll3A_1330 = arith.constant 2 : i32
    %roll3A_1331 = tpu.dynamic_rotate %select_n3A_1318 by %roll3A_1330 dim 1 : vector<2x256x128xf32>, i32 -> vector<2x256x128xf32>
    %min3A_1332 = arith.minimumf %select_n3A_1318, %roll3A_1329 : vector<2x256x128xf32>
    %max3A_1333 = arith.maximumf %select_n3A_1318, %roll3A_1331 : vector<2x256x128xf32>
    %broadcast_in_dim3A_1334 = vector.shape_cast %eq3A_34 : vector<1x256x1xi1> to vector<1x256x1xi1>
    %broadcast_in_dim3A_1335 = vector.broadcast %broadcast_in_dim3A_1334 : vector<1x256x1xi1> to vector<2x256x128xi1>
    %select_n3A_1336 = arith.select %broadcast_in_dim3A_1335, %min3A_1332, %max3A_1333 : vector<2x256x128xi1>, vector<2x256x128xf32>
    %roll3A_1337 = arith.constant 255 : i32
    %roll3A_1338 = tpu.dynamic_rotate %select_n3A_1327 by %roll3A_1337 dim 1 : vector<2x256x128xf32>, i32 -> vector<2x256x128xf32>
    %roll3A_1339 = arith.constant 1 : i32
    %roll3A_1340 = tpu.dynamic_rotate %select_n3A_1327 by %roll3A_1339 dim 1 : vector<2x256x128xf32>, i32 -> vector<2x256x128xf32>
    %min3A_1341 = arith.minimumf %select_n3A_1327, %roll3A_1338 : vector<2x256x128xf32>
    %max3A_1342 = arith.maximumf %select_n3A_1327, %roll3A_1340 : vector<2x256x128xf32>
    %broadcast_in_dim3A_1343 = vector.shape_cast %eq3A_28 : vector<1x256x1xi1> to vector<1x256x1xi1>
    %broadcast_in_dim3A_1344 = vector.broadcast %broadcast_in_dim3A_1343 : vector<1x256x1xi1> to vector<2x256x128xi1>
    %select_n3A_1345 = arith.select %broadcast_in_dim3A_1344, %min3A_1341, %max3A_1342 : vector<2x256x128xi1>, vector<2x256x128xf32>
    %roll3A_1346 = arith.constant 255 : i32
    %roll3A_1347 = tpu.dynamic_rotate %select_n3A_1336 by %roll3A_1346 dim 1 : vector<2x256x128xf32>, i32 -> vector<2x256x128xf32>
    %roll3A_1348 = arith.constant 1 : i32
    %roll3A_1349 = tpu.dynamic_rotate %select_n3A_1336 by %roll3A_1348 dim 1 : vector<2x256x128xf32>, i32 -> vector<2x256x128xf32>
    %min3A_1350 = arith.minimumf %select_n3A_1336, %roll3A_1347 : vector<2x256x128xf32>
    %max3A_1351 = arith.maximumf %select_n3A_1336, %roll3A_1349 : vector<2x256x128xf32>
    %broadcast_in_dim3A_1352 = vector.shape_cast %eq3A_28 : vector<1x256x1xi1> to vector<1x256x1xi1>
    %broadcast_in_dim3A_1353 = vector.broadcast %broadcast_in_dim3A_1352 : vector<1x256x1xi1> to vector<2x256x128xi1>
    %select_n3A_1354 = arith.select %broadcast_in_dim3A_1353, %min3A_1350, %max3A_1351 : vector<2x256x128xi1>, vector<2x256x128xf32>
    %reshape3A_1355 = vector.shape_cast %select_n3A_1345 : vector<2x256x128xf32> to vector<2x1x2x128x128xf32>
    %slice3A_1356 = vector.extract_strided_slice %reshape3A_1355 {offsets = [0, 0, 0, 0, 0], sizes = [2, 1, 1, 128, 128], strides = [1, 1, 1, 1, 1]} : vector<2x1x2x128x128xf32> to vector<2x1x1x128x128xf32>
    %squeeze3A_1357 = vector.shape_cast %slice3A_1356 : vector<2x1x1x128x128xf32> to vector<2x1x128x128xf32>
    %slice3A_1358 = vector.extract_strided_slice %reshape3A_1355 {offsets = [0, 0, 1, 0, 0], sizes = [2, 1, 1, 128, 128], strides = [1, 1, 1, 1, 1]} : vector<2x1x2x128x128xf32> to vector<2x1x1x128x128xf32>
    %squeeze3A_1359 = vector.shape_cast %slice3A_1358 : vector<2x1x1x128x128xf32> to vector<2x1x128x128xf32>
    %min3A_1360 = arith.minimumf %squeeze3A_1357, %squeeze3A_1359 : vector<2x1x128x128xf32>
    %max3A_1361 = arith.maximumf %squeeze3A_1357, %squeeze3A_1359 : vector<2x1x128x128xf32>
    %broadcast_in_dim3A_1362 = vector.shape_cast %min3A_1360 : vector<2x1x128x128xf32> to vector<2x1x1x128x128xf32>
    %broadcast_in_dim3A_1363 = vector.shape_cast %max3A_1361 : vector<2x1x128x128xf32> to vector<2x1x1x128x128xf32>
    %concatenate3A_1364 = tpu.concatenate %broadcast_in_dim3A_1362, %broadcast_in_dim3A_1363 in 2 : vector<2x1x1x128x128xf32>, vector<2x1x1x128x128xf32> -> vector<2x1x2x128x128xf32>
    %reshape3A_1365 = vector.shape_cast %concatenate3A_1364 : vector<2x1x2x128x128xf32> to vector<2x256x128xf32>
    %reshape3A_1366 = vector.shape_cast %select_n3A_1354 : vector<2x256x128xf32> to vector<2x1x2x128x128xf32>
    %slice3A_1367 = vector.extract_strided_slice %reshape3A_1366 {offsets = [0, 0, 0, 0, 0], sizes = [2, 1, 1, 128, 128], strides = [1, 1, 1, 1, 1]} : vector<2x1x2x128x128xf32> to vector<2x1x1x128x128xf32>
    %squeeze3A_1368 = vector.shape_cast %slice3A_1367 : vector<2x1x1x128x128xf32> to vector<2x1x128x128xf32>
    %slice3A_1369 = vector.extract_strided_slice %reshape3A_1366 {offsets = [0, 0, 1, 0, 0], sizes = [2, 1, 1, 128, 128], strides = [1, 1, 1, 1, 1]} : vector<2x1x2x128x128xf32> to vector<2x1x1x128x128xf32>
    %squeeze3A_1370 = vector.shape_cast %slice3A_1369 : vector<2x1x1x128x128xf32> to vector<2x1x128x128xf32>
    %min3A_1371 = arith.minimumf %squeeze3A_1368, %squeeze3A_1370 : vector<2x1x128x128xf32>
    %max3A_1372 = arith.maximumf %squeeze3A_1368, %squeeze3A_1370 : vector<2x1x128x128xf32>
    %broadcast_in_dim3A_1373 = vector.shape_cast %min3A_1371 : vector<2x1x128x128xf32> to vector<2x1x1x128x128xf32>
    %broadcast_in_dim3A_1374 = vector.shape_cast %max3A_1372 : vector<2x1x128x128xf32> to vector<2x1x1x128x128xf32>
    %concatenate3A_1375 = tpu.concatenate %broadcast_in_dim3A_1373, %broadcast_in_dim3A_1374 in 2 : vector<2x1x1x128x128xf32>, vector<2x1x1x128x128xf32> -> vector<2x1x2x128x128xf32>
    %reshape3A_1376 = vector.shape_cast %concatenate3A_1375 : vector<2x1x2x128x128xf32> to vector<2x256x128xf32>
    %reshape3A_1377 = vector.shape_cast %reshape3A_1365 : vector<2x256x128xf32> to vector<2x2x2x64x128xf32>
    %slice3A_1378 = vector.extract_strided_slice %reshape3A_1377 {offsets = [0, 0, 0, 0, 0], sizes = [2, 2, 1, 64, 128], strides = [1, 1, 1, 1, 1]} : vector<2x2x2x64x128xf32> to vector<2x2x1x64x128xf32>
    %squeeze3A_1379 = vector.shape_cast %slice3A_1378 : vector<2x2x1x64x128xf32> to vector<2x2x64x128xf32>
    %slice3A_1380 = vector.extract_strided_slice %reshape3A_1377 {offsets = [0, 0, 1, 0, 0], sizes = [2, 2, 1, 64, 128], strides = [1, 1, 1, 1, 1]} : vector<2x2x2x64x128xf32> to vector<2x2x1x64x128xf32>
    %squeeze3A_1381 = vector.shape_cast %slice3A_1380 : vector<2x2x1x64x128xf32> to vector<2x2x64x128xf32>
    %min3A_1382 = arith.minimumf %squeeze3A_1379, %squeeze3A_1381 : vector<2x2x64x128xf32>
    %max3A_1383 = arith.maximumf %squeeze3A_1379, %squeeze3A_1381 : vector<2x2x64x128xf32>
    %broadcast_in_dim3A_1384 = vector.shape_cast %min3A_1382 : vector<2x2x64x128xf32> to vector<2x2x1x64x128xf32>
    %broadcast_in_dim3A_1385 = vector.shape_cast %max3A_1383 : vector<2x2x64x128xf32> to vector<2x2x1x64x128xf32>
    %concatenate3A_1386 = tpu.concatenate %broadcast_in_dim3A_1384, %broadcast_in_dim3A_1385 in 2 : vector<2x2x1x64x128xf32>, vector<2x2x1x64x128xf32> -> vector<2x2x2x64x128xf32>
    %reshape3A_1387 = vector.shape_cast %concatenate3A_1386 : vector<2x2x2x64x128xf32> to vector<2x256x128xf32>
    %reshape3A_1388 = vector.shape_cast %reshape3A_1376 : vector<2x256x128xf32> to vector<2x2x2x64x128xf32>
    %slice3A_1389 = vector.extract_strided_slice %reshape3A_1388 {offsets = [0, 0, 0, 0, 0], sizes = [2, 2, 1, 64, 128], strides = [1, 1, 1, 1, 1]} : vector<2x2x2x64x128xf32> to vector<2x2x1x64x128xf32>
    %squeeze3A_1390 = vector.shape_cast %slice3A_1389 : vector<2x2x1x64x128xf32> to vector<2x2x64x128xf32>
    %slice3A_1391 = vector.extract_strided_slice %reshape3A_1388 {offsets = [0, 0, 1, 0, 0], sizes = [2, 2, 1, 64, 128], strides = [1, 1, 1, 1, 1]} : vector<2x2x2x64x128xf32> to vector<2x2x1x64x128xf32>
    %squeeze3A_1392 = vector.shape_cast %slice3A_1391 : vector<2x2x1x64x128xf32> to vector<2x2x64x128xf32>
    %min3A_1393 = arith.minimumf %squeeze3A_1390, %squeeze3A_1392 : vector<2x2x64x128xf32>
    %max3A_1394 = arith.maximumf %squeeze3A_1390, %squeeze3A_1392 : vector<2x2x64x128xf32>
    %broadcast_in_dim3A_1395 = vector.shape_cast %min3A_1393 : vector<2x2x64x128xf32> to vector<2x2x1x64x128xf32>
    %broadcast_in_dim3A_1396 = vector.shape_cast %max3A_1394 : vector<2x2x64x128xf32> to vector<2x2x1x64x128xf32>
    %concatenate3A_1397 = tpu.concatenate %broadcast_in_dim3A_1395, %broadcast_in_dim3A_1396 in 2 : vector<2x2x1x64x128xf32>, vector<2x2x1x64x128xf32> -> vector<2x2x2x64x128xf32>
    %reshape3A_1398 = vector.shape_cast %concatenate3A_1397 : vector<2x2x2x64x128xf32> to vector<2x256x128xf32>
    %reshape3A_1399 = vector.shape_cast %reshape3A_1387 : vector<2x256x128xf32> to vector<2x4x2x32x128xf32>
    %slice3A_1400 = vector.extract_strided_slice %reshape3A_1399 {offsets = [0, 0, 0, 0, 0], sizes = [2, 4, 1, 32, 128], strides = [1, 1, 1, 1, 1]} : vector<2x4x2x32x128xf32> to vector<2x4x1x32x128xf32>
    %squeeze3A_1401 = vector.shape_cast %slice3A_1400 : vector<2x4x1x32x128xf32> to vector<2x4x32x128xf32>
    %slice3A_1402 = vector.extract_strided_slice %reshape3A_1399 {offsets = [0, 0, 1, 0, 0], sizes = [2, 4, 1, 32, 128], strides = [1, 1, 1, 1, 1]} : vector<2x4x2x32x128xf32> to vector<2x4x1x32x128xf32>
    %squeeze3A_1403 = vector.shape_cast %slice3A_1402 : vector<2x4x1x32x128xf32> to vector<2x4x32x128xf32>
    %min3A_1404 = arith.minimumf %squeeze3A_1401, %squeeze3A_1403 : vector<2x4x32x128xf32>
    %max3A_1405 = arith.maximumf %squeeze3A_1401, %squeeze3A_1403 : vector<2x4x32x128xf32>
    %broadcast_in_dim3A_1406 = vector.shape_cast %min3A_1404 : vector<2x4x32x128xf32> to vector<2x4x1x32x128xf32>
    %broadcast_in_dim3A_1407 = vector.shape_cast %max3A_1405 : vector<2x4x32x128xf32> to vector<2x4x1x32x128xf32>
    %concatenate3A_1408 = tpu.concatenate %broadcast_in_dim3A_1406, %broadcast_in_dim3A_1407 in 2 : vector<2x4x1x32x128xf32>, vector<2x4x1x32x128xf32> -> vector<2x4x2x32x128xf32>
    %reshape3A_1409 = vector.shape_cast %concatenate3A_1408 : vector<2x4x2x32x128xf32> to vector<2x256x128xf32>
    %reshape3A_1410 = vector.shape_cast %reshape3A_1398 : vector<2x256x128xf32> to vector<2x4x2x32x128xf32>
    %slice3A_1411 = vector.extract_strided_slice %reshape3A_1410 {offsets = [0, 0, 0, 0, 0], sizes = [2, 4, 1, 32, 128], strides = [1, 1, 1, 1, 1]} : vector<2x4x2x32x128xf32> to vector<2x4x1x32x128xf32>
    %squeeze3A_1412 = vector.shape_cast %slice3A_1411 : vector<2x4x1x32x128xf32> to vector<2x4x32x128xf32>
    %slice3A_1413 = vector.extract_strided_slice %reshape3A_1410 {offsets = [0, 0, 1, 0, 0], sizes = [2, 4, 1, 32, 128], strides = [1, 1, 1, 1, 1]} : vector<2x4x2x32x128xf32> to vector<2x4x1x32x128xf32>
    %squeeze3A_1414 = vector.shape_cast %slice3A_1413 : vector<2x4x1x32x128xf32> to vector<2x4x32x128xf32>
    %min3A_1415 = arith.minimumf %squeeze3A_1412, %squeeze3A_1414 : vector<2x4x32x128xf32>
    %max3A_1416 = arith.maximumf %squeeze3A_1412, %squeeze3A_1414 : vector<2x4x32x128xf32>
    %broadcast_in_dim3A_1417 = vector.shape_cast %min3A_1415 : vector<2x4x32x128xf32> to vector<2x4x1x32x128xf32>
    %broadcast_in_dim3A_1418 = vector.shape_cast %max3A_1416 : vector<2x4x32x128xf32> to vector<2x4x1x32x128xf32>
    %concatenate3A_1419 = tpu.concatenate %broadcast_in_dim3A_1417, %broadcast_in_dim3A_1418 in 2 : vector<2x4x1x32x128xf32>, vector<2x4x1x32x128xf32> -> vector<2x4x2x32x128xf32>
    %reshape3A_1420 = vector.shape_cast %concatenate3A_1419 : vector<2x4x2x32x128xf32> to vector<2x256x128xf32>
    %reshape3A_1421 = vector.shape_cast %reshape3A_1409 : vector<2x256x128xf32> to vector<2x8x2x16x128xf32>
    %slice3A_1422 = vector.extract_strided_slice %reshape3A_1421 {offsets = [0, 0, 0, 0, 0], sizes = [2, 8, 1, 16, 128], strides = [1, 1, 1, 1, 1]} : vector<2x8x2x16x128xf32> to vector<2x8x1x16x128xf32>
    %squeeze3A_1423 = vector.shape_cast %slice3A_1422 : vector<2x8x1x16x128xf32> to vector<2x8x16x128xf32>
    %slice3A_1424 = vector.extract_strided_slice %reshape3A_1421 {offsets = [0, 0, 1, 0, 0], sizes = [2, 8, 1, 16, 128], strides = [1, 1, 1, 1, 1]} : vector<2x8x2x16x128xf32> to vector<2x8x1x16x128xf32>
    %squeeze3A_1425 = vector.shape_cast %slice3A_1424 : vector<2x8x1x16x128xf32> to vector<2x8x16x128xf32>
    %min3A_1426 = arith.minimumf %squeeze3A_1423, %squeeze3A_1425 : vector<2x8x16x128xf32>
    %max3A_1427 = arith.maximumf %squeeze3A_1423, %squeeze3A_1425 : vector<2x8x16x128xf32>
    %broadcast_in_dim3A_1428 = vector.shape_cast %min3A_1426 : vector<2x8x16x128xf32> to vector<2x8x1x16x128xf32>
    %broadcast_in_dim3A_1429 = vector.shape_cast %max3A_1427 : vector<2x8x16x128xf32> to vector<2x8x1x16x128xf32>
    %concatenate3A_1430 = tpu.concatenate %broadcast_in_dim3A_1428, %broadcast_in_dim3A_1429 in 2 : vector<2x8x1x16x128xf32>, vector<2x8x1x16x128xf32> -> vector<2x8x2x16x128xf32>
    %reshape3A_1431 = vector.shape_cast %concatenate3A_1430 : vector<2x8x2x16x128xf32> to vector<2x256x128xf32>
    %reshape3A_1432 = vector.shape_cast %reshape3A_1420 : vector<2x256x128xf32> to vector<2x8x2x16x128xf32>
    %slice3A_1433 = vector.extract_strided_slice %reshape3A_1432 {offsets = [0, 0, 0, 0, 0], sizes = [2, 8, 1, 16, 128], strides = [1, 1, 1, 1, 1]} : vector<2x8x2x16x128xf32> to vector<2x8x1x16x128xf32>
    %squeeze3A_1434 = vector.shape_cast %slice3A_1433 : vector<2x8x1x16x128xf32> to vector<2x8x16x128xf32>
    %slice3A_1435 = vector.extract_strided_slice %reshape3A_1432 {offsets = [0, 0, 1, 0, 0], sizes = [2, 8, 1, 16, 128], strides = [1, 1, 1, 1, 1]} : vector<2x8x2x16x128xf32> to vector<2x8x1x16x128xf32>
    %squeeze3A_1436 = vector.shape_cast %slice3A_1435 : vector<2x8x1x16x128xf32> to vector<2x8x16x128xf32>
    %min3A_1437 = arith.minimumf %squeeze3A_1434, %squeeze3A_1436 : vector<2x8x16x128xf32>
    %max3A_1438 = arith.maximumf %squeeze3A_1434, %squeeze3A_1436 : vector<2x8x16x128xf32>
    %broadcast_in_dim3A_1439 = vector.shape_cast %min3A_1437 : vector<2x8x16x128xf32> to vector<2x8x1x16x128xf32>
    %broadcast_in_dim3A_1440 = vector.shape_cast %max3A_1438 : vector<2x8x16x128xf32> to vector<2x8x1x16x128xf32>
    %concatenate3A_1441 = tpu.concatenate %broadcast_in_dim3A_1439, %broadcast_in_dim3A_1440 in 2 : vector<2x8x1x16x128xf32>, vector<2x8x1x16x128xf32> -> vector<2x8x2x16x128xf32>
    %reshape3A_1442 = vector.shape_cast %concatenate3A_1441 : vector<2x8x2x16x128xf32> to vector<2x256x128xf32>
    %reshape3A_1443 = vector.shape_cast %reshape3A_1431 : vector<2x256x128xf32> to vector<2x16x2x8x128xf32>
    %slice3A_1444 = vector.extract_strided_slice %reshape3A_1443 {offsets = [0, 0, 0, 0, 0], sizes = [2, 16, 1, 8, 128], strides = [1, 1, 1, 1, 1]} : vector<2x16x2x8x128xf32> to vector<2x16x1x8x128xf32>
    %squeeze3A_1445 = vector.shape_cast %slice3A_1444 : vector<2x16x1x8x128xf32> to vector<2x16x8x128xf32>
    %slice3A_1446 = vector.extract_strided_slice %reshape3A_1443 {offsets = [0, 0, 1, 0, 0], sizes = [2, 16, 1, 8, 128], strides = [1, 1, 1, 1, 1]} : vector<2x16x2x8x128xf32> to vector<2x16x1x8x128xf32>
    %squeeze3A_1447 = vector.shape_cast %slice3A_1446 : vector<2x16x1x8x128xf32> to vector<2x16x8x128xf32>
    %min3A_1448 = arith.minimumf %squeeze3A_1445, %squeeze3A_1447 : vector<2x16x8x128xf32>
    %max3A_1449 = arith.maximumf %squeeze3A_1445, %squeeze3A_1447 : vector<2x16x8x128xf32>
    %broadcast_in_dim3A_1450 = vector.shape_cast %min3A_1448 : vector<2x16x8x128xf32> to vector<2x16x1x8x128xf32>
    %broadcast_in_dim3A_1451 = vector.shape_cast %max3A_1449 : vector<2x16x8x128xf32> to vector<2x16x1x8x128xf32>
    %concatenate3A_1452 = tpu.concatenate %broadcast_in_dim3A_1450, %broadcast_in_dim3A_1451 in 2 : vector<2x16x1x8x128xf32>, vector<2x16x1x8x128xf32> -> vector<2x16x2x8x128xf32>
    %reshape3A_1453 = vector.shape_cast %concatenate3A_1452 : vector<2x16x2x8x128xf32> to vector<2x256x128xf32>
    %reshape3A_1454 = vector.shape_cast %reshape3A_1442 : vector<2x256x128xf32> to vector<2x16x2x8x128xf32>
    %slice3A_1455 = vector.extract_strided_slice %reshape3A_1454 {offsets = [0, 0, 0, 0, 0], sizes = [2, 16, 1, 8, 128], strides = [1, 1, 1, 1, 1]} : vector<2x16x2x8x128xf32> to vector<2x16x1x8x128xf32>
    %squeeze3A_1456 = vector.shape_cast %slice3A_1455 : vector<2x16x1x8x128xf32> to vector<2x16x8x128xf32>
    %slice3A_1457 = vector.extract_strided_slice %reshape3A_1454 {offsets = [0, 0, 1, 0, 0], sizes = [2, 16, 1, 8, 128], strides = [1, 1, 1, 1, 1]} : vector<2x16x2x8x128xf32> to vector<2x16x1x8x128xf32>
    %squeeze3A_1458 = vector.shape_cast %slice3A_1457 : vector<2x16x1x8x128xf32> to vector<2x16x8x128xf32>
    %min3A_1459 = arith.minimumf %squeeze3A_1456, %squeeze3A_1458 : vector<2x16x8x128xf32>
    %max3A_1460 = arith.maximumf %squeeze3A_1456, %squeeze3A_1458 : vector<2x16x8x128xf32>
    %broadcast_in_dim3A_1461 = vector.shape_cast %min3A_1459 : vector<2x16x8x128xf32> to vector<2x16x1x8x128xf32>
    %broadcast_in_dim3A_1462 = vector.shape_cast %max3A_1460 : vector<2x16x8x128xf32> to vector<2x16x1x8x128xf32>
    %concatenate3A_1463 = tpu.concatenate %broadcast_in_dim3A_1461, %broadcast_in_dim3A_1462 in 2 : vector<2x16x1x8x128xf32>, vector<2x16x1x8x128xf32> -> vector<2x16x2x8x128xf32>
    %reshape3A_1464 = vector.shape_cast %concatenate3A_1463 : vector<2x16x2x8x128xf32> to vector<2x256x128xf32>
    %and3A_1465 = arith.constant 1024 : i32
    %and3A_1466 = vector.broadcast %and3A_1465 : i32 to vector<1x256x128xi32>
    %and3A_1467 = arith.andi %or3A_10, %and3A_1466 : vector<1x256x128xi32>
    %eq3A_1468 = arith.constant 0 : i32
    %eq3A_1469 = vector.broadcast %eq3A_1468 : i32 to vector<1x256x128xi32>
    %eq3A_1470 = arith.cmpi eq, %and3A_1467, %eq3A_1469 : vector<1x256x128xi32>
    %and3A_1471 = arith.constant 2048 : i32
    %and3A_1472 = vector.broadcast %and3A_1471 : i32 to vector<1x256x128xi32>
    %and3A_1473 = arith.andi %or3A_10, %and3A_1472 : vector<1x256x128xi32>
    %eq3A_1474 = arith.constant 0 : i32
    %eq3A_1475 = vector.broadcast %eq3A_1474 : i32 to vector<1x256x128xi32>
    %eq3A_1476 = arith.cmpi eq, %and3A_1473, %eq3A_1475 : vector<1x256x128xi32>
    %ne3A_1477 = arith.xori %eq3A_1470, %eq3A_1476 : vector<1x256x128xi1>
    %neg3A_1478 = arith.constant 0.000000e+00 : f32
    %neg3A_1479 = vector.broadcast %neg3A_1478 : f32 to vector<2x256x128xf32>
    %neg3A_1480 = arith.subf %neg3A_1479, %reshape3A_1453 : vector<2x256x128xf32>
    %broadcast_in_dim3A_1481 = vector.shape_cast %ne3A_1477 : vector<1x256x128xi1> to vector<1x256x128xi1>
    %broadcast_in_dim3A_1482 = vector.broadcast %broadcast_in_dim3A_1481 : vector<1x256x128xi1> to vector<2x256x128xi1>
    %select_n3A_1483 = arith.select %broadcast_in_dim3A_1482, %neg3A_1480, %reshape3A_1453 : vector<2x256x128xi1>, vector<2x256x128xf32>
    %neg3A_1484 = arith.constant 0.000000e+00 : f32
    %neg3A_1485 = vector.broadcast %neg3A_1484 : f32 to vector<2x256x128xf32>
    %neg3A_1486 = arith.subf %neg3A_1485, %reshape3A_1464 : vector<2x256x128xf32>
    %broadcast_in_dim3A_1487 = vector.shape_cast %ne3A_1477 : vector<1x256x128xi1> to vector<1x256x128xi1>
    %broadcast_in_dim3A_1488 = vector.broadcast %broadcast_in_dim3A_1487 : vector<1x256x128xi1> to vector<2x256x128xi1>
    %select_n3A_1489 = arith.select %broadcast_in_dim3A_1488, %neg3A_1486, %reshape3A_1464 : vector<2x256x128xi1>, vector<2x256x128xf32>
    %roll3A_1490 = arith.constant 124 : i32
    %roll3A_1491 = tpu.dynamic_rotate %select_n3A_1483 by %roll3A_1490 dim 2 : vector<2x256x128xf32>, i32 -> vector<2x256x128xf32>
    %roll3A_1492 = arith.constant 4 : i32
    %roll3A_1493 = tpu.dynamic_rotate %select_n3A_1483 by %roll3A_1492 dim 2 : vector<2x256x128xf32>, i32 -> vector<2x256x128xf32>
    %min3A_1494 = arith.minimumf %select_n3A_1483, %roll3A_1491 : vector<2x256x128xf32>
    %max3A_1495 = arith.maximumf %select_n3A_1483, %roll3A_1493 : vector<2x256x128xf32>
    %broadcast_in_dim3A_1496 = vector.shape_cast %eq3A_58 : vector<1x1x128xi1> to vector<1x1x128xi1>
    %broadcast_in_dim3A_1497 = vector.broadcast %broadcast_in_dim3A_1496 : vector<1x1x128xi1> to vector<2x256x128xi1>
    %select_n3A_1498 = arith.select %broadcast_in_dim3A_1497, %min3A_1494, %max3A_1495 : vector<2x256x128xi1>, vector<2x256x128xf32>
    %roll3A_1499 = arith.constant 124 : i32
    %roll3A_1500 = tpu.dynamic_rotate %select_n3A_1489 by %roll3A_1499 dim 2 : vector<2x256x128xf32>, i32 -> vector<2x256x128xf32>
    %roll3A_1501 = arith.constant 4 : i32
    %roll3A_1502 = tpu.dynamic_rotate %select_n3A_1489 by %roll3A_1501 dim 2 : vector<2x256x128xf32>, i32 -> vector<2x256x128xf32>
    %min3A_1503 = arith.minimumf %select_n3A_1489, %roll3A_1500 : vector<2x256x128xf32>
    %max3A_1504 = arith.maximumf %select_n3A_1489, %roll3A_1502 : vector<2x256x128xf32>
    %broadcast_in_dim3A_1505 = vector.shape_cast %eq3A_58 : vector<1x1x128xi1> to vector<1x1x128xi1>
    %broadcast_in_dim3A_1506 = vector.broadcast %broadcast_in_dim3A_1505 : vector<1x1x128xi1> to vector<2x256x128xi1>
    %select_n3A_1507 = arith.select %broadcast_in_dim3A_1506, %min3A_1503, %max3A_1504 : vector<2x256x128xi1>, vector<2x256x128xf32>
    %roll3A_1508 = arith.constant 126 : i32
    %roll3A_1509 = tpu.dynamic_rotate %select_n3A_1498 by %roll3A_1508 dim 2 : vector<2x256x128xf32>, i32 -> vector<2x256x128xf32>
    %roll3A_1510 = arith.constant 2 : i32
    %roll3A_1511 = tpu.dynamic_rotate %select_n3A_1498 by %roll3A_1510 dim 2 : vector<2x256x128xf32>, i32 -> vector<2x256x128xf32>
    %min3A_1512 = arith.minimumf %select_n3A_1498, %roll3A_1509 : vector<2x256x128xf32>
    %max3A_1513 = arith.maximumf %select_n3A_1498, %roll3A_1511 : vector<2x256x128xf32>
    %broadcast_in_dim3A_1514 = vector.shape_cast %eq3A_52 : vector<1x1x128xi1> to vector<1x1x128xi1>
    %broadcast_in_dim3A_1515 = vector.broadcast %broadcast_in_dim3A_1514 : vector<1x1x128xi1> to vector<2x256x128xi1>
    %select_n3A_1516 = arith.select %broadcast_in_dim3A_1515, %min3A_1512, %max3A_1513 : vector<2x256x128xi1>, vector<2x256x128xf32>
    %roll3A_1517 = arith.constant 126 : i32
    %roll3A_1518 = tpu.dynamic_rotate %select_n3A_1507 by %roll3A_1517 dim 2 : vector<2x256x128xf32>, i32 -> vector<2x256x128xf32>
    %roll3A_1519 = arith.constant 2 : i32
    %roll3A_1520 = tpu.dynamic_rotate %select_n3A_1507 by %roll3A_1519 dim 2 : vector<2x256x128xf32>, i32 -> vector<2x256x128xf32>
    %min3A_1521 = arith.minimumf %select_n3A_1507, %roll3A_1518 : vector<2x256x128xf32>
    %max3A_1522 = arith.maximumf %select_n3A_1507, %roll3A_1520 : vector<2x256x128xf32>
    %broadcast_in_dim3A_1523 = vector.shape_cast %eq3A_52 : vector<1x1x128xi1> to vector<1x1x128xi1>
    %broadcast_in_dim3A_1524 = vector.broadcast %broadcast_in_dim3A_1523 : vector<1x1x128xi1> to vector<2x256x128xi1>
    %select_n3A_1525 = arith.select %broadcast_in_dim3A_1524, %min3A_1521, %max3A_1522 : vector<2x256x128xi1>, vector<2x256x128xf32>
    %roll3A_1526 = arith.constant 127 : i32
    %roll3A_1527 = tpu.dynamic_rotate %select_n3A_1516 by %roll3A_1526 dim 2 : vector<2x256x128xf32>, i32 -> vector<2x256x128xf32>
    %roll3A_1528 = arith.constant 1 : i32
    %roll3A_1529 = tpu.dynamic_rotate %select_n3A_1516 by %roll3A_1528 dim 2 : vector<2x256x128xf32>, i32 -> vector<2x256x128xf32>
    %min3A_1530 = arith.minimumf %select_n3A_1516, %roll3A_1527 : vector<2x256x128xf32>
    %max3A_1531 = arith.maximumf %select_n3A_1516, %roll3A_1529 : vector<2x256x128xf32>
    %broadcast_in_dim3A_1532 = vector.shape_cast %eq3A_46 : vector<1x1x128xi1> to vector<1x1x128xi1>
    %broadcast_in_dim3A_1533 = vector.broadcast %broadcast_in_dim3A_1532 : vector<1x1x128xi1> to vector<2x256x128xi1>
    %select_n3A_1534 = arith.select %broadcast_in_dim3A_1533, %min3A_1530, %max3A_1531 : vector<2x256x128xi1>, vector<2x256x128xf32>
    %roll3A_1535 = arith.constant 127 : i32
    %roll3A_1536 = tpu.dynamic_rotate %select_n3A_1525 by %roll3A_1535 dim 2 : vector<2x256x128xf32>, i32 -> vector<2x256x128xf32>
    %roll3A_1537 = arith.constant 1 : i32
    %roll3A_1538 = tpu.dynamic_rotate %select_n3A_1525 by %roll3A_1537 dim 2 : vector<2x256x128xf32>, i32 -> vector<2x256x128xf32>
    %min3A_1539 = arith.minimumf %select_n3A_1525, %roll3A_1536 : vector<2x256x128xf32>
    %max3A_1540 = arith.maximumf %select_n3A_1525, %roll3A_1538 : vector<2x256x128xf32>
    %broadcast_in_dim3A_1541 = vector.shape_cast %eq3A_46 : vector<1x1x128xi1> to vector<1x1x128xi1>
    %broadcast_in_dim3A_1542 = vector.broadcast %broadcast_in_dim3A_1541 : vector<1x1x128xi1> to vector<2x256x128xi1>
    %select_n3A_1543 = arith.select %broadcast_in_dim3A_1542, %min3A_1539, %max3A_1540 : vector<2x256x128xi1>, vector<2x256x128xf32>
    %roll3A_1544 = arith.constant 252 : i32
    %roll3A_1545 = tpu.dynamic_rotate %select_n3A_1534 by %roll3A_1544 dim 1 : vector<2x256x128xf32>, i32 -> vector<2x256x128xf32>
    %roll3A_1546 = arith.constant 4 : i32
    %roll3A_1547 = tpu.dynamic_rotate %select_n3A_1534 by %roll3A_1546 dim 1 : vector<2x256x128xf32>, i32 -> vector<2x256x128xf32>
    %min3A_1548 = arith.minimumf %select_n3A_1534, %roll3A_1545 : vector<2x256x128xf32>
    %max3A_1549 = arith.maximumf %select_n3A_1534, %roll3A_1547 : vector<2x256x128xf32>
    %broadcast_in_dim3A_1550 = vector.shape_cast %eq3A_40 : vector<1x256x1xi1> to vector<1x256x1xi1>
    %broadcast_in_dim3A_1551 = vector.broadcast %broadcast_in_dim3A_1550 : vector<1x256x1xi1> to vector<2x256x128xi1>
    %select_n3A_1552 = arith.select %broadcast_in_dim3A_1551, %min3A_1548, %max3A_1549 : vector<2x256x128xi1>, vector<2x256x128xf32>
    %roll3A_1553 = arith.constant 252 : i32
    %roll3A_1554 = tpu.dynamic_rotate %select_n3A_1543 by %roll3A_1553 dim 1 : vector<2x256x128xf32>, i32 -> vector<2x256x128xf32>
    %roll3A_1555 = arith.constant 4 : i32
    %roll3A_1556 = tpu.dynamic_rotate %select_n3A_1543 by %roll3A_1555 dim 1 : vector<2x256x128xf32>, i32 -> vector<2x256x128xf32>
    %min3A_1557 = arith.minimumf %select_n3A_1543, %roll3A_1554 : vector<2x256x128xf32>
    %max3A_1558 = arith.maximumf %select_n3A_1543, %roll3A_1556 : vector<2x256x128xf32>
    %broadcast_in_dim3A_1559 = vector.shape_cast %eq3A_40 : vector<1x256x1xi1> to vector<1x256x1xi1>
    %broadcast_in_dim3A_1560 = vector.broadcast %broadcast_in_dim3A_1559 : vector<1x256x1xi1> to vector<2x256x128xi1>
    %select_n3A_1561 = arith.select %broadcast_in_dim3A_1560, %min3A_1557, %max3A_1558 : vector<2x256x128xi1>, vector<2x256x128xf32>
    %roll3A_1562 = arith.constant 254 : i32
    %roll3A_1563 = tpu.dynamic_rotate %select_n3A_1552 by %roll3A_1562 dim 1 : vector<2x256x128xf32>, i32 -> vector<2x256x128xf32>
    %roll3A_1564 = arith.constant 2 : i32
    %roll3A_1565 = tpu.dynamic_rotate %select_n3A_1552 by %roll3A_1564 dim 1 : vector<2x256x128xf32>, i32 -> vector<2x256x128xf32>
    %min3A_1566 = arith.minimumf %select_n3A_1552, %roll3A_1563 : vector<2x256x128xf32>
    %max3A_1567 = arith.maximumf %select_n3A_1552, %roll3A_1565 : vector<2x256x128xf32>
    %broadcast_in_dim3A_1568 = vector.shape_cast %eq3A_34 : vector<1x256x1xi1> to vector<1x256x1xi1>
    %broadcast_in_dim3A_1569 = vector.broadcast %broadcast_in_dim3A_1568 : vector<1x256x1xi1> to vector<2x256x128xi1>
    %select_n3A_1570 = arith.select %broadcast_in_dim3A_1569, %min3A_1566, %max3A_1567 : vector<2x256x128xi1>, vector<2x256x128xf32>
    %roll3A_1571 = arith.constant 254 : i32
    %roll3A_1572 = tpu.dynamic_rotate %select_n3A_1561 by %roll3A_1571 dim 1 : vector<2x256x128xf32>, i32 -> vector<2x256x128xf32>
    %roll3A_1573 = arith.constant 2 : i32
    %roll3A_1574 = tpu.dynamic_rotate %select_n3A_1561 by %roll3A_1573 dim 1 : vector<2x256x128xf32>, i32 -> vector<2x256x128xf32>
    %min3A_1575 = arith.minimumf %select_n3A_1561, %roll3A_1572 : vector<2x256x128xf32>
    %max3A_1576 = arith.maximumf %select_n3A_1561, %roll3A_1574 : vector<2x256x128xf32>
    %broadcast_in_dim3A_1577 = vector.shape_cast %eq3A_34 : vector<1x256x1xi1> to vector<1x256x1xi1>
    %broadcast_in_dim3A_1578 = vector.broadcast %broadcast_in_dim3A_1577 : vector<1x256x1xi1> to vector<2x256x128xi1>
    %select_n3A_1579 = arith.select %broadcast_in_dim3A_1578, %min3A_1575, %max3A_1576 : vector<2x256x128xi1>, vector<2x256x128xf32>
    %roll3A_1580 = arith.constant 255 : i32
    %roll3A_1581 = tpu.dynamic_rotate %select_n3A_1570 by %roll3A_1580 dim 1 : vector<2x256x128xf32>, i32 -> vector<2x256x128xf32>
    %roll3A_1582 = arith.constant 1 : i32
    %roll3A_1583 = tpu.dynamic_rotate %select_n3A_1570 by %roll3A_1582 dim 1 : vector<2x256x128xf32>, i32 -> vector<2x256x128xf32>
    %min3A_1584 = arith.minimumf %select_n3A_1570, %roll3A_1581 : vector<2x256x128xf32>
    %max3A_1585 = arith.maximumf %select_n3A_1570, %roll3A_1583 : vector<2x256x128xf32>
    %broadcast_in_dim3A_1586 = vector.shape_cast %eq3A_28 : vector<1x256x1xi1> to vector<1x256x1xi1>
    %broadcast_in_dim3A_1587 = vector.broadcast %broadcast_in_dim3A_1586 : vector<1x256x1xi1> to vector<2x256x128xi1>
    %select_n3A_1588 = arith.select %broadcast_in_dim3A_1587, %min3A_1584, %max3A_1585 : vector<2x256x128xi1>, vector<2x256x128xf32>
    %roll3A_1589 = arith.constant 255 : i32
    %roll3A_1590 = tpu.dynamic_rotate %select_n3A_1579 by %roll3A_1589 dim 1 : vector<2x256x128xf32>, i32 -> vector<2x256x128xf32>
    %roll3A_1591 = arith.constant 1 : i32
    %roll3A_1592 = tpu.dynamic_rotate %select_n3A_1579 by %roll3A_1591 dim 1 : vector<2x256x128xf32>, i32 -> vector<2x256x128xf32>
    %min3A_1593 = arith.minimumf %select_n3A_1579, %roll3A_1590 : vector<2x256x128xf32>
    %max3A_1594 = arith.maximumf %select_n3A_1579, %roll3A_1592 : vector<2x256x128xf32>
    %broadcast_in_dim3A_1595 = vector.shape_cast %eq3A_28 : vector<1x256x1xi1> to vector<1x256x1xi1>
    %broadcast_in_dim3A_1596 = vector.broadcast %broadcast_in_dim3A_1595 : vector<1x256x1xi1> to vector<2x256x128xi1>
    %select_n3A_1597 = arith.select %broadcast_in_dim3A_1596, %min3A_1593, %max3A_1594 : vector<2x256x128xi1>, vector<2x256x128xf32>
    %reshape3A_1598 = vector.shape_cast %select_n3A_1588 : vector<2x256x128xf32> to vector<2x1x2x128x128xf32>
    %slice3A_1599 = vector.extract_strided_slice %reshape3A_1598 {offsets = [0, 0, 0, 0, 0], sizes = [2, 1, 1, 128, 128], strides = [1, 1, 1, 1, 1]} : vector<2x1x2x128x128xf32> to vector<2x1x1x128x128xf32>
    %squeeze3A_1600 = vector.shape_cast %slice3A_1599 : vector<2x1x1x128x128xf32> to vector<2x1x128x128xf32>
    %slice3A_1601 = vector.extract_strided_slice %reshape3A_1598 {offsets = [0, 0, 1, 0, 0], sizes = [2, 1, 1, 128, 128], strides = [1, 1, 1, 1, 1]} : vector<2x1x2x128x128xf32> to vector<2x1x1x128x128xf32>
    %squeeze3A_1602 = vector.shape_cast %slice3A_1601 : vector<2x1x1x128x128xf32> to vector<2x1x128x128xf32>
    %min3A_1603 = arith.minimumf %squeeze3A_1600, %squeeze3A_1602 : vector<2x1x128x128xf32>
    %max3A_1604 = arith.maximumf %squeeze3A_1600, %squeeze3A_1602 : vector<2x1x128x128xf32>
    %broadcast_in_dim3A_1605 = vector.shape_cast %min3A_1603 : vector<2x1x128x128xf32> to vector<2x1x1x128x128xf32>
    %broadcast_in_dim3A_1606 = vector.shape_cast %max3A_1604 : vector<2x1x128x128xf32> to vector<2x1x1x128x128xf32>
    %concatenate3A_1607 = tpu.concatenate %broadcast_in_dim3A_1605, %broadcast_in_dim3A_1606 in 2 : vector<2x1x1x128x128xf32>, vector<2x1x1x128x128xf32> -> vector<2x1x2x128x128xf32>
    %reshape3A_1608 = vector.shape_cast %concatenate3A_1607 : vector<2x1x2x128x128xf32> to vector<2x256x128xf32>
    %reshape3A_1609 = vector.shape_cast %select_n3A_1597 : vector<2x256x128xf32> to vector<2x1x2x128x128xf32>
    %slice3A_1610 = vector.extract_strided_slice %reshape3A_1609 {offsets = [0, 0, 0, 0, 0], sizes = [2, 1, 1, 128, 128], strides = [1, 1, 1, 1, 1]} : vector<2x1x2x128x128xf32> to vector<2x1x1x128x128xf32>
    %squeeze3A_1611 = vector.shape_cast %slice3A_1610 : vector<2x1x1x128x128xf32> to vector<2x1x128x128xf32>
    %slice3A_1612 = vector.extract_strided_slice %reshape3A_1609 {offsets = [0, 0, 1, 0, 0], sizes = [2, 1, 1, 128, 128], strides = [1, 1, 1, 1, 1]} : vector<2x1x2x128x128xf32> to vector<2x1x1x128x128xf32>
    %squeeze3A_1613 = vector.shape_cast %slice3A_1612 : vector<2x1x1x128x128xf32> to vector<2x1x128x128xf32>
    %min3A_1614 = arith.minimumf %squeeze3A_1611, %squeeze3A_1613 : vector<2x1x128x128xf32>
    %max3A_1615 = arith.maximumf %squeeze3A_1611, %squeeze3A_1613 : vector<2x1x128x128xf32>
    %broadcast_in_dim3A_1616 = vector.shape_cast %min3A_1614 : vector<2x1x128x128xf32> to vector<2x1x1x128x128xf32>
    %broadcast_in_dim3A_1617 = vector.shape_cast %max3A_1615 : vector<2x1x128x128xf32> to vector<2x1x1x128x128xf32>
    %concatenate3A_1618 = tpu.concatenate %broadcast_in_dim3A_1616, %broadcast_in_dim3A_1617 in 2 : vector<2x1x1x128x128xf32>, vector<2x1x1x128x128xf32> -> vector<2x1x2x128x128xf32>
    %reshape3A_1619 = vector.shape_cast %concatenate3A_1618 : vector<2x1x2x128x128xf32> to vector<2x256x128xf32>
    %reshape3A_1620 = vector.shape_cast %reshape3A_1608 : vector<2x256x128xf32> to vector<2x2x2x64x128xf32>
    %slice3A_1621 = vector.extract_strided_slice %reshape3A_1620 {offsets = [0, 0, 0, 0, 0], sizes = [2, 2, 1, 64, 128], strides = [1, 1, 1, 1, 1]} : vector<2x2x2x64x128xf32> to vector<2x2x1x64x128xf32>
    %squeeze3A_1622 = vector.shape_cast %slice3A_1621 : vector<2x2x1x64x128xf32> to vector<2x2x64x128xf32>
    %slice3A_1623 = vector.extract_strided_slice %reshape3A_1620 {offsets = [0, 0, 1, 0, 0], sizes = [2, 2, 1, 64, 128], strides = [1, 1, 1, 1, 1]} : vector<2x2x2x64x128xf32> to vector<2x2x1x64x128xf32>
    %squeeze3A_1624 = vector.shape_cast %slice3A_1623 : vector<2x2x1x64x128xf32> to vector<2x2x64x128xf32>
    %min3A_1625 = arith.minimumf %squeeze3A_1622, %squeeze3A_1624 : vector<2x2x64x128xf32>
    %max3A_1626 = arith.maximumf %squeeze3A_1622, %squeeze3A_1624 : vector<2x2x64x128xf32>
    %broadcast_in_dim3A_1627 = vector.shape_cast %min3A_1625 : vector<2x2x64x128xf32> to vector<2x2x1x64x128xf32>
    %broadcast_in_dim3A_1628 = vector.shape_cast %max3A_1626 : vector<2x2x64x128xf32> to vector<2x2x1x64x128xf32>
    %concatenate3A_1629 = tpu.concatenate %broadcast_in_dim3A_1627, %broadcast_in_dim3A_1628 in 2 : vector<2x2x1x64x128xf32>, vector<2x2x1x64x128xf32> -> vector<2x2x2x64x128xf32>
    %reshape3A_1630 = vector.shape_cast %concatenate3A_1629 : vector<2x2x2x64x128xf32> to vector<2x256x128xf32>
    %reshape3A_1631 = vector.shape_cast %reshape3A_1619 : vector<2x256x128xf32> to vector<2x2x2x64x128xf32>
    %slice3A_1632 = vector.extract_strided_slice %reshape3A_1631 {offsets = [0, 0, 0, 0, 0], sizes = [2, 2, 1, 64, 128], strides = [1, 1, 1, 1, 1]} : vector<2x2x2x64x128xf32> to vector<2x2x1x64x128xf32>
    %squeeze3A_1633 = vector.shape_cast %slice3A_1632 : vector<2x2x1x64x128xf32> to vector<2x2x64x128xf32>
    %slice3A_1634 = vector.extract_strided_slice %reshape3A_1631 {offsets = [0, 0, 1, 0, 0], sizes = [2, 2, 1, 64, 128], strides = [1, 1, 1, 1, 1]} : vector<2x2x2x64x128xf32> to vector<2x2x1x64x128xf32>
    %squeeze3A_1635 = vector.shape_cast %slice3A_1634 : vector<2x2x1x64x128xf32> to vector<2x2x64x128xf32>
    %min3A_1636 = arith.minimumf %squeeze3A_1633, %squeeze3A_1635 : vector<2x2x64x128xf32>
    %max3A_1637 = arith.maximumf %squeeze3A_1633, %squeeze3A_1635 : vector<2x2x64x128xf32>
    %broadcast_in_dim3A_1638 = vector.shape_cast %min3A_1636 : vector<2x2x64x128xf32> to vector<2x2x1x64x128xf32>
    %broadcast_in_dim3A_1639 = vector.shape_cast %max3A_1637 : vector<2x2x64x128xf32> to vector<2x2x1x64x128xf32>
    %concatenate3A_1640 = tpu.concatenate %broadcast_in_dim3A_1638, %broadcast_in_dim3A_1639 in 2 : vector<2x2x1x64x128xf32>, vector<2x2x1x64x128xf32> -> vector<2x2x2x64x128xf32>
    %reshape3A_1641 = vector.shape_cast %concatenate3A_1640 : vector<2x2x2x64x128xf32> to vector<2x256x128xf32>
    %reshape3A_1642 = vector.shape_cast %reshape3A_1630 : vector<2x256x128xf32> to vector<2x4x2x32x128xf32>
    %slice3A_1643 = vector.extract_strided_slice %reshape3A_1642 {offsets = [0, 0, 0, 0, 0], sizes = [2, 4, 1, 32, 128], strides = [1, 1, 1, 1, 1]} : vector<2x4x2x32x128xf32> to vector<2x4x1x32x128xf32>
    %squeeze3A_1644 = vector.shape_cast %slice3A_1643 : vector<2x4x1x32x128xf32> to vector<2x4x32x128xf32>
    %slice3A_1645 = vector.extract_strided_slice %reshape3A_1642 {offsets = [0, 0, 1, 0, 0], sizes = [2, 4, 1, 32, 128], strides = [1, 1, 1, 1, 1]} : vector<2x4x2x32x128xf32> to vector<2x4x1x32x128xf32>
    %squeeze3A_1646 = vector.shape_cast %slice3A_1645 : vector<2x4x1x32x128xf32> to vector<2x4x32x128xf32>
    %min3A_1647 = arith.minimumf %squeeze3A_1644, %squeeze3A_1646 : vector<2x4x32x128xf32>
    %max3A_1648 = arith.maximumf %squeeze3A_1644, %squeeze3A_1646 : vector<2x4x32x128xf32>
    %broadcast_in_dim3A_1649 = vector.shape_cast %min3A_1647 : vector<2x4x32x128xf32> to vector<2x4x1x32x128xf32>
    %broadcast_in_dim3A_1650 = vector.shape_cast %max3A_1648 : vector<2x4x32x128xf32> to vector<2x4x1x32x128xf32>
    %concatenate3A_1651 = tpu.concatenate %broadcast_in_dim3A_1649, %broadcast_in_dim3A_1650 in 2 : vector<2x4x1x32x128xf32>, vector<2x4x1x32x128xf32> -> vector<2x4x2x32x128xf32>
    %reshape3A_1652 = vector.shape_cast %concatenate3A_1651 : vector<2x4x2x32x128xf32> to vector<2x256x128xf32>
    %reshape3A_1653 = vector.shape_cast %reshape3A_1641 : vector<2x256x128xf32> to vector<2x4x2x32x128xf32>
    %slice3A_1654 = vector.extract_strided_slice %reshape3A_1653 {offsets = [0, 0, 0, 0, 0], sizes = [2, 4, 1, 32, 128], strides = [1, 1, 1, 1, 1]} : vector<2x4x2x32x128xf32> to vector<2x4x1x32x128xf32>
    %squeeze3A_1655 = vector.shape_cast %slice3A_1654 : vector<2x4x1x32x128xf32> to vector<2x4x32x128xf32>
    %slice3A_1656 = vector.extract_strided_slice %reshape3A_1653 {offsets = [0, 0, 1, 0, 0], sizes = [2, 4, 1, 32, 128], strides = [1, 1, 1, 1, 1]} : vector<2x4x2x32x128xf32> to vector<2x4x1x32x128xf32>
    %squeeze3A_1657 = vector.shape_cast %slice3A_1656 : vector<2x4x1x32x128xf32> to vector<2x4x32x128xf32>
    %min3A_1658 = arith.minimumf %squeeze3A_1655, %squeeze3A_1657 : vector<2x4x32x128xf32>
    %max3A_1659 = arith.maximumf %squeeze3A_1655, %squeeze3A_1657 : vector<2x4x32x128xf32>
    %broadcast_in_dim3A_1660 = vector.shape_cast %min3A_1658 : vector<2x4x32x128xf32> to vector<2x4x1x32x128xf32>
    %broadcast_in_dim3A_1661 = vector.shape_cast %max3A_1659 : vector<2x4x32x128xf32> to vector<2x4x1x32x128xf32>
    %concatenate3A_1662 = tpu.concatenate %broadcast_in_dim3A_1660, %broadcast_in_dim3A_1661 in 2 : vector<2x4x1x32x128xf32>, vector<2x4x1x32x128xf32> -> vector<2x4x2x32x128xf32>
    %reshape3A_1663 = vector.shape_cast %concatenate3A_1662 : vector<2x4x2x32x128xf32> to vector<2x256x128xf32>
    %reshape3A_1664 = vector.shape_cast %reshape3A_1652 : vector<2x256x128xf32> to vector<2x8x2x16x128xf32>
    %slice3A_1665 = vector.extract_strided_slice %reshape3A_1664 {offsets = [0, 0, 0, 0, 0], sizes = [2, 8, 1, 16, 128], strides = [1, 1, 1, 1, 1]} : vector<2x8x2x16x128xf32> to vector<2x8x1x16x128xf32>
    %squeeze3A_1666 = vector.shape_cast %slice3A_1665 : vector<2x8x1x16x128xf32> to vector<2x8x16x128xf32>
    %slice3A_1667 = vector.extract_strided_slice %reshape3A_1664 {offsets = [0, 0, 1, 0, 0], sizes = [2, 8, 1, 16, 128], strides = [1, 1, 1, 1, 1]} : vector<2x8x2x16x128xf32> to vector<2x8x1x16x128xf32>
    %squeeze3A_1668 = vector.shape_cast %slice3A_1667 : vector<2x8x1x16x128xf32> to vector<2x8x16x128xf32>
    %min3A_1669 = arith.minimumf %squeeze3A_1666, %squeeze3A_1668 : vector<2x8x16x128xf32>
    %max3A_1670 = arith.maximumf %squeeze3A_1666, %squeeze3A_1668 : vector<2x8x16x128xf32>
    %broadcast_in_dim3A_1671 = vector.shape_cast %min3A_1669 : vector<2x8x16x128xf32> to vector<2x8x1x16x128xf32>
    %broadcast_in_dim3A_1672 = vector.shape_cast %max3A_1670 : vector<2x8x16x128xf32> to vector<2x8x1x16x128xf32>
    %concatenate3A_1673 = tpu.concatenate %broadcast_in_dim3A_1671, %broadcast_in_dim3A_1672 in 2 : vector<2x8x1x16x128xf32>, vector<2x8x1x16x128xf32> -> vector<2x8x2x16x128xf32>
    %reshape3A_1674 = vector.shape_cast %concatenate3A_1673 : vector<2x8x2x16x128xf32> to vector<2x256x128xf32>
    %reshape3A_1675 = vector.shape_cast %reshape3A_1663 : vector<2x256x128xf32> to vector<2x8x2x16x128xf32>
    %slice3A_1676 = vector.extract_strided_slice %reshape3A_1675 {offsets = [0, 0, 0, 0, 0], sizes = [2, 8, 1, 16, 128], strides = [1, 1, 1, 1, 1]} : vector<2x8x2x16x128xf32> to vector<2x8x1x16x128xf32>
    %squeeze3A_1677 = vector.shape_cast %slice3A_1676 : vector<2x8x1x16x128xf32> to vector<2x8x16x128xf32>
    %slice3A_1678 = vector.extract_strided_slice %reshape3A_1675 {offsets = [0, 0, 1, 0, 0], sizes = [2, 8, 1, 16, 128], strides = [1, 1, 1, 1, 1]} : vector<2x8x2x16x128xf32> to vector<2x8x1x16x128xf32>
    %squeeze3A_1679 = vector.shape_cast %slice3A_1678 : vector<2x8x1x16x128xf32> to vector<2x8x16x128xf32>
    %min3A_1680 = arith.minimumf %squeeze3A_1677, %squeeze3A_1679 : vector<2x8x16x128xf32>
    %max3A_1681 = arith.maximumf %squeeze3A_1677, %squeeze3A_1679 : vector<2x8x16x128xf32>
    %broadcast_in_dim3A_1682 = vector.shape_cast %min3A_1680 : vector<2x8x16x128xf32> to vector<2x8x1x16x128xf32>
    %broadcast_in_dim3A_1683 = vector.shape_cast %max3A_1681 : vector<2x8x16x128xf32> to vector<2x8x1x16x128xf32>
    %concatenate3A_1684 = tpu.concatenate %broadcast_in_dim3A_1682, %broadcast_in_dim3A_1683 in 2 : vector<2x8x1x16x128xf32>, vector<2x8x1x16x128xf32> -> vector<2x8x2x16x128xf32>
    %reshape3A_1685 = vector.shape_cast %concatenate3A_1684 : vector<2x8x2x16x128xf32> to vector<2x256x128xf32>
    %reshape3A_1686 = vector.shape_cast %reshape3A_1674 : vector<2x256x128xf32> to vector<2x16x2x8x128xf32>
    %slice3A_1687 = vector.extract_strided_slice %reshape3A_1686 {offsets = [0, 0, 0, 0, 0], sizes = [2, 16, 1, 8, 128], strides = [1, 1, 1, 1, 1]} : vector<2x16x2x8x128xf32> to vector<2x16x1x8x128xf32>
    %squeeze3A_1688 = vector.shape_cast %slice3A_1687 : vector<2x16x1x8x128xf32> to vector<2x16x8x128xf32>
    %slice3A_1689 = vector.extract_strided_slice %reshape3A_1686 {offsets = [0, 0, 1, 0, 0], sizes = [2, 16, 1, 8, 128], strides = [1, 1, 1, 1, 1]} : vector<2x16x2x8x128xf32> to vector<2x16x1x8x128xf32>
    %squeeze3A_1690 = vector.shape_cast %slice3A_1689 : vector<2x16x1x8x128xf32> to vector<2x16x8x128xf32>
    %min3A_1691 = arith.minimumf %squeeze3A_1688, %squeeze3A_1690 : vector<2x16x8x128xf32>
    %max3A_1692 = arith.maximumf %squeeze3A_1688, %squeeze3A_1690 : vector<2x16x8x128xf32>
    %broadcast_in_dim3A_1693 = vector.shape_cast %min3A_1691 : vector<2x16x8x128xf32> to vector<2x16x1x8x128xf32>
    %broadcast_in_dim3A_1694 = vector.shape_cast %max3A_1692 : vector<2x16x8x128xf32> to vector<2x16x1x8x128xf32>
    %concatenate3A_1695 = tpu.concatenate %broadcast_in_dim3A_1693, %broadcast_in_dim3A_1694 in 2 : vector<2x16x1x8x128xf32>, vector<2x16x1x8x128xf32> -> vector<2x16x2x8x128xf32>
    %reshape3A_1696 = vector.shape_cast %concatenate3A_1695 : vector<2x16x2x8x128xf32> to vector<2x256x128xf32>
    %reshape3A_1697 = vector.shape_cast %reshape3A_1685 : vector<2x256x128xf32> to vector<2x16x2x8x128xf32>
    %slice3A_1698 = vector.extract_strided_slice %reshape3A_1697 {offsets = [0, 0, 0, 0, 0], sizes = [2, 16, 1, 8, 128], strides = [1, 1, 1, 1, 1]} : vector<2x16x2x8x128xf32> to vector<2x16x1x8x128xf32>
    %squeeze3A_1699 = vector.shape_cast %slice3A_1698 : vector<2x16x1x8x128xf32> to vector<2x16x8x128xf32>
    %slice3A_1700 = vector.extract_strided_slice %reshape3A_1697 {offsets = [0, 0, 1, 0, 0], sizes = [2, 16, 1, 8, 128], strides = [1, 1, 1, 1, 1]} : vector<2x16x2x8x128xf32> to vector<2x16x1x8x128xf32>
    %squeeze3A_1701 = vector.shape_cast %slice3A_1700 : vector<2x16x1x8x128xf32> to vector<2x16x8x128xf32>
    %min3A_1702 = arith.minimumf %squeeze3A_1699, %squeeze3A_1701 : vector<2x16x8x128xf32>
    %max3A_1703 = arith.maximumf %squeeze3A_1699, %squeeze3A_1701 : vector<2x16x8x128xf32>
    %broadcast_in_dim3A_1704 = vector.shape_cast %min3A_1702 : vector<2x16x8x128xf32> to vector<2x16x1x8x128xf32>
    %broadcast_in_dim3A_1705 = vector.shape_cast %max3A_1703 : vector<2x16x8x128xf32> to vector<2x16x1x8x128xf32>
    %concatenate3A_1706 = tpu.concatenate %broadcast_in_dim3A_1704, %broadcast_in_dim3A_1705 in 2 : vector<2x16x1x8x128xf32>, vector<2x16x1x8x128xf32> -> vector<2x16x2x8x128xf32>
    %reshape3A_1707 = vector.shape_cast %concatenate3A_1706 : vector<2x16x2x8x128xf32> to vector<2x256x128xf32>
    %and3A_1708 = arith.constant 2048 : i32
    %and3A_1709 = vector.broadcast %and3A_1708 : i32 to vector<1x256x128xi32>
    %and3A_1710 = arith.andi %or3A_10, %and3A_1709 : vector<1x256x128xi32>
    %eq3A_1711 = arith.constant 0 : i32
    %eq3A_1712 = vector.broadcast %eq3A_1711 : i32 to vector<1x256x128xi32>
    %eq3A_1713 = arith.cmpi eq, %and3A_1710, %eq3A_1712 : vector<1x256x128xi32>
    %and3A_1714 = arith.constant 4096 : i32
    %and3A_1715 = vector.broadcast %and3A_1714 : i32 to vector<1x256x128xi32>
    %and3A_1716 = arith.andi %or3A_10, %and3A_1715 : vector<1x256x128xi32>
    %eq3A_1717 = arith.constant 0 : i32
    %eq3A_1718 = vector.broadcast %eq3A_1717 : i32 to vector<1x256x128xi32>
    %eq3A_1719 = arith.cmpi eq, %and3A_1716, %eq3A_1718 : vector<1x256x128xi32>
    %ne3A_1720 = arith.xori %eq3A_1713, %eq3A_1719 : vector<1x256x128xi1>
    %neg3A_1721 = arith.constant 0.000000e+00 : f32
    %neg3A_1722 = vector.broadcast %neg3A_1721 : f32 to vector<2x256x128xf32>
    %neg3A_1723 = arith.subf %neg3A_1722, %reshape3A_1696 : vector<2x256x128xf32>
    %broadcast_in_dim3A_1724 = vector.shape_cast %ne3A_1720 : vector<1x256x128xi1> to vector<1x256x128xi1>
    %broadcast_in_dim3A_1725 = vector.broadcast %broadcast_in_dim3A_1724 : vector<1x256x128xi1> to vector<2x256x128xi1>
    %select_n3A_1726 = arith.select %broadcast_in_dim3A_1725, %neg3A_1723, %reshape3A_1696 : vector<2x256x128xi1>, vector<2x256x128xf32>
    %neg3A_1727 = arith.constant 0.000000e+00 : f32
    %neg3A_1728 = vector.broadcast %neg3A_1727 : f32 to vector<2x256x128xf32>
    %neg3A_1729 = arith.subf %neg3A_1728, %reshape3A_1707 : vector<2x256x128xf32>
    %broadcast_in_dim3A_1730 = vector.shape_cast %ne3A_1720 : vector<1x256x128xi1> to vector<1x256x128xi1>
    %broadcast_in_dim3A_1731 = vector.broadcast %broadcast_in_dim3A_1730 : vector<1x256x128xi1> to vector<2x256x128xi1>
    %select_n3A_1732 = arith.select %broadcast_in_dim3A_1731, %neg3A_1729, %reshape3A_1707 : vector<2x256x128xi1>, vector<2x256x128xf32>
    %roll3A_1733 = arith.constant 120 : i32
    %roll3A_1734 = tpu.dynamic_rotate %select_n3A_1726 by %roll3A_1733 dim 2 : vector<2x256x128xf32>, i32 -> vector<2x256x128xf32>
    %roll3A_1735 = arith.constant 8 : i32
    %roll3A_1736 = tpu.dynamic_rotate %select_n3A_1726 by %roll3A_1735 dim 2 : vector<2x256x128xf32>, i32 -> vector<2x256x128xf32>
    %min3A_1737 = arith.minimumf %select_n3A_1726, %roll3A_1734 : vector<2x256x128xf32>
    %max3A_1738 = arith.maximumf %select_n3A_1726, %roll3A_1736 : vector<2x256x128xf32>
    %broadcast_in_dim3A_1739 = vector.shape_cast %eq3A_64 : vector<1x1x128xi1> to vector<1x1x128xi1>
    %broadcast_in_dim3A_1740 = vector.broadcast %broadcast_in_dim3A_1739 : vector<1x1x128xi1> to vector<2x256x128xi1>
    %select_n3A_1741 = arith.select %broadcast_in_dim3A_1740, %min3A_1737, %max3A_1738 : vector<2x256x128xi1>, vector<2x256x128xf32>
    %roll3A_1742 = arith.constant 120 : i32
    %roll3A_1743 = tpu.dynamic_rotate %select_n3A_1732 by %roll3A_1742 dim 2 : vector<2x256x128xf32>, i32 -> vector<2x256x128xf32>
    %roll3A_1744 = arith.constant 8 : i32
    %roll3A_1745 = tpu.dynamic_rotate %select_n3A_1732 by %roll3A_1744 dim 2 : vector<2x256x128xf32>, i32 -> vector<2x256x128xf32>
    %min3A_1746 = arith.minimumf %select_n3A_1732, %roll3A_1743 : vector<2x256x128xf32>
    %max3A_1747 = arith.maximumf %select_n3A_1732, %roll3A_1745 : vector<2x256x128xf32>
    %broadcast_in_dim3A_1748 = vector.shape_cast %eq3A_64 : vector<1x1x128xi1> to vector<1x1x128xi1>
    %broadcast_in_dim3A_1749 = vector.broadcast %broadcast_in_dim3A_1748 : vector<1x1x128xi1> to vector<2x256x128xi1>
    %select_n3A_1750 = arith.select %broadcast_in_dim3A_1749, %min3A_1746, %max3A_1747 : vector<2x256x128xi1>, vector<2x256x128xf32>
    %roll3A_1751 = arith.constant 124 : i32
    %roll3A_1752 = tpu.dynamic_rotate %select_n3A_1741 by %roll3A_1751 dim 2 : vector<2x256x128xf32>, i32 -> vector<2x256x128xf32>
    %roll3A_1753 = arith.constant 4 : i32
    %roll3A_1754 = tpu.dynamic_rotate %select_n3A_1741 by %roll3A_1753 dim 2 : vector<2x256x128xf32>, i32 -> vector<2x256x128xf32>
    %min3A_1755 = arith.minimumf %select_n3A_1741, %roll3A_1752 : vector<2x256x128xf32>
    %max3A_1756 = arith.maximumf %select_n3A_1741, %roll3A_1754 : vector<2x256x128xf32>
    %broadcast_in_dim3A_1757 = vector.shape_cast %eq3A_58 : vector<1x1x128xi1> to vector<1x1x128xi1>
    %broadcast_in_dim3A_1758 = vector.broadcast %broadcast_in_dim3A_1757 : vector<1x1x128xi1> to vector<2x256x128xi1>
    %select_n3A_1759 = arith.select %broadcast_in_dim3A_1758, %min3A_1755, %max3A_1756 : vector<2x256x128xi1>, vector<2x256x128xf32>
    %roll3A_1760 = arith.constant 124 : i32
    %roll3A_1761 = tpu.dynamic_rotate %select_n3A_1750 by %roll3A_1760 dim 2 : vector<2x256x128xf32>, i32 -> vector<2x256x128xf32>
    %roll3A_1762 = arith.constant 4 : i32
    %roll3A_1763 = tpu.dynamic_rotate %select_n3A_1750 by %roll3A_1762 dim 2 : vector<2x256x128xf32>, i32 -> vector<2x256x128xf32>
    %min3A_1764 = arith.minimumf %select_n3A_1750, %roll3A_1761 : vector<2x256x128xf32>
    %max3A_1765 = arith.maximumf %select_n3A_1750, %roll3A_1763 : vector<2x256x128xf32>
    %broadcast_in_dim3A_1766 = vector.shape_cast %eq3A_58 : vector<1x1x128xi1> to vector<1x1x128xi1>
    %broadcast_in_dim3A_1767 = vector.broadcast %broadcast_in_dim3A_1766 : vector<1x1x128xi1> to vector<2x256x128xi1>
    %select_n3A_1768 = arith.select %broadcast_in_dim3A_1767, %min3A_1764, %max3A_1765 : vector<2x256x128xi1>, vector<2x256x128xf32>
    %roll3A_1769 = arith.constant 126 : i32
    %roll3A_1770 = tpu.dynamic_rotate %select_n3A_1759 by %roll3A_1769 dim 2 : vector<2x256x128xf32>, i32 -> vector<2x256x128xf32>
    %roll3A_1771 = arith.constant 2 : i32
    %roll3A_1772 = tpu.dynamic_rotate %select_n3A_1759 by %roll3A_1771 dim 2 : vector<2x256x128xf32>, i32 -> vector<2x256x128xf32>
    %min3A_1773 = arith.minimumf %select_n3A_1759, %roll3A_1770 : vector<2x256x128xf32>
    %max3A_1774 = arith.maximumf %select_n3A_1759, %roll3A_1772 : vector<2x256x128xf32>
    %broadcast_in_dim3A_1775 = vector.shape_cast %eq3A_52 : vector<1x1x128xi1> to vector<1x1x128xi1>
    %broadcast_in_dim3A_1776 = vector.broadcast %broadcast_in_dim3A_1775 : vector<1x1x128xi1> to vector<2x256x128xi1>
    %select_n3A_1777 = arith.select %broadcast_in_dim3A_1776, %min3A_1773, %max3A_1774 : vector<2x256x128xi1>, vector<2x256x128xf32>
    %roll3A_1778 = arith.constant 126 : i32
    %roll3A_1779 = tpu.dynamic_rotate %select_n3A_1768 by %roll3A_1778 dim 2 : vector<2x256x128xf32>, i32 -> vector<2x256x128xf32>
    %roll3A_1780 = arith.constant 2 : i32
    %roll3A_1781 = tpu.dynamic_rotate %select_n3A_1768 by %roll3A_1780 dim 2 : vector<2x256x128xf32>, i32 -> vector<2x256x128xf32>
    %min3A_1782 = arith.minimumf %select_n3A_1768, %roll3A_1779 : vector<2x256x128xf32>
    %max3A_1783 = arith.maximumf %select_n3A_1768, %roll3A_1781 : vector<2x256x128xf32>
    %broadcast_in_dim3A_1784 = vector.shape_cast %eq3A_52 : vector<1x1x128xi1> to vector<1x1x128xi1>
    %broadcast_in_dim3A_1785 = vector.broadcast %broadcast_in_dim3A_1784 : vector<1x1x128xi1> to vector<2x256x128xi1>
    %select_n3A_1786 = arith.select %broadcast_in_dim3A_1785, %min3A_1782, %max3A_1783 : vector<2x256x128xi1>, vector<2x256x128xf32>
    %roll3A_1787 = arith.constant 127 : i32
    %roll3A_1788 = tpu.dynamic_rotate %select_n3A_1777 by %roll3A_1787 dim 2 : vector<2x256x128xf32>, i32 -> vector<2x256x128xf32>
    %roll3A_1789 = arith.constant 1 : i32
    %roll3A_1790 = tpu.dynamic_rotate %select_n3A_1777 by %roll3A_1789 dim 2 : vector<2x256x128xf32>, i32 -> vector<2x256x128xf32>
    %min3A_1791 = arith.minimumf %select_n3A_1777, %roll3A_1788 : vector<2x256x128xf32>
    %max3A_1792 = arith.maximumf %select_n3A_1777, %roll3A_1790 : vector<2x256x128xf32>
    %broadcast_in_dim3A_1793 = vector.shape_cast %eq3A_46 : vector<1x1x128xi1> to vector<1x1x128xi1>
    %broadcast_in_dim3A_1794 = vector.broadcast %broadcast_in_dim3A_1793 : vector<1x1x128xi1> to vector<2x256x128xi1>
    %select_n3A_1795 = arith.select %broadcast_in_dim3A_1794, %min3A_1791, %max3A_1792 : vector<2x256x128xi1>, vector<2x256x128xf32>
    %roll3A_1796 = arith.constant 127 : i32
    %roll3A_1797 = tpu.dynamic_rotate %select_n3A_1786 by %roll3A_1796 dim 2 : vector<2x256x128xf32>, i32 -> vector<2x256x128xf32>
    %roll3A_1798 = arith.constant 1 : i32
    %roll3A_1799 = tpu.dynamic_rotate %select_n3A_1786 by %roll3A_1798 dim 2 : vector<2x256x128xf32>, i32 -> vector<2x256x128xf32>
    %min3A_1800 = arith.minimumf %select_n3A_1786, %roll3A_1797 : vector<2x256x128xf32>
    %max3A_1801 = arith.maximumf %select_n3A_1786, %roll3A_1799 : vector<2x256x128xf32>
    %broadcast_in_dim3A_1802 = vector.shape_cast %eq3A_46 : vector<1x1x128xi1> to vector<1x1x128xi1>
    %broadcast_in_dim3A_1803 = vector.broadcast %broadcast_in_dim3A_1802 : vector<1x1x128xi1> to vector<2x256x128xi1>
    %select_n3A_1804 = arith.select %broadcast_in_dim3A_1803, %min3A_1800, %max3A_1801 : vector<2x256x128xi1>, vector<2x256x128xf32>
    %roll3A_1805 = arith.constant 252 : i32
    %roll3A_1806 = tpu.dynamic_rotate %select_n3A_1795 by %roll3A_1805 dim 1 : vector<2x256x128xf32>, i32 -> vector<2x256x128xf32>
    %roll3A_1807 = arith.constant 4 : i32
    %roll3A_1808 = tpu.dynamic_rotate %select_n3A_1795 by %roll3A_1807 dim 1 : vector<2x256x128xf32>, i32 -> vector<2x256x128xf32>
    %min3A_1809 = arith.minimumf %select_n3A_1795, %roll3A_1806 : vector<2x256x128xf32>
    %max3A_1810 = arith.maximumf %select_n3A_1795, %roll3A_1808 : vector<2x256x128xf32>
    %broadcast_in_dim3A_1811 = vector.shape_cast %eq3A_40 : vector<1x256x1xi1> to vector<1x256x1xi1>
    %broadcast_in_dim3A_1812 = vector.broadcast %broadcast_in_dim3A_1811 : vector<1x256x1xi1> to vector<2x256x128xi1>
    %select_n3A_1813 = arith.select %broadcast_in_dim3A_1812, %min3A_1809, %max3A_1810 : vector<2x256x128xi1>, vector<2x256x128xf32>
    %roll3A_1814 = arith.constant 252 : i32
    %roll3A_1815 = tpu.dynamic_rotate %select_n3A_1804 by %roll3A_1814 dim 1 : vector<2x256x128xf32>, i32 -> vector<2x256x128xf32>
    %roll3A_1816 = arith.constant 4 : i32
    %roll3A_1817 = tpu.dynamic_rotate %select_n3A_1804 by %roll3A_1816 dim 1 : vector<2x256x128xf32>, i32 -> vector<2x256x128xf32>
    %min3A_1818 = arith.minimumf %select_n3A_1804, %roll3A_1815 : vector<2x256x128xf32>
    %max3A_1819 = arith.maximumf %select_n3A_1804, %roll3A_1817 : vector<2x256x128xf32>
    %broadcast_in_dim3A_1820 = vector.shape_cast %eq3A_40 : vector<1x256x1xi1> to vector<1x256x1xi1>
    %broadcast_in_dim3A_1821 = vector.broadcast %broadcast_in_dim3A_1820 : vector<1x256x1xi1> to vector<2x256x128xi1>
    %select_n3A_1822 = arith.select %broadcast_in_dim3A_1821, %min3A_1818, %max3A_1819 : vector<2x256x128xi1>, vector<2x256x128xf32>
    %roll3A_1823 = arith.constant 254 : i32
    %roll3A_1824 = tpu.dynamic_rotate %select_n3A_1813 by %roll3A_1823 dim 1 : vector<2x256x128xf32>, i32 -> vector<2x256x128xf32>
    %roll3A_1825 = arith.constant 2 : i32
    %roll3A_1826 = tpu.dynamic_rotate %select_n3A_1813 by %roll3A_1825 dim 1 : vector<2x256x128xf32>, i32 -> vector<2x256x128xf32>
    %min3A_1827 = arith.minimumf %select_n3A_1813, %roll3A_1824 : vector<2x256x128xf32>
    %max3A_1828 = arith.maximumf %select_n3A_1813, %roll3A_1826 : vector<2x256x128xf32>
    %broadcast_in_dim3A_1829 = vector.shape_cast %eq3A_34 : vector<1x256x1xi1> to vector<1x256x1xi1>
    %broadcast_in_dim3A_1830 = vector.broadcast %broadcast_in_dim3A_1829 : vector<1x256x1xi1> to vector<2x256x128xi1>
    %select_n3A_1831 = arith.select %broadcast_in_dim3A_1830, %min3A_1827, %max3A_1828 : vector<2x256x128xi1>, vector<2x256x128xf32>
    %roll3A_1832 = arith.constant 254 : i32
    %roll3A_1833 = tpu.dynamic_rotate %select_n3A_1822 by %roll3A_1832 dim 1 : vector<2x256x128xf32>, i32 -> vector<2x256x128xf32>
    %roll3A_1834 = arith.constant 2 : i32
    %roll3A_1835 = tpu.dynamic_rotate %select_n3A_1822 by %roll3A_1834 dim 1 : vector<2x256x128xf32>, i32 -> vector<2x256x128xf32>
    %min3A_1836 = arith.minimumf %select_n3A_1822, %roll3A_1833 : vector<2x256x128xf32>
    %max3A_1837 = arith.maximumf %select_n3A_1822, %roll3A_1835 : vector<2x256x128xf32>
    %broadcast_in_dim3A_1838 = vector.shape_cast %eq3A_34 : vector<1x256x1xi1> to vector<1x256x1xi1>
    %broadcast_in_dim3A_1839 = vector.broadcast %broadcast_in_dim3A_1838 : vector<1x256x1xi1> to vector<2x256x128xi1>
    %select_n3A_1840 = arith.select %broadcast_in_dim3A_1839, %min3A_1836, %max3A_1837 : vector<2x256x128xi1>, vector<2x256x128xf32>
    %roll3A_1841 = arith.constant 255 : i32
    %roll3A_1842 = tpu.dynamic_rotate %select_n3A_1831 by %roll3A_1841 dim 1 : vector<2x256x128xf32>, i32 -> vector<2x256x128xf32>
    %roll3A_1843 = arith.constant 1 : i32
    %roll3A_1844 = tpu.dynamic_rotate %select_n3A_1831 by %roll3A_1843 dim 1 : vector<2x256x128xf32>, i32 -> vector<2x256x128xf32>
    %min3A_1845 = arith.minimumf %select_n3A_1831, %roll3A_1842 : vector<2x256x128xf32>
    %max3A_1846 = arith.maximumf %select_n3A_1831, %roll3A_1844 : vector<2x256x128xf32>
    %broadcast_in_dim3A_1847 = vector.shape_cast %eq3A_28 : vector<1x256x1xi1> to vector<1x256x1xi1>
    %broadcast_in_dim3A_1848 = vector.broadcast %broadcast_in_dim3A_1847 : vector<1x256x1xi1> to vector<2x256x128xi1>
    %select_n3A_1849 = arith.select %broadcast_in_dim3A_1848, %min3A_1845, %max3A_1846 : vector<2x256x128xi1>, vector<2x256x128xf32>
    %roll3A_1850 = arith.constant 255 : i32
    %roll3A_1851 = tpu.dynamic_rotate %select_n3A_1840 by %roll3A_1850 dim 1 : vector<2x256x128xf32>, i32 -> vector<2x256x128xf32>
    %roll3A_1852 = arith.constant 1 : i32
    %roll3A_1853 = tpu.dynamic_rotate %select_n3A_1840 by %roll3A_1852 dim 1 : vector<2x256x128xf32>, i32 -> vector<2x256x128xf32>
    %min3A_1854 = arith.minimumf %select_n3A_1840, %roll3A_1851 : vector<2x256x128xf32>
    %max3A_1855 = arith.maximumf %select_n3A_1840, %roll3A_1853 : vector<2x256x128xf32>
    %broadcast_in_dim3A_1856 = vector.shape_cast %eq3A_28 : vector<1x256x1xi1> to vector<1x256x1xi1>
    %broadcast_in_dim3A_1857 = vector.broadcast %broadcast_in_dim3A_1856 : vector<1x256x1xi1> to vector<2x256x128xi1>
    %select_n3A_1858 = arith.select %broadcast_in_dim3A_1857, %min3A_1854, %max3A_1855 : vector<2x256x128xi1>, vector<2x256x128xf32>
    %reshape3A_1859 = vector.shape_cast %select_n3A_1849 : vector<2x256x128xf32> to vector<2x1x2x128x128xf32>
    %slice3A_1860 = vector.extract_strided_slice %reshape3A_1859 {offsets = [0, 0, 0, 0, 0], sizes = [2, 1, 1, 128, 128], strides = [1, 1, 1, 1, 1]} : vector<2x1x2x128x128xf32> to vector<2x1x1x128x128xf32>
    %squeeze3A_1861 = vector.shape_cast %slice3A_1860 : vector<2x1x1x128x128xf32> to vector<2x1x128x128xf32>
    %slice3A_1862 = vector.extract_strided_slice %reshape3A_1859 {offsets = [0, 0, 1, 0, 0], sizes = [2, 1, 1, 128, 128], strides = [1, 1, 1, 1, 1]} : vector<2x1x2x128x128xf32> to vector<2x1x1x128x128xf32>
    %squeeze3A_1863 = vector.shape_cast %slice3A_1862 : vector<2x1x1x128x128xf32> to vector<2x1x128x128xf32>
    %min3A_1864 = arith.minimumf %squeeze3A_1861, %squeeze3A_1863 : vector<2x1x128x128xf32>
    %max3A_1865 = arith.maximumf %squeeze3A_1861, %squeeze3A_1863 : vector<2x1x128x128xf32>
    %broadcast_in_dim3A_1866 = vector.shape_cast %min3A_1864 : vector<2x1x128x128xf32> to vector<2x1x1x128x128xf32>
    %broadcast_in_dim3A_1867 = vector.shape_cast %max3A_1865 : vector<2x1x128x128xf32> to vector<2x1x1x128x128xf32>
    %concatenate3A_1868 = tpu.concatenate %broadcast_in_dim3A_1866, %broadcast_in_dim3A_1867 in 2 : vector<2x1x1x128x128xf32>, vector<2x1x1x128x128xf32> -> vector<2x1x2x128x128xf32>
    %reshape3A_1869 = vector.shape_cast %concatenate3A_1868 : vector<2x1x2x128x128xf32> to vector<2x256x128xf32>
    %reshape3A_1870 = vector.shape_cast %select_n3A_1858 : vector<2x256x128xf32> to vector<2x1x2x128x128xf32>
    %slice3A_1871 = vector.extract_strided_slice %reshape3A_1870 {offsets = [0, 0, 0, 0, 0], sizes = [2, 1, 1, 128, 128], strides = [1, 1, 1, 1, 1]} : vector<2x1x2x128x128xf32> to vector<2x1x1x128x128xf32>
    %squeeze3A_1872 = vector.shape_cast %slice3A_1871 : vector<2x1x1x128x128xf32> to vector<2x1x128x128xf32>
    %slice3A_1873 = vector.extract_strided_slice %reshape3A_1870 {offsets = [0, 0, 1, 0, 0], sizes = [2, 1, 1, 128, 128], strides = [1, 1, 1, 1, 1]} : vector<2x1x2x128x128xf32> to vector<2x1x1x128x128xf32>
    %squeeze3A_1874 = vector.shape_cast %slice3A_1873 : vector<2x1x1x128x128xf32> to vector<2x1x128x128xf32>
    %min3A_1875 = arith.minimumf %squeeze3A_1872, %squeeze3A_1874 : vector<2x1x128x128xf32>
    %max3A_1876 = arith.maximumf %squeeze3A_1872, %squeeze3A_1874 : vector<2x1x128x128xf32>
    %broadcast_in_dim3A_1877 = vector.shape_cast %min3A_1875 : vector<2x1x128x128xf32> to vector<2x1x1x128x128xf32>
    %broadcast_in_dim3A_1878 = vector.shape_cast %max3A_1876 : vector<2x1x128x128xf32> to vector<2x1x1x128x128xf32>
    %concatenate3A_1879 = tpu.concatenate %broadcast_in_dim3A_1877, %broadcast_in_dim3A_1878 in 2 : vector<2x1x1x128x128xf32>, vector<2x1x1x128x128xf32> -> vector<2x1x2x128x128xf32>
    %reshape3A_1880 = vector.shape_cast %concatenate3A_1879 : vector<2x1x2x128x128xf32> to vector<2x256x128xf32>
    %reshape3A_1881 = vector.shape_cast %reshape3A_1869 : vector<2x256x128xf32> to vector<2x2x2x64x128xf32>
    %slice3A_1882 = vector.extract_strided_slice %reshape3A_1881 {offsets = [0, 0, 0, 0, 0], sizes = [2, 2, 1, 64, 128], strides = [1, 1, 1, 1, 1]} : vector<2x2x2x64x128xf32> to vector<2x2x1x64x128xf32>
    %squeeze3A_1883 = vector.shape_cast %slice3A_1882 : vector<2x2x1x64x128xf32> to vector<2x2x64x128xf32>
    %slice3A_1884 = vector.extract_strided_slice %reshape3A_1881 {offsets = [0, 0, 1, 0, 0], sizes = [2, 2, 1, 64, 128], strides = [1, 1, 1, 1, 1]} : vector<2x2x2x64x128xf32> to vector<2x2x1x64x128xf32>
    %squeeze3A_1885 = vector.shape_cast %slice3A_1884 : vector<2x2x1x64x128xf32> to vector<2x2x64x128xf32>
    %min3A_1886 = arith.minimumf %squeeze3A_1883, %squeeze3A_1885 : vector<2x2x64x128xf32>
    %max3A_1887 = arith.maximumf %squeeze3A_1883, %squeeze3A_1885 : vector<2x2x64x128xf32>
    %broadcast_in_dim3A_1888 = vector.shape_cast %min3A_1886 : vector<2x2x64x128xf32> to vector<2x2x1x64x128xf32>
    %broadcast_in_dim3A_1889 = vector.shape_cast %max3A_1887 : vector<2x2x64x128xf32> to vector<2x2x1x64x128xf32>
    %concatenate3A_1890 = tpu.concatenate %broadcast_in_dim3A_1888, %broadcast_in_dim3A_1889 in 2 : vector<2x2x1x64x128xf32>, vector<2x2x1x64x128xf32> -> vector<2x2x2x64x128xf32>
    %reshape3A_1891 = vector.shape_cast %concatenate3A_1890 : vector<2x2x2x64x128xf32> to vector<2x256x128xf32>
    %reshape3A_1892 = vector.shape_cast %reshape3A_1880 : vector<2x256x128xf32> to vector<2x2x2x64x128xf32>
    %slice3A_1893 = vector.extract_strided_slice %reshape3A_1892 {offsets = [0, 0, 0, 0, 0], sizes = [2, 2, 1, 64, 128], strides = [1, 1, 1, 1, 1]} : vector<2x2x2x64x128xf32> to vector<2x2x1x64x128xf32>
    %squeeze3A_1894 = vector.shape_cast %slice3A_1893 : vector<2x2x1x64x128xf32> to vector<2x2x64x128xf32>
    %slice3A_1895 = vector.extract_strided_slice %reshape3A_1892 {offsets = [0, 0, 1, 0, 0], sizes = [2, 2, 1, 64, 128], strides = [1, 1, 1, 1, 1]} : vector<2x2x2x64x128xf32> to vector<2x2x1x64x128xf32>
    %squeeze3A_1896 = vector.shape_cast %slice3A_1895 : vector<2x2x1x64x128xf32> to vector<2x2x64x128xf32>
    %min3A_1897 = arith.minimumf %squeeze3A_1894, %squeeze3A_1896 : vector<2x2x64x128xf32>
    %max3A_1898 = arith.maximumf %squeeze3A_1894, %squeeze3A_1896 : vector<2x2x64x128xf32>
    %broadcast_in_dim3A_1899 = vector.shape_cast %min3A_1897 : vector<2x2x64x128xf32> to vector<2x2x1x64x128xf32>
    %broadcast_in_dim3A_1900 = vector.shape_cast %max3A_1898 : vector<2x2x64x128xf32> to vector<2x2x1x64x128xf32>
    %concatenate3A_1901 = tpu.concatenate %broadcast_in_dim3A_1899, %broadcast_in_dim3A_1900 in 2 : vector<2x2x1x64x128xf32>, vector<2x2x1x64x128xf32> -> vector<2x2x2x64x128xf32>
    %reshape3A_1902 = vector.shape_cast %concatenate3A_1901 : vector<2x2x2x64x128xf32> to vector<2x256x128xf32>
    %reshape3A_1903 = vector.shape_cast %reshape3A_1891 : vector<2x256x128xf32> to vector<2x4x2x32x128xf32>
    %slice3A_1904 = vector.extract_strided_slice %reshape3A_1903 {offsets = [0, 0, 0, 0, 0], sizes = [2, 4, 1, 32, 128], strides = [1, 1, 1, 1, 1]} : vector<2x4x2x32x128xf32> to vector<2x4x1x32x128xf32>
    %squeeze3A_1905 = vector.shape_cast %slice3A_1904 : vector<2x4x1x32x128xf32> to vector<2x4x32x128xf32>
    %slice3A_1906 = vector.extract_strided_slice %reshape3A_1903 {offsets = [0, 0, 1, 0, 0], sizes = [2, 4, 1, 32, 128], strides = [1, 1, 1, 1, 1]} : vector<2x4x2x32x128xf32> to vector<2x4x1x32x128xf32>
    %squeeze3A_1907 = vector.shape_cast %slice3A_1906 : vector<2x4x1x32x128xf32> to vector<2x4x32x128xf32>
    %min3A_1908 = arith.minimumf %squeeze3A_1905, %squeeze3A_1907 : vector<2x4x32x128xf32>
    %max3A_1909 = arith.maximumf %squeeze3A_1905, %squeeze3A_1907 : vector<2x4x32x128xf32>
    %broadcast_in_dim3A_1910 = vector.shape_cast %min3A_1908 : vector<2x4x32x128xf32> to vector<2x4x1x32x128xf32>
    %broadcast_in_dim3A_1911 = vector.shape_cast %max3A_1909 : vector<2x4x32x128xf32> to vector<2x4x1x32x128xf32>
    %concatenate3A_1912 = tpu.concatenate %broadcast_in_dim3A_1910, %broadcast_in_dim3A_1911 in 2 : vector<2x4x1x32x128xf32>, vector<2x4x1x32x128xf32> -> vector<2x4x2x32x128xf32>
    %reshape3A_1913 = vector.shape_cast %concatenate3A_1912 : vector<2x4x2x32x128xf32> to vector<2x256x128xf32>
    %reshape3A_1914 = vector.shape_cast %reshape3A_1902 : vector<2x256x128xf32> to vector<2x4x2x32x128xf32>
    %slice3A_1915 = vector.extract_strided_slice %reshape3A_1914 {offsets = [0, 0, 0, 0, 0], sizes = [2, 4, 1, 32, 128], strides = [1, 1, 1, 1, 1]} : vector<2x4x2x32x128xf32> to vector<2x4x1x32x128xf32>
    %squeeze3A_1916 = vector.shape_cast %slice3A_1915 : vector<2x4x1x32x128xf32> to vector<2x4x32x128xf32>
    %slice3A_1917 = vector.extract_strided_slice %reshape3A_1914 {offsets = [0, 0, 1, 0, 0], sizes = [2, 4, 1, 32, 128], strides = [1, 1, 1, 1, 1]} : vector<2x4x2x32x128xf32> to vector<2x4x1x32x128xf32>
    %squeeze3A_1918 = vector.shape_cast %slice3A_1917 : vector<2x4x1x32x128xf32> to vector<2x4x32x128xf32>
    %min3A_1919 = arith.minimumf %squeeze3A_1916, %squeeze3A_1918 : vector<2x4x32x128xf32>
    %max3A_1920 = arith.maximumf %squeeze3A_1916, %squeeze3A_1918 : vector<2x4x32x128xf32>
    %broadcast_in_dim3A_1921 = vector.shape_cast %min3A_1919 : vector<2x4x32x128xf32> to vector<2x4x1x32x128xf32>
    %broadcast_in_dim3A_1922 = vector.shape_cast %max3A_1920 : vector<2x4x32x128xf32> to vector<2x4x1x32x128xf32>
    %concatenate3A_1923 = tpu.concatenate %broadcast_in_dim3A_1921, %broadcast_in_dim3A_1922 in 2 : vector<2x4x1x32x128xf32>, vector<2x4x1x32x128xf32> -> vector<2x4x2x32x128xf32>
    %reshape3A_1924 = vector.shape_cast %concatenate3A_1923 : vector<2x4x2x32x128xf32> to vector<2x256x128xf32>
    %reshape3A_1925 = vector.shape_cast %reshape3A_1913 : vector<2x256x128xf32> to vector<2x8x2x16x128xf32>
    %slice3A_1926 = vector.extract_strided_slice %reshape3A_1925 {offsets = [0, 0, 0, 0, 0], sizes = [2, 8, 1, 16, 128], strides = [1, 1, 1, 1, 1]} : vector<2x8x2x16x128xf32> to vector<2x8x1x16x128xf32>
    %squeeze3A_1927 = vector.shape_cast %slice3A_1926 : vector<2x8x1x16x128xf32> to vector<2x8x16x128xf32>
    %slice3A_1928 = vector.extract_strided_slice %reshape3A_1925 {offsets = [0, 0, 1, 0, 0], sizes = [2, 8, 1, 16, 128], strides = [1, 1, 1, 1, 1]} : vector<2x8x2x16x128xf32> to vector<2x8x1x16x128xf32>
    %squeeze3A_1929 = vector.shape_cast %slice3A_1928 : vector<2x8x1x16x128xf32> to vector<2x8x16x128xf32>
    %min3A_1930 = arith.minimumf %squeeze3A_1927, %squeeze3A_1929 : vector<2x8x16x128xf32>
    %max3A_1931 = arith.maximumf %squeeze3A_1927, %squeeze3A_1929 : vector<2x8x16x128xf32>
    %broadcast_in_dim3A_1932 = vector.shape_cast %min3A_1930 : vector<2x8x16x128xf32> to vector<2x8x1x16x128xf32>
    %broadcast_in_dim3A_1933 = vector.shape_cast %max3A_1931 : vector<2x8x16x128xf32> to vector<2x8x1x16x128xf32>
    %concatenate3A_1934 = tpu.concatenate %broadcast_in_dim3A_1932, %broadcast_in_dim3A_1933 in 2 : vector<2x8x1x16x128xf32>, vector<2x8x1x16x128xf32> -> vector<2x8x2x16x128xf32>
    %reshape3A_1935 = vector.shape_cast %concatenate3A_1934 : vector<2x8x2x16x128xf32> to vector<2x256x128xf32>
    %reshape3A_1936 = vector.shape_cast %reshape3A_1924 : vector<2x256x128xf32> to vector<2x8x2x16x128xf32>
    %slice3A_1937 = vector.extract_strided_slice %reshape3A_1936 {offsets = [0, 0, 0, 0, 0], sizes = [2, 8, 1, 16, 128], strides = [1, 1, 1, 1, 1]} : vector<2x8x2x16x128xf32> to vector<2x8x1x16x128xf32>
    %squeeze3A_1938 = vector.shape_cast %slice3A_1937 : vector<2x8x1x16x128xf32> to vector<2x8x16x128xf32>
    %slice3A_1939 = vector.extract_strided_slice %reshape3A_1936 {offsets = [0, 0, 1, 0, 0], sizes = [2, 8, 1, 16, 128], strides = [1, 1, 1, 1, 1]} : vector<2x8x2x16x128xf32> to vector<2x8x1x16x128xf32>
    %squeeze3A_1940 = vector.shape_cast %slice3A_1939 : vector<2x8x1x16x128xf32> to vector<2x8x16x128xf32>
    %min3A_1941 = arith.minimumf %squeeze3A_1938, %squeeze3A_1940 : vector<2x8x16x128xf32>
    %max3A_1942 = arith.maximumf %squeeze3A_1938, %squeeze3A_1940 : vector<2x8x16x128xf32>
    %broadcast_in_dim3A_1943 = vector.shape_cast %min3A_1941 : vector<2x8x16x128xf32> to vector<2x8x1x16x128xf32>
    %broadcast_in_dim3A_1944 = vector.shape_cast %max3A_1942 : vector<2x8x16x128xf32> to vector<2x8x1x16x128xf32>
    %concatenate3A_1945 = tpu.concatenate %broadcast_in_dim3A_1943, %broadcast_in_dim3A_1944 in 2 : vector<2x8x1x16x128xf32>, vector<2x8x1x16x128xf32> -> vector<2x8x2x16x128xf32>
    %reshape3A_1946 = vector.shape_cast %concatenate3A_1945 : vector<2x8x2x16x128xf32> to vector<2x256x128xf32>
    %reshape3A_1947 = vector.shape_cast %reshape3A_1935 : vector<2x256x128xf32> to vector<2x16x2x8x128xf32>
    %slice3A_1948 = vector.extract_strided_slice %reshape3A_1947 {offsets = [0, 0, 0, 0, 0], sizes = [2, 16, 1, 8, 128], strides = [1, 1, 1, 1, 1]} : vector<2x16x2x8x128xf32> to vector<2x16x1x8x128xf32>
    %squeeze3A_1949 = vector.shape_cast %slice3A_1948 : vector<2x16x1x8x128xf32> to vector<2x16x8x128xf32>
    %slice3A_1950 = vector.extract_strided_slice %reshape3A_1947 {offsets = [0, 0, 1, 0, 0], sizes = [2, 16, 1, 8, 128], strides = [1, 1, 1, 1, 1]} : vector<2x16x2x8x128xf32> to vector<2x16x1x8x128xf32>
    %squeeze3A_1951 = vector.shape_cast %slice3A_1950 : vector<2x16x1x8x128xf32> to vector<2x16x8x128xf32>
    %min3A_1952 = arith.minimumf %squeeze3A_1949, %squeeze3A_1951 : vector<2x16x8x128xf32>
    %max3A_1953 = arith.maximumf %squeeze3A_1949, %squeeze3A_1951 : vector<2x16x8x128xf32>
    %broadcast_in_dim3A_1954 = vector.shape_cast %min3A_1952 : vector<2x16x8x128xf32> to vector<2x16x1x8x128xf32>
    %broadcast_in_dim3A_1955 = vector.shape_cast %max3A_1953 : vector<2x16x8x128xf32> to vector<2x16x1x8x128xf32>
    %concatenate3A_1956 = tpu.concatenate %broadcast_in_dim3A_1954, %broadcast_in_dim3A_1955 in 2 : vector<2x16x1x8x128xf32>, vector<2x16x1x8x128xf32> -> vector<2x16x2x8x128xf32>
    %reshape3A_1957 = vector.shape_cast %concatenate3A_1956 : vector<2x16x2x8x128xf32> to vector<2x256x128xf32>
    %reshape3A_1958 = vector.shape_cast %reshape3A_1946 : vector<2x256x128xf32> to vector<2x16x2x8x128xf32>
    %slice3A_1959 = vector.extract_strided_slice %reshape3A_1958 {offsets = [0, 0, 0, 0, 0], sizes = [2, 16, 1, 8, 128], strides = [1, 1, 1, 1, 1]} : vector<2x16x2x8x128xf32> to vector<2x16x1x8x128xf32>
    %squeeze3A_1960 = vector.shape_cast %slice3A_1959 : vector<2x16x1x8x128xf32> to vector<2x16x8x128xf32>
    %slice3A_1961 = vector.extract_strided_slice %reshape3A_1958 {offsets = [0, 0, 1, 0, 0], sizes = [2, 16, 1, 8, 128], strides = [1, 1, 1, 1, 1]} : vector<2x16x2x8x128xf32> to vector<2x16x1x8x128xf32>
    %squeeze3A_1962 = vector.shape_cast %slice3A_1961 : vector<2x16x1x8x128xf32> to vector<2x16x8x128xf32>
    %min3A_1963 = arith.minimumf %squeeze3A_1960, %squeeze3A_1962 : vector<2x16x8x128xf32>
    %max3A_1964 = arith.maximumf %squeeze3A_1960, %squeeze3A_1962 : vector<2x16x8x128xf32>
    %broadcast_in_dim3A_1965 = vector.shape_cast %min3A_1963 : vector<2x16x8x128xf32> to vector<2x16x1x8x128xf32>
    %broadcast_in_dim3A_1966 = vector.shape_cast %max3A_1964 : vector<2x16x8x128xf32> to vector<2x16x1x8x128xf32>
    %concatenate3A_1967 = tpu.concatenate %broadcast_in_dim3A_1965, %broadcast_in_dim3A_1966 in 2 : vector<2x16x1x8x128xf32>, vector<2x16x1x8x128xf32> -> vector<2x16x2x8x128xf32>
    %reshape3A_1968 = vector.shape_cast %concatenate3A_1967 : vector<2x16x2x8x128xf32> to vector<2x256x128xf32>
    %and3A_1969 = arith.constant 4096 : i32
    %and3A_1970 = vector.broadcast %and3A_1969 : i32 to vector<1x256x128xi32>
    %and3A_1971 = arith.andi %or3A_10, %and3A_1970 : vector<1x256x128xi32>
    %eq3A_1972 = arith.constant 0 : i32
    %eq3A_1973 = vector.broadcast %eq3A_1972 : i32 to vector<1x256x128xi32>
    %eq3A_1974 = arith.cmpi eq, %and3A_1971, %eq3A_1973 : vector<1x256x128xi32>
    %and3A_1975 = arith.constant 8192 : i32
    %and3A_1976 = vector.broadcast %and3A_1975 : i32 to vector<1x256x128xi32>
    %and3A_1977 = arith.andi %or3A_10, %and3A_1976 : vector<1x256x128xi32>
    %eq3A_1978 = arith.constant 0 : i32
    %eq3A_1979 = vector.broadcast %eq3A_1978 : i32 to vector<1x256x128xi32>
    %eq3A_1980 = arith.cmpi eq, %and3A_1977, %eq3A_1979 : vector<1x256x128xi32>
    %ne3A_1981 = arith.xori %eq3A_1974, %eq3A_1980 : vector<1x256x128xi1>
    %neg3A_1982 = arith.constant 0.000000e+00 : f32
    %neg3A_1983 = vector.broadcast %neg3A_1982 : f32 to vector<2x256x128xf32>
    %neg3A_1984 = arith.subf %neg3A_1983, %reshape3A_1957 : vector<2x256x128xf32>
    %broadcast_in_dim3A_1985 = vector.shape_cast %ne3A_1981 : vector<1x256x128xi1> to vector<1x256x128xi1>
    %broadcast_in_dim3A_1986 = vector.broadcast %broadcast_in_dim3A_1985 : vector<1x256x128xi1> to vector<2x256x128xi1>
    %select_n3A_1987 = arith.select %broadcast_in_dim3A_1986, %neg3A_1984, %reshape3A_1957 : vector<2x256x128xi1>, vector<2x256x128xf32>
    %neg3A_1988 = arith.constant 0.000000e+00 : f32
    %neg3A_1989 = vector.broadcast %neg3A_1988 : f32 to vector<2x256x128xf32>
    %neg3A_1990 = arith.subf %neg3A_1989, %reshape3A_1968 : vector<2x256x128xf32>
    %broadcast_in_dim3A_1991 = vector.shape_cast %ne3A_1981 : vector<1x256x128xi1> to vector<1x256x128xi1>
    %broadcast_in_dim3A_1992 = vector.broadcast %broadcast_in_dim3A_1991 : vector<1x256x128xi1> to vector<2x256x128xi1>
    %select_n3A_1993 = arith.select %broadcast_in_dim3A_1992, %neg3A_1990, %reshape3A_1968 : vector<2x256x128xi1>, vector<2x256x128xf32>
    %roll3A_1994 = arith.constant 112 : i32
    %roll3A_1995 = tpu.dynamic_rotate %select_n3A_1987 by %roll3A_1994 dim 2 : vector<2x256x128xf32>, i32 -> vector<2x256x128xf32>
    %roll3A_1996 = arith.constant 16 : i32
    %roll3A_1997 = tpu.dynamic_rotate %select_n3A_1987 by %roll3A_1996 dim 2 : vector<2x256x128xf32>, i32 -> vector<2x256x128xf32>
    %min3A_1998 = arith.minimumf %select_n3A_1987, %roll3A_1995 : vector<2x256x128xf32>
    %max3A_1999 = arith.maximumf %select_n3A_1987, %roll3A_1997 : vector<2x256x128xf32>
    %broadcast_in_dim3A_2000 = vector.shape_cast %eq3A_70 : vector<1x1x128xi1> to vector<1x1x128xi1>
    %broadcast_in_dim3A_2001 = vector.broadcast %broadcast_in_dim3A_2000 : vector<1x1x128xi1> to vector<2x256x128xi1>
    %select_n3A_2002 = arith.select %broadcast_in_dim3A_2001, %min3A_1998, %max3A_1999 : vector<2x256x128xi1>, vector<2x256x128xf32>
    %roll3A_2003 = arith.constant 112 : i32
    %roll3A_2004 = tpu.dynamic_rotate %select_n3A_1993 by %roll3A_2003 dim 2 : vector<2x256x128xf32>, i32 -> vector<2x256x128xf32>
    %roll3A_2005 = arith.constant 16 : i32
    %roll3A_2006 = tpu.dynamic_rotate %select_n3A_1993 by %roll3A_2005 dim 2 : vector<2x256x128xf32>, i32 -> vector<2x256x128xf32>
    %min3A_2007 = arith.minimumf %select_n3A_1993, %roll3A_2004 : vector<2x256x128xf32>
    %max3A_2008 = arith.maximumf %select_n3A_1993, %roll3A_2006 : vector<2x256x128xf32>
    %broadcast_in_dim3A_2009 = vector.shape_cast %eq3A_70 : vector<1x1x128xi1> to vector<1x1x128xi1>
    %broadcast_in_dim3A_2010 = vector.broadcast %broadcast_in_dim3A_2009 : vector<1x1x128xi1> to vector<2x256x128xi1>
    %select_n3A_2011 = arith.select %broadcast_in_dim3A_2010, %min3A_2007, %max3A_2008 : vector<2x256x128xi1>, vector<2x256x128xf32>
    %roll3A_2012 = arith.constant 120 : i32
    %roll3A_2013 = tpu.dynamic_rotate %select_n3A_2002 by %roll3A_2012 dim 2 : vector<2x256x128xf32>, i32 -> vector<2x256x128xf32>
    %roll3A_2014 = arith.constant 8 : i32
    %roll3A_2015 = tpu.dynamic_rotate %select_n3A_2002 by %roll3A_2014 dim 2 : vector<2x256x128xf32>, i32 -> vector<2x256x128xf32>
    %min3A_2016 = arith.minimumf %select_n3A_2002, %roll3A_2013 : vector<2x256x128xf32>
    %max3A_2017 = arith.maximumf %select_n3A_2002, %roll3A_2015 : vector<2x256x128xf32>
    %broadcast_in_dim3A_2018 = vector.shape_cast %eq3A_64 : vector<1x1x128xi1> to vector<1x1x128xi1>
    %broadcast_in_dim3A_2019 = vector.broadcast %broadcast_in_dim3A_2018 : vector<1x1x128xi1> to vector<2x256x128xi1>
    %select_n3A_2020 = arith.select %broadcast_in_dim3A_2019, %min3A_2016, %max3A_2017 : vector<2x256x128xi1>, vector<2x256x128xf32>
    %roll3A_2021 = arith.constant 120 : i32
    %roll3A_2022 = tpu.dynamic_rotate %select_n3A_2011 by %roll3A_2021 dim 2 : vector<2x256x128xf32>, i32 -> vector<2x256x128xf32>
    %roll3A_2023 = arith.constant 8 : i32
    %roll3A_2024 = tpu.dynamic_rotate %select_n3A_2011 by %roll3A_2023 dim 2 : vector<2x256x128xf32>, i32 -> vector<2x256x128xf32>
    %min3A_2025 = arith.minimumf %select_n3A_2011, %roll3A_2022 : vector<2x256x128xf32>
    %max3A_2026 = arith.maximumf %select_n3A_2011, %roll3A_2024 : vector<2x256x128xf32>
    %broadcast_in_dim3A_2027 = vector.shape_cast %eq3A_64 : vector<1x1x128xi1> to vector<1x1x128xi1>
    %broadcast_in_dim3A_2028 = vector.broadcast %broadcast_in_dim3A_2027 : vector<1x1x128xi1> to vector<2x256x128xi1>
    %select_n3A_2029 = arith.select %broadcast_in_dim3A_2028, %min3A_2025, %max3A_2026 : vector<2x256x128xi1>, vector<2x256x128xf32>
    %roll3A_2030 = arith.constant 124 : i32
    %roll3A_2031 = tpu.dynamic_rotate %select_n3A_2020 by %roll3A_2030 dim 2 : vector<2x256x128xf32>, i32 -> vector<2x256x128xf32>
    %roll3A_2032 = arith.constant 4 : i32
    %roll3A_2033 = tpu.dynamic_rotate %select_n3A_2020 by %roll3A_2032 dim 2 : vector<2x256x128xf32>, i32 -> vector<2x256x128xf32>
    %min3A_2034 = arith.minimumf %select_n3A_2020, %roll3A_2031 : vector<2x256x128xf32>
    %max3A_2035 = arith.maximumf %select_n3A_2020, %roll3A_2033 : vector<2x256x128xf32>
    %broadcast_in_dim3A_2036 = vector.shape_cast %eq3A_58 : vector<1x1x128xi1> to vector<1x1x128xi1>
    %broadcast_in_dim3A_2037 = vector.broadcast %broadcast_in_dim3A_2036 : vector<1x1x128xi1> to vector<2x256x128xi1>
    %select_n3A_2038 = arith.select %broadcast_in_dim3A_2037, %min3A_2034, %max3A_2035 : vector<2x256x128xi1>, vector<2x256x128xf32>
    %roll3A_2039 = arith.constant 124 : i32
    %roll3A_2040 = tpu.dynamic_rotate %select_n3A_2029 by %roll3A_2039 dim 2 : vector<2x256x128xf32>, i32 -> vector<2x256x128xf32>
    %roll3A_2041 = arith.constant 4 : i32
    %roll3A_2042 = tpu.dynamic_rotate %select_n3A_2029 by %roll3A_2041 dim 2 : vector<2x256x128xf32>, i32 -> vector<2x256x128xf32>
    %min3A_2043 = arith.minimumf %select_n3A_2029, %roll3A_2040 : vector<2x256x128xf32>
    %max3A_2044 = arith.maximumf %select_n3A_2029, %roll3A_2042 : vector<2x256x128xf32>
    %broadcast_in_dim3A_2045 = vector.shape_cast %eq3A_58 : vector<1x1x128xi1> to vector<1x1x128xi1>
    %broadcast_in_dim3A_2046 = vector.broadcast %broadcast_in_dim3A_2045 : vector<1x1x128xi1> to vector<2x256x128xi1>
    %select_n3A_2047 = arith.select %broadcast_in_dim3A_2046, %min3A_2043, %max3A_2044 : vector<2x256x128xi1>, vector<2x256x128xf32>
    %roll3A_2048 = arith.constant 126 : i32
    %roll3A_2049 = tpu.dynamic_rotate %select_n3A_2038 by %roll3A_2048 dim 2 : vector<2x256x128xf32>, i32 -> vector<2x256x128xf32>
    %roll3A_2050 = arith.constant 2 : i32
    %roll3A_2051 = tpu.dynamic_rotate %select_n3A_2038 by %roll3A_2050 dim 2 : vector<2x256x128xf32>, i32 -> vector<2x256x128xf32>
    %min3A_2052 = arith.minimumf %select_n3A_2038, %roll3A_2049 : vector<2x256x128xf32>
    %max3A_2053 = arith.maximumf %select_n3A_2038, %roll3A_2051 : vector<2x256x128xf32>
    %broadcast_in_dim3A_2054 = vector.shape_cast %eq3A_52 : vector<1x1x128xi1> to vector<1x1x128xi1>
    %broadcast_in_dim3A_2055 = vector.broadcast %broadcast_in_dim3A_2054 : vector<1x1x128xi1> to vector<2x256x128xi1>
    %select_n3A_2056 = arith.select %broadcast_in_dim3A_2055, %min3A_2052, %max3A_2053 : vector<2x256x128xi1>, vector<2x256x128xf32>
    %roll3A_2057 = arith.constant 126 : i32
    %roll3A_2058 = tpu.dynamic_rotate %select_n3A_2047 by %roll3A_2057 dim 2 : vector<2x256x128xf32>, i32 -> vector<2x256x128xf32>
    %roll3A_2059 = arith.constant 2 : i32
    %roll3A_2060 = tpu.dynamic_rotate %select_n3A_2047 by %roll3A_2059 dim 2 : vector<2x256x128xf32>, i32 -> vector<2x256x128xf32>
    %min3A_2061 = arith.minimumf %select_n3A_2047, %roll3A_2058 : vector<2x256x128xf32>
    %max3A_2062 = arith.maximumf %select_n3A_2047, %roll3A_2060 : vector<2x256x128xf32>
    %broadcast_in_dim3A_2063 = vector.shape_cast %eq3A_52 : vector<1x1x128xi1> to vector<1x1x128xi1>
    %broadcast_in_dim3A_2064 = vector.broadcast %broadcast_in_dim3A_2063 : vector<1x1x128xi1> to vector<2x256x128xi1>
    %select_n3A_2065 = arith.select %broadcast_in_dim3A_2064, %min3A_2061, %max3A_2062 : vector<2x256x128xi1>, vector<2x256x128xf32>
    %roll3A_2066 = arith.constant 127 : i32
    %roll3A_2067 = tpu.dynamic_rotate %select_n3A_2056 by %roll3A_2066 dim 2 : vector<2x256x128xf32>, i32 -> vector<2x256x128xf32>
    %roll3A_2068 = arith.constant 1 : i32
    %roll3A_2069 = tpu.dynamic_rotate %select_n3A_2056 by %roll3A_2068 dim 2 : vector<2x256x128xf32>, i32 -> vector<2x256x128xf32>
    %min3A_2070 = arith.minimumf %select_n3A_2056, %roll3A_2067 : vector<2x256x128xf32>
    %max3A_2071 = arith.maximumf %select_n3A_2056, %roll3A_2069 : vector<2x256x128xf32>
    %broadcast_in_dim3A_2072 = vector.shape_cast %eq3A_46 : vector<1x1x128xi1> to vector<1x1x128xi1>
    %broadcast_in_dim3A_2073 = vector.broadcast %broadcast_in_dim3A_2072 : vector<1x1x128xi1> to vector<2x256x128xi1>
    %select_n3A_2074 = arith.select %broadcast_in_dim3A_2073, %min3A_2070, %max3A_2071 : vector<2x256x128xi1>, vector<2x256x128xf32>
    %roll3A_2075 = arith.constant 127 : i32
    %roll3A_2076 = tpu.dynamic_rotate %select_n3A_2065 by %roll3A_2075 dim 2 : vector<2x256x128xf32>, i32 -> vector<2x256x128xf32>
    %roll3A_2077 = arith.constant 1 : i32
    %roll3A_2078 = tpu.dynamic_rotate %select_n3A_2065 by %roll3A_2077 dim 2 : vector<2x256x128xf32>, i32 -> vector<2x256x128xf32>
    %min3A_2079 = arith.minimumf %select_n3A_2065, %roll3A_2076 : vector<2x256x128xf32>
    %max3A_2080 = arith.maximumf %select_n3A_2065, %roll3A_2078 : vector<2x256x128xf32>
    %broadcast_in_dim3A_2081 = vector.shape_cast %eq3A_46 : vector<1x1x128xi1> to vector<1x1x128xi1>
    %broadcast_in_dim3A_2082 = vector.broadcast %broadcast_in_dim3A_2081 : vector<1x1x128xi1> to vector<2x256x128xi1>
    %select_n3A_2083 = arith.select %broadcast_in_dim3A_2082, %min3A_2079, %max3A_2080 : vector<2x256x128xi1>, vector<2x256x128xf32>
    %roll3A_2084 = arith.constant 252 : i32
    %roll3A_2085 = tpu.dynamic_rotate %select_n3A_2074 by %roll3A_2084 dim 1 : vector<2x256x128xf32>, i32 -> vector<2x256x128xf32>
    %roll3A_2086 = arith.constant 4 : i32
    %roll3A_2087 = tpu.dynamic_rotate %select_n3A_2074 by %roll3A_2086 dim 1 : vector<2x256x128xf32>, i32 -> vector<2x256x128xf32>
    %min3A_2088 = arith.minimumf %select_n3A_2074, %roll3A_2085 : vector<2x256x128xf32>
    %max3A_2089 = arith.maximumf %select_n3A_2074, %roll3A_2087 : vector<2x256x128xf32>
    %broadcast_in_dim3A_2090 = vector.shape_cast %eq3A_40 : vector<1x256x1xi1> to vector<1x256x1xi1>
    %broadcast_in_dim3A_2091 = vector.broadcast %broadcast_in_dim3A_2090 : vector<1x256x1xi1> to vector<2x256x128xi1>
    %select_n3A_2092 = arith.select %broadcast_in_dim3A_2091, %min3A_2088, %max3A_2089 : vector<2x256x128xi1>, vector<2x256x128xf32>
    %roll3A_2093 = arith.constant 252 : i32
    %roll3A_2094 = tpu.dynamic_rotate %select_n3A_2083 by %roll3A_2093 dim 1 : vector<2x256x128xf32>, i32 -> vector<2x256x128xf32>
    %roll3A_2095 = arith.constant 4 : i32
    %roll3A_2096 = tpu.dynamic_rotate %select_n3A_2083 by %roll3A_2095 dim 1 : vector<2x256x128xf32>, i32 -> vector<2x256x128xf32>
    %min3A_2097 = arith.minimumf %select_n3A_2083, %roll3A_2094 : vector<2x256x128xf32>
    %max3A_2098 = arith.maximumf %select_n3A_2083, %roll3A_2096 : vector<2x256x128xf32>
    %broadcast_in_dim3A_2099 = vector.shape_cast %eq3A_40 : vector<1x256x1xi1> to vector<1x256x1xi1>
    %broadcast_in_dim3A_2100 = vector.broadcast %broadcast_in_dim3A_2099 : vector<1x256x1xi1> to vector<2x256x128xi1>
    %select_n3A_2101 = arith.select %broadcast_in_dim3A_2100, %min3A_2097, %max3A_2098 : vector<2x256x128xi1>, vector<2x256x128xf32>
    %roll3A_2102 = arith.constant 254 : i32
    %roll3A_2103 = tpu.dynamic_rotate %select_n3A_2092 by %roll3A_2102 dim 1 : vector<2x256x128xf32>, i32 -> vector<2x256x128xf32>
    %roll3A_2104 = arith.constant 2 : i32
    %roll3A_2105 = tpu.dynamic_rotate %select_n3A_2092 by %roll3A_2104 dim 1 : vector<2x256x128xf32>, i32 -> vector<2x256x128xf32>
    %min3A_2106 = arith.minimumf %select_n3A_2092, %roll3A_2103 : vector<2x256x128xf32>
    %max3A_2107 = arith.maximumf %select_n3A_2092, %roll3A_2105 : vector<2x256x128xf32>
    %broadcast_in_dim3A_2108 = vector.shape_cast %eq3A_34 : vector<1x256x1xi1> to vector<1x256x1xi1>
    %broadcast_in_dim3A_2109 = vector.broadcast %broadcast_in_dim3A_2108 : vector<1x256x1xi1> to vector<2x256x128xi1>
    %select_n3A_2110 = arith.select %broadcast_in_dim3A_2109, %min3A_2106, %max3A_2107 : vector<2x256x128xi1>, vector<2x256x128xf32>
    %roll3A_2111 = arith.constant 254 : i32
    %roll3A_2112 = tpu.dynamic_rotate %select_n3A_2101 by %roll3A_2111 dim 1 : vector<2x256x128xf32>, i32 -> vector<2x256x128xf32>
    %roll3A_2113 = arith.constant 2 : i32
    %roll3A_2114 = tpu.dynamic_rotate %select_n3A_2101 by %roll3A_2113 dim 1 : vector<2x256x128xf32>, i32 -> vector<2x256x128xf32>
    %min3A_2115 = arith.minimumf %select_n3A_2101, %roll3A_2112 : vector<2x256x128xf32>
    %max3A_2116 = arith.maximumf %select_n3A_2101, %roll3A_2114 : vector<2x256x128xf32>
    %broadcast_in_dim3A_2117 = vector.shape_cast %eq3A_34 : vector<1x256x1xi1> to vector<1x256x1xi1>
    %broadcast_in_dim3A_2118 = vector.broadcast %broadcast_in_dim3A_2117 : vector<1x256x1xi1> to vector<2x256x128xi1>
    %select_n3A_2119 = arith.select %broadcast_in_dim3A_2118, %min3A_2115, %max3A_2116 : vector<2x256x128xi1>, vector<2x256x128xf32>
    %roll3A_2120 = arith.constant 255 : i32
    %roll3A_2121 = tpu.dynamic_rotate %select_n3A_2110 by %roll3A_2120 dim 1 : vector<2x256x128xf32>, i32 -> vector<2x256x128xf32>
    %roll3A_2122 = arith.constant 1 : i32
    %roll3A_2123 = tpu.dynamic_rotate %select_n3A_2110 by %roll3A_2122 dim 1 : vector<2x256x128xf32>, i32 -> vector<2x256x128xf32>
    %min3A_2124 = arith.minimumf %select_n3A_2110, %roll3A_2121 : vector<2x256x128xf32>
    %max3A_2125 = arith.maximumf %select_n3A_2110, %roll3A_2123 : vector<2x256x128xf32>
    %broadcast_in_dim3A_2126 = vector.shape_cast %eq3A_28 : vector<1x256x1xi1> to vector<1x256x1xi1>
    %broadcast_in_dim3A_2127 = vector.broadcast %broadcast_in_dim3A_2126 : vector<1x256x1xi1> to vector<2x256x128xi1>
    %select_n3A_2128 = arith.select %broadcast_in_dim3A_2127, %min3A_2124, %max3A_2125 : vector<2x256x128xi1>, vector<2x256x128xf32>
    %roll3A_2129 = arith.constant 255 : i32
    %roll3A_2130 = tpu.dynamic_rotate %select_n3A_2119 by %roll3A_2129 dim 1 : vector<2x256x128xf32>, i32 -> vector<2x256x128xf32>
    %roll3A_2131 = arith.constant 1 : i32
    %roll3A_2132 = tpu.dynamic_rotate %select_n3A_2119 by %roll3A_2131 dim 1 : vector<2x256x128xf32>, i32 -> vector<2x256x128xf32>
    %min3A_2133 = arith.minimumf %select_n3A_2119, %roll3A_2130 : vector<2x256x128xf32>
    %max3A_2134 = arith.maximumf %select_n3A_2119, %roll3A_2132 : vector<2x256x128xf32>
    %broadcast_in_dim3A_2135 = vector.shape_cast %eq3A_28 : vector<1x256x1xi1> to vector<1x256x1xi1>
    %broadcast_in_dim3A_2136 = vector.broadcast %broadcast_in_dim3A_2135 : vector<1x256x1xi1> to vector<2x256x128xi1>
    %select_n3A_2137 = arith.select %broadcast_in_dim3A_2136, %min3A_2133, %max3A_2134 : vector<2x256x128xi1>, vector<2x256x128xf32>
    %reshape3A_2138 = vector.shape_cast %select_n3A_2128 : vector<2x256x128xf32> to vector<2x1x2x128x128xf32>
    %slice3A_2139 = vector.extract_strided_slice %reshape3A_2138 {offsets = [0, 0, 0, 0, 0], sizes = [2, 1, 1, 128, 128], strides = [1, 1, 1, 1, 1]} : vector<2x1x2x128x128xf32> to vector<2x1x1x128x128xf32>
    %squeeze3A_2140 = vector.shape_cast %slice3A_2139 : vector<2x1x1x128x128xf32> to vector<2x1x128x128xf32>
    %slice3A_2141 = vector.extract_strided_slice %reshape3A_2138 {offsets = [0, 0, 1, 0, 0], sizes = [2, 1, 1, 128, 128], strides = [1, 1, 1, 1, 1]} : vector<2x1x2x128x128xf32> to vector<2x1x1x128x128xf32>
    %squeeze3A_2142 = vector.shape_cast %slice3A_2141 : vector<2x1x1x128x128xf32> to vector<2x1x128x128xf32>
    %min3A_2143 = arith.minimumf %squeeze3A_2140, %squeeze3A_2142 : vector<2x1x128x128xf32>
    %max3A_2144 = arith.maximumf %squeeze3A_2140, %squeeze3A_2142 : vector<2x1x128x128xf32>
    %broadcast_in_dim3A_2145 = vector.shape_cast %min3A_2143 : vector<2x1x128x128xf32> to vector<2x1x1x128x128xf32>
    %broadcast_in_dim3A_2146 = vector.shape_cast %max3A_2144 : vector<2x1x128x128xf32> to vector<2x1x1x128x128xf32>
    %concatenate3A_2147 = tpu.concatenate %broadcast_in_dim3A_2145, %broadcast_in_dim3A_2146 in 2 : vector<2x1x1x128x128xf32>, vector<2x1x1x128x128xf32> -> vector<2x1x2x128x128xf32>
    %reshape3A_2148 = vector.shape_cast %concatenate3A_2147 : vector<2x1x2x128x128xf32> to vector<2x256x128xf32>
    %reshape3A_2149 = vector.shape_cast %select_n3A_2137 : vector<2x256x128xf32> to vector<2x1x2x128x128xf32>
    %slice3A_2150 = vector.extract_strided_slice %reshape3A_2149 {offsets = [0, 0, 0, 0, 0], sizes = [2, 1, 1, 128, 128], strides = [1, 1, 1, 1, 1]} : vector<2x1x2x128x128xf32> to vector<2x1x1x128x128xf32>
    %squeeze3A_2151 = vector.shape_cast %slice3A_2150 : vector<2x1x1x128x128xf32> to vector<2x1x128x128xf32>
    %slice3A_2152 = vector.extract_strided_slice %reshape3A_2149 {offsets = [0, 0, 1, 0, 0], sizes = [2, 1, 1, 128, 128], strides = [1, 1, 1, 1, 1]} : vector<2x1x2x128x128xf32> to vector<2x1x1x128x128xf32>
    %squeeze3A_2153 = vector.shape_cast %slice3A_2152 : vector<2x1x1x128x128xf32> to vector<2x1x128x128xf32>
    %min3A_2154 = arith.minimumf %squeeze3A_2151, %squeeze3A_2153 : vector<2x1x128x128xf32>
    %max3A_2155 = arith.maximumf %squeeze3A_2151, %squeeze3A_2153 : vector<2x1x128x128xf32>
    %broadcast_in_dim3A_2156 = vector.shape_cast %min3A_2154 : vector<2x1x128x128xf32> to vector<2x1x1x128x128xf32>
    %broadcast_in_dim3A_2157 = vector.shape_cast %max3A_2155 : vector<2x1x128x128xf32> to vector<2x1x1x128x128xf32>
    %concatenate3A_2158 = tpu.concatenate %broadcast_in_dim3A_2156, %broadcast_in_dim3A_2157 in 2 : vector<2x1x1x128x128xf32>, vector<2x1x1x128x128xf32> -> vector<2x1x2x128x128xf32>
    %reshape3A_2159 = vector.shape_cast %concatenate3A_2158 : vector<2x1x2x128x128xf32> to vector<2x256x128xf32>
    %reshape3A_2160 = vector.shape_cast %reshape3A_2148 : vector<2x256x128xf32> to vector<2x2x2x64x128xf32>
    %slice3A_2161 = vector.extract_strided_slice %reshape3A_2160 {offsets = [0, 0, 0, 0, 0], sizes = [2, 2, 1, 64, 128], strides = [1, 1, 1, 1, 1]} : vector<2x2x2x64x128xf32> to vector<2x2x1x64x128xf32>
    %squeeze3A_2162 = vector.shape_cast %slice3A_2161 : vector<2x2x1x64x128xf32> to vector<2x2x64x128xf32>
    %slice3A_2163 = vector.extract_strided_slice %reshape3A_2160 {offsets = [0, 0, 1, 0, 0], sizes = [2, 2, 1, 64, 128], strides = [1, 1, 1, 1, 1]} : vector<2x2x2x64x128xf32> to vector<2x2x1x64x128xf32>
    %squeeze3A_2164 = vector.shape_cast %slice3A_2163 : vector<2x2x1x64x128xf32> to vector<2x2x64x128xf32>
    %min3A_2165 = arith.minimumf %squeeze3A_2162, %squeeze3A_2164 : vector<2x2x64x128xf32>
    %max3A_2166 = arith.maximumf %squeeze3A_2162, %squeeze3A_2164 : vector<2x2x64x128xf32>
    %broadcast_in_dim3A_2167 = vector.shape_cast %min3A_2165 : vector<2x2x64x128xf32> to vector<2x2x1x64x128xf32>
    %broadcast_in_dim3A_2168 = vector.shape_cast %max3A_2166 : vector<2x2x64x128xf32> to vector<2x2x1x64x128xf32>
    %concatenate3A_2169 = tpu.concatenate %broadcast_in_dim3A_2167, %broadcast_in_dim3A_2168 in 2 : vector<2x2x1x64x128xf32>, vector<2x2x1x64x128xf32> -> vector<2x2x2x64x128xf32>
    %reshape3A_2170 = vector.shape_cast %concatenate3A_2169 : vector<2x2x2x64x128xf32> to vector<2x256x128xf32>
    %reshape3A_2171 = vector.shape_cast %reshape3A_2159 : vector<2x256x128xf32> to vector<2x2x2x64x128xf32>
    %slice3A_2172 = vector.extract_strided_slice %reshape3A_2171 {offsets = [0, 0, 0, 0, 0], sizes = [2, 2, 1, 64, 128], strides = [1, 1, 1, 1, 1]} : vector<2x2x2x64x128xf32> to vector<2x2x1x64x128xf32>
    %squeeze3A_2173 = vector.shape_cast %slice3A_2172 : vector<2x2x1x64x128xf32> to vector<2x2x64x128xf32>
    %slice3A_2174 = vector.extract_strided_slice %reshape3A_2171 {offsets = [0, 0, 1, 0, 0], sizes = [2, 2, 1, 64, 128], strides = [1, 1, 1, 1, 1]} : vector<2x2x2x64x128xf32> to vector<2x2x1x64x128xf32>
    %squeeze3A_2175 = vector.shape_cast %slice3A_2174 : vector<2x2x1x64x128xf32> to vector<2x2x64x128xf32>
    %min3A_2176 = arith.minimumf %squeeze3A_2173, %squeeze3A_2175 : vector<2x2x64x128xf32>
    %max3A_2177 = arith.maximumf %squeeze3A_2173, %squeeze3A_2175 : vector<2x2x64x128xf32>
    %broadcast_in_dim3A_2178 = vector.shape_cast %min3A_2176 : vector<2x2x64x128xf32> to vector<2x2x1x64x128xf32>
    %broadcast_in_dim3A_2179 = vector.shape_cast %max3A_2177 : vector<2x2x64x128xf32> to vector<2x2x1x64x128xf32>
    %concatenate3A_2180 = tpu.concatenate %broadcast_in_dim3A_2178, %broadcast_in_dim3A_2179 in 2 : vector<2x2x1x64x128xf32>, vector<2x2x1x64x128xf32> -> vector<2x2x2x64x128xf32>
    %reshape3A_2181 = vector.shape_cast %concatenate3A_2180 : vector<2x2x2x64x128xf32> to vector<2x256x128xf32>
    %reshape3A_2182 = vector.shape_cast %reshape3A_2170 : vector<2x256x128xf32> to vector<2x4x2x32x128xf32>
    %slice3A_2183 = vector.extract_strided_slice %reshape3A_2182 {offsets = [0, 0, 0, 0, 0], sizes = [2, 4, 1, 32, 128], strides = [1, 1, 1, 1, 1]} : vector<2x4x2x32x128xf32> to vector<2x4x1x32x128xf32>
    %squeeze3A_2184 = vector.shape_cast %slice3A_2183 : vector<2x4x1x32x128xf32> to vector<2x4x32x128xf32>
    %slice3A_2185 = vector.extract_strided_slice %reshape3A_2182 {offsets = [0, 0, 1, 0, 0], sizes = [2, 4, 1, 32, 128], strides = [1, 1, 1, 1, 1]} : vector<2x4x2x32x128xf32> to vector<2x4x1x32x128xf32>
    %squeeze3A_2186 = vector.shape_cast %slice3A_2185 : vector<2x4x1x32x128xf32> to vector<2x4x32x128xf32>
    %min3A_2187 = arith.minimumf %squeeze3A_2184, %squeeze3A_2186 : vector<2x4x32x128xf32>
    %max3A_2188 = arith.maximumf %squeeze3A_2184, %squeeze3A_2186 : vector<2x4x32x128xf32>
    %broadcast_in_dim3A_2189 = vector.shape_cast %min3A_2187 : vector<2x4x32x128xf32> to vector<2x4x1x32x128xf32>
    %broadcast_in_dim3A_2190 = vector.shape_cast %max3A_2188 : vector<2x4x32x128xf32> to vector<2x4x1x32x128xf32>
    %concatenate3A_2191 = tpu.concatenate %broadcast_in_dim3A_2189, %broadcast_in_dim3A_2190 in 2 : vector<2x4x1x32x128xf32>, vector<2x4x1x32x128xf32> -> vector<2x4x2x32x128xf32>
    %reshape3A_2192 = vector.shape_cast %concatenate3A_2191 : vector<2x4x2x32x128xf32> to vector<2x256x128xf32>
    %reshape3A_2193 = vector.shape_cast %reshape3A_2181 : vector<2x256x128xf32> to vector<2x4x2x32x128xf32>
    %slice3A_2194 = vector.extract_strided_slice %reshape3A_2193 {offsets = [0, 0, 0, 0, 0], sizes = [2, 4, 1, 32, 128], strides = [1, 1, 1, 1, 1]} : vector<2x4x2x32x128xf32> to vector<2x4x1x32x128xf32>
    %squeeze3A_2195 = vector.shape_cast %slice3A_2194 : vector<2x4x1x32x128xf32> to vector<2x4x32x128xf32>
    %slice3A_2196 = vector.extract_strided_slice %reshape3A_2193 {offsets = [0, 0, 1, 0, 0], sizes = [2, 4, 1, 32, 128], strides = [1, 1, 1, 1, 1]} : vector<2x4x2x32x128xf32> to vector<2x4x1x32x128xf32>
    %squeeze3A_2197 = vector.shape_cast %slice3A_2196 : vector<2x4x1x32x128xf32> to vector<2x4x32x128xf32>
    %min3A_2198 = arith.minimumf %squeeze3A_2195, %squeeze3A_2197 : vector<2x4x32x128xf32>
    %max3A_2199 = arith.maximumf %squeeze3A_2195, %squeeze3A_2197 : vector<2x4x32x128xf32>
    %broadcast_in_dim3A_2200 = vector.shape_cast %min3A_2198 : vector<2x4x32x128xf32> to vector<2x4x1x32x128xf32>
    %broadcast_in_dim3A_2201 = vector.shape_cast %max3A_2199 : vector<2x4x32x128xf32> to vector<2x4x1x32x128xf32>
    %concatenate3A_2202 = tpu.concatenate %broadcast_in_dim3A_2200, %broadcast_in_dim3A_2201 in 2 : vector<2x4x1x32x128xf32>, vector<2x4x1x32x128xf32> -> vector<2x4x2x32x128xf32>
    %reshape3A_2203 = vector.shape_cast %concatenate3A_2202 : vector<2x4x2x32x128xf32> to vector<2x256x128xf32>
    %reshape3A_2204 = vector.shape_cast %reshape3A_2192 : vector<2x256x128xf32> to vector<2x8x2x16x128xf32>
    %slice3A_2205 = vector.extract_strided_slice %reshape3A_2204 {offsets = [0, 0, 0, 0, 0], sizes = [2, 8, 1, 16, 128], strides = [1, 1, 1, 1, 1]} : vector<2x8x2x16x128xf32> to vector<2x8x1x16x128xf32>
    %squeeze3A_2206 = vector.shape_cast %slice3A_2205 : vector<2x8x1x16x128xf32> to vector<2x8x16x128xf32>
    %slice3A_2207 = vector.extract_strided_slice %reshape3A_2204 {offsets = [0, 0, 1, 0, 0], sizes = [2, 8, 1, 16, 128], strides = [1, 1, 1, 1, 1]} : vector<2x8x2x16x128xf32> to vector<2x8x1x16x128xf32>
    %squeeze3A_2208 = vector.shape_cast %slice3A_2207 : vector<2x8x1x16x128xf32> to vector<2x8x16x128xf32>
    %min3A_2209 = arith.minimumf %squeeze3A_2206, %squeeze3A_2208 : vector<2x8x16x128xf32>
    %max3A_2210 = arith.maximumf %squeeze3A_2206, %squeeze3A_2208 : vector<2x8x16x128xf32>
    %broadcast_in_dim3A_2211 = vector.shape_cast %min3A_2209 : vector<2x8x16x128xf32> to vector<2x8x1x16x128xf32>
    %broadcast_in_dim3A_2212 = vector.shape_cast %max3A_2210 : vector<2x8x16x128xf32> to vector<2x8x1x16x128xf32>
    %concatenate3A_2213 = tpu.concatenate %broadcast_in_dim3A_2211, %broadcast_in_dim3A_2212 in 2 : vector<2x8x1x16x128xf32>, vector<2x8x1x16x128xf32> -> vector<2x8x2x16x128xf32>
    %reshape3A_2214 = vector.shape_cast %concatenate3A_2213 : vector<2x8x2x16x128xf32> to vector<2x256x128xf32>
    %reshape3A_2215 = vector.shape_cast %reshape3A_2203 : vector<2x256x128xf32> to vector<2x8x2x16x128xf32>
    %slice3A_2216 = vector.extract_strided_slice %reshape3A_2215 {offsets = [0, 0, 0, 0, 0], sizes = [2, 8, 1, 16, 128], strides = [1, 1, 1, 1, 1]} : vector<2x8x2x16x128xf32> to vector<2x8x1x16x128xf32>
    %squeeze3A_2217 = vector.shape_cast %slice3A_2216 : vector<2x8x1x16x128xf32> to vector<2x8x16x128xf32>
    %slice3A_2218 = vector.extract_strided_slice %reshape3A_2215 {offsets = [0, 0, 1, 0, 0], sizes = [2, 8, 1, 16, 128], strides = [1, 1, 1, 1, 1]} : vector<2x8x2x16x128xf32> to vector<2x8x1x16x128xf32>
    %squeeze3A_2219 = vector.shape_cast %slice3A_2218 : vector<2x8x1x16x128xf32> to vector<2x8x16x128xf32>
    %min3A_2220 = arith.minimumf %squeeze3A_2217, %squeeze3A_2219 : vector<2x8x16x128xf32>
    %max3A_2221 = arith.maximumf %squeeze3A_2217, %squeeze3A_2219 : vector<2x8x16x128xf32>
    %broadcast_in_dim3A_2222 = vector.shape_cast %min3A_2220 : vector<2x8x16x128xf32> to vector<2x8x1x16x128xf32>
    %broadcast_in_dim3A_2223 = vector.shape_cast %max3A_2221 : vector<2x8x16x128xf32> to vector<2x8x1x16x128xf32>
    %concatenate3A_2224 = tpu.concatenate %broadcast_in_dim3A_2222, %broadcast_in_dim3A_2223 in 2 : vector<2x8x1x16x128xf32>, vector<2x8x1x16x128xf32> -> vector<2x8x2x16x128xf32>
    %reshape3A_2225 = vector.shape_cast %concatenate3A_2224 : vector<2x8x2x16x128xf32> to vector<2x256x128xf32>
    %reshape3A_2226 = vector.shape_cast %reshape3A_2214 : vector<2x256x128xf32> to vector<2x16x2x8x128xf32>
    %slice3A_2227 = vector.extract_strided_slice %reshape3A_2226 {offsets = [0, 0, 0, 0, 0], sizes = [2, 16, 1, 8, 128], strides = [1, 1, 1, 1, 1]} : vector<2x16x2x8x128xf32> to vector<2x16x1x8x128xf32>
    %squeeze3A_2228 = vector.shape_cast %slice3A_2227 : vector<2x16x1x8x128xf32> to vector<2x16x8x128xf32>
    %slice3A_2229 = vector.extract_strided_slice %reshape3A_2226 {offsets = [0, 0, 1, 0, 0], sizes = [2, 16, 1, 8, 128], strides = [1, 1, 1, 1, 1]} : vector<2x16x2x8x128xf32> to vector<2x16x1x8x128xf32>
    %squeeze3A_2230 = vector.shape_cast %slice3A_2229 : vector<2x16x1x8x128xf32> to vector<2x16x8x128xf32>
    %min3A_2231 = arith.minimumf %squeeze3A_2228, %squeeze3A_2230 : vector<2x16x8x128xf32>
    %max3A_2232 = arith.maximumf %squeeze3A_2228, %squeeze3A_2230 : vector<2x16x8x128xf32>
    %broadcast_in_dim3A_2233 = vector.shape_cast %min3A_2231 : vector<2x16x8x128xf32> to vector<2x16x1x8x128xf32>
    %broadcast_in_dim3A_2234 = vector.shape_cast %max3A_2232 : vector<2x16x8x128xf32> to vector<2x16x1x8x128xf32>
    %concatenate3A_2235 = tpu.concatenate %broadcast_in_dim3A_2233, %broadcast_in_dim3A_2234 in 2 : vector<2x16x1x8x128xf32>, vector<2x16x1x8x128xf32> -> vector<2x16x2x8x128xf32>
    %reshape3A_2236 = vector.shape_cast %concatenate3A_2235 : vector<2x16x2x8x128xf32> to vector<2x256x128xf32>
    %reshape3A_2237 = vector.shape_cast %reshape3A_2225 : vector<2x256x128xf32> to vector<2x16x2x8x128xf32>
    %slice3A_2238 = vector.extract_strided_slice %reshape3A_2237 {offsets = [0, 0, 0, 0, 0], sizes = [2, 16, 1, 8, 128], strides = [1, 1, 1, 1, 1]} : vector<2x16x2x8x128xf32> to vector<2x16x1x8x128xf32>
    %squeeze3A_2239 = vector.shape_cast %slice3A_2238 : vector<2x16x1x8x128xf32> to vector<2x16x8x128xf32>
    %slice3A_2240 = vector.extract_strided_slice %reshape3A_2237 {offsets = [0, 0, 1, 0, 0], sizes = [2, 16, 1, 8, 128], strides = [1, 1, 1, 1, 1]} : vector<2x16x2x8x128xf32> to vector<2x16x1x8x128xf32>
    %squeeze3A_2241 = vector.shape_cast %slice3A_2240 : vector<2x16x1x8x128xf32> to vector<2x16x8x128xf32>
    %min3A_2242 = arith.minimumf %squeeze3A_2239, %squeeze3A_2241 : vector<2x16x8x128xf32>
    %max3A_2243 = arith.maximumf %squeeze3A_2239, %squeeze3A_2241 : vector<2x16x8x128xf32>
    %broadcast_in_dim3A_2244 = vector.shape_cast %min3A_2242 : vector<2x16x8x128xf32> to vector<2x16x1x8x128xf32>
    %broadcast_in_dim3A_2245 = vector.shape_cast %max3A_2243 : vector<2x16x8x128xf32> to vector<2x16x1x8x128xf32>
    %concatenate3A_2246 = tpu.concatenate %broadcast_in_dim3A_2244, %broadcast_in_dim3A_2245 in 2 : vector<2x16x1x8x128xf32>, vector<2x16x1x8x128xf32> -> vector<2x16x2x8x128xf32>
    %reshape3A_2247 = vector.shape_cast %concatenate3A_2246 : vector<2x16x2x8x128xf32> to vector<2x256x128xf32>
    %and3A_2248 = arith.constant 8192 : i32
    %and3A_2249 = vector.broadcast %and3A_2248 : i32 to vector<1x256x128xi32>
    %and3A_2250 = arith.andi %or3A_10, %and3A_2249 : vector<1x256x128xi32>
    %eq3A_2251 = arith.constant 0 : i32
    %eq3A_2252 = vector.broadcast %eq3A_2251 : i32 to vector<1x256x128xi32>
    %eq3A_2253 = arith.cmpi eq, %and3A_2250, %eq3A_2252 : vector<1x256x128xi32>
    %and3A_2254 = arith.constant 16384 : i32
    %and3A_2255 = vector.broadcast %and3A_2254 : i32 to vector<1x256x128xi32>
    %and3A_2256 = arith.andi %or3A_10, %and3A_2255 : vector<1x256x128xi32>
    %eq3A_2257 = arith.constant 0 : i32
    %eq3A_2258 = vector.broadcast %eq3A_2257 : i32 to vector<1x256x128xi32>
    %eq3A_2259 = arith.cmpi eq, %and3A_2256, %eq3A_2258 : vector<1x256x128xi32>
    %ne3A_2260 = arith.xori %eq3A_2253, %eq3A_2259 : vector<1x256x128xi1>
    %neg3A_2261 = arith.constant 0.000000e+00 : f32
    %neg3A_2262 = vector.broadcast %neg3A_2261 : f32 to vector<2x256x128xf32>
    %neg3A_2263 = arith.subf %neg3A_2262, %reshape3A_2236 : vector<2x256x128xf32>
    %broadcast_in_dim3A_2264 = vector.shape_cast %ne3A_2260 : vector<1x256x128xi1> to vector<1x256x128xi1>
    %broadcast_in_dim3A_2265 = vector.broadcast %broadcast_in_dim3A_2264 : vector<1x256x128xi1> to vector<2x256x128xi1>
    %select_n3A_2266 = arith.select %broadcast_in_dim3A_2265, %neg3A_2263, %reshape3A_2236 : vector<2x256x128xi1>, vector<2x256x128xf32>
    %neg3A_2267 = arith.constant 0.000000e+00 : f32
    %neg3A_2268 = vector.broadcast %neg3A_2267 : f32 to vector<2x256x128xf32>
    %neg3A_2269 = arith.subf %neg3A_2268, %reshape3A_2247 : vector<2x256x128xf32>
    %broadcast_in_dim3A_2270 = vector.shape_cast %ne3A_2260 : vector<1x256x128xi1> to vector<1x256x128xi1>
    %broadcast_in_dim3A_2271 = vector.broadcast %broadcast_in_dim3A_2270 : vector<1x256x128xi1> to vector<2x256x128xi1>
    %select_n3A_2272 = arith.select %broadcast_in_dim3A_2271, %neg3A_2269, %reshape3A_2247 : vector<2x256x128xi1>, vector<2x256x128xf32>
    %roll3A_2273 = arith.constant 96 : i32
    %roll3A_2274 = tpu.dynamic_rotate %select_n3A_2266 by %roll3A_2273 dim 2 : vector<2x256x128xf32>, i32 -> vector<2x256x128xf32>
    %roll3A_2275 = arith.constant 32 : i32
    %roll3A_2276 = tpu.dynamic_rotate %select_n3A_2266 by %roll3A_2275 dim 2 : vector<2x256x128xf32>, i32 -> vector<2x256x128xf32>
    %min3A_2277 = arith.minimumf %select_n3A_2266, %roll3A_2274 : vector<2x256x128xf32>
    %max3A_2278 = arith.maximumf %select_n3A_2266, %roll3A_2276 : vector<2x256x128xf32>
    %broadcast_in_dim3A_2279 = vector.shape_cast %eq3A_76 : vector<1x1x128xi1> to vector<1x1x128xi1>
    %broadcast_in_dim3A_2280 = vector.broadcast %broadcast_in_dim3A_2279 : vector<1x1x128xi1> to vector<2x256x128xi1>
    %select_n3A_2281 = arith.select %broadcast_in_dim3A_2280, %min3A_2277, %max3A_2278 : vector<2x256x128xi1>, vector<2x256x128xf32>
    %roll3A_2282 = arith.constant 96 : i32
    %roll3A_2283 = tpu.dynamic_rotate %select_n3A_2272 by %roll3A_2282 dim 2 : vector<2x256x128xf32>, i32 -> vector<2x256x128xf32>
    %roll3A_2284 = arith.constant 32 : i32
    %roll3A_2285 = tpu.dynamic_rotate %select_n3A_2272 by %roll3A_2284 dim 2 : vector<2x256x128xf32>, i32 -> vector<2x256x128xf32>
    %min3A_2286 = arith.minimumf %select_n3A_2272, %roll3A_2283 : vector<2x256x128xf32>
    %max3A_2287 = arith.maximumf %select_n3A_2272, %roll3A_2285 : vector<2x256x128xf32>
    %broadcast_in_dim3A_2288 = vector.shape_cast %eq3A_76 : vector<1x1x128xi1> to vector<1x1x128xi1>
    %broadcast_in_dim3A_2289 = vector.broadcast %broadcast_in_dim3A_2288 : vector<1x1x128xi1> to vector<2x256x128xi1>
    %select_n3A_2290 = arith.select %broadcast_in_dim3A_2289, %min3A_2286, %max3A_2287 : vector<2x256x128xi1>, vector<2x256x128xf32>
    %roll3A_2291 = arith.constant 112 : i32
    %roll3A_2292 = tpu.dynamic_rotate %select_n3A_2281 by %roll3A_2291 dim 2 : vector<2x256x128xf32>, i32 -> vector<2x256x128xf32>
    %roll3A_2293 = arith.constant 16 : i32
    %roll3A_2294 = tpu.dynamic_rotate %select_n3A_2281 by %roll3A_2293 dim 2 : vector<2x256x128xf32>, i32 -> vector<2x256x128xf32>
    %min3A_2295 = arith.minimumf %select_n3A_2281, %roll3A_2292 : vector<2x256x128xf32>
    %max3A_2296 = arith.maximumf %select_n3A_2281, %roll3A_2294 : vector<2x256x128xf32>
    %broadcast_in_dim3A_2297 = vector.shape_cast %eq3A_70 : vector<1x1x128xi1> to vector<1x1x128xi1>
    %broadcast_in_dim3A_2298 = vector.broadcast %broadcast_in_dim3A_2297 : vector<1x1x128xi1> to vector<2x256x128xi1>
    %select_n3A_2299 = arith.select %broadcast_in_dim3A_2298, %min3A_2295, %max3A_2296 : vector<2x256x128xi1>, vector<2x256x128xf32>
    %roll3A_2300 = arith.constant 112 : i32
    %roll3A_2301 = tpu.dynamic_rotate %select_n3A_2290 by %roll3A_2300 dim 2 : vector<2x256x128xf32>, i32 -> vector<2x256x128xf32>
    %roll3A_2302 = arith.constant 16 : i32
    %roll3A_2303 = tpu.dynamic_rotate %select_n3A_2290 by %roll3A_2302 dim 2 : vector<2x256x128xf32>, i32 -> vector<2x256x128xf32>
    %min3A_2304 = arith.minimumf %select_n3A_2290, %roll3A_2301 : vector<2x256x128xf32>
    %max3A_2305 = arith.maximumf %select_n3A_2290, %roll3A_2303 : vector<2x256x128xf32>
    %broadcast_in_dim3A_2306 = vector.shape_cast %eq3A_70 : vector<1x1x128xi1> to vector<1x1x128xi1>
    %broadcast_in_dim3A_2307 = vector.broadcast %broadcast_in_dim3A_2306 : vector<1x1x128xi1> to vector<2x256x128xi1>
    %select_n3A_2308 = arith.select %broadcast_in_dim3A_2307, %min3A_2304, %max3A_2305 : vector<2x256x128xi1>, vector<2x256x128xf32>
    %roll3A_2309 = arith.constant 120 : i32
    %roll3A_2310 = tpu.dynamic_rotate %select_n3A_2299 by %roll3A_2309 dim 2 : vector<2x256x128xf32>, i32 -> vector<2x256x128xf32>
    %roll3A_2311 = arith.constant 8 : i32
    %roll3A_2312 = tpu.dynamic_rotate %select_n3A_2299 by %roll3A_2311 dim 2 : vector<2x256x128xf32>, i32 -> vector<2x256x128xf32>
    %min3A_2313 = arith.minimumf %select_n3A_2299, %roll3A_2310 : vector<2x256x128xf32>
    %max3A_2314 = arith.maximumf %select_n3A_2299, %roll3A_2312 : vector<2x256x128xf32>
    %broadcast_in_dim3A_2315 = vector.shape_cast %eq3A_64 : vector<1x1x128xi1> to vector<1x1x128xi1>
    %broadcast_in_dim3A_2316 = vector.broadcast %broadcast_in_dim3A_2315 : vector<1x1x128xi1> to vector<2x256x128xi1>
    %select_n3A_2317 = arith.select %broadcast_in_dim3A_2316, %min3A_2313, %max3A_2314 : vector<2x256x128xi1>, vector<2x256x128xf32>
    %roll3A_2318 = arith.constant 120 : i32
    %roll3A_2319 = tpu.dynamic_rotate %select_n3A_2308 by %roll3A_2318 dim 2 : vector<2x256x128xf32>, i32 -> vector<2x256x128xf32>
    %roll3A_2320 = arith.constant 8 : i32
    %roll3A_2321 = tpu.dynamic_rotate %select_n3A_2308 by %roll3A_2320 dim 2 : vector<2x256x128xf32>, i32 -> vector<2x256x128xf32>
    %min3A_2322 = arith.minimumf %select_n3A_2308, %roll3A_2319 : vector<2x256x128xf32>
    %max3A_2323 = arith.maximumf %select_n3A_2308, %roll3A_2321 : vector<2x256x128xf32>
    %broadcast_in_dim3A_2324 = vector.shape_cast %eq3A_64 : vector<1x1x128xi1> to vector<1x1x128xi1>
    %broadcast_in_dim3A_2325 = vector.broadcast %broadcast_in_dim3A_2324 : vector<1x1x128xi1> to vector<2x256x128xi1>
    %select_n3A_2326 = arith.select %broadcast_in_dim3A_2325, %min3A_2322, %max3A_2323 : vector<2x256x128xi1>, vector<2x256x128xf32>
    %roll3A_2327 = arith.constant 124 : i32
    %roll3A_2328 = tpu.dynamic_rotate %select_n3A_2317 by %roll3A_2327 dim 2 : vector<2x256x128xf32>, i32 -> vector<2x256x128xf32>
    %roll3A_2329 = arith.constant 4 : i32
    %roll3A_2330 = tpu.dynamic_rotate %select_n3A_2317 by %roll3A_2329 dim 2 : vector<2x256x128xf32>, i32 -> vector<2x256x128xf32>
    %min3A_2331 = arith.minimumf %select_n3A_2317, %roll3A_2328 : vector<2x256x128xf32>
    %max3A_2332 = arith.maximumf %select_n3A_2317, %roll3A_2330 : vector<2x256x128xf32>
    %broadcast_in_dim3A_2333 = vector.shape_cast %eq3A_58 : vector<1x1x128xi1> to vector<1x1x128xi1>
    %broadcast_in_dim3A_2334 = vector.broadcast %broadcast_in_dim3A_2333 : vector<1x1x128xi1> to vector<2x256x128xi1>
    %select_n3A_2335 = arith.select %broadcast_in_dim3A_2334, %min3A_2331, %max3A_2332 : vector<2x256x128xi1>, vector<2x256x128xf32>
    %roll3A_2336 = arith.constant 124 : i32
    %roll3A_2337 = tpu.dynamic_rotate %select_n3A_2326 by %roll3A_2336 dim 2 : vector<2x256x128xf32>, i32 -> vector<2x256x128xf32>
    %roll3A_2338 = arith.constant 4 : i32
    %roll3A_2339 = tpu.dynamic_rotate %select_n3A_2326 by %roll3A_2338 dim 2 : vector<2x256x128xf32>, i32 -> vector<2x256x128xf32>
    %min3A_2340 = arith.minimumf %select_n3A_2326, %roll3A_2337 : vector<2x256x128xf32>
    %max3A_2341 = arith.maximumf %select_n3A_2326, %roll3A_2339 : vector<2x256x128xf32>
    %broadcast_in_dim3A_2342 = vector.shape_cast %eq3A_58 : vector<1x1x128xi1> to vector<1x1x128xi1>
    %broadcast_in_dim3A_2343 = vector.broadcast %broadcast_in_dim3A_2342 : vector<1x1x128xi1> to vector<2x256x128xi1>
    %select_n3A_2344 = arith.select %broadcast_in_dim3A_2343, %min3A_2340, %max3A_2341 : vector<2x256x128xi1>, vector<2x256x128xf32>
    %roll3A_2345 = arith.constant 126 : i32
    %roll3A_2346 = tpu.dynamic_rotate %select_n3A_2335 by %roll3A_2345 dim 2 : vector<2x256x128xf32>, i32 -> vector<2x256x128xf32>
    %roll3A_2347 = arith.constant 2 : i32
    %roll3A_2348 = tpu.dynamic_rotate %select_n3A_2335 by %roll3A_2347 dim 2 : vector<2x256x128xf32>, i32 -> vector<2x256x128xf32>
    %min3A_2349 = arith.minimumf %select_n3A_2335, %roll3A_2346 : vector<2x256x128xf32>
    %max3A_2350 = arith.maximumf %select_n3A_2335, %roll3A_2348 : vector<2x256x128xf32>
    %broadcast_in_dim3A_2351 = vector.shape_cast %eq3A_52 : vector<1x1x128xi1> to vector<1x1x128xi1>
    %broadcast_in_dim3A_2352 = vector.broadcast %broadcast_in_dim3A_2351 : vector<1x1x128xi1> to vector<2x256x128xi1>
    %select_n3A_2353 = arith.select %broadcast_in_dim3A_2352, %min3A_2349, %max3A_2350 : vector<2x256x128xi1>, vector<2x256x128xf32>
    %roll3A_2354 = arith.constant 126 : i32
    %roll3A_2355 = tpu.dynamic_rotate %select_n3A_2344 by %roll3A_2354 dim 2 : vector<2x256x128xf32>, i32 -> vector<2x256x128xf32>
    %roll3A_2356 = arith.constant 2 : i32
    %roll3A_2357 = tpu.dynamic_rotate %select_n3A_2344 by %roll3A_2356 dim 2 : vector<2x256x128xf32>, i32 -> vector<2x256x128xf32>
    %min3A_2358 = arith.minimumf %select_n3A_2344, %roll3A_2355 : vector<2x256x128xf32>
    %max3A_2359 = arith.maximumf %select_n3A_2344, %roll3A_2357 : vector<2x256x128xf32>
    %broadcast_in_dim3A_2360 = vector.shape_cast %eq3A_52 : vector<1x1x128xi1> to vector<1x1x128xi1>
    %broadcast_in_dim3A_2361 = vector.broadcast %broadcast_in_dim3A_2360 : vector<1x1x128xi1> to vector<2x256x128xi1>
    %select_n3A_2362 = arith.select %broadcast_in_dim3A_2361, %min3A_2358, %max3A_2359 : vector<2x256x128xi1>, vector<2x256x128xf32>
    %roll3A_2363 = arith.constant 127 : i32
    %roll3A_2364 = tpu.dynamic_rotate %select_n3A_2353 by %roll3A_2363 dim 2 : vector<2x256x128xf32>, i32 -> vector<2x256x128xf32>
    %roll3A_2365 = arith.constant 1 : i32
    %roll3A_2366 = tpu.dynamic_rotate %select_n3A_2353 by %roll3A_2365 dim 2 : vector<2x256x128xf32>, i32 -> vector<2x256x128xf32>
    %min3A_2367 = arith.minimumf %select_n3A_2353, %roll3A_2364 : vector<2x256x128xf32>
    %max3A_2368 = arith.maximumf %select_n3A_2353, %roll3A_2366 : vector<2x256x128xf32>
    %broadcast_in_dim3A_2369 = vector.shape_cast %eq3A_46 : vector<1x1x128xi1> to vector<1x1x128xi1>
    %broadcast_in_dim3A_2370 = vector.broadcast %broadcast_in_dim3A_2369 : vector<1x1x128xi1> to vector<2x256x128xi1>
    %select_n3A_2371 = arith.select %broadcast_in_dim3A_2370, %min3A_2367, %max3A_2368 : vector<2x256x128xi1>, vector<2x256x128xf32>
    %roll3A_2372 = arith.constant 127 : i32
    %roll3A_2373 = tpu.dynamic_rotate %select_n3A_2362 by %roll3A_2372 dim 2 : vector<2x256x128xf32>, i32 -> vector<2x256x128xf32>
    %roll3A_2374 = arith.constant 1 : i32
    %roll3A_2375 = tpu.dynamic_rotate %select_n3A_2362 by %roll3A_2374 dim 2 : vector<2x256x128xf32>, i32 -> vector<2x256x128xf32>
    %min3A_2376 = arith.minimumf %select_n3A_2362, %roll3A_2373 : vector<2x256x128xf32>
    %max3A_2377 = arith.maximumf %select_n3A_2362, %roll3A_2375 : vector<2x256x128xf32>
    %broadcast_in_dim3A_2378 = vector.shape_cast %eq3A_46 : vector<1x1x128xi1> to vector<1x1x128xi1>
    %broadcast_in_dim3A_2379 = vector.broadcast %broadcast_in_dim3A_2378 : vector<1x1x128xi1> to vector<2x256x128xi1>
    %select_n3A_2380 = arith.select %broadcast_in_dim3A_2379, %min3A_2376, %max3A_2377 : vector<2x256x128xi1>, vector<2x256x128xf32>
    %roll3A_2381 = arith.constant 252 : i32
    %roll3A_2382 = tpu.dynamic_rotate %select_n3A_2371 by %roll3A_2381 dim 1 : vector<2x256x128xf32>, i32 -> vector<2x256x128xf32>
    %roll3A_2383 = arith.constant 4 : i32
    %roll3A_2384 = tpu.dynamic_rotate %select_n3A_2371 by %roll3A_2383 dim 1 : vector<2x256x128xf32>, i32 -> vector<2x256x128xf32>
    %min3A_2385 = arith.minimumf %select_n3A_2371, %roll3A_2382 : vector<2x256x128xf32>
    %max3A_2386 = arith.maximumf %select_n3A_2371, %roll3A_2384 : vector<2x256x128xf32>
    %broadcast_in_dim3A_2387 = vector.shape_cast %eq3A_40 : vector<1x256x1xi1> to vector<1x256x1xi1>
    %broadcast_in_dim3A_2388 = vector.broadcast %broadcast_in_dim3A_2387 : vector<1x256x1xi1> to vector<2x256x128xi1>
    %select_n3A_2389 = arith.select %broadcast_in_dim3A_2388, %min3A_2385, %max3A_2386 : vector<2x256x128xi1>, vector<2x256x128xf32>
    %roll3A_2390 = arith.constant 252 : i32
    %roll3A_2391 = tpu.dynamic_rotate %select_n3A_2380 by %roll3A_2390 dim 1 : vector<2x256x128xf32>, i32 -> vector<2x256x128xf32>
    %roll3A_2392 = arith.constant 4 : i32
    %roll3A_2393 = tpu.dynamic_rotate %select_n3A_2380 by %roll3A_2392 dim 1 : vector<2x256x128xf32>, i32 -> vector<2x256x128xf32>
    %min3A_2394 = arith.minimumf %select_n3A_2380, %roll3A_2391 : vector<2x256x128xf32>
    %max3A_2395 = arith.maximumf %select_n3A_2380, %roll3A_2393 : vector<2x256x128xf32>
    %broadcast_in_dim3A_2396 = vector.shape_cast %eq3A_40 : vector<1x256x1xi1> to vector<1x256x1xi1>
    %broadcast_in_dim3A_2397 = vector.broadcast %broadcast_in_dim3A_2396 : vector<1x256x1xi1> to vector<2x256x128xi1>
    %select_n3A_2398 = arith.select %broadcast_in_dim3A_2397, %min3A_2394, %max3A_2395 : vector<2x256x128xi1>, vector<2x256x128xf32>
    %roll3A_2399 = arith.constant 254 : i32
    %roll3A_2400 = tpu.dynamic_rotate %select_n3A_2389 by %roll3A_2399 dim 1 : vector<2x256x128xf32>, i32 -> vector<2x256x128xf32>
    %roll3A_2401 = arith.constant 2 : i32
    %roll3A_2402 = tpu.dynamic_rotate %select_n3A_2389 by %roll3A_2401 dim 1 : vector<2x256x128xf32>, i32 -> vector<2x256x128xf32>
    %min3A_2403 = arith.minimumf %select_n3A_2389, %roll3A_2400 : vector<2x256x128xf32>
    %max3A_2404 = arith.maximumf %select_n3A_2389, %roll3A_2402 : vector<2x256x128xf32>
    %broadcast_in_dim3A_2405 = vector.shape_cast %eq3A_34 : vector<1x256x1xi1> to vector<1x256x1xi1>
    %broadcast_in_dim3A_2406 = vector.broadcast %broadcast_in_dim3A_2405 : vector<1x256x1xi1> to vector<2x256x128xi1>
    %select_n3A_2407 = arith.select %broadcast_in_dim3A_2406, %min3A_2403, %max3A_2404 : vector<2x256x128xi1>, vector<2x256x128xf32>
    %roll3A_2408 = arith.constant 254 : i32
    %roll3A_2409 = tpu.dynamic_rotate %select_n3A_2398 by %roll3A_2408 dim 1 : vector<2x256x128xf32>, i32 -> vector<2x256x128xf32>
    %roll3A_2410 = arith.constant 2 : i32
    %roll3A_2411 = tpu.dynamic_rotate %select_n3A_2398 by %roll3A_2410 dim 1 : vector<2x256x128xf32>, i32 -> vector<2x256x128xf32>
    %min3A_2412 = arith.minimumf %select_n3A_2398, %roll3A_2409 : vector<2x256x128xf32>
    %max3A_2413 = arith.maximumf %select_n3A_2398, %roll3A_2411 : vector<2x256x128xf32>
    %broadcast_in_dim3A_2414 = vector.shape_cast %eq3A_34 : vector<1x256x1xi1> to vector<1x256x1xi1>
    %broadcast_in_dim3A_2415 = vector.broadcast %broadcast_in_dim3A_2414 : vector<1x256x1xi1> to vector<2x256x128xi1>
    %select_n3A_2416 = arith.select %broadcast_in_dim3A_2415, %min3A_2412, %max3A_2413 : vector<2x256x128xi1>, vector<2x256x128xf32>
    %roll3A_2417 = arith.constant 255 : i32
    %roll3A_2418 = tpu.dynamic_rotate %select_n3A_2407 by %roll3A_2417 dim 1 : vector<2x256x128xf32>, i32 -> vector<2x256x128xf32>
    %roll3A_2419 = arith.constant 1 : i32
    %roll3A_2420 = tpu.dynamic_rotate %select_n3A_2407 by %roll3A_2419 dim 1 : vector<2x256x128xf32>, i32 -> vector<2x256x128xf32>
    %min3A_2421 = arith.minimumf %select_n3A_2407, %roll3A_2418 : vector<2x256x128xf32>
    %max3A_2422 = arith.maximumf %select_n3A_2407, %roll3A_2420 : vector<2x256x128xf32>
    %broadcast_in_dim3A_2423 = vector.shape_cast %eq3A_28 : vector<1x256x1xi1> to vector<1x256x1xi1>
    %broadcast_in_dim3A_2424 = vector.broadcast %broadcast_in_dim3A_2423 : vector<1x256x1xi1> to vector<2x256x128xi1>
    %select_n3A_2425 = arith.select %broadcast_in_dim3A_2424, %min3A_2421, %max3A_2422 : vector<2x256x128xi1>, vector<2x256x128xf32>
    %roll3A_2426 = arith.constant 255 : i32
    %roll3A_2427 = tpu.dynamic_rotate %select_n3A_2416 by %roll3A_2426 dim 1 : vector<2x256x128xf32>, i32 -> vector<2x256x128xf32>
    %roll3A_2428 = arith.constant 1 : i32
    %roll3A_2429 = tpu.dynamic_rotate %select_n3A_2416 by %roll3A_2428 dim 1 : vector<2x256x128xf32>, i32 -> vector<2x256x128xf32>
    %min3A_2430 = arith.minimumf %select_n3A_2416, %roll3A_2427 : vector<2x256x128xf32>
    %max3A_2431 = arith.maximumf %select_n3A_2416, %roll3A_2429 : vector<2x256x128xf32>
    %broadcast_in_dim3A_2432 = vector.shape_cast %eq3A_28 : vector<1x256x1xi1> to vector<1x256x1xi1>
    %broadcast_in_dim3A_2433 = vector.broadcast %broadcast_in_dim3A_2432 : vector<1x256x1xi1> to vector<2x256x128xi1>
    %select_n3A_2434 = arith.select %broadcast_in_dim3A_2433, %min3A_2430, %max3A_2431 : vector<2x256x128xi1>, vector<2x256x128xf32>
    %reshape3A_2435 = vector.shape_cast %select_n3A_2425 : vector<2x256x128xf32> to vector<2x1x2x128x128xf32>
    %slice3A_2436 = vector.extract_strided_slice %reshape3A_2435 {offsets = [0, 0, 0, 0, 0], sizes = [2, 1, 1, 128, 128], strides = [1, 1, 1, 1, 1]} : vector<2x1x2x128x128xf32> to vector<2x1x1x128x128xf32>
    %squeeze3A_2437 = vector.shape_cast %slice3A_2436 : vector<2x1x1x128x128xf32> to vector<2x1x128x128xf32>
    %slice3A_2438 = vector.extract_strided_slice %reshape3A_2435 {offsets = [0, 0, 1, 0, 0], sizes = [2, 1, 1, 128, 128], strides = [1, 1, 1, 1, 1]} : vector<2x1x2x128x128xf32> to vector<2x1x1x128x128xf32>
    %squeeze3A_2439 = vector.shape_cast %slice3A_2438 : vector<2x1x1x128x128xf32> to vector<2x1x128x128xf32>
    %min3A_2440 = arith.minimumf %squeeze3A_2437, %squeeze3A_2439 : vector<2x1x128x128xf32>
    %max3A_2441 = arith.maximumf %squeeze3A_2437, %squeeze3A_2439 : vector<2x1x128x128xf32>
    %broadcast_in_dim3A_2442 = vector.shape_cast %min3A_2440 : vector<2x1x128x128xf32> to vector<2x1x1x128x128xf32>
    %broadcast_in_dim3A_2443 = vector.shape_cast %max3A_2441 : vector<2x1x128x128xf32> to vector<2x1x1x128x128xf32>
    %concatenate3A_2444 = tpu.concatenate %broadcast_in_dim3A_2442, %broadcast_in_dim3A_2443 in 2 : vector<2x1x1x128x128xf32>, vector<2x1x1x128x128xf32> -> vector<2x1x2x128x128xf32>
    %reshape3A_2445 = vector.shape_cast %concatenate3A_2444 : vector<2x1x2x128x128xf32> to vector<2x256x128xf32>
    %reshape3A_2446 = vector.shape_cast %select_n3A_2434 : vector<2x256x128xf32> to vector<2x1x2x128x128xf32>
    %slice3A_2447 = vector.extract_strided_slice %reshape3A_2446 {offsets = [0, 0, 0, 0, 0], sizes = [2, 1, 1, 128, 128], strides = [1, 1, 1, 1, 1]} : vector<2x1x2x128x128xf32> to vector<2x1x1x128x128xf32>
    %squeeze3A_2448 = vector.shape_cast %slice3A_2447 : vector<2x1x1x128x128xf32> to vector<2x1x128x128xf32>
    %slice3A_2449 = vector.extract_strided_slice %reshape3A_2446 {offsets = [0, 0, 1, 0, 0], sizes = [2, 1, 1, 128, 128], strides = [1, 1, 1, 1, 1]} : vector<2x1x2x128x128xf32> to vector<2x1x1x128x128xf32>
    %squeeze3A_2450 = vector.shape_cast %slice3A_2449 : vector<2x1x1x128x128xf32> to vector<2x1x128x128xf32>
    %min3A_2451 = arith.minimumf %squeeze3A_2448, %squeeze3A_2450 : vector<2x1x128x128xf32>
    %max3A_2452 = arith.maximumf %squeeze3A_2448, %squeeze3A_2450 : vector<2x1x128x128xf32>
    %broadcast_in_dim3A_2453 = vector.shape_cast %min3A_2451 : vector<2x1x128x128xf32> to vector<2x1x1x128x128xf32>
    %broadcast_in_dim3A_2454 = vector.shape_cast %max3A_2452 : vector<2x1x128x128xf32> to vector<2x1x1x128x128xf32>
    %concatenate3A_2455 = tpu.concatenate %broadcast_in_dim3A_2453, %broadcast_in_dim3A_2454 in 2 : vector<2x1x1x128x128xf32>, vector<2x1x1x128x128xf32> -> vector<2x1x2x128x128xf32>
    %reshape3A_2456 = vector.shape_cast %concatenate3A_2455 : vector<2x1x2x128x128xf32> to vector<2x256x128xf32>
    %reshape3A_2457 = vector.shape_cast %reshape3A_2445 : vector<2x256x128xf32> to vector<2x2x2x64x128xf32>
    %slice3A_2458 = vector.extract_strided_slice %reshape3A_2457 {offsets = [0, 0, 0, 0, 0], sizes = [2, 2, 1, 64, 128], strides = [1, 1, 1, 1, 1]} : vector<2x2x2x64x128xf32> to vector<2x2x1x64x128xf32>
    %squeeze3A_2459 = vector.shape_cast %slice3A_2458 : vector<2x2x1x64x128xf32> to vector<2x2x64x128xf32>
    %slice3A_2460 = vector.extract_strided_slice %reshape3A_2457 {offsets = [0, 0, 1, 0, 0], sizes = [2, 2, 1, 64, 128], strides = [1, 1, 1, 1, 1]} : vector<2x2x2x64x128xf32> to vector<2x2x1x64x128xf32>
    %squeeze3A_2461 = vector.shape_cast %slice3A_2460 : vector<2x2x1x64x128xf32> to vector<2x2x64x128xf32>
    %min3A_2462 = arith.minimumf %squeeze3A_2459, %squeeze3A_2461 : vector<2x2x64x128xf32>
    %max3A_2463 = arith.maximumf %squeeze3A_2459, %squeeze3A_2461 : vector<2x2x64x128xf32>
    %broadcast_in_dim3A_2464 = vector.shape_cast %min3A_2462 : vector<2x2x64x128xf32> to vector<2x2x1x64x128xf32>
    %broadcast_in_dim3A_2465 = vector.shape_cast %max3A_2463 : vector<2x2x64x128xf32> to vector<2x2x1x64x128xf32>
    %concatenate3A_2466 = tpu.concatenate %broadcast_in_dim3A_2464, %broadcast_in_dim3A_2465 in 2 : vector<2x2x1x64x128xf32>, vector<2x2x1x64x128xf32> -> vector<2x2x2x64x128xf32>
    %reshape3A_2467 = vector.shape_cast %concatenate3A_2466 : vector<2x2x2x64x128xf32> to vector<2x256x128xf32>
    %reshape3A_2468 = vector.shape_cast %reshape3A_2456 : vector<2x256x128xf32> to vector<2x2x2x64x128xf32>
    %slice3A_2469 = vector.extract_strided_slice %reshape3A_2468 {offsets = [0, 0, 0, 0, 0], sizes = [2, 2, 1, 64, 128], strides = [1, 1, 1, 1, 1]} : vector<2x2x2x64x128xf32> to vector<2x2x1x64x128xf32>
    %squeeze3A_2470 = vector.shape_cast %slice3A_2469 : vector<2x2x1x64x128xf32> to vector<2x2x64x128xf32>
    %slice3A_2471 = vector.extract_strided_slice %reshape3A_2468 {offsets = [0, 0, 1, 0, 0], sizes = [2, 2, 1, 64, 128], strides = [1, 1, 1, 1, 1]} : vector<2x2x2x64x128xf32> to vector<2x2x1x64x128xf32>
    %squeeze3A_2472 = vector.shape_cast %slice3A_2471 : vector<2x2x1x64x128xf32> to vector<2x2x64x128xf32>
    %min3A_2473 = arith.minimumf %squeeze3A_2470, %squeeze3A_2472 : vector<2x2x64x128xf32>
    %max3A_2474 = arith.maximumf %squeeze3A_2470, %squeeze3A_2472 : vector<2x2x64x128xf32>
    %broadcast_in_dim3A_2475 = vector.shape_cast %min3A_2473 : vector<2x2x64x128xf32> to vector<2x2x1x64x128xf32>
    %broadcast_in_dim3A_2476 = vector.shape_cast %max3A_2474 : vector<2x2x64x128xf32> to vector<2x2x1x64x128xf32>
    %concatenate3A_2477 = tpu.concatenate %broadcast_in_dim3A_2475, %broadcast_in_dim3A_2476 in 2 : vector<2x2x1x64x128xf32>, vector<2x2x1x64x128xf32> -> vector<2x2x2x64x128xf32>
    %reshape3A_2478 = vector.shape_cast %concatenate3A_2477 : vector<2x2x2x64x128xf32> to vector<2x256x128xf32>
    %reshape3A_2479 = vector.shape_cast %reshape3A_2467 : vector<2x256x128xf32> to vector<2x4x2x32x128xf32>
    %slice3A_2480 = vector.extract_strided_slice %reshape3A_2479 {offsets = [0, 0, 0, 0, 0], sizes = [2, 4, 1, 32, 128], strides = [1, 1, 1, 1, 1]} : vector<2x4x2x32x128xf32> to vector<2x4x1x32x128xf32>
    %squeeze3A_2481 = vector.shape_cast %slice3A_2480 : vector<2x4x1x32x128xf32> to vector<2x4x32x128xf32>
    %slice3A_2482 = vector.extract_strided_slice %reshape3A_2479 {offsets = [0, 0, 1, 0, 0], sizes = [2, 4, 1, 32, 128], strides = [1, 1, 1, 1, 1]} : vector<2x4x2x32x128xf32> to vector<2x4x1x32x128xf32>
    %squeeze3A_2483 = vector.shape_cast %slice3A_2482 : vector<2x4x1x32x128xf32> to vector<2x4x32x128xf32>
    %min3A_2484 = arith.minimumf %squeeze3A_2481, %squeeze3A_2483 : vector<2x4x32x128xf32>
    %max3A_2485 = arith.maximumf %squeeze3A_2481, %squeeze3A_2483 : vector<2x4x32x128xf32>
    %broadcast_in_dim3A_2486 = vector.shape_cast %min3A_2484 : vector<2x4x32x128xf32> to vector<2x4x1x32x128xf32>
    %broadcast_in_dim3A_2487 = vector.shape_cast %max3A_2485 : vector<2x4x32x128xf32> to vector<2x4x1x32x128xf32>
    %concatenate3A_2488 = tpu.concatenate %broadcast_in_dim3A_2486, %broadcast_in_dim3A_2487 in 2 : vector<2x4x1x32x128xf32>, vector<2x4x1x32x128xf32> -> vector<2x4x2x32x128xf32>
    %reshape3A_2489 = vector.shape_cast %concatenate3A_2488 : vector<2x4x2x32x128xf32> to vector<2x256x128xf32>
    %reshape3A_2490 = vector.shape_cast %reshape3A_2478 : vector<2x256x128xf32> to vector<2x4x2x32x128xf32>
    %slice3A_2491 = vector.extract_strided_slice %reshape3A_2490 {offsets = [0, 0, 0, 0, 0], sizes = [2, 4, 1, 32, 128], strides = [1, 1, 1, 1, 1]} : vector<2x4x2x32x128xf32> to vector<2x4x1x32x128xf32>
    %squeeze3A_2492 = vector.shape_cast %slice3A_2491 : vector<2x4x1x32x128xf32> to vector<2x4x32x128xf32>
    %slice3A_2493 = vector.extract_strided_slice %reshape3A_2490 {offsets = [0, 0, 1, 0, 0], sizes = [2, 4, 1, 32, 128], strides = [1, 1, 1, 1, 1]} : vector<2x4x2x32x128xf32> to vector<2x4x1x32x128xf32>
    %squeeze3A_2494 = vector.shape_cast %slice3A_2493 : vector<2x4x1x32x128xf32> to vector<2x4x32x128xf32>
    %min3A_2495 = arith.minimumf %squeeze3A_2492, %squeeze3A_2494 : vector<2x4x32x128xf32>
    %max3A_2496 = arith.maximumf %squeeze3A_2492, %squeeze3A_2494 : vector<2x4x32x128xf32>
    %broadcast_in_dim3A_2497 = vector.shape_cast %min3A_2495 : vector<2x4x32x128xf32> to vector<2x4x1x32x128xf32>
    %broadcast_in_dim3A_2498 = vector.shape_cast %max3A_2496 : vector<2x4x32x128xf32> to vector<2x4x1x32x128xf32>
    %concatenate3A_2499 = tpu.concatenate %broadcast_in_dim3A_2497, %broadcast_in_dim3A_2498 in 2 : vector<2x4x1x32x128xf32>, vector<2x4x1x32x128xf32> -> vector<2x4x2x32x128xf32>
    %reshape3A_2500 = vector.shape_cast %concatenate3A_2499 : vector<2x4x2x32x128xf32> to vector<2x256x128xf32>
    %reshape3A_2501 = vector.shape_cast %reshape3A_2489 : vector<2x256x128xf32> to vector<2x8x2x16x128xf32>
    %slice3A_2502 = vector.extract_strided_slice %reshape3A_2501 {offsets = [0, 0, 0, 0, 0], sizes = [2, 8, 1, 16, 128], strides = [1, 1, 1, 1, 1]} : vector<2x8x2x16x128xf32> to vector<2x8x1x16x128xf32>
    %squeeze3A_2503 = vector.shape_cast %slice3A_2502 : vector<2x8x1x16x128xf32> to vector<2x8x16x128xf32>
    %slice3A_2504 = vector.extract_strided_slice %reshape3A_2501 {offsets = [0, 0, 1, 0, 0], sizes = [2, 8, 1, 16, 128], strides = [1, 1, 1, 1, 1]} : vector<2x8x2x16x128xf32> to vector<2x8x1x16x128xf32>
    %squeeze3A_2505 = vector.shape_cast %slice3A_2504 : vector<2x8x1x16x128xf32> to vector<2x8x16x128xf32>
    %min3A_2506 = arith.minimumf %squeeze3A_2503, %squeeze3A_2505 : vector<2x8x16x128xf32>
    %max3A_2507 = arith.maximumf %squeeze3A_2503, %squeeze3A_2505 : vector<2x8x16x128xf32>
    %broadcast_in_dim3A_2508 = vector.shape_cast %min3A_2506 : vector<2x8x16x128xf32> to vector<2x8x1x16x128xf32>
    %broadcast_in_dim3A_2509 = vector.shape_cast %max3A_2507 : vector<2x8x16x128xf32> to vector<2x8x1x16x128xf32>
    %concatenate3A_2510 = tpu.concatenate %broadcast_in_dim3A_2508, %broadcast_in_dim3A_2509 in 2 : vector<2x8x1x16x128xf32>, vector<2x8x1x16x128xf32> -> vector<2x8x2x16x128xf32>
    %reshape3A_2511 = vector.shape_cast %concatenate3A_2510 : vector<2x8x2x16x128xf32> to vector<2x256x128xf32>
    %reshape3A_2512 = vector.shape_cast %reshape3A_2500 : vector<2x256x128xf32> to vector<2x8x2x16x128xf32>
    %slice3A_2513 = vector.extract_strided_slice %reshape3A_2512 {offsets = [0, 0, 0, 0, 0], sizes = [2, 8, 1, 16, 128], strides = [1, 1, 1, 1, 1]} : vector<2x8x2x16x128xf32> to vector<2x8x1x16x128xf32>
    %squeeze3A_2514 = vector.shape_cast %slice3A_2513 : vector<2x8x1x16x128xf32> to vector<2x8x16x128xf32>
    %slice3A_2515 = vector.extract_strided_slice %reshape3A_2512 {offsets = [0, 0, 1, 0, 0], sizes = [2, 8, 1, 16, 128], strides = [1, 1, 1, 1, 1]} : vector<2x8x2x16x128xf32> to vector<2x8x1x16x128xf32>
    %squeeze3A_2516 = vector.shape_cast %slice3A_2515 : vector<2x8x1x16x128xf32> to vector<2x8x16x128xf32>
    %min3A_2517 = arith.minimumf %squeeze3A_2514, %squeeze3A_2516 : vector<2x8x16x128xf32>
    %max3A_2518 = arith.maximumf %squeeze3A_2514, %squeeze3A_2516 : vector<2x8x16x128xf32>
    %broadcast_in_dim3A_2519 = vector.shape_cast %min3A_2517 : vector<2x8x16x128xf32> to vector<2x8x1x16x128xf32>
    %broadcast_in_dim3A_2520 = vector.shape_cast %max3A_2518 : vector<2x8x16x128xf32> to vector<2x8x1x16x128xf32>
    %concatenate3A_2521 = tpu.concatenate %broadcast_in_dim3A_2519, %broadcast_in_dim3A_2520 in 2 : vector<2x8x1x16x128xf32>, vector<2x8x1x16x128xf32> -> vector<2x8x2x16x128xf32>
    %reshape3A_2522 = vector.shape_cast %concatenate3A_2521 : vector<2x8x2x16x128xf32> to vector<2x256x128xf32>
    %reshape3A_2523 = vector.shape_cast %reshape3A_2511 : vector<2x256x128xf32> to vector<2x16x2x8x128xf32>
    %slice3A_2524 = vector.extract_strided_slice %reshape3A_2523 {offsets = [0, 0, 0, 0, 0], sizes = [2, 16, 1, 8, 128], strides = [1, 1, 1, 1, 1]} : vector<2x16x2x8x128xf32> to vector<2x16x1x8x128xf32>
    %squeeze3A_2525 = vector.shape_cast %slice3A_2524 : vector<2x16x1x8x128xf32> to vector<2x16x8x128xf32>
    %slice3A_2526 = vector.extract_strided_slice %reshape3A_2523 {offsets = [0, 0, 1, 0, 0], sizes = [2, 16, 1, 8, 128], strides = [1, 1, 1, 1, 1]} : vector<2x16x2x8x128xf32> to vector<2x16x1x8x128xf32>
    %squeeze3A_2527 = vector.shape_cast %slice3A_2526 : vector<2x16x1x8x128xf32> to vector<2x16x8x128xf32>
    %min3A_2528 = arith.minimumf %squeeze3A_2525, %squeeze3A_2527 : vector<2x16x8x128xf32>
    %max3A_2529 = arith.maximumf %squeeze3A_2525, %squeeze3A_2527 : vector<2x16x8x128xf32>
    %broadcast_in_dim3A_2530 = vector.shape_cast %min3A_2528 : vector<2x16x8x128xf32> to vector<2x16x1x8x128xf32>
    %broadcast_in_dim3A_2531 = vector.shape_cast %max3A_2529 : vector<2x16x8x128xf32> to vector<2x16x1x8x128xf32>
    %concatenate3A_2532 = tpu.concatenate %broadcast_in_dim3A_2530, %broadcast_in_dim3A_2531 in 2 : vector<2x16x1x8x128xf32>, vector<2x16x1x8x128xf32> -> vector<2x16x2x8x128xf32>
    %reshape3A_2533 = vector.shape_cast %concatenate3A_2532 : vector<2x16x2x8x128xf32> to vector<2x256x128xf32>
    %reshape3A_2534 = vector.shape_cast %reshape3A_2522 : vector<2x256x128xf32> to vector<2x16x2x8x128xf32>
    %slice3A_2535 = vector.extract_strided_slice %reshape3A_2534 {offsets = [0, 0, 0, 0, 0], sizes = [2, 16, 1, 8, 128], strides = [1, 1, 1, 1, 1]} : vector<2x16x2x8x128xf32> to vector<2x16x1x8x128xf32>
    %squeeze3A_2536 = vector.shape_cast %slice3A_2535 : vector<2x16x1x8x128xf32> to vector<2x16x8x128xf32>
    %slice3A_2537 = vector.extract_strided_slice %reshape3A_2534 {offsets = [0, 0, 1, 0, 0], sizes = [2, 16, 1, 8, 128], strides = [1, 1, 1, 1, 1]} : vector<2x16x2x8x128xf32> to vector<2x16x1x8x128xf32>
    %squeeze3A_2538 = vector.shape_cast %slice3A_2537 : vector<2x16x1x8x128xf32> to vector<2x16x8x128xf32>
    %min3A_2539 = arith.minimumf %squeeze3A_2536, %squeeze3A_2538 : vector<2x16x8x128xf32>
    %max3A_2540 = arith.maximumf %squeeze3A_2536, %squeeze3A_2538 : vector<2x16x8x128xf32>
    %broadcast_in_dim3A_2541 = vector.shape_cast %min3A_2539 : vector<2x16x8x128xf32> to vector<2x16x1x8x128xf32>
    %broadcast_in_dim3A_2542 = vector.shape_cast %max3A_2540 : vector<2x16x8x128xf32> to vector<2x16x1x8x128xf32>
    %concatenate3A_2543 = tpu.concatenate %broadcast_in_dim3A_2541, %broadcast_in_dim3A_2542 in 2 : vector<2x16x1x8x128xf32>, vector<2x16x1x8x128xf32> -> vector<2x16x2x8x128xf32>
    %reshape3A_2544 = vector.shape_cast %concatenate3A_2543 : vector<2x16x2x8x128xf32> to vector<2x256x128xf32>
    %and3A_2545 = arith.constant 16384 : i32
    %and3A_2546 = vector.broadcast %and3A_2545 : i32 to vector<1x256x128xi32>
    %and3A_2547 = arith.andi %or3A_10, %and3A_2546 : vector<1x256x128xi32>
    %eq3A_2548 = arith.constant 0 : i32
    %eq3A_2549 = vector.broadcast %eq3A_2548 : i32 to vector<1x256x128xi32>
    %eq3A_2550 = arith.cmpi eq, %and3A_2547, %eq3A_2549 : vector<1x256x128xi32>
    %and3A_2551 = arith.constant 32768 : i32
    %and3A_2552 = vector.broadcast %and3A_2551 : i32 to vector<1x256x128xi32>
    %and3A_2553 = arith.andi %or3A_10, %and3A_2552 : vector<1x256x128xi32>
    %eq3A_2554 = arith.constant 0 : i32
    %eq3A_2555 = vector.broadcast %eq3A_2554 : i32 to vector<1x256x128xi32>
    %eq3A_2556 = arith.cmpi eq, %and3A_2553, %eq3A_2555 : vector<1x256x128xi32>
    %ne3A_2557 = arith.xori %eq3A_2550, %eq3A_2556 : vector<1x256x128xi1>
    %neg3A_2558 = arith.constant 0.000000e+00 : f32
    %neg3A_2559 = vector.broadcast %neg3A_2558 : f32 to vector<2x256x128xf32>
    %neg3A_2560 = arith.subf %neg3A_2559, %reshape3A_2533 : vector<2x256x128xf32>
    %broadcast_in_dim3A_2561 = vector.shape_cast %ne3A_2557 : vector<1x256x128xi1> to vector<1x256x128xi1>
    %broadcast_in_dim3A_2562 = vector.broadcast %broadcast_in_dim3A_2561 : vector<1x256x128xi1> to vector<2x256x128xi1>
    %select_n3A_2563 = arith.select %broadcast_in_dim3A_2562, %neg3A_2560, %reshape3A_2533 : vector<2x256x128xi1>, vector<2x256x128xf32>
    %neg3A_2564 = arith.constant 0.000000e+00 : f32
    %neg3A_2565 = vector.broadcast %neg3A_2564 : f32 to vector<2x256x128xf32>
    %neg3A_2566 = arith.subf %neg3A_2565, %reshape3A_2544 : vector<2x256x128xf32>
    %broadcast_in_dim3A_2567 = vector.shape_cast %ne3A_2557 : vector<1x256x128xi1> to vector<1x256x128xi1>
    %broadcast_in_dim3A_2568 = vector.broadcast %broadcast_in_dim3A_2567 : vector<1x256x128xi1> to vector<2x256x128xi1>
    %select_n3A_2569 = arith.select %broadcast_in_dim3A_2568, %neg3A_2566, %reshape3A_2544 : vector<2x256x128xi1>, vector<2x256x128xf32>
    %roll3A_2570 = arith.constant 64 : i32
    %roll3A_2571 = tpu.dynamic_rotate %select_n3A_2563 by %roll3A_2570 dim 2 : vector<2x256x128xf32>, i32 -> vector<2x256x128xf32>
    %roll3A_2572 = arith.constant 64 : i32
    %roll3A_2573 = tpu.dynamic_rotate %select_n3A_2563 by %roll3A_2572 dim 2 : vector<2x256x128xf32>, i32 -> vector<2x256x128xf32>
    %min3A_2574 = arith.minimumf %select_n3A_2563, %roll3A_2571 : vector<2x256x128xf32>
    %max3A_2575 = arith.maximumf %select_n3A_2563, %roll3A_2573 : vector<2x256x128xf32>
    %broadcast_in_dim3A_2576 = vector.shape_cast %eq3A_82 : vector<1x1x128xi1> to vector<1x1x128xi1>
    %broadcast_in_dim3A_2577 = vector.broadcast %broadcast_in_dim3A_2576 : vector<1x1x128xi1> to vector<2x256x128xi1>
    %select_n3A_2578 = arith.select %broadcast_in_dim3A_2577, %min3A_2574, %max3A_2575 : vector<2x256x128xi1>, vector<2x256x128xf32>
    %roll3A_2579 = arith.constant 64 : i32
    %roll3A_2580 = tpu.dynamic_rotate %select_n3A_2569 by %roll3A_2579 dim 2 : vector<2x256x128xf32>, i32 -> vector<2x256x128xf32>
    %roll3A_2581 = arith.constant 64 : i32
    %roll3A_2582 = tpu.dynamic_rotate %select_n3A_2569 by %roll3A_2581 dim 2 : vector<2x256x128xf32>, i32 -> vector<2x256x128xf32>
    %min3A_2583 = arith.minimumf %select_n3A_2569, %roll3A_2580 : vector<2x256x128xf32>
    %max3A_2584 = arith.maximumf %select_n3A_2569, %roll3A_2582 : vector<2x256x128xf32>
    %broadcast_in_dim3A_2585 = vector.shape_cast %eq3A_82 : vector<1x1x128xi1> to vector<1x1x128xi1>
    %broadcast_in_dim3A_2586 = vector.broadcast %broadcast_in_dim3A_2585 : vector<1x1x128xi1> to vector<2x256x128xi1>
    %select_n3A_2587 = arith.select %broadcast_in_dim3A_2586, %min3A_2583, %max3A_2584 : vector<2x256x128xi1>, vector<2x256x128xf32>
    %roll3A_2588 = arith.constant 96 : i32
    %roll3A_2589 = tpu.dynamic_rotate %select_n3A_2578 by %roll3A_2588 dim 2 : vector<2x256x128xf32>, i32 -> vector<2x256x128xf32>
    %roll3A_2590 = arith.constant 32 : i32
    %roll3A_2591 = tpu.dynamic_rotate %select_n3A_2578 by %roll3A_2590 dim 2 : vector<2x256x128xf32>, i32 -> vector<2x256x128xf32>
    %min3A_2592 = arith.minimumf %select_n3A_2578, %roll3A_2589 : vector<2x256x128xf32>
    %max3A_2593 = arith.maximumf %select_n3A_2578, %roll3A_2591 : vector<2x256x128xf32>
    %broadcast_in_dim3A_2594 = vector.shape_cast %eq3A_76 : vector<1x1x128xi1> to vector<1x1x128xi1>
    %broadcast_in_dim3A_2595 = vector.broadcast %broadcast_in_dim3A_2594 : vector<1x1x128xi1> to vector<2x256x128xi1>
    %select_n3A_2596 = arith.select %broadcast_in_dim3A_2595, %min3A_2592, %max3A_2593 : vector<2x256x128xi1>, vector<2x256x128xf32>
    %roll3A_2597 = arith.constant 96 : i32
    %roll3A_2598 = tpu.dynamic_rotate %select_n3A_2587 by %roll3A_2597 dim 2 : vector<2x256x128xf32>, i32 -> vector<2x256x128xf32>
    %roll3A_2599 = arith.constant 32 : i32
    %roll3A_2600 = tpu.dynamic_rotate %select_n3A_2587 by %roll3A_2599 dim 2 : vector<2x256x128xf32>, i32 -> vector<2x256x128xf32>
    %min3A_2601 = arith.minimumf %select_n3A_2587, %roll3A_2598 : vector<2x256x128xf32>
    %max3A_2602 = arith.maximumf %select_n3A_2587, %roll3A_2600 : vector<2x256x128xf32>
    %broadcast_in_dim3A_2603 = vector.shape_cast %eq3A_76 : vector<1x1x128xi1> to vector<1x1x128xi1>
    %broadcast_in_dim3A_2604 = vector.broadcast %broadcast_in_dim3A_2603 : vector<1x1x128xi1> to vector<2x256x128xi1>
    %select_n3A_2605 = arith.select %broadcast_in_dim3A_2604, %min3A_2601, %max3A_2602 : vector<2x256x128xi1>, vector<2x256x128xf32>
    %roll3A_2606 = arith.constant 112 : i32
    %roll3A_2607 = tpu.dynamic_rotate %select_n3A_2596 by %roll3A_2606 dim 2 : vector<2x256x128xf32>, i32 -> vector<2x256x128xf32>
    %roll3A_2608 = arith.constant 16 : i32
    %roll3A_2609 = tpu.dynamic_rotate %select_n3A_2596 by %roll3A_2608 dim 2 : vector<2x256x128xf32>, i32 -> vector<2x256x128xf32>
    %min3A_2610 = arith.minimumf %select_n3A_2596, %roll3A_2607 : vector<2x256x128xf32>
    %max3A_2611 = arith.maximumf %select_n3A_2596, %roll3A_2609 : vector<2x256x128xf32>
    %broadcast_in_dim3A_2612 = vector.shape_cast %eq3A_70 : vector<1x1x128xi1> to vector<1x1x128xi1>
    %broadcast_in_dim3A_2613 = vector.broadcast %broadcast_in_dim3A_2612 : vector<1x1x128xi1> to vector<2x256x128xi1>
    %select_n3A_2614 = arith.select %broadcast_in_dim3A_2613, %min3A_2610, %max3A_2611 : vector<2x256x128xi1>, vector<2x256x128xf32>
    %roll3A_2615 = arith.constant 112 : i32
    %roll3A_2616 = tpu.dynamic_rotate %select_n3A_2605 by %roll3A_2615 dim 2 : vector<2x256x128xf32>, i32 -> vector<2x256x128xf32>
    %roll3A_2617 = arith.constant 16 : i32
    %roll3A_2618 = tpu.dynamic_rotate %select_n3A_2605 by %roll3A_2617 dim 2 : vector<2x256x128xf32>, i32 -> vector<2x256x128xf32>
    %min3A_2619 = arith.minimumf %select_n3A_2605, %roll3A_2616 : vector<2x256x128xf32>
    %max3A_2620 = arith.maximumf %select_n3A_2605, %roll3A_2618 : vector<2x256x128xf32>
    %broadcast_in_dim3A_2621 = vector.shape_cast %eq3A_70 : vector<1x1x128xi1> to vector<1x1x128xi1>
    %broadcast_in_dim3A_2622 = vector.broadcast %broadcast_in_dim3A_2621 : vector<1x1x128xi1> to vector<2x256x128xi1>
    %select_n3A_2623 = arith.select %broadcast_in_dim3A_2622, %min3A_2619, %max3A_2620 : vector<2x256x128xi1>, vector<2x256x128xf32>
    %roll3A_2624 = arith.constant 120 : i32
    %roll3A_2625 = tpu.dynamic_rotate %select_n3A_2614 by %roll3A_2624 dim 2 : vector<2x256x128xf32>, i32 -> vector<2x256x128xf32>
    %roll3A_2626 = arith.constant 8 : i32
    %roll3A_2627 = tpu.dynamic_rotate %select_n3A_2614 by %roll3A_2626 dim 2 : vector<2x256x128xf32>, i32 -> vector<2x256x128xf32>
    %min3A_2628 = arith.minimumf %select_n3A_2614, %roll3A_2625 : vector<2x256x128xf32>
    %max3A_2629 = arith.maximumf %select_n3A_2614, %roll3A_2627 : vector<2x256x128xf32>
    %broadcast_in_dim3A_2630 = vector.shape_cast %eq3A_64 : vector<1x1x128xi1> to vector<1x1x128xi1>
    %broadcast_in_dim3A_2631 = vector.broadcast %broadcast_in_dim3A_2630 : vector<1x1x128xi1> to vector<2x256x128xi1>
    %select_n3A_2632 = arith.select %broadcast_in_dim3A_2631, %min3A_2628, %max3A_2629 : vector<2x256x128xi1>, vector<2x256x128xf32>
    %roll3A_2633 = arith.constant 120 : i32
    %roll3A_2634 = tpu.dynamic_rotate %select_n3A_2623 by %roll3A_2633 dim 2 : vector<2x256x128xf32>, i32 -> vector<2x256x128xf32>
    %roll3A_2635 = arith.constant 8 : i32
    %roll3A_2636 = tpu.dynamic_rotate %select_n3A_2623 by %roll3A_2635 dim 2 : vector<2x256x128xf32>, i32 -> vector<2x256x128xf32>
    %min3A_2637 = arith.minimumf %select_n3A_2623, %roll3A_2634 : vector<2x256x128xf32>
    %max3A_2638 = arith.maximumf %select_n3A_2623, %roll3A_2636 : vector<2x256x128xf32>
    %broadcast_in_dim3A_2639 = vector.shape_cast %eq3A_64 : vector<1x1x128xi1> to vector<1x1x128xi1>
    %broadcast_in_dim3A_2640 = vector.broadcast %broadcast_in_dim3A_2639 : vector<1x1x128xi1> to vector<2x256x128xi1>
    %select_n3A_2641 = arith.select %broadcast_in_dim3A_2640, %min3A_2637, %max3A_2638 : vector<2x256x128xi1>, vector<2x256x128xf32>
    %roll3A_2642 = arith.constant 124 : i32
    %roll3A_2643 = tpu.dynamic_rotate %select_n3A_2632 by %roll3A_2642 dim 2 : vector<2x256x128xf32>, i32 -> vector<2x256x128xf32>
    %roll3A_2644 = arith.constant 4 : i32
    %roll3A_2645 = tpu.dynamic_rotate %select_n3A_2632 by %roll3A_2644 dim 2 : vector<2x256x128xf32>, i32 -> vector<2x256x128xf32>
    %min3A_2646 = arith.minimumf %select_n3A_2632, %roll3A_2643 : vector<2x256x128xf32>
    %max3A_2647 = arith.maximumf %select_n3A_2632, %roll3A_2645 : vector<2x256x128xf32>
    %broadcast_in_dim3A_2648 = vector.shape_cast %eq3A_58 : vector<1x1x128xi1> to vector<1x1x128xi1>
    %broadcast_in_dim3A_2649 = vector.broadcast %broadcast_in_dim3A_2648 : vector<1x1x128xi1> to vector<2x256x128xi1>
    %select_n3A_2650 = arith.select %broadcast_in_dim3A_2649, %min3A_2646, %max3A_2647 : vector<2x256x128xi1>, vector<2x256x128xf32>
    %roll3A_2651 = arith.constant 124 : i32
    %roll3A_2652 = tpu.dynamic_rotate %select_n3A_2641 by %roll3A_2651 dim 2 : vector<2x256x128xf32>, i32 -> vector<2x256x128xf32>
    %roll3A_2653 = arith.constant 4 : i32
    %roll3A_2654 = tpu.dynamic_rotate %select_n3A_2641 by %roll3A_2653 dim 2 : vector<2x256x128xf32>, i32 -> vector<2x256x128xf32>
    %min3A_2655 = arith.minimumf %select_n3A_2641, %roll3A_2652 : vector<2x256x128xf32>
    %max3A_2656 = arith.maximumf %select_n3A_2641, %roll3A_2654 : vector<2x256x128xf32>
    %broadcast_in_dim3A_2657 = vector.shape_cast %eq3A_58 : vector<1x1x128xi1> to vector<1x1x128xi1>
    %broadcast_in_dim3A_2658 = vector.broadcast %broadcast_in_dim3A_2657 : vector<1x1x128xi1> to vector<2x256x128xi1>
    %select_n3A_2659 = arith.select %broadcast_in_dim3A_2658, %min3A_2655, %max3A_2656 : vector<2x256x128xi1>, vector<2x256x128xf32>
    %roll3A_2660 = arith.constant 126 : i32
    %roll3A_2661 = tpu.dynamic_rotate %select_n3A_2650 by %roll3A_2660 dim 2 : vector<2x256x128xf32>, i32 -> vector<2x256x128xf32>
    %roll3A_2662 = arith.constant 2 : i32
    %roll3A_2663 = tpu.dynamic_rotate %select_n3A_2650 by %roll3A_2662 dim 2 : vector<2x256x128xf32>, i32 -> vector<2x256x128xf32>
    %min3A_2664 = arith.minimumf %select_n3A_2650, %roll3A_2661 : vector<2x256x128xf32>
    %max3A_2665 = arith.maximumf %select_n3A_2650, %roll3A_2663 : vector<2x256x128xf32>
    %broadcast_in_dim3A_2666 = vector.shape_cast %eq3A_52 : vector<1x1x128xi1> to vector<1x1x128xi1>
    %broadcast_in_dim3A_2667 = vector.broadcast %broadcast_in_dim3A_2666 : vector<1x1x128xi1> to vector<2x256x128xi1>
    %select_n3A_2668 = arith.select %broadcast_in_dim3A_2667, %min3A_2664, %max3A_2665 : vector<2x256x128xi1>, vector<2x256x128xf32>
    %roll3A_2669 = arith.constant 126 : i32
    %roll3A_2670 = tpu.dynamic_rotate %select_n3A_2659 by %roll3A_2669 dim 2 : vector<2x256x128xf32>, i32 -> vector<2x256x128xf32>
    %roll3A_2671 = arith.constant 2 : i32
    %roll3A_2672 = tpu.dynamic_rotate %select_n3A_2659 by %roll3A_2671 dim 2 : vector<2x256x128xf32>, i32 -> vector<2x256x128xf32>
    %min3A_2673 = arith.minimumf %select_n3A_2659, %roll3A_2670 : vector<2x256x128xf32>
    %max3A_2674 = arith.maximumf %select_n3A_2659, %roll3A_2672 : vector<2x256x128xf32>
    %broadcast_in_dim3A_2675 = vector.shape_cast %eq3A_52 : vector<1x1x128xi1> to vector<1x1x128xi1>
    %broadcast_in_dim3A_2676 = vector.broadcast %broadcast_in_dim3A_2675 : vector<1x1x128xi1> to vector<2x256x128xi1>
    %select_n3A_2677 = arith.select %broadcast_in_dim3A_2676, %min3A_2673, %max3A_2674 : vector<2x256x128xi1>, vector<2x256x128xf32>
    %roll3A_2678 = arith.constant 127 : i32
    %roll3A_2679 = tpu.dynamic_rotate %select_n3A_2668 by %roll3A_2678 dim 2 : vector<2x256x128xf32>, i32 -> vector<2x256x128xf32>
    %roll3A_2680 = arith.constant 1 : i32
    %roll3A_2681 = tpu.dynamic_rotate %select_n3A_2668 by %roll3A_2680 dim 2 : vector<2x256x128xf32>, i32 -> vector<2x256x128xf32>
    %min3A_2682 = arith.minimumf %select_n3A_2668, %roll3A_2679 : vector<2x256x128xf32>
    %max3A_2683 = arith.maximumf %select_n3A_2668, %roll3A_2681 : vector<2x256x128xf32>
    %broadcast_in_dim3A_2684 = vector.shape_cast %eq3A_46 : vector<1x1x128xi1> to vector<1x1x128xi1>
    %broadcast_in_dim3A_2685 = vector.broadcast %broadcast_in_dim3A_2684 : vector<1x1x128xi1> to vector<2x256x128xi1>
    %select_n3A_2686 = arith.select %broadcast_in_dim3A_2685, %min3A_2682, %max3A_2683 : vector<2x256x128xi1>, vector<2x256x128xf32>
    %roll3A_2687 = arith.constant 127 : i32
    %roll3A_2688 = tpu.dynamic_rotate %select_n3A_2677 by %roll3A_2687 dim 2 : vector<2x256x128xf32>, i32 -> vector<2x256x128xf32>
    %roll3A_2689 = arith.constant 1 : i32
    %roll3A_2690 = tpu.dynamic_rotate %select_n3A_2677 by %roll3A_2689 dim 2 : vector<2x256x128xf32>, i32 -> vector<2x256x128xf32>
    %min3A_2691 = arith.minimumf %select_n3A_2677, %roll3A_2688 : vector<2x256x128xf32>
    %max3A_2692 = arith.maximumf %select_n3A_2677, %roll3A_2690 : vector<2x256x128xf32>
    %broadcast_in_dim3A_2693 = vector.shape_cast %eq3A_46 : vector<1x1x128xi1> to vector<1x1x128xi1>
    %broadcast_in_dim3A_2694 = vector.broadcast %broadcast_in_dim3A_2693 : vector<1x1x128xi1> to vector<2x256x128xi1>
    %select_n3A_2695 = arith.select %broadcast_in_dim3A_2694, %min3A_2691, %max3A_2692 : vector<2x256x128xi1>, vector<2x256x128xf32>
    %roll3A_2696 = arith.constant 252 : i32
    %roll3A_2697 = tpu.dynamic_rotate %select_n3A_2686 by %roll3A_2696 dim 1 : vector<2x256x128xf32>, i32 -> vector<2x256x128xf32>
    %roll3A_2698 = arith.constant 4 : i32
    %roll3A_2699 = tpu.dynamic_rotate %select_n3A_2686 by %roll3A_2698 dim 1 : vector<2x256x128xf32>, i32 -> vector<2x256x128xf32>
    %min3A_2700 = arith.minimumf %select_n3A_2686, %roll3A_2697 : vector<2x256x128xf32>
    %max3A_2701 = arith.maximumf %select_n3A_2686, %roll3A_2699 : vector<2x256x128xf32>
    %broadcast_in_dim3A_2702 = vector.shape_cast %eq3A_40 : vector<1x256x1xi1> to vector<1x256x1xi1>
    %broadcast_in_dim3A_2703 = vector.broadcast %broadcast_in_dim3A_2702 : vector<1x256x1xi1> to vector<2x256x128xi1>
    %select_n3A_2704 = arith.select %broadcast_in_dim3A_2703, %min3A_2700, %max3A_2701 : vector<2x256x128xi1>, vector<2x256x128xf32>
    %roll3A_2705 = arith.constant 252 : i32
    %roll3A_2706 = tpu.dynamic_rotate %select_n3A_2695 by %roll3A_2705 dim 1 : vector<2x256x128xf32>, i32 -> vector<2x256x128xf32>
    %roll3A_2707 = arith.constant 4 : i32
    %roll3A_2708 = tpu.dynamic_rotate %select_n3A_2695 by %roll3A_2707 dim 1 : vector<2x256x128xf32>, i32 -> vector<2x256x128xf32>
    %min3A_2709 = arith.minimumf %select_n3A_2695, %roll3A_2706 : vector<2x256x128xf32>
    %max3A_2710 = arith.maximumf %select_n3A_2695, %roll3A_2708 : vector<2x256x128xf32>
    %broadcast_in_dim3A_2711 = vector.shape_cast %eq3A_40 : vector<1x256x1xi1> to vector<1x256x1xi1>
    %broadcast_in_dim3A_2712 = vector.broadcast %broadcast_in_dim3A_2711 : vector<1x256x1xi1> to vector<2x256x128xi1>
    %select_n3A_2713 = arith.select %broadcast_in_dim3A_2712, %min3A_2709, %max3A_2710 : vector<2x256x128xi1>, vector<2x256x128xf32>
    %roll3A_2714 = arith.constant 254 : i32
    %roll3A_2715 = tpu.dynamic_rotate %select_n3A_2704 by %roll3A_2714 dim 1 : vector<2x256x128xf32>, i32 -> vector<2x256x128xf32>
    %roll3A_2716 = arith.constant 2 : i32
    %roll3A_2717 = tpu.dynamic_rotate %select_n3A_2704 by %roll3A_2716 dim 1 : vector<2x256x128xf32>, i32 -> vector<2x256x128xf32>
    %min3A_2718 = arith.minimumf %select_n3A_2704, %roll3A_2715 : vector<2x256x128xf32>
    %max3A_2719 = arith.maximumf %select_n3A_2704, %roll3A_2717 : vector<2x256x128xf32>
    %broadcast_in_dim3A_2720 = vector.shape_cast %eq3A_34 : vector<1x256x1xi1> to vector<1x256x1xi1>
    %broadcast_in_dim3A_2721 = vector.broadcast %broadcast_in_dim3A_2720 : vector<1x256x1xi1> to vector<2x256x128xi1>
    %select_n3A_2722 = arith.select %broadcast_in_dim3A_2721, %min3A_2718, %max3A_2719 : vector<2x256x128xi1>, vector<2x256x128xf32>
    %roll3A_2723 = arith.constant 254 : i32
    %roll3A_2724 = tpu.dynamic_rotate %select_n3A_2713 by %roll3A_2723 dim 1 : vector<2x256x128xf32>, i32 -> vector<2x256x128xf32>
    %roll3A_2725 = arith.constant 2 : i32
    %roll3A_2726 = tpu.dynamic_rotate %select_n3A_2713 by %roll3A_2725 dim 1 : vector<2x256x128xf32>, i32 -> vector<2x256x128xf32>
    %min3A_2727 = arith.minimumf %select_n3A_2713, %roll3A_2724 : vector<2x256x128xf32>
    %max3A_2728 = arith.maximumf %select_n3A_2713, %roll3A_2726 : vector<2x256x128xf32>
    %broadcast_in_dim3A_2729 = vector.shape_cast %eq3A_34 : vector<1x256x1xi1> to vector<1x256x1xi1>
    %broadcast_in_dim3A_2730 = vector.broadcast %broadcast_in_dim3A_2729 : vector<1x256x1xi1> to vector<2x256x128xi1>
    %select_n3A_2731 = arith.select %broadcast_in_dim3A_2730, %min3A_2727, %max3A_2728 : vector<2x256x128xi1>, vector<2x256x128xf32>
    %roll3A_2732 = arith.constant 255 : i32
    %roll3A_2733 = tpu.dynamic_rotate %select_n3A_2722 by %roll3A_2732 dim 1 : vector<2x256x128xf32>, i32 -> vector<2x256x128xf32>
    %roll3A_2734 = arith.constant 1 : i32
    %roll3A_2735 = tpu.dynamic_rotate %select_n3A_2722 by %roll3A_2734 dim 1 : vector<2x256x128xf32>, i32 -> vector<2x256x128xf32>
    %min3A_2736 = arith.minimumf %select_n3A_2722, %roll3A_2733 : vector<2x256x128xf32>
    %max3A_2737 = arith.maximumf %select_n3A_2722, %roll3A_2735 : vector<2x256x128xf32>
    %broadcast_in_dim3A_2738 = vector.shape_cast %eq3A_28 : vector<1x256x1xi1> to vector<1x256x1xi1>
    %broadcast_in_dim3A_2739 = vector.broadcast %broadcast_in_dim3A_2738 : vector<1x256x1xi1> to vector<2x256x128xi1>
    %select_n3A_2740 = arith.select %broadcast_in_dim3A_2739, %min3A_2736, %max3A_2737 : vector<2x256x128xi1>, vector<2x256x128xf32>
    %roll3A_2741 = arith.constant 255 : i32
    %roll3A_2742 = tpu.dynamic_rotate %select_n3A_2731 by %roll3A_2741 dim 1 : vector<2x256x128xf32>, i32 -> vector<2x256x128xf32>
    %roll3A_2743 = arith.constant 1 : i32
    %roll3A_2744 = tpu.dynamic_rotate %select_n3A_2731 by %roll3A_2743 dim 1 : vector<2x256x128xf32>, i32 -> vector<2x256x128xf32>
    %min3A_2745 = arith.minimumf %select_n3A_2731, %roll3A_2742 : vector<2x256x128xf32>
    %max3A_2746 = arith.maximumf %select_n3A_2731, %roll3A_2744 : vector<2x256x128xf32>
    %broadcast_in_dim3A_2747 = vector.shape_cast %eq3A_28 : vector<1x256x1xi1> to vector<1x256x1xi1>
    %broadcast_in_dim3A_2748 = vector.broadcast %broadcast_in_dim3A_2747 : vector<1x256x1xi1> to vector<2x256x128xi1>
    %select_n3A_2749 = arith.select %broadcast_in_dim3A_2748, %min3A_2745, %max3A_2746 : vector<2x256x128xi1>, vector<2x256x128xf32>
    %reshape3A_2750 = vector.shape_cast %select_n3A_2740 : vector<2x256x128xf32> to vector<2x1x2x128x128xf32>
    %slice3A_2751 = vector.extract_strided_slice %reshape3A_2750 {offsets = [0, 0, 0, 0, 0], sizes = [2, 1, 1, 128, 128], strides = [1, 1, 1, 1, 1]} : vector<2x1x2x128x128xf32> to vector<2x1x1x128x128xf32>
    %squeeze3A_2752 = vector.shape_cast %slice3A_2751 : vector<2x1x1x128x128xf32> to vector<2x1x128x128xf32>
    %slice3A_2753 = vector.extract_strided_slice %reshape3A_2750 {offsets = [0, 0, 1, 0, 0], sizes = [2, 1, 1, 128, 128], strides = [1, 1, 1, 1, 1]} : vector<2x1x2x128x128xf32> to vector<2x1x1x128x128xf32>
    %squeeze3A_2754 = vector.shape_cast %slice3A_2753 : vector<2x1x1x128x128xf32> to vector<2x1x128x128xf32>
    %min3A_2755 = arith.minimumf %squeeze3A_2752, %squeeze3A_2754 : vector<2x1x128x128xf32>
    %max3A_2756 = arith.maximumf %squeeze3A_2752, %squeeze3A_2754 : vector<2x1x128x128xf32>
    %broadcast_in_dim3A_2757 = vector.shape_cast %min3A_2755 : vector<2x1x128x128xf32> to vector<2x1x1x128x128xf32>
    %broadcast_in_dim3A_2758 = vector.shape_cast %max3A_2756 : vector<2x1x128x128xf32> to vector<2x1x1x128x128xf32>
    %concatenate3A_2759 = tpu.concatenate %broadcast_in_dim3A_2757, %broadcast_in_dim3A_2758 in 2 : vector<2x1x1x128x128xf32>, vector<2x1x1x128x128xf32> -> vector<2x1x2x128x128xf32>
    %reshape3A_2760 = vector.shape_cast %concatenate3A_2759 : vector<2x1x2x128x128xf32> to vector<2x256x128xf32>
    %reshape3A_2761 = vector.shape_cast %select_n3A_2749 : vector<2x256x128xf32> to vector<2x1x2x128x128xf32>
    %slice3A_2762 = vector.extract_strided_slice %reshape3A_2761 {offsets = [0, 0, 0, 0, 0], sizes = [2, 1, 1, 128, 128], strides = [1, 1, 1, 1, 1]} : vector<2x1x2x128x128xf32> to vector<2x1x1x128x128xf32>
    %squeeze3A_2763 = vector.shape_cast %slice3A_2762 : vector<2x1x1x128x128xf32> to vector<2x1x128x128xf32>
    %slice3A_2764 = vector.extract_strided_slice %reshape3A_2761 {offsets = [0, 0, 1, 0, 0], sizes = [2, 1, 1, 128, 128], strides = [1, 1, 1, 1, 1]} : vector<2x1x2x128x128xf32> to vector<2x1x1x128x128xf32>
    %squeeze3A_2765 = vector.shape_cast %slice3A_2764 : vector<2x1x1x128x128xf32> to vector<2x1x128x128xf32>
    %min3A_2766 = arith.minimumf %squeeze3A_2763, %squeeze3A_2765 : vector<2x1x128x128xf32>
    %max3A_2767 = arith.maximumf %squeeze3A_2763, %squeeze3A_2765 : vector<2x1x128x128xf32>
    %broadcast_in_dim3A_2768 = vector.shape_cast %min3A_2766 : vector<2x1x128x128xf32> to vector<2x1x1x128x128xf32>
    %broadcast_in_dim3A_2769 = vector.shape_cast %max3A_2767 : vector<2x1x128x128xf32> to vector<2x1x1x128x128xf32>
    %concatenate3A_2770 = tpu.concatenate %broadcast_in_dim3A_2768, %broadcast_in_dim3A_2769 in 2 : vector<2x1x1x128x128xf32>, vector<2x1x1x128x128xf32> -> vector<2x1x2x128x128xf32>
    %reshape3A_2771 = vector.shape_cast %concatenate3A_2770 : vector<2x1x2x128x128xf32> to vector<2x256x128xf32>
    %reshape3A_2772 = vector.shape_cast %reshape3A_2760 : vector<2x256x128xf32> to vector<2x2x2x64x128xf32>
    %slice3A_2773 = vector.extract_strided_slice %reshape3A_2772 {offsets = [0, 0, 0, 0, 0], sizes = [2, 2, 1, 64, 128], strides = [1, 1, 1, 1, 1]} : vector<2x2x2x64x128xf32> to vector<2x2x1x64x128xf32>
    %squeeze3A_2774 = vector.shape_cast %slice3A_2773 : vector<2x2x1x64x128xf32> to vector<2x2x64x128xf32>
    %slice3A_2775 = vector.extract_strided_slice %reshape3A_2772 {offsets = [0, 0, 1, 0, 0], sizes = [2, 2, 1, 64, 128], strides = [1, 1, 1, 1, 1]} : vector<2x2x2x64x128xf32> to vector<2x2x1x64x128xf32>
    %squeeze3A_2776 = vector.shape_cast %slice3A_2775 : vector<2x2x1x64x128xf32> to vector<2x2x64x128xf32>
    %min3A_2777 = arith.minimumf %squeeze3A_2774, %squeeze3A_2776 : vector<2x2x64x128xf32>
    %max3A_2778 = arith.maximumf %squeeze3A_2774, %squeeze3A_2776 : vector<2x2x64x128xf32>
    %broadcast_in_dim3A_2779 = vector.shape_cast %min3A_2777 : vector<2x2x64x128xf32> to vector<2x2x1x64x128xf32>
    %broadcast_in_dim3A_2780 = vector.shape_cast %max3A_2778 : vector<2x2x64x128xf32> to vector<2x2x1x64x128xf32>
    %concatenate3A_2781 = tpu.concatenate %broadcast_in_dim3A_2779, %broadcast_in_dim3A_2780 in 2 : vector<2x2x1x64x128xf32>, vector<2x2x1x64x128xf32> -> vector<2x2x2x64x128xf32>
    %reshape3A_2782 = vector.shape_cast %concatenate3A_2781 : vector<2x2x2x64x128xf32> to vector<2x256x128xf32>
    %reshape3A_2783 = vector.shape_cast %reshape3A_2771 : vector<2x256x128xf32> to vector<2x2x2x64x128xf32>
    %slice3A_2784 = vector.extract_strided_slice %reshape3A_2783 {offsets = [0, 0, 0, 0, 0], sizes = [2, 2, 1, 64, 128], strides = [1, 1, 1, 1, 1]} : vector<2x2x2x64x128xf32> to vector<2x2x1x64x128xf32>
    %squeeze3A_2785 = vector.shape_cast %slice3A_2784 : vector<2x2x1x64x128xf32> to vector<2x2x64x128xf32>
    %slice3A_2786 = vector.extract_strided_slice %reshape3A_2783 {offsets = [0, 0, 1, 0, 0], sizes = [2, 2, 1, 64, 128], strides = [1, 1, 1, 1, 1]} : vector<2x2x2x64x128xf32> to vector<2x2x1x64x128xf32>
    %squeeze3A_2787 = vector.shape_cast %slice3A_2786 : vector<2x2x1x64x128xf32> to vector<2x2x64x128xf32>
    %min3A_2788 = arith.minimumf %squeeze3A_2785, %squeeze3A_2787 : vector<2x2x64x128xf32>
    %max3A_2789 = arith.maximumf %squeeze3A_2785, %squeeze3A_2787 : vector<2x2x64x128xf32>
    %broadcast_in_dim3A_2790 = vector.shape_cast %min3A_2788 : vector<2x2x64x128xf32> to vector<2x2x1x64x128xf32>
    %broadcast_in_dim3A_2791 = vector.shape_cast %max3A_2789 : vector<2x2x64x128xf32> to vector<2x2x1x64x128xf32>
    %concatenate3A_2792 = tpu.concatenate %broadcast_in_dim3A_2790, %broadcast_in_dim3A_2791 in 2 : vector<2x2x1x64x128xf32>, vector<2x2x1x64x128xf32> -> vector<2x2x2x64x128xf32>
    %reshape3A_2793 = vector.shape_cast %concatenate3A_2792 : vector<2x2x2x64x128xf32> to vector<2x256x128xf32>
    %reshape3A_2794 = vector.shape_cast %reshape3A_2782 : vector<2x256x128xf32> to vector<2x4x2x32x128xf32>
    %slice3A_2795 = vector.extract_strided_slice %reshape3A_2794 {offsets = [0, 0, 0, 0, 0], sizes = [2, 4, 1, 32, 128], strides = [1, 1, 1, 1, 1]} : vector<2x4x2x32x128xf32> to vector<2x4x1x32x128xf32>
    %squeeze3A_2796 = vector.shape_cast %slice3A_2795 : vector<2x4x1x32x128xf32> to vector<2x4x32x128xf32>
    %slice3A_2797 = vector.extract_strided_slice %reshape3A_2794 {offsets = [0, 0, 1, 0, 0], sizes = [2, 4, 1, 32, 128], strides = [1, 1, 1, 1, 1]} : vector<2x4x2x32x128xf32> to vector<2x4x1x32x128xf32>
    %squeeze3A_2798 = vector.shape_cast %slice3A_2797 : vector<2x4x1x32x128xf32> to vector<2x4x32x128xf32>
    %min3A_2799 = arith.minimumf %squeeze3A_2796, %squeeze3A_2798 : vector<2x4x32x128xf32>
    %max3A_2800 = arith.maximumf %squeeze3A_2796, %squeeze3A_2798 : vector<2x4x32x128xf32>
    %broadcast_in_dim3A_2801 = vector.shape_cast %min3A_2799 : vector<2x4x32x128xf32> to vector<2x4x1x32x128xf32>
    %broadcast_in_dim3A_2802 = vector.shape_cast %max3A_2800 : vector<2x4x32x128xf32> to vector<2x4x1x32x128xf32>
    %concatenate3A_2803 = tpu.concatenate %broadcast_in_dim3A_2801, %broadcast_in_dim3A_2802 in 2 : vector<2x4x1x32x128xf32>, vector<2x4x1x32x128xf32> -> vector<2x4x2x32x128xf32>
    %reshape3A_2804 = vector.shape_cast %concatenate3A_2803 : vector<2x4x2x32x128xf32> to vector<2x256x128xf32>
    %reshape3A_2805 = vector.shape_cast %reshape3A_2793 : vector<2x256x128xf32> to vector<2x4x2x32x128xf32>
    %slice3A_2806 = vector.extract_strided_slice %reshape3A_2805 {offsets = [0, 0, 0, 0, 0], sizes = [2, 4, 1, 32, 128], strides = [1, 1, 1, 1, 1]} : vector<2x4x2x32x128xf32> to vector<2x4x1x32x128xf32>
    %squeeze3A_2807 = vector.shape_cast %slice3A_2806 : vector<2x4x1x32x128xf32> to vector<2x4x32x128xf32>
    %slice3A_2808 = vector.extract_strided_slice %reshape3A_2805 {offsets = [0, 0, 1, 0, 0], sizes = [2, 4, 1, 32, 128], strides = [1, 1, 1, 1, 1]} : vector<2x4x2x32x128xf32> to vector<2x4x1x32x128xf32>
    %squeeze3A_2809 = vector.shape_cast %slice3A_2808 : vector<2x4x1x32x128xf32> to vector<2x4x32x128xf32>
    %min3A_2810 = arith.minimumf %squeeze3A_2807, %squeeze3A_2809 : vector<2x4x32x128xf32>
    %max3A_2811 = arith.maximumf %squeeze3A_2807, %squeeze3A_2809 : vector<2x4x32x128xf32>
    %broadcast_in_dim3A_2812 = vector.shape_cast %min3A_2810 : vector<2x4x32x128xf32> to vector<2x4x1x32x128xf32>
    %broadcast_in_dim3A_2813 = vector.shape_cast %max3A_2811 : vector<2x4x32x128xf32> to vector<2x4x1x32x128xf32>
    %concatenate3A_2814 = tpu.concatenate %broadcast_in_dim3A_2812, %broadcast_in_dim3A_2813 in 2 : vector<2x4x1x32x128xf32>, vector<2x4x1x32x128xf32> -> vector<2x4x2x32x128xf32>
    %reshape3A_2815 = vector.shape_cast %concatenate3A_2814 : vector<2x4x2x32x128xf32> to vector<2x256x128xf32>
    %reshape3A_2816 = vector.shape_cast %reshape3A_2804 : vector<2x256x128xf32> to vector<2x8x2x16x128xf32>
    %slice3A_2817 = vector.extract_strided_slice %reshape3A_2816 {offsets = [0, 0, 0, 0, 0], sizes = [2, 8, 1, 16, 128], strides = [1, 1, 1, 1, 1]} : vector<2x8x2x16x128xf32> to vector<2x8x1x16x128xf32>
    %squeeze3A_2818 = vector.shape_cast %slice3A_2817 : vector<2x8x1x16x128xf32> to vector<2x8x16x128xf32>
    %slice3A_2819 = vector.extract_strided_slice %reshape3A_2816 {offsets = [0, 0, 1, 0, 0], sizes = [2, 8, 1, 16, 128], strides = [1, 1, 1, 1, 1]} : vector<2x8x2x16x128xf32> to vector<2x8x1x16x128xf32>
    %squeeze3A_2820 = vector.shape_cast %slice3A_2819 : vector<2x8x1x16x128xf32> to vector<2x8x16x128xf32>
    %min3A_2821 = arith.minimumf %squeeze3A_2818, %squeeze3A_2820 : vector<2x8x16x128xf32>
    %max3A_2822 = arith.maximumf %squeeze3A_2818, %squeeze3A_2820 : vector<2x8x16x128xf32>
    %broadcast_in_dim3A_2823 = vector.shape_cast %min3A_2821 : vector<2x8x16x128xf32> to vector<2x8x1x16x128xf32>
    %broadcast_in_dim3A_2824 = vector.shape_cast %max3A_2822 : vector<2x8x16x128xf32> to vector<2x8x1x16x128xf32>
    %concatenate3A_2825 = tpu.concatenate %broadcast_in_dim3A_2823, %broadcast_in_dim3A_2824 in 2 : vector<2x8x1x16x128xf32>, vector<2x8x1x16x128xf32> -> vector<2x8x2x16x128xf32>
    %reshape3A_2826 = vector.shape_cast %concatenate3A_2825 : vector<2x8x2x16x128xf32> to vector<2x256x128xf32>
    %reshape3A_2827 = vector.shape_cast %reshape3A_2815 : vector<2x256x128xf32> to vector<2x8x2x16x128xf32>
    %slice3A_2828 = vector.extract_strided_slice %reshape3A_2827 {offsets = [0, 0, 0, 0, 0], sizes = [2, 8, 1, 16, 128], strides = [1, 1, 1, 1, 1]} : vector<2x8x2x16x128xf32> to vector<2x8x1x16x128xf32>
    %squeeze3A_2829 = vector.shape_cast %slice3A_2828 : vector<2x8x1x16x128xf32> to vector<2x8x16x128xf32>
    %slice3A_2830 = vector.extract_strided_slice %reshape3A_2827 {offsets = [0, 0, 1, 0, 0], sizes = [2, 8, 1, 16, 128], strides = [1, 1, 1, 1, 1]} : vector<2x8x2x16x128xf32> to vector<2x8x1x16x128xf32>
    %squeeze3A_2831 = vector.shape_cast %slice3A_2830 : vector<2x8x1x16x128xf32> to vector<2x8x16x128xf32>
    %min3A_2832 = arith.minimumf %squeeze3A_2829, %squeeze3A_2831 : vector<2x8x16x128xf32>
    %max3A_2833 = arith.maximumf %squeeze3A_2829, %squeeze3A_2831 : vector<2x8x16x128xf32>
    %broadcast_in_dim3A_2834 = vector.shape_cast %min3A_2832 : vector<2x8x16x128xf32> to vector<2x8x1x16x128xf32>
    %broadcast_in_dim3A_2835 = vector.shape_cast %max3A_2833 : vector<2x8x16x128xf32> to vector<2x8x1x16x128xf32>
    %concatenate3A_2836 = tpu.concatenate %broadcast_in_dim3A_2834, %broadcast_in_dim3A_2835 in 2 : vector<2x8x1x16x128xf32>, vector<2x8x1x16x128xf32> -> vector<2x8x2x16x128xf32>
    %reshape3A_2837 = vector.shape_cast %concatenate3A_2836 : vector<2x8x2x16x128xf32> to vector<2x256x128xf32>
    %reshape3A_2838 = vector.shape_cast %reshape3A_2826 : vector<2x256x128xf32> to vector<2x16x2x8x128xf32>
    %slice3A_2839 = vector.extract_strided_slice %reshape3A_2838 {offsets = [0, 0, 0, 0, 0], sizes = [2, 16, 1, 8, 128], strides = [1, 1, 1, 1, 1]} : vector<2x16x2x8x128xf32> to vector<2x16x1x8x128xf32>
    %squeeze3A_2840 = vector.shape_cast %slice3A_2839 : vector<2x16x1x8x128xf32> to vector<2x16x8x128xf32>
    %slice3A_2841 = vector.extract_strided_slice %reshape3A_2838 {offsets = [0, 0, 1, 0, 0], sizes = [2, 16, 1, 8, 128], strides = [1, 1, 1, 1, 1]} : vector<2x16x2x8x128xf32> to vector<2x16x1x8x128xf32>
    %squeeze3A_2842 = vector.shape_cast %slice3A_2841 : vector<2x16x1x8x128xf32> to vector<2x16x8x128xf32>
    %min3A_2843 = arith.minimumf %squeeze3A_2840, %squeeze3A_2842 : vector<2x16x8x128xf32>
    %max3A_2844 = arith.maximumf %squeeze3A_2840, %squeeze3A_2842 : vector<2x16x8x128xf32>
    %broadcast_in_dim3A_2845 = vector.shape_cast %min3A_2843 : vector<2x16x8x128xf32> to vector<2x16x1x8x128xf32>
    %broadcast_in_dim3A_2846 = vector.shape_cast %max3A_2844 : vector<2x16x8x128xf32> to vector<2x16x1x8x128xf32>
    %concatenate3A_2847 = tpu.concatenate %broadcast_in_dim3A_2845, %broadcast_in_dim3A_2846 in 2 : vector<2x16x1x8x128xf32>, vector<2x16x1x8x128xf32> -> vector<2x16x2x8x128xf32>
    %reshape3A_2848 = vector.shape_cast %concatenate3A_2847 : vector<2x16x2x8x128xf32> to vector<2x256x128xf32>
    %reshape3A_2849 = vector.shape_cast %reshape3A_2837 : vector<2x256x128xf32> to vector<2x16x2x8x128xf32>
    %slice3A_2850 = vector.extract_strided_slice %reshape3A_2849 {offsets = [0, 0, 0, 0, 0], sizes = [2, 16, 1, 8, 128], strides = [1, 1, 1, 1, 1]} : vector<2x16x2x8x128xf32> to vector<2x16x1x8x128xf32>
    %squeeze3A_2851 = vector.shape_cast %slice3A_2850 : vector<2x16x1x8x128xf32> to vector<2x16x8x128xf32>
    %slice3A_2852 = vector.extract_strided_slice %reshape3A_2849 {offsets = [0, 0, 1, 0, 0], sizes = [2, 16, 1, 8, 128], strides = [1, 1, 1, 1, 1]} : vector<2x16x2x8x128xf32> to vector<2x16x1x8x128xf32>
    %squeeze3A_2853 = vector.shape_cast %slice3A_2852 : vector<2x16x1x8x128xf32> to vector<2x16x8x128xf32>
    %min3A_2854 = arith.minimumf %squeeze3A_2851, %squeeze3A_2853 : vector<2x16x8x128xf32>
    %max3A_2855 = arith.maximumf %squeeze3A_2851, %squeeze3A_2853 : vector<2x16x8x128xf32>
    %broadcast_in_dim3A_2856 = vector.shape_cast %min3A_2854 : vector<2x16x8x128xf32> to vector<2x16x1x8x128xf32>
    %broadcast_in_dim3A_2857 = vector.shape_cast %max3A_2855 : vector<2x16x8x128xf32> to vector<2x16x1x8x128xf32>
    %concatenate3A_2858 = tpu.concatenate %broadcast_in_dim3A_2856, %broadcast_in_dim3A_2857 in 2 : vector<2x16x1x8x128xf32>, vector<2x16x1x8x128xf32> -> vector<2x16x2x8x128xf32>
    %reshape3A_2859 = vector.shape_cast %concatenate3A_2858 : vector<2x16x2x8x128xf32> to vector<2x256x128xf32>
    %sub3A_2860 = arith.subf %reshape3A_2848, %reshape3A_2859 : vector<2x256x128xf32>
    %mul3A_2861 = arith.mulf %sub3A_2860, %sub3A_2860 : vector<2x256x128xf32>
    %reduce_sum3A_2862 = vector.shape_cast %mul3A_2861 : vector<2x256x128xf32> to vector<1x2x256x128xf32>
    %reduce_sum3A_2863 = arith.constant dense<0.000000e+00> : vector<1xf32>
    %reduce_sum3A_2864 = vector.multi_reduction <add>, %reduce_sum3A_2862, %reduce_sum3A_2863 [1, 2, 3] : vector<1x2x256x128xf32> to vector<1xf32>
    %reduce_sum3A_2865 = vector.shape_cast %reduce_sum3A_2864 : vector<1xf32> to vector<1x1x1x1xf32>
    %reduce_sum3A_2866 = vector.extract %reduce_sum3A_2865[0, 0, 0, 0] : f32 from vector<1x1x1x1xf32>
    %add3A = arith.addf %reduce_sum3A_21, %reduce_sum3A_2866 : f32
    %reshape3A_2867 = vector.broadcast %add3A : f32 to vector<1x1x1xf32>
    %swap3A = arith.constant 0 : index
    %swap3A_2868 = arith.constant 0 : index
    %swap3A_2869 = arith.constant 0 : index
    %swap3A_2870 = vector.load %arg3[%swap3A, %swap3A_2868, %swap3A_2869] : memref<1x1x1xf32, #tpu.memory_space<vmem>>, vector<1x1x1xf32>
    tpu.vector_store %arg3[%swap3A, %swap3A_2868, %swap3A_2869], %reshape3A_2867 {strides = array<i32>} : memref<1x1x1xf32, #tpu.memory_space<vmem>>, vector<1x1x1xf32>,
    return
  }
  func.func @transform_0(%arg0: i32) -> (i32, i32, i32) {
    %c0_i32 = arith.constant 0 : i32
    %c0_i32_0 = arith.constant 0 : i32
    %c0_i32_1 = arith.constant 0 : i32
    return %arg0, %c0_i32, %c0_i32_0 : i32, i32, i32
  }
  func.func @transform_1(%arg0: i32) -> (i32, i32, i32) {
    %c0_i32 = arith.constant 0 : i32
    %c0_i32_0 = arith.constant 0 : i32
    %c0_i32_1 = arith.constant 0 : i32
    return %arg0, %c0_i32, %c0_i32_0 : i32, i32, i32
  }
  func.func @transform_2(%arg0: i32) -> (i32, i32, i32) {
    %c0_i32 = arith.constant 0 : i32
    %c0_i32_0 = arith.constant 0 : i32
    %c0_i32_1 = arith.constant 0 : i32
    return %arg0, %c0_i32, %c0_i32_0 : i32, i32, i32
  }
}

</mosaic_0001>

<sc_bundles>
// kernel: sparse-core-data-format-call.1.cloned.1.call-start
scs
called_computation.1_lowered:
.L_overlay_start_0:
0x0: {  	s2 =	sld [smem:$0x3FD9]  }
0x1: {  	s3 =	sld [smem:$0x3FFE];
	_ =	sdelay $0x1  }
0x2: {  	s1 =	srdreg.scid  }
0x3: {  	s0 =	sand.u32 $0x1, s1  }
0x4: {  	s18 =	sshll.u32 s0, $0xA;
	s2 =	sadd.s32 s3, s2  }
0x5: {  	s2 =	sadd.s32 s2, s18  }
0x6: {  	[smem:$0x3FC6] =	sst s2  }
0x7: {  	_ = 	snop  }
0x8: {  	s19 =	sld [smem:$0x3FC8];
	(tm) =	ssettm $0x1  }
0x9: {  	s20 =	sld [smem:$0x3FFB];
	_ =	sdelay $0x3  }
0xa: {  	_ =	strace s20  }
0xb: {  	s2 =	sld [smem:$0x3FFC];
	_ =	sdelay $0x3  }
0xc: {  	_ =	strace s2  }
0xd: {  	s2 =	sld [smem:$0x3FFD];
	_ =	sdelay $0x3  }
0xe: {  	_ =	strace s2  }
0xf: {  	_ =	strace $0x8FFFFFFF  }
0x10: {  	s21 =	sld [smem:$0x3FDB];
	_ =	sdelay $0x1  }
0x11: {  	s4 =	simm.s32 $_scs_section_size  }
0x12: {  	s5 =	simm.s32 $_size__tile_overlayer_lowered;
	s6 =	simm.s32 $_tile_overlayer_lowered  }
0x13: {  	s7 =	simm.s32 $0x1BFF;
	s22 =	sshll.u32 s6, $0x1;
	s4 =	sadd.s32 s4, s21  }
0x14: {  	s23 =	simm.s32 $0x0;
	s5 =	sshll.u32 s5, $0x1;
	s6 =	sadd.s32 s22, s4  }
0x15: {  	[timem:s23], [sflag:s7] =	dma.local [hbm:s6], s5  }
0x16: {  	_ =	swait.ge [sflag:s7], s5  }
0x17: {  	s5 =	ssub.s32 $0x0, s5;
	[sflag:s7] =	ssyncset.done $0x0  }
0x18: {  	[sflag:s7] =	ssyncadd.s32 s5;
	_ =	sdelay $0x1  }
0x19: {  	s24 =	simm.s32 $0x1B8B  }
0x1a: {  	_ =	swait.ge [sflag:s24], $0x1  }
0x1b: {  	[sflag:s24] =	ssyncset.done $0x0  }
0x1c: {  	[sflag:s24] =	ssyncadd.s32 $0xFFFFFFFF  }
0x1d: {  	s5 =	sld [smem:$0x0]  }
0x1e: {  	s6 =	sand.u32 $0xFFFFFFFE, s1  }
0x1f: {  	p0 =	sne.s32 s1, s6  }
0x20: {  	s6 =	sshll.u32 @p0 s6, $0xE  }
0x21: {  	s6 =	sadd.s32 @p0 $0x11B8D, s6;
	s7 =	sshll.u32 @p0 s5, $0x11  }
0x22: {  	s6 =	sor.u32 @p0 s7, s6  }
0x23: {  	[sflag:s6] =	ssyncadd.remote.s32 @p0 $0x1;
	_ =	sdelay $0x1  }
0x24: {  	s6 =	simm.s32 @p0 $0x1B8D  }
0x25: {  	_ =	swait.eq @p0 [sflag:s6], $0x1  }
0x26: {  	[sflag:s6] =	ssyncadd.s32 @p0 $0xFFFFFFFF  }
0x27: {  	s7 =	sshll.u32 @!p0 s1, $0xE  }
0x28: {  	s7 =	sor.u32 @!p0 $0x4000, s7;
	s6 =	simm.s32 @!p0 $0x1B8D  }
0x29: {  	s5 =	sshll.u32 @!p0 s5, $0x11;
	s7 =	sadd.s32 @!p0 $0x11B8D, s7;
	_ =	swait.eq @!p0 [sflag:s6], $0x1  }
0x2a: {  	s5 =	sor.u32 @!p0 s5, s7;
	[sflag:s6] =	ssyncadd.s32 @!p0 $0xFFFFFFFF  }
0x2b: {  	s26 =	simm.s32 $0x1B8E;
	s25 =	sld [smem:$0x3FFE];
	[sflag:s5] =	ssyncadd.remote.s32 @!p0 $0x1  }
0x2c: {  	s27 =	simm.s32 $execute0_lowered;
	[smem:$0x3FD2] =	sst s26  }
0x2d: {  	s6 =	sshll.u32 s27, $0x1;
	_ =	strace $0x80000049;
	[dreg:$0x1] =	wrdreg $0xFFFFFFFF  }
0x2e: {  	s28 =	simm.s32 $_size_execute0_lowered;
	s4 =	sadd.s32 s4, s6;
	[dreg:$0x0] =	wrdreg $0x0  }
0x2f: {  	s6 =	sshll.u32 s28, $0x1;
	[dreg:$0x2] =	wrdreg s4  }
0x30: {  	[dreg:$0x3] =	wrdreg s6  }
0x31: {  	[dreg:$0x4] =	wrdreg $0xC0  }
0x32: {  	_ =	task [dreg:s23], $0x5FFFF  }
0x33: {  	[dreg:$0x1] =	wrdreg $0xFFFFFFFF  }
0x34: {  	[dreg:$0x0] =	wrdreg $0x60  }
0x35: {  	[dreg:$0x2] =	wrdreg s19  }
0x36: {  	[dreg:$0x3] =	wrdreg s25  }
0x37: {  	[dreg:$0x4] =	wrdreg $0xA  }
0x38: {  	_ =	task.clear_ibuf [dreg:s23], $0x5FFFF;
	_ =	strace $0x90000049  }
0x39: {  	s29 =	simm.s32 $0xA;
	_ =	strace $0x8000004B  }
0x3a: {  	_ =	swait.ge [sflag:s29], $0x1  }
0x3b: {  	[sflag:s29] =	ssyncadd.s32 $0xFFFFFFFF  }
0x3c: {  	_ =	strace $0x9000004B  }
0x3d: {  	_ =	sfence  }
0x3e: {  	s30 =	sld [smem:$0x0];
	_ =	sdelay $0x2  }
0x3f: {  	s31 =	sshll.u32 s1, $0xD;
	s1 =	sshrl.u32 s1, $0x2  }
0x40: {  	s4 =	sand.u32 $0x4000, s31;
	s1 =	sadd.s32 s1, s30  }
0x41: {  	s0 =	sor.u32 s4, s0;
	s1 =	sshll.u32 s1, $0x11  }
0x42: {  	s0 =	sor.u32 s1, s0  }
0x43: {  	s0 =	sadd.s32 $0x8F2B, s0  }
0x44: {  	[sflag:s0] =	ssyncadd.remote.s32 $0x1  }
0x45: {  	_ =	sfence.sel $0xFFFF  }
0x46: {  	[dreg:$0x0] =	wrdreg $0xFFFFFFFF;
	(pc) =	sbr.abs _section_cstart, $3  }
0x47: {  	[dreg:$0x1] =	wrdreg $0xFFFFFFFF  }
0x48: {  	_ =	task.clear_ibuf [dreg:s23], $0x2FFFF;
	_ =	strace $0x9FFFFFFF  }
0x49: {  	(tm) =	ssettm $0x7FFFFFFF  }
tec
execute0_lowered:
.L_overlay_start_1:
0x0: {  	(tag) =	ssettag $0x1  }
0x1: {  	s2 =	rddreg [dreg:$0x0]  }
0x2: {  	s1 =	rddreg [dreg:$0x1]  }
0x3: {  	s0 =	rddreg [dreg:$0x2];
	_ =	strace $0x8000004A;
	s4 =	srdreg.scid  }
0x4: {  	s6 =	simm.s32 $0x2;
	s11 =	simm.s32 $0x0;
	p0 =	por $0x0, $0x0  }
.Ltmp0:
0x5: {  	s7 =	simm.s32 $0x8000;
	s12 =	simm.s32 $0x0;
	(pc) =	sbr.rel .LBB1_1-.Ltmp0, $4  }
0x6: {  	s9 =	simm.s32 $0x0;
	s3 =	sadd.s32 $0x400400, s1;
	s5 =	sshll.u32 s4, $0x4  }
0x7: {  	s1 =	stileid.u32;
	s4 =	simm.s32 $0x1;
	s5 =	sand.u32 $0x10, s5  }
0x8: {  	s8 =	simm.s32 $0x0;
	[sflag:s4] =	ssyncpa.u1 $0x0;
	s5 =	sor.u32 s1, s5  }
0x9: {  	[sflag:s6] =	ssyncpa.u1 $0x0;
	s6 =	simm.s32 $0x800;
	s10 =	smov.u32 s5  }
.LBB1_7:
0xa: {  	s13 =	sadd.s32 $0x10, s9  }
0xb: {  	s11 =	sadd.s32 $0x20, s10;
	s15 =	smov.u32 s10;
	p2 =	sgt.s32 s13, $0xFF  }
0xc: {  	p1 =	slt.u32 s8, $0x2;
	s15 =	smov.u32 @p2 s11  }
0xd: {  	s8 =	sadd.s32 $0x1, s8;
	s13 =	simm.s32 @p2 $0x0;
	p2 =	sgt.s32 s15, $0x7F  }
0xe: {  	s15 =	smov.u32 @p2 s5;
	p2 =	sne.s32 s8, $0x42  }
.Ltmp1:
0xf: {  	_ = 	snop;
	(pc) =	sbr.rel @!p2 .LBB1_8-.Ltmp1, $4  }
0x10: {  	s14 =	simm.s32 @!p1 $0x2  }
0x11: {  	s12 =	smov.u32 s10;
	_ =	swait.ge @!p1 [sflag:s14], $0x4000  }
0x12: {  	p0 =	por !p0, !p0;
	s11 =	smov.u32 s9;
	[sflag:s14] =	ssyncset.done @!p1 $0x0  }
0x13: {  	s9 =	smov.u32 s13;
	[sflag:s14] =	ssyncadd.s32 @!p1 $0xFFFFC000;
	s10 =	smov.u32 s15  }
.LBB1_1:
0x14: {  	p1 =	sgt.u32 s8, $0x3F  }
0x15: {  	s13 =	sxor.u32 @!p1 $0xFFFFFFFF, s8;
	s14 =	sshll.u32 @!p1 s10, $0xF  }
0x16: {  	s15 =	sshll.u32 @!p1 s9, $0x7;
	s13 =	sshll.u32 @!p1 s13, $0xE;
	s14 =	sadd.s32 @!p1 s2, s14  }
0x17: {  	s13 =	sand.u32 @!p1 $0x4000, s13;
	s14 =	sadd.s32 @!p1 s15, s14;
	s15 =	simm.s32 @!p1 $0x0  }
0x18: {  	[tilespmem:s13], [sflag:$0x1] =	stream.linear.gather @!p1 [hbm4b:s14+s15], $0x4000, $0x38;
	[tilespmem:$0x10000] =	vst v63  }
0x19: {  	p1 =	seq.s32 s8, $0x0  }
0x1a: {  	p2 =	seq.s32 @!p1 s8, $0x41  }
0x1b: {  	p1 =	por p1, p2  }
.Ltmp2:
0x1c: {  	_ = 	snop;
	(pc) =	sbr.rel @p1 .LBB1_7-.Ltmp2, $1  }
0x1d: {  	_ =	sdelay $0x3  }
0x1e: {  	s13 =	simm.s32 $0x1;
	_ =	swait.ge [sflag:s4], $0x4000;
	s16 =	sshll.u32 s8, $0xE  }
0x1f: {  	s13 =	simm.s32 @!p0 $0x0;
	[sflag:s4] =	ssyncset.done $0x0;
	s31 =	sand.u32 $0x4000, s16  }
0x20: {  	s16 =	simm.s32 $0x0;
	s14 =	sshll.u32 s13, $0xE;
	[sflag:s4] =	ssyncadd.s32 $0xFFFFC000  }
0x21: {  	s13 =	sor.u32 $0x8040, s14;
	s15 =	sor.u32 $0x40, s14;
	s14 =	sor.u32 $0x8000, s31  }
.LBB1_3:
0x22: {  	v0 =	vmov s15;
	_ =	sdelay $0x3  }
0x23: {  	s18 =	simm.s32 $0x0  }
0x24: {  	v6 =	vld.idx.msk [tilespmem:v0+s18+$0x30 ss:$0x1], $0xffff  }
0x25: {  	v7 =	vld.idx.msk [tilespmem:v0+s18+$0xFFFFFFC0 ss:$0x1], $0xffff  }
0x26: {  	v5 =	vld.idx.msk [tilespmem:v0+s18+$0xFFFFFFD0 ss:$0x1], $0xffff  }
0x27: {  	v4 =	vld.idx.msk [tilespmem:v0+s18+$0xFFFFFFE0 ss:$0x1], $0xffff  }
0x28: {  	v3 =	vld.idx.msk [tilespmem:v0+s18+$0xFFFFFFF0 ss:$0x1], $0xffff  }
0x29: {  	v1 =	vld.idx.msk [tilespmem:v0+s18+$0x0 ss:$0x1], $0xffff  }
0x2a: {  	v2 =	vld.idx.msk [tilespmem:v0+s18+$0x10 ss:$0x1], $0xffff;
	[tilespmem:s13+$0x30] =	vst v6  }
0x2b: {  	s17 =	simm.s32 $0x80;
	s19 =	simm.s32 $0x400;
	[tilespmem:s13+$0xFFFFFFC0] =	vst v7;
	v6 =	vld.idx.msk [tilespmem:v0+s18+$0x20 ss:$0x1], $0xffff;
	s18 =	smov.u32 s13  }
.LBB1_4:
0x2c: {  	p1 =	sne.s32 s19, $0xE00;
	v7 =	vld.idx.msk [tilespmem:v0+s17+$0x30 ss:$0x1], $0xffff;
	[tilespmem:s18+$0xFFFFFFD0] =	vst v5  }
0x2d: {  	v8 =	vld.idx.msk [tilespmem:v0+s17+$0xFFFFFFC0 ss:$0x1], $0xffff;
	[tilespmem:s18+$0xFFFFFFE0] =	vst v4  }
0x2e: {  	v5 =	vld.idx.msk [tilespmem:v0+s17+$0xFFFFFFD0 ss:$0x1], $0xffff;
	[tilespmem:s18+$0xFFFFFFF0] =	vst v3  }
.Ltmp3:
0x2f: {  	v4 =	vld.idx.msk [tilespmem:v0+s17+$0xFFFFFFE0 ss:$0x1], $0xffff;
	[tilespmem:s18+$0x0] =	vst v1;
	(pc) =	sbr.rel @p1 .LBB1_4-.Ltmp3, $4  }
0x30: {  	v3 =	vld.idx.msk [tilespmem:v0+s17+$0xFFFFFFF0 ss:$0x1], $0xffff;
	[tilespmem:s18+$0x10] =	vst v2  }
0x31: {  	v1 =	vld.idx.msk [tilespmem:v0+s17+$0x0 ss:$0x1], $0xffff;
	[tilespmem:s18+$0x20] =	vst v6;
	s18 =	sadd.s32 $0x800, s18  }
0x32: {  	v2 =	vld.idx.msk [tilespmem:v0+s17+$0x10 ss:$0x1], $0xffff;
	[tilespmem:s18+$0x30] =	vst v7  }
0x33: {  	[tilespmem:s18+$0xFFFFFFC0] =	vst v8;
	v6 =	vld.idx.msk [tilespmem:v0+s17+$0x20 ss:$0x1], $0xffff;
	s17 =	sshra.s32 s19, $0x2;
	s19 =	sadd.s32 $0x200, s19  }
0x34: {  	_ =	sdelay $0x2  }
0x35: {  	[tilespmem:s18+$0xFFFFFFD0] =	vst v5  }
0x36: {  	v56 =	vld.idx.msk [tilespmem:v0+s17+$0x30 ss:$0x1], $0xffff;
	[tilespmem:s18+$0xFFFFFFE0] =	vst v4  }
0x37: {  	v57 =	vld.idx.msk [tilespmem:v0+s17+$0xFFFFFFC0 ss:$0x1], $0xffff;
	[tilespmem:s18+$0xFFFFFFF0] =	vst v3  }
0x38: {  	v58 =	vld.idx.msk [tilespmem:v0+s17+$0xFFFFFFD0 ss:$0x1], $0xffff;
	[tilespmem:s18+$0x0] =	vst v1  }
0x39: {  	v59 =	vld.idx.msk [tilespmem:v0+s17+$0xFFFFFFE0 ss:$0x1], $0xffff;
	[tilespmem:s18+$0x10] =	vst v2  }
0x3a: {  	v60 =	vld.idx.msk [tilespmem:v0+s17+$0xFFFFFFF0 ss:$0x1], $0xffff;
	s31 =	sadd.s32 $0x800, s18;
	[tilespmem:s18+$0x20] =	vst v6  }
0x3b: {  	v61 =	vld.idx.msk [tilespmem:v0+s17+$0x0 ss:$0x1], $0xffff;
	[tilespmem:s31+$0x30] =	vst v56  }
0x3c: {  	v62 =	vld.idx.msk [tilespmem:v0+s17+$0x10 ss:$0x1], $0xffff;
	s16 =	sadd.s32 $0x1, s16;
	[tilespmem:s31+$0xFFFFFFC0] =	vst v57  }
0x3d: {  	v63 =	vld.idx.msk [tilespmem:v0+s17+$0x20 ss:$0x1], $0xffff;
	p1 =	sne.s32 s16, $0x10;
	[tilespmem:s31+$0xFFFFFFD0] =	vst v58  }
.Ltmp4:
0x3e: {  	[tilespmem:s31+$0xFFFFFFE0] =	vst v59;
	(pc) =	sbr.rel @p1 .LBB1_3-.Ltmp4, $4  }
0x3f: {  	[tilespmem:s31+$0xFFFFFFF0] =	vst v60  }
0x40: {  	[tilespmem:s31+$0x0] =	vst v61  }
0x41: {  	[tilespmem:s31+$0x10] =	vst v62  }
0x42: {  	s13 =	sadd.s32 $0x80, s13;
	s15 =	sadd.s32 $0x400, s15;
	[tilespmem:s31+$0x20] =	vst v63  }
.Ltmp5:
0x43: {  	(pc) =	sbr.rel .LBB1_7-.Ltmp5, $4  }
0x44: {  	s12 =	sshll.u32 s12, $0xF;
	s11 =	sshll.u32 s11, $0x4  }
0x45: {  	s11 =	sand.u32 $0xFF0, s11;
	s12 =	sadd.s32 s3, s12  }
0x46: {  	s11 =	sadd.s32 s11, s12  }
0x47: {  	[hbm4b:s11+s6] =	stream.strided.scatter [tilespmem:s14], [sflag:$0x2], $0x4000, s7, s6, $0x38;
	[tilespmem:$0x10000] =	vst v63  }
.LBB1_8:
0x48: {  	_ =	sfence.sel $0x180000  }
0x49: {  	s2 =	simm.s32 $0x1;
	[bflag:$0x0] =	sbarrier.arrive $0xFFFF  }
0x4a: {  	s31 =	simm.s32 $0x2;
	[sflag:s2] =	ssyncpa.u1 $0x1  }
0x4b: {  	[sflag:s31] =	ssyncpa.u1 $0x1  }
0x4c: {  	p0 =	sne.s32 s1, $0x0;
	_ =	strace $0x9000004A  }
0x4d: {  	s0 =	sadd.s32 @!p0 $0x100000, s0;
	[bflag:$0x2] =	sbarrier.arrive $0xFFFF  }
0x4e: {  	[sflag:s0] =	ssyncadd.tile.s32 @!p0 $0x1;
	_ =	shalt  }
.Lfunc_end1:
_tile_overlayer_lowered:
.L_overlay_start_2:
0x4f: {  	(tag) =	ssettag $0x2  }
0x50: {  	s0 =	rddreg [dreg:$0x0];
	s2 =	stileid.u32  }
0x51: {  	s1 =	rddreg [dreg:$0x1];
	p0 =	sne.s32 s2, $0x0  }
0x52: {  	s3 =	rddreg [dreg:$0x2];
	[bflag:$0x3] =	sbarrier.arrive $0xFFFF;
	s2 =	simm.s32 @!p0 $0x1C01  }
0x53: {  	[timem:s3], [sflag:s2] =	dma.local @!p0 [hbm:s0], s1  }
0x54: {  	s0 =	simm.s32 @!p0 $0x1  }
0x55: {  	_ =	swait.ge @!p0 [sflag:s0], s1  }
0x56: {  	s1 =	ssub.s32 @!p0 $0x0, s1;
	[sflag:s0] =	ssyncset.done @!p0 $0x0  }
0x57: {  	[sflag:s0] =	ssyncadd.s32 @!p0 s1  }
0x58: {  	[bflag:$0x3] =	sbarrier.arrive $0xFFFF  }
0x59: {  	_ =	shalt  }

// kernel: sparse-core-data-format-call.cloned.1.call-start
scs
called_computation_lowered:
.L_overlay_start_0:
0x0: {  	s2 =	sld [smem:$0x3FD9]  }
0x1: {  	s3 =	sld [smem:$0x3FFE];
	_ =	sdelay $0x1  }
0x2: {  	s1 =	srdreg.scid  }
0x3: {  	s0 =	sand.u32 $0x1, s1  }
0x4: {  	s18 =	sshll.u32 s0, $0xA;
	s2 =	sadd.s32 s3, s2  }
0x5: {  	s2 =	sadd.s32 s2, s18  }
0x6: {  	[smem:$0x3FC6] =	sst s2  }
0x7: {  	_ = 	snop  }
0x8: {  	s2 =	sld [smem:$0x3FC9];
	(tm) =	ssettm $0x1  }
0x9: {  	s19 =	sld [smem:$0x3FFB];
	_ =	sdelay $0x3  }
0xa: {  	_ =	strace s19  }
0xb: {  	s3 =	sld [smem:$0x3FFC];
	_ =	sdelay $0x3  }
0xc: {  	_ =	strace s3  }
0xd: {  	s3 =	sld [smem:$0x3FFD];
	_ =	sdelay $0x3  }
0xe: {  	_ =	strace s3  }
0xf: {  	_ =	strace $0x8FFFFFFF  }
0x10: {  	s20 =	sld [smem:$0x3FDB];
	_ =	sdelay $0x1  }
0x11: {  	s4 =	simm.s32 $_scs_section_size  }
0x12: {  	s5 =	simm.s32 $_size__tile_overlayer_lowered;
	s6 =	simm.s32 $_tile_overlayer_lowered  }
0x13: {  	s23 =	simm.s32 $0x1BFF;
	s22 =	sshll.u32 s6, $0x1;
	s3 =	sadd.s32 s4, s20  }
0x14: {  	s7 =	simm.s32 $0x0;
	s21 =	sshll.u32 s5, $0x1;
	s5 =	sadd.s32 s22, s3  }
0x15: {  	[timem:s7], [sflag:s23] =	dma.local [hbm:s5], s21  }
0x16: {  	_ =	swait.ge [sflag:s23], s21  }
0x17: {  	s4 =	ssub.s32 $0x0, s21;
	[sflag:s23] =	ssyncset.done $0x0  }
0x18: {  	[sflag:s23] =	ssyncadd.s32 s4;
	_ =	sdelay $0x1  }
0x19: {  	s24 =	simm.s32 $0x1B8B  }
0x1a: {  	_ =	swait.ge [sflag:s24], $0x1  }
0x1b: {  	[sflag:s24] =	ssyncset.done $0x0  }
0x1c: {  	s26 =	simm.s32 $0x1B8E;
	s25 =	sld [smem:$0x3FFE];
	[sflag:s24] =	ssyncadd.s32 $0xFFFFFFFF  }
0x1d: {  	s27 =	simm.s32 $execute0_lowered;
	[smem:$0x3FD2] =	sst s26  }
0x1e: {  	s5 =	sshll.u32 s27, $0x1;
	_ =	strace $0x80000046;
	[dreg:$0x1] =	wrdreg $0xFFFFFFFF  }
0x1f: {  	s28 =	simm.s32 $_size_execute0_lowered;
	s3 =	sadd.s32 s3, s5;
	[dreg:$0x0] =	wrdreg $0x0  }
0x20: {  	s5 =	sshll.u32 s28, $0x1;
	[dreg:$0x2] =	wrdreg s3  }
0x21: {  	[dreg:$0x3] =	wrdreg s5  }
0x22: {  	[dreg:$0x4] =	wrdreg $0xC0  }
0x23: {  	_ =	task [dreg:s7], $0x5FFFF  }
0x24: {  	[dreg:$0x1] =	wrdreg $0xFFFFFFFF  }
0x25: {  	[dreg:$0x0] =	wrdreg $0x60  }
0x26: {  	[dreg:$0x2] =	wrdreg s2  }
0x27: {  	[dreg:$0x3] =	wrdreg s25  }
0x28: {  	[dreg:$0x4] =	wrdreg $0x9  }
0x29: {  	_ =	task.clear_ibuf [dreg:s7], $0x5FFFF;
	_ =	strace $0x90000046  }
0x2a: {  	s29 =	simm.s32 $0x9;
	_ =	strace $0x80000048  }
0x2b: {  	_ =	swait.ge [sflag:s29], $0x1  }
0x2c: {  	[sflag:s29] =	ssyncadd.s32 $0xFFFFFFFF  }
0x2d: {  	_ =	strace $0x90000048  }
0x2e: {  	_ =	sfence  }
0x2f: {  	s30 =	sld [smem:$0x0];
	_ =	sdelay $0x2  }
0x30: {  	s31 =	sshll.u32 s1, $0xD;
	s1 =	sshrl.u32 s1, $0x2  }
0x31: {  	s3 =	sand.u32 $0x4000, s31;
	s1 =	sadd.s32 s1, s30  }
0x32: {  	s0 =	sor.u32 s3, s0;
	s1 =	sshll.u32 s1, $0x11  }
0x33: {  	s0 =	sor.u32 s1, s0  }
0x34: {  	s0 =	sadd.s32 $0x8F2B, s0  }
0x35: {  	[sflag:s0] =	ssyncadd.remote.s32 $0x1  }
0x36: {  	_ =	sfence.sel $0xFFFF  }
0x37: {  	[dreg:$0x0] =	wrdreg $0xFFFFFFFF;
	(pc) =	sbr.abs _section_cstart, $3  }
0x38: {  	[dreg:$0x1] =	wrdreg $0xFFFFFFFF  }
0x39: {  	_ =	task.clear_ibuf [dreg:s7], $0x2FFFF;
	_ =	strace $0x9FFFFFFF  }
0x3a: {  	(tm) =	ssettm $0x7FFFFFFF  }
0x3b: {  	_ =	shalt  }
tec
execute0_lowered:
.L_overlay_start_1:
0x0: {  	(tag) =	ssettag $0x1  }
0x1: {  	s2 =	rddreg [dreg:$0x0]  }
0x2: {  	s1 =	rddreg [dreg:$0x1]  }
0x3: {  	s0 =	rddreg [dreg:$0x2];
	_ =	strace $0x80000047;
	s4 =	srdreg.scid  }
0x4: {  	s6 =	simm.s32 $0x2;
	s11 =	simm.s32 $0x0;
	p0 =	por $0x0, $0x0  }
.Ltmp0:
0x5: {  	s7 =	simm.s32 $0x8000;
	s12 =	simm.s32 $0x0;
	(pc) =	sbr.rel .LBB1_1-.Ltmp0, $4  }
0x6: {  	s9 =	simm.s32 $0x0;
	s3 =	sadd.s32 $0x400, s1;
	s5 =	sshll.u32 s4, $0x4  }
0x7: {  	s1 =	stileid.u32;
	s4 =	simm.s32 $0x1;
	s5 =	sand.u32 $0x10, s5  }
0x8: {  	s8 =	simm.s32 $0x0;
	[sflag:s4] =	ssyncpa.u1 $0x0;
	s5 =	sor.u32 s1, s5  }
0x9: {  	[sflag:s6] =	ssyncpa.u1 $0x0;
	s6 =	simm.s32 $0x800;
	s10 =	smov.u32 s5  }
.LBB1_7:
0xa: {  	s13 =	sadd.s32 $0x10, s9  }
0xb: {  	s11 =	sadd.s32 $0x20, s10;
	s15 =	smov.u32 s10;
	p2 =	sgt.s32 s13, $0xFF  }
0xc: {  	p1 =	slt.u32 s8, $0x2;
	s15 =	smov.u32 @p2 s11  }
0xd: {  	s8 =	sadd.s32 $0x1, s8;
	s13 =	simm.s32 @p2 $0x0;
	p2 =	sgt.s32 s15, $0x7F  }
0xe: {  	s15 =	smov.u32 @p2 s5;
	p2 =	sne.s32 s8, $0x42  }
.Ltmp1:
0xf: {  	_ = 	snop;
	(pc) =	sbr.rel @!p2 .LBB1_8-.Ltmp1, $4  }
0x10: {  	s14 =	simm.s32 @!p1 $0x2  }
0x11: {  	s12 =	smov.u32 s10;
	_ =	swait.ge @!p1 [sflag:s14], $0x4000  }
0x12: {  	p0 =	por !p0, !p0;
	s11 =	smov.u32 s9;
	[sflag:s14] =	ssyncset.done @!p1 $0x0  }
0x13: {  	s9 =	smov.u32 s13;
	[sflag:s14] =	ssyncadd.s32 @!p1 $0xFFFFC000;
	s10 =	smov.u32 s15  }
.LBB1_1:
0x14: {  	p1 =	sgt.u32 s8, $0x3F  }
0x15: {  	s13 =	sxor.u32 @!p1 $0xFFFFFFFF, s8;
	s14 =	sshll.u32 @!p1 s10, $0xF  }
0x16: {  	s15 =	sshll.u32 @!p1 s9, $0x7;
	s13 =	sshll.u32 @!p1 s13, $0xE;
	s14 =	sadd.s32 @!p1 s2, s14  }
0x17: {  	s13 =	sand.u32 @!p1 $0x4000, s13;
	s14 =	sadd.s32 @!p1 s15, s14;
	s15 =	simm.s32 @!p1 $0x0  }
0x18: {  	[tilespmem:s13], [sflag:$0x1] =	stream.linear.gather @!p1 [hbm4b:s14+s15], $0x4000, $0x38;
	[tilespmem:$0x10000] =	vst v63  }
0x19: {  	p1 =	seq.s32 s8, $0x0  }
0x1a: {  	p2 =	seq.s32 @!p1 s8, $0x41  }
0x1b: {  	p1 =	por p1, p2  }
.Ltmp2:
0x1c: {  	_ = 	snop;
	(pc) =	sbr.rel @p1 .LBB1_7-.Ltmp2, $1  }
0x1d: {  	_ =	sdelay $0x3  }
0x1e: {  	s13 =	simm.s32 $0x1;
	_ =	swait.ge [sflag:s4], $0x4000;
	s16 =	sshll.u32 s8, $0xE  }
0x1f: {  	s13 =	simm.s32 @!p0 $0x0;
	[sflag:s4] =	ssyncset.done $0x0;
	s31 =	sand.u32 $0x4000, s16  }
0x20: {  	s16 =	simm.s32 $0x0;
	s14 =	sshll.u32 s13, $0xE;
	[sflag:s4] =	ssyncadd.s32 $0xFFFFC000  }
0x21: {  	s13 =	sor.u32 $0x8040, s14;
	s15 =	sor.u32 $0x40, s14;
	s14 =	sor.u32 $0x8000, s31  }
.LBB1_3:
0x22: {  	v0 =	vmov s15;
	_ =	sdelay $0x3  }
0x23: {  	s18 =	simm.s32 $0x0  }
0x24: {  	v6 =	vld.idx.msk [tilespmem:v0+s18+$0x30 ss:$0x1], $0xffff  }
0x25: {  	v7 =	vld.idx.msk [tilespmem:v0+s18+$0xFFFFFFC0 ss:$0x1], $0xffff  }
0x26: {  	v5 =	vld.idx.msk [tilespmem:v0+s18+$0xFFFFFFD0 ss:$0x1], $0xffff  }
0x27: {  	v4 =	vld.idx.msk [tilespmem:v0+s18+$0xFFFFFFE0 ss:$0x1], $0xffff  }
0x28: {  	v3 =	vld.idx.msk [tilespmem:v0+s18+$0xFFFFFFF0 ss:$0x1], $0xffff  }
0x29: {  	v1 =	vld.idx.msk [tilespmem:v0+s18+$0x0 ss:$0x1], $0xffff  }
0x2a: {  	v2 =	vld.idx.msk [tilespmem:v0+s18+$0x10 ss:$0x1], $0xffff;
	[tilespmem:s13+$0x30] =	vst v6  }
0x2b: {  	s17 =	simm.s32 $0x80;
	s19 =	simm.s32 $0x400;
	[tilespmem:s13+$0xFFFFFFC0] =	vst v7;
	v6 =	vld.idx.msk [tilespmem:v0+s18+$0x20 ss:$0x1], $0xffff;
	s18 =	smov.u32 s13  }
.LBB1_4:
0x2c: {  	p1 =	sne.s32 s19, $0xE00;
	v7 =	vld.idx.msk [tilespmem:v0+s17+$0x30 ss:$0x1], $0xffff;
	[tilespmem:s18+$0xFFFFFFD0] =	vst v5  }
0x2d: {  	v8 =	vld.idx.msk [tilespmem:v0+s17+$0xFFFFFFC0 ss:$0x1], $0xffff;
	[tilespmem:s18+$0xFFFFFFE0] =	vst v4  }
0x2e: {  	v5 =	vld.idx.msk [tilespmem:v0+s17+$0xFFFFFFD0 ss:$0x1], $0xffff;
	[tilespmem:s18+$0xFFFFFFF0] =	vst v3  }
.Ltmp3:
0x2f: {  	v4 =	vld.idx.msk [tilespmem:v0+s17+$0xFFFFFFE0 ss:$0x1], $0xffff;
	[tilespmem:s18+$0x0] =	vst v1;
	(pc) =	sbr.rel @p1 .LBB1_4-.Ltmp3, $4  }
0x30: {  	v3 =	vld.idx.msk [tilespmem:v0+s17+$0xFFFFFFF0 ss:$0x1], $0xffff;
	[tilespmem:s18+$0x10] =	vst v2  }
0x31: {  	v1 =	vld.idx.msk [tilespmem:v0+s17+$0x0 ss:$0x1], $0xffff;
	[tilespmem:s18+$0x20] =	vst v6;
	s18 =	sadd.s32 $0x800, s18  }
0x32: {  	v2 =	vld.idx.msk [tilespmem:v0+s17+$0x10 ss:$0x1], $0xffff;
	[tilespmem:s18+$0x30] =	vst v7  }
0x33: {  	[tilespmem:s18+$0xFFFFFFC0] =	vst v8;
	v6 =	vld.idx.msk [tilespmem:v0+s17+$0x20 ss:$0x1], $0xffff;
	s17 =	sshra.s32 s19, $0x2;
	s19 =	sadd.s32 $0x200, s19  }
0x34: {  	_ =	sdelay $0x2  }
0x35: {  	[tilespmem:s18+$0xFFFFFFD0] =	vst v5  }
0x36: {  	v56 =	vld.idx.msk [tilespmem:v0+s17+$0x30 ss:$0x1], $0xffff;
	[tilespmem:s18+$0xFFFFFFE0] =	vst v4  }
0x37: {  	v57 =	vld.idx.msk [tilespmem:v0+s17+$0xFFFFFFC0 ss:$0x1], $0xffff;
	[tilespmem:s18+$0xFFFFFFF0] =	vst v3  }
0x38: {  	v58 =	vld.idx.msk [tilespmem:v0+s17+$0xFFFFFFD0 ss:$0x1], $0xffff;
	[tilespmem:s18+$0x0] =	vst v1  }
0x39: {  	v59 =	vld.idx.msk [tilespmem:v0+s17+$0xFFFFFFE0 ss:$0x1], $0xffff;
	[tilespmem:s18+$0x10] =	vst v2  }
0x3a: {  	v60 =	vld.idx.msk [tilespmem:v0+s17+$0xFFFFFFF0 ss:$0x1], $0xffff;
	s31 =	sadd.s32 $0x800, s18;
	[tilespmem:s18+$0x20] =	vst v6  }
0x3b: {  	v61 =	vld.idx.msk [tilespmem:v0+s17+$0x0 ss:$0x1], $0xffff;
	[tilespmem:s31+$0x30] =	vst v56  }
0x3c: {  	v62 =	vld.idx.msk [tilespmem:v0+s17+$0x10 ss:$0x1], $0xffff;
	s16 =	sadd.s32 $0x1, s16;
	[tilespmem:s31+$0xFFFFFFC0] =	vst v57  }
0x3d: {  	v63 =	vld.idx.msk [tilespmem:v0+s17+$0x20 ss:$0x1], $0xffff;
	p1 =	sne.s32 s16, $0x10;
	[tilespmem:s31+$0xFFFFFFD0] =	vst v58  }
.Ltmp4:
0x3e: {  	[tilespmem:s31+$0xFFFFFFE0] =	vst v59;
	(pc) =	sbr.rel @p1 .LBB1_3-.Ltmp4, $4  }
0x3f: {  	[tilespmem:s31+$0xFFFFFFF0] =	vst v60  }
0x40: {  	[tilespmem:s31+$0x0] =	vst v61  }
0x41: {  	[tilespmem:s31+$0x10] =	vst v62  }
0x42: {  	s13 =	sadd.s32 $0x80, s13;
	s15 =	sadd.s32 $0x400, s15;
	[tilespmem:s31+$0x20] =	vst v63  }
.Ltmp5:
0x43: {  	(pc) =	sbr.rel .LBB1_7-.Ltmp5, $4  }
0x44: {  	s12 =	sshll.u32 s12, $0xF;
	s11 =	sshll.u32 s11, $0x4  }
0x45: {  	s11 =	sand.u32 $0xFF0, s11;
	s12 =	sadd.s32 s3, s12  }
0x46: {  	s11 =	sadd.s32 s11, s12  }
0x47: {  	[hbm4b:s11+s6] =	stream.strided.scatter [tilespmem:s14], [sflag:$0x2], $0x4000, s7, s6, $0x38;
	[tilespmem:$0x10000] =	vst v63  }
.LBB1_8:
0x48: {  	_ =	sfence.sel $0x180000  }
0x49: {  	s2 =	simm.s32 $0x1;
	[bflag:$0x0] =	sbarrier.arrive $0xFFFF  }
0x4a: {  	s31 =	simm.s32 $0x2;
	[sflag:s2] =	ssyncpa.u1 $0x1  }
0x4b: {  	[sflag:s31] =	ssyncpa.u1 $0x1  }
0x4c: {  	p0 =	sne.s32 s1, $0x0;
	_ =	strace $0x90000047  }
0x4d: {  	s0 =	sadd.s32 @!p0 $0x100000, s0;
	[bflag:$0x2] =	sbarrier.arrive $0xFFFF  }
0x4e: {  	[sflag:s0] =	ssyncadd.tile.s32 @!p0 $0x1;
	_ =	shalt  }
.Lfunc_end1:
_tile_overlayer_lowered:
.L_overlay_start_2:
0x4f: {  	(tag) =	ssettag $0x2  }
0x50: {  	s0 =	rddreg [dreg:$0x0];
	s2 =	stileid.u32  }
0x51: {  	s1 =	rddreg [dreg:$0x1];
	p0 =	sne.s32 s2, $0x0  }
0x52: {  	s3 =	rddreg [dreg:$0x2];
	[bflag:$0x3] =	sbarrier.arrive $0xFFFF;
	s2 =	simm.s32 @!p0 $0x1C01  }
0x53: {  	[timem:s3], [sflag:s2] =	dma.local @!p0 [hbm:s0], s1  }
0x54: {  	s0 =	simm.s32 @!p0 $0x1  }
0x55: {  	_ =	swait.ge @!p0 [sflag:s0], s1  }
0x56: {  	s1 =	ssub.s32 @!p0 $0x0, s1;
	[sflag:s0] =	ssyncset.done @!p0 $0x0  }
0x57: {  	[sflag:s0] =	ssyncadd.s32 @!p0 s1  }
0x58: {  	[bflag:$0x3] =	sbarrier.arrive $0xFFFF  }
0x59: {  	_ =	shalt  }

</sc_bundles>
